<compile_context>
chip_gen: v7x
topology: tpu7x:2x2x1
jax: 0.10.2.dev20260603
libtpu: 0.0.44.dev20260713+nightly
codegen_flags: <defaults>
</compile_context>

<pallas_src>
import functools

import jax
import jax.numpy as jnp
from jax import lax
from jax.experimental import pallas as pl
from jax.experimental.pallas import tpu as pltpu
from jax.experimental.pallas import tpu_sc as plsc

_N = 10000
_E = 320000
_F = 64
_NCORE = 2
_NSUB = 16
_NW = _NCORE * _NSUB
_EPW = _E // _NW
_C = 80
_NCH = _EPW // _C
_K = 5
_RPT = 624
_TAIL = _N - _RPT * _NSUB

_BLK = 2000



def _make_prop(nrow, nch):
    rpt = (nrow // _NSUB) // 8 * 8
    tail = nrow - rpt * _NSUB
    mesh = plsc.VectorSubcoreMesh(core_axis_name="c", subcore_axis_name="s")

    @functools.partial(
        pl.kernel,
        out_type=jax.ShapeDtypeStruct((2, nrow, _F), jnp.bfloat16),
        mesh=mesh,
        scratch_types=[
            pltpu.VMEM((nch, _C), jnp.int32),
            pltpu.VMEM((nch, _C), jnp.int32),
            [pltpu.VMEM((_C, _F), jnp.bfloat16) for _ in range(_K)],
            pltpu.VMEM_SHARED((nrow, _F), jnp.bfloat16),
            [pltpu.SemaphoreType.DMA for _ in range(_K)],
            pltpu.SemaphoreType.DMA,
            pltpu.SemaphoreType.DMA,
        ],
        compiler_params=pltpu.CompilerParams(use_tc_tiling_on_sc=False),
    )
    def prop(h_hbm, src_hbm, dst_hbm, zeros_hbm, out_hbm,
             src_v, dst_v, bufs, acc, sems, semz, semi):
        cid = lax.axis_index("c")
        sid = lax.axis_index("s")
        wid = sid * _NCORE + cid

        def start(chunk, b):
            pltpu.async_copy(h_hbm.at[src_v.at[chunk]], bufs[b], sems[b])

        def wait(b):
            pltpu.make_async_copy(h_hbm.at[src_v.at[0]], bufs[b],
                                  sems[b]).wait()

        czero = pltpu.async_copy(zeros_hbm.at[pl.ds(sid * rpt, rpt)],
                                 acc.at[pl.ds(sid * rpt, rpt)], semz)

        @pl.when(sid == _NSUB - 1)
        def _zero_tail():
            pltpu.sync_copy(zeros_hbm.at[pl.ds(rpt * _NSUB, tail)],
                            acc.at[pl.ds(rpt * _NSUB, tail)])
        csrc = pltpu.async_copy(src_hbm.at[wid], src_v, semi)
        cdst = pltpu.async_copy(dst_hbm.at[wid], dst_v, semi)
        csrc.wait()
        cdst.wait()
        for k in range(_K - 1):
            start(k, k)
        czero.wait()
        plsc.subcore_barrier()

        def body(i, carry):
            base = i * _K
            for k in range(_K):
                j = base + k
                nxt = jnp.minimum(j + _K - 1, nch - 1)
                start(nxt, (k - 1) % _K)
                wait(k)
                pltpu.sync_copy(bufs[k], acc.at[dst_v.at[j]], add=True)
            return carry

        lax.fori_loop(0, nch // _K, body, 0)
        for k in range(_K - 1):
            wait(k)
        plsc.subcore_barrier()
        pltpu.sync_copy(acc.at[pl.ds(sid * rpt, rpt)],
                        out_hbm.at[cid, pl.ds(sid * rpt, rpt)])

        @pl.when(sid == _NSUB - 1)
        def _write_tail():
            pltpu.sync_copy(acc.at[pl.ds(rpt * _NSUB, tail)],
                            out_hbm.at[cid, pl.ds(rpt * _NSUB, tail)])

    return prop


_prop = _make_prop(_N, _NCH)



def _row(F):
    return pl.BlockSpec((_BLK, F), lambda i: (i, 0))


def _pair():
    return pl.BlockSpec((2, _BLK, 64), lambda i: (0, i, 0))


def _whole2(a, b):
    return pl.BlockSpec((a, b), lambda i: (0, 0))


_f32 = jax.ShapeDtypeStruct((_N, 64), jnp.float32)
_b16 = jax.ShapeDtypeStruct((_N, 64), jnp.bfloat16)


def _psum(pr):
    return pr[0].astype(jnp.float32) + pr[1].astype(jnp.float32)


def _dense_in(features, W1, b1):
    def body(f, w, b, o, ob):
        y = jnp.maximum(
            jnp.dot(f[...], w[...], preferred_element_type=jnp.float32)
            + b[...], 0.0)
        o[...] = y
        ob[...] = y.astype(jnp.bfloat16)
    return pl.pallas_call(
        body, grid=(_N // _BLK,),
        in_specs=[_row(128), _whole2(128, 64), _whole2(1, 64)],
        out_specs=[_row(64), _row(64)],
        out_shape=[_f32, _b16],
    )(features, W1, b1.reshape(1, 64))


def _cmb1(p, W, b):
    def body(pr, w, bb, o, ob):
        y = (jnp.dot(_psum(pr), w[...], preferred_element_type=jnp.float32)
             + bb[...])
        o[...] = y
        ob[...] = y.astype(jnp.bfloat16)
    return pl.pallas_call(
        body, grid=(_N // _BLK,),
        in_specs=[_pair(), _whole2(64, 64), _whole2(1, 64)],
        out_specs=[_row(64), _row(64)],
        out_shape=[_f32, _b16],
    )(p, W, b.reshape(1, 64))


def _cmb2(p, W, b):
    def body(pr, w, bb, so, yo, ybo):
        s = _psum(pr)
        so[...] = s
        y = jnp.dot(s, w[...], preferred_element_type=jnp.float32) + bb[...]
        yo[...] = y
        ybo[...] = y.astype(jnp.bfloat16)
    return pl.pallas_call(
        body, grid=(_N // _BLK,),
        in_specs=[_pair(), _whole2(64, 64), _whole2(1, 64)],
        out_specs=[_row(64), _row(64), _row(64)],
        out_shape=[_f32, _f32, _b16],
    )(p, W, b.reshape(1, 64))


def _cmb3(s1, p2, Wa, Wb, b):
    def body(s1r, pr, wa, wb, bb, oa, ob, oab, obb):
        y = (jnp.dot(s1r[...], wa[...], preferred_element_type=jnp.float32)
             + jnp.dot(_psum(pr), wb[...], preferred_element_type=jnp.float32)
             + bb[...])
        oa[...] = y[:, :64]
        ob[...] = y[:, 64:]
        oab[...] = y[:, :64].astype(jnp.bfloat16)
        obb[...] = y[:, 64:].astype(jnp.bfloat16)
    return pl.pallas_call(
        body, grid=(_N // _BLK,),
        in_specs=[_row(64), _pair(),
                  _whole2(64, 128), _whole2(64, 128), _whole2(1, 128)],
        out_specs=[_row(64), _row(64), _row(64), _row(64)],
        out_shape=[_f32, _f32, _b16, _b16],
    )(s1, p2, Wa, Wb, b.reshape(1, 128))


def _final(x, x11, x12, x21a, x21b, p3, p4, Wc2, bc2, W2, b2):
    wc2a, wc2b = Wc2[:64], Wc2[64:]
    w2x, w2a, w2b = W2[0:64], W2[64:128], W2[128:192]
    w2ca, w2cb, w2d = W2[192:256], W2[256:320], W2[320:448]

    def dot(a, b):
        return jnp.dot(a, b, preferred_element_type=jnp.float32)

    def body(xr, ar, br, car, cbr, p3r, p4r, wca, wcb, bcc,
             wx, wa, wb, wc1r, wc2r, wd, b2r, o):
        x22 = (dot(_psum(p3r), wca[...])
               + dot(_psum(p4r), wcb[...]) + bcc[...])
        acc = dot(xr[...], wx[...])
        acc = acc + dot(ar[...], wa[...])
        acc = acc + dot(br[...], wb[...])
        acc = acc + dot(car[...], wc1r[...])
        acc = acc + dot(cbr[...], wc2r[...])
        acc = acc + dot(x22, wd[...])
        o[...] = jax.nn.sigmoid(acc + b2r[...])

    return pl.pallas_call(
        body, grid=(_N // _BLK,),
        in_specs=[_row(64), _row(64), _row(64), _row(64), _row(64),
                  _pair(), _pair(),
                  _whole2(64, 128), _whole2(64, 128), _whole2(1, 128),
                  _whole2(64, 32), _whole2(64, 32), _whole2(64, 32),
                  _whole2(64, 32), _whole2(64, 32), _whole2(128, 32),
                  _whole2(1, 32)],
        out_specs=_row(32),
        out_shape=jax.ShapeDtypeStruct((_N, 32), jnp.float32),
    )(x, x11, x12, x21a, x21b, p3, p4, wc2a, wc2b, bc2.reshape(1, 128),
      w2x, w2a, w2b, w2ca, w2cb, w2d, b2.reshape(1, 32))



def kernel(features, edge_index, W1, b1, Wc1, bc1, Wc2, bc2, W2, b2):
    src = edge_index[0].reshape(_NW, _NCH, _C)
    dst = edge_index[1].reshape(_NW, _NCH, _C)
    z64 = jnp.zeros((_N, 64), jnp.bfloat16)

    x, xb = _dense_in(features, W1, b1)
    p0 = _prop(xb, src, dst, z64)
    x11, x11b = _cmb1(p0, Wc1, bc1)
    p1 = _prop(x11b, src, dst, z64)
    s1, x12, x12b = _cmb2(p1, Wc1, bc1)
    p2 = _prop(x12b, src, dst, z64)
    x21a, x21b, x21ab, x21bb = _cmb3(s1, p2, Wc2[:64], Wc2[64:], bc2)
    p3 = _prop(x21ab, src, dst, z64)
    p4 = _prop(x21bb, src, dst, z64)
    return _final(x, x11, x12, x21a, x21b, p3, p4, Wc2, bc2, W2, b2)

# --- scband reference (transcript-rebuilt; emitter-appended) ---
"""Pipeline reference for scband-h2-gcn-31164282700071 (READ-ONLY COPY).

The authoritative reference and input builder live on the scoring server;
editing this copy changes nothing except your own understanding.
"""

import jax, jax.numpy as jnp
import numpy as np

N = 10000
E = 320000
NFEAT = 128
NHID = 64
NCLASS = 32


def setup_inputs(seed: int = 0) -> dict:
    key = jax.random.key(seed)
    ks = jax.random.split(key, 12)
    features = jax.random.normal(ks[0], (N, NFEAT), dtype=jnp.float32)
    edge_index = jax.random.randint(ks[1], (2, E), 0, N, dtype=jnp.int32)
    # dense1: nfeat -> nhid
    W1 = jax.random.normal(ks[2], (NFEAT, NHID), dtype=jnp.float32) * (1.0 / np.sqrt(NFEAT))
    b1 = jnp.zeros((NHID,), dtype=jnp.float32)
    # conv1: GCNConv(nhid, nhid, normalize=False)
    Wc1 = jax.random.normal(ks[3], (NHID, NHID), dtype=jnp.float32) * (1.0 / np.sqrt(NHID))
    bc1 = jnp.zeros((NHID,), dtype=jnp.float32)
    # conv2: GCNConv(2*nhid, 2*nhid, normalize=False)
    Wc2 = jax.random.normal(ks[4], (2 * NHID, 2 * NHID), dtype=jnp.float32) * (1.0 / np.sqrt(2 * NHID))
    bc2 = jnp.zeros((2 * NHID,), dtype=jnp.float32)
    # dense2: 7*nhid -> nclass
    W2 = jax.random.normal(ks[5], (7 * NHID, NCLASS), dtype=jnp.float32) * (1.0 / np.sqrt(7 * NHID))
    b2 = jnp.zeros((NCLASS,), dtype=jnp.float32)
    return {
        "features": features,
        "edge_index": edge_index,
        "W1": W1, "b1": b1,
        "Wc1": Wc1, "bc1": bc1,
        "Wc2": Wc2, "bc2": bc2,
        "W2": W2, "b2": b2,
    }


def reference(features, edge_index, W1, b1, Wc1, bc1, Wc2, bc2, W2, b2):
    src = edge_index[0]
    dst = edge_index[1]

    def gcn_conv(x, W, b):
        # GCNConv with normalize=False: linear transform, gather messages
        # from source nodes, scatter-add (sum aggregation) at destination
        # nodes, then add bias. No self-loops since gcn_norm is skipped.
        h = x @ W
        msg = jnp.take(h, src, axis=0)
        agg = jax.ops.segment_sum(msg, dst, num_segments=N)
        return agg + b

    x = jax.nn.relu(features @ W1 + b1)
    x11 = gcn_conv(x, Wc1, bc1)
    x12 = gcn_conv(x11, Wc1, bc1)
    x1 = jnp.concatenate([x11, x12], axis=-1)
    x21 = gcn_conv(x1, Wc2, bc2)
    x22 = gcn_conv(x21, Wc2, bc2)
    x2 = jnp.concatenate([x21, x22], axis=-1)
    xcat = jnp.concatenate([x, x1, x2], axis=-1)
    # dropout treated as identity (deterministic eval-mode reference)
    logits = xcat @ W2 + b2
    return jax.nn.sigmoid(logits)

if __name__ == "__main__":
    import jax
    _d = setup_inputs()
    print(jax.jit(kernel)(*tuple(_d.values())))

</pallas_src>

<mosaic_0001>
#map = affine_map<(d0, d1) -> (0, 0)>
#map1 = affine_map<(d0, d1) -> (0, 0, 0)>
module attributes {stable_mosaic.version = 14 : i64} {
  func.func @prop(%arg0: i32, %arg1: i32, %arg2: memref<10000x64xbf16, #tpu.memory_space<hbm>>, %arg3: memref<32x125x80xi32, #tpu.memory_space<hbm>>, %arg4: memref<32x125x80xi32, #tpu.memory_space<hbm>>, %arg5: memref<10000x64xbf16, #tpu.memory_space<hbm>>, %arg6: memref<2x10000x64xbf16, #tpu.memory_space<hbm>>, %arg7: memref<125x80xi32, #tpu.memory_space<vmem>>, %arg8: memref<125x80xi32, #tpu.memory_space<vmem>>, %arg9: memref<80x64xbf16, #tpu.memory_space<vmem>>, %arg10: memref<80x64xbf16, #tpu.memory_space<vmem>>, %arg11: memref<80x64xbf16, #tpu.memory_space<vmem>>, %arg12: memref<80x64xbf16, #tpu.memory_space<vmem>>, %arg13: memref<80x64xbf16, #tpu.memory_space<vmem>>, %arg14: memref<10000x64xbf16, #tpu.memory_space<vmem_shared>>, %arg15: memref<!tpu.dma_semaphore, #tpu.memory_space<semaphore_mem>>, %arg16: memref<!tpu.dma_semaphore, #tpu.memory_space<semaphore_mem>>, %arg17: memref<!tpu.dma_semaphore, #tpu.memory_space<semaphore_mem>>, %arg18: memref<!tpu.dma_semaphore, #tpu.memory_space<semaphore_mem>>, %arg19: memref<!tpu.dma_semaphore, #tpu.memory_space<semaphore_mem>>, %arg20: memref<!tpu.dma_semaphore, #tpu.memory_space<semaphore_mem>>, %arg21: memref<!tpu.dma_semaphore, #tpu.memory_space<semaphore_mem>>) attributes {dimension_semantics = [#tpu.dimension_semantics<core_parallel>, #tpu.dimension_semantics<subcore_parallel>], iteration_bounds = array<i64: 2, 16>, scalar_prefetch = 0 : i64, scratch_operands = 15 : i64, tpu.core_type = #tpu.core_type<sc_vector_subcore>, window_params = [{transform_indices = #map}, {transform_indices = #map1}, {transform_indices = #map1}, {transform_indices = #map}, {transform_indices = #map1}]} {
    %mul3A = arith.constant 2 : i32
    %mul3A_0 = arith.muli %arg1, %mul3A : i32
    %add3A = arith.addi %mul3A_0, %arg0 : i32
    %mul3A_1 = arith.constant 624 : i32
    %mul3A_2 = arith.muli %arg1, %mul3A_1 : i32
    %mul3A_3 = arith.constant 624 : i32
    %mul3A_4 = arith.muli %arg1, %mul3A_3 : i32
    %dma_start3A = arith.constant 0 : i32
    %dma_start3A_5 = tpu.memref_slice %arg14[%mul3A_4, %dma_start3A] : memref<10000x64xbf16, #tpu.memory_space<vmem_shared>> -> memref<624x64xbf16, #tpu.memory_space<vmem_shared>>
    %dma_start3A_6 = arith.constant 0 : i32
    %dma_start3A_7 = tpu.memref_slice %arg5[%mul3A_2, %dma_start3A_6] : memref<10000x64xbf16, #tpu.memory_space<hbm>> -> memref<624x64xbf16, #tpu.memory_space<hbm>>
    tpu.enqueue_dma source(%dma_start3A_7 : memref<624x64xbf16, #tpu.memory_space<hbm>>) target(%dma_start3A_5 : memref<624x64xbf16, #tpu.memory_space<vmem_shared>>) target_semaphore(%arg20 : memref<!tpu.dma_semaphore, #tpu.memory_space<semaphore_mem>>)
    %eq3A = arith.constant 15 : i32
    %eq3A_8 = arith.cmpi eq, %arg1, %eq3A : i32
    %convert_element_type3A = arith.extui %eq3A_8 : i1 to i32
    %cond3A = arith.constant 0 : i32
    %cond3A_9 = arith.cmpi ne, %convert_element_type3A, %cond3A : i32
    scf.if %cond3A_9 {
      "tpu.region"() ({
        %run_scoped3A = tpu.sem_alloc : memref<!tpu.dma_semaphore, #tpu.memory_space<semaphore_mem>>
        %dma_start3A_116 = arith.constant 9984 : i32
        %dma_start3A_117 = arith.constant 0 : i32
        %dma_start3A_118 = tpu.memref_slice %arg14[%dma_start3A_116, %dma_start3A_117] : memref<10000x64xbf16, #tpu.memory_space<vmem_shared>> -> memref<16x64xbf16, #tpu.memory_space<vmem_shared>>
        %dma_start3A_119 = arith.constant 9984 : i32
        %dma_start3A_120 = arith.constant 0 : i32
        %dma_start3A_121 = tpu.memref_slice %arg5[%dma_start3A_119, %dma_start3A_120] : memref<10000x64xbf16, #tpu.memory_space<hbm>> -> memref<16x64xbf16, #tpu.memory_space<hbm>>
        tpu.enqueue_dma source(%dma_start3A_121 : memref<16x64xbf16, #tpu.memory_space<hbm>>) target(%dma_start3A_118 : memref<16x64xbf16, #tpu.memory_space<vmem_shared>>) target_semaphore(%run_scoped3A : memref<!tpu.dma_semaphore, #tpu.memory_space<semaphore_mem>>)
        %dma_wait3A_122 = arith.constant 9984 : i32
        %dma_wait3A_123 = arith.constant 0 : i32
        %dma_wait3A_124 = tpu.memref_slice %arg14[%dma_wait3A_122, %dma_wait3A_123] : memref<10000x64xbf16, #tpu.memory_space<vmem_shared>> -> memref<16x64xbf16, #tpu.memory_space<vmem_shared>>
        %dma_wait3A_125 = arith.constant 9984 : i32
        %dma_wait3A_126 = arith.constant 0 : i32
        %dma_wait3A_127 = tpu.memref_slice %arg5[%dma_wait3A_125, %dma_wait3A_126] : memref<10000x64xbf16, #tpu.memory_space<hbm>> -> memref<16x64xbf16, #tpu.memory_space<hbm>>
        tpu.wait_dma2 semaphore(%run_scoped3A : memref<!tpu.dma_semaphore, #tpu.memory_space<semaphore_mem>>) src(%dma_wait3A_127 : memref<16x64xbf16, #tpu.memory_space<hbm>>) dst(%dma_wait3A_124 : memref<16x64xbf16, #tpu.memory_space<vmem_shared>>)
        tpu.yield
      }) : () -> ()
    } else {
    }
    %dma_start3A_10 = arith.constant 0 : i32
    %dma_start3A_11 = arith.constant 0 : i32
    %dma_start3A_12 = tpu.memref_slice %arg3[%add3A, %dma_start3A_10, %dma_start3A_11] : memref<32x125x80xi32, #tpu.memory_space<hbm>> -> memref<1x125x80xi32, #tpu.memory_space<hbm>>
    %dma_start3A_13 = tpu.memref_squeeze %dma_start3A_12 : memref<1x125x80xi32, #tpu.memory_space<hbm>> -> memref<125x80xi32, #tpu.memory_space<hbm>>
    %dma_start3A_14 = arith.constant 0 : i32
    %dma_start3A_15 = arith.constant 0 : i32
    %dma_start3A_16 = tpu.memref_slice %arg3[%add3A, %dma_start3A_14, %dma_start3A_15] : memref<32x125x80xi32, #tpu.memory_space<hbm>> -> memref<1x125x80xi32, #tpu.memory_space<hbm>>
    %dma_start3A_17 = tpu.memref_squeeze %dma_start3A_16 : memref<1x125x80xi32, #tpu.memory_space<hbm>> -> memref<125x80xi32, #tpu.memory_space<hbm>>
    tpu.enqueue_dma source(%dma_start3A_17 : memref<125x80xi32, #tpu.memory_space<hbm>>) target(%arg7 : memref<125x80xi32, #tpu.memory_space<vmem>>) target_semaphore(%arg21 : memref<!tpu.dma_semaphore, #tpu.memory_space<semaphore_mem>>)
    %dma_start3A_18 = arith.constant 0 : i32
    %dma_start3A_19 = arith.constant 0 : i32
    %dma_start3A_20 = tpu.memref_slice %arg4[%add3A, %dma_start3A_18, %dma_start3A_19] : memref<32x125x80xi32, #tpu.memory_space<hbm>> -> memref<1x125x80xi32, #tpu.memory_space<hbm>>
    %dma_start3A_21 = tpu.memref_squeeze %dma_start3A_20 : memref<1x125x80xi32, #tpu.memory_space<hbm>> -> memref<125x80xi32, #tpu.memory_space<hbm>>
    %dma_start3A_22 = arith.constant 0 : i32
    %dma_start3A_23 = arith.constant 0 : i32
    %dma_start3A_24 = tpu.memref_slice %arg4[%add3A, %dma_start3A_22, %dma_start3A_23] : memref<32x125x80xi32, #tpu.memory_space<hbm>> -> memref<1x125x80xi32, #tpu.memory_space<hbm>>
    %dma_start3A_25 = tpu.memref_squeeze %dma_start3A_24 : memref<1x125x80xi32, #tpu.memory_space<hbm>> -> memref<125x80xi32, #tpu.memory_space<hbm>>
    tpu.enqueue_dma source(%dma_start3A_25 : memref<125x80xi32, #tpu.memory_space<hbm>>) target(%arg8 : memref<125x80xi32, #tpu.memory_space<vmem>>) target_semaphore(%arg21 : memref<!tpu.dma_semaphore, #tpu.memory_space<semaphore_mem>>)
    %dma_wait3A = arith.constant 0 : i32
    %dma_wait3A_26 = arith.constant 0 : i32
    %dma_wait3A_27 = tpu.memref_slice %arg3[%add3A, %dma_wait3A, %dma_wait3A_26] : memref<32x125x80xi32, #tpu.memory_space<hbm>> -> memref<1x125x80xi32, #tpu.memory_space<hbm>>
    %dma_wait3A_28 = tpu.memref_squeeze %dma_wait3A_27 : memref<1x125x80xi32, #tpu.memory_space<hbm>> -> memref<125x80xi32, #tpu.memory_space<hbm>>
    %dma_wait3A_29 = arith.constant 0 : i32
    %dma_wait3A_30 = arith.constant 0 : i32
    %dma_wait3A_31 = tpu.memref_slice %arg3[%add3A, %dma_wait3A_29, %dma_wait3A_30] : memref<32x125x80xi32, #tpu.memory_space<hbm>> -> memref<1x125x80xi32, #tpu.memory_space<hbm>>
    %dma_wait3A_32 = tpu.memref_squeeze %dma_wait3A_31 : memref<1x125x80xi32, #tpu.memory_space<hbm>> -> memref<125x80xi32, #tpu.memory_space<hbm>>
    tpu.wait_dma2 semaphore(%arg21 : memref<!tpu.dma_semaphore, #tpu.memory_space<semaphore_mem>>) src(%dma_wait3A_32 : memref<125x80xi32, #tpu.memory_space<hbm>>) dst(%arg7 : memref<125x80xi32, #tpu.memory_space<vmem>>)
    %dma_wait3A_33 = arith.constant 0 : i32
    %dma_wait3A_34 = arith.constant 0 : i32
    %dma_wait3A_35 = tpu.memref_slice %arg4[%add3A, %dma_wait3A_33, %dma_wait3A_34] : memref<32x125x80xi32, #tpu.memory_space<hbm>> -> memref<1x125x80xi32, #tpu.memory_space<hbm>>
    %dma_wait3A_36 = tpu.memref_squeeze %dma_wait3A_35 : memref<1x125x80xi32, #tpu.memory_space<hbm>> -> memref<125x80xi32, #tpu.memory_space<hbm>>
    %dma_wait3A_37 = arith.constant 0 : i32
    %dma_wait3A_38 = arith.constant 0 : i32
    %dma_wait3A_39 = tpu.memref_slice %arg4[%add3A, %dma_wait3A_37, %dma_wait3A_38] : memref<32x125x80xi32, #tpu.memory_space<hbm>> -> memref<1x125x80xi32, #tpu.memory_space<hbm>>
    %dma_wait3A_40 = tpu.memref_squeeze %dma_wait3A_39 : memref<1x125x80xi32, #tpu.memory_space<hbm>> -> memref<125x80xi32, #tpu.memory_space<hbm>>
    tpu.wait_dma2 semaphore(%arg21 : memref<!tpu.dma_semaphore, #tpu.memory_space<semaphore_mem>>) src(%dma_wait3A_40 : memref<125x80xi32, #tpu.memory_space<hbm>>) dst(%arg8 : memref<125x80xi32, #tpu.memory_space<vmem>>)
    %dma_start3A_41 = arith.constant 0 : i32
    %dma_start3A_42 = arith.constant 0 : i32
    %dma_start3A_43 = tpu.memref_slice %arg7[%dma_start3A_41, %dma_start3A_42] : memref<125x80xi32, #tpu.memory_space<vmem>> -> memref<1x80xi32, #tpu.memory_space<vmem>>
    %dma_start3A_44 = tpu.memref_squeeze %dma_start3A_43 : memref<1x80xi32, #tpu.memory_space<vmem>> -> memref<80xi32, #tpu.memory_space<vmem>>
    %dma_start3A_45 = arith.constant 0 : i32
    %dma_start3A_46 = arith.constant 0 : i32
    %dma_start3A_47 = tpu.memref_slice %arg2[%dma_start3A_45, %dma_start3A_46] : memref<10000x64xbf16, #tpu.memory_space<hbm>> -> memref<10000x64xbf16, #tpu.memory_space<hbm>>
    tpu.enqueue_indirect_dma source(%dma_start3A_47 : memref<10000x64xbf16, #tpu.memory_space<hbm>>) target(%arg9 : memref<80x64xbf16, #tpu.memory_space<vmem>>) offsets(%dma_start3A_44 : memref<80xi32, #tpu.memory_space<vmem>>) semaphore(%arg15 : memref<!tpu.dma_semaphore, #tpu.memory_space<semaphore_mem>>)
    %dma_start3A_48 = arith.constant 1 : i32
    %dma_start3A_49 = arith.constant 0 : i32
    %dma_start3A_50 = tpu.memref_slice %arg7[%dma_start3A_48, %dma_start3A_49] : memref<125x80xi32, #tpu.memory_space<vmem>> -> memref<1x80xi32, #tpu.memory_space<vmem>>
    %dma_start3A_51 = tpu.memref_squeeze %dma_start3A_50 : memref<1x80xi32, #tpu.memory_space<vmem>> -> memref<80xi32, #tpu.memory_space<vmem>>
    %dma_start3A_52 = arith.constant 0 : i32
    %dma_start3A_53 = arith.constant 0 : i32
    %dma_start3A_54 = tpu.memref_slice %arg2[%dma_start3A_52, %dma_start3A_53] : memref<10000x64xbf16, #tpu.memory_space<hbm>> -> memref<10000x64xbf16, #tpu.memory_space<hbm>>
    tpu.enqueue_indirect_dma source(%dma_start3A_54 : memref<10000x64xbf16, #tpu.memory_space<hbm>>) target(%arg10 : memref<80x64xbf16, #tpu.memory_space<vmem>>) offsets(%dma_start3A_51 : memref<80xi32, #tpu.memory_space<vmem>>) semaphore(%arg16 : memref<!tpu.dma_semaphore, #tpu.memory_space<semaphore_mem>>)
    %dma_start3A_55 = arith.constant 2 : i32
    %dma_start3A_56 = arith.constant 0 : i32
    %dma_start3A_57 = tpu.memref_slice %arg7[%dma_start3A_55, %dma_start3A_56] : memref<125x80xi32, #tpu.memory_space<vmem>> -> memref<1x80xi32, #tpu.memory_space<vmem>>
    %dma_start3A_58 = tpu.memref_squeeze %dma_start3A_57 : memref<1x80xi32, #tpu.memory_space<vmem>> -> memref<80xi32, #tpu.memory_space<vmem>>
    %dma_start3A_59 = arith.constant 0 : i32
    %dma_start3A_60 = arith.constant 0 : i32
    %dma_start3A_61 = tpu.memref_slice %arg2[%dma_start3A_59, %dma_start3A_60] : memref<10000x64xbf16, #tpu.memory_space<hbm>> -> memref<10000x64xbf16, #tpu.memory_space<hbm>>
    tpu.enqueue_indirect_dma source(%dma_start3A_61 : memref<10000x64xbf16, #tpu.memory_space<hbm>>) target(%arg11 : memref<80x64xbf16, #tpu.memory_space<vmem>>) offsets(%dma_start3A_58 : memref<80xi32, #tpu.memory_space<vmem>>) semaphore(%arg17 : memref<!tpu.dma_semaphore, #tpu.memory_space<semaphore_mem>>)
    %dma_start3A_62 = arith.constant 3 : i32
    %dma_start3A_63 = arith.constant 0 : i32
    %dma_start3A_64 = tpu.memref_slice %arg7[%dma_start3A_62, %dma_start3A_63] : memref<125x80xi32, #tpu.memory_space<vmem>> -> memref<1x80xi32, #tpu.memory_space<vmem>>
    %dma_start3A_65 = tpu.memref_squeeze %dma_start3A_64 : memref<1x80xi32, #tpu.memory_space<vmem>> -> memref<80xi32, #tpu.memory_space<vmem>>
    %dma_start3A_66 = arith.constant 0 : i32
    %dma_start3A_67 = arith.constant 0 : i32
    %dma_start3A_68 = tpu.memref_slice %arg2[%dma_start3A_66, %dma_start3A_67] : memref<10000x64xbf16, #tpu.memory_space<hbm>> -> memref<10000x64xbf16, #tpu.memory_space<hbm>>
    tpu.enqueue_indirect_dma source(%dma_start3A_68 : memref<10000x64xbf16, #tpu.memory_space<hbm>>) target(%arg12 : memref<80x64xbf16, #tpu.memory_space<vmem>>) offsets(%dma_start3A_65 : memref<80xi32, #tpu.memory_space<vmem>>) semaphore(%arg18 : memref<!tpu.dma_semaphore, #tpu.memory_space<semaphore_mem>>)
    %dma_wait3A_69 = arith.constant 0 : i32
    %dma_wait3A_70 = tpu.memref_slice %arg14[%mul3A_4, %dma_wait3A_69] : memref<10000x64xbf16, #tpu.memory_space<vmem_shared>> -> memref<624x64xbf16, #tpu.memory_space<vmem_shared>>
    %dma_wait3A_71 = arith.constant 0 : i32
    %dma_wait3A_72 = tpu.memref_slice %arg5[%mul3A_2, %dma_wait3A_71] : memref<10000x64xbf16, #tpu.memory_space<hbm>> -> memref<624x64xbf16, #tpu.memory_space<hbm>>
    tpu.wait_dma2 semaphore(%arg20 : memref<!tpu.dma_semaphore, #tpu.memory_space<semaphore_mem>>) src(%dma_wait3A_72 : memref<624x64xbf16, #tpu.memory_space<hbm>>) dst(%dma_wait3A_70 : memref<624x64xbf16, #tpu.memory_space<vmem_shared>>)
    %barrier3A = arith.constant 0 : index
    tpu.barrier barrier_id(%barrier3A)
    %scan3A = arith.constant 0 : i32
    %scan3A_73 = arith.constant 0 : i32
    %scan3A_74 = arith.constant 25 : i32
    %scan3A_75 = arith.addi %scan3A_73, %scan3A_74 : i32
    %scan3A_76 = arith.constant 1 : i32
    scf.for %scan3A_116 = %scan3A_73 to %scan3A_75 step %scan3A_76  : i32 {
      %mul3A_117 = arith.constant 5 : i32
      %mul3A_118 = arith.muli %scan3A_116, %mul3A_117 : i32
      %add3A_119 = arith.constant 0 : i32
      %add3A_120 = arith.addi %mul3A_118, %add3A_119 : i32
      %add3A_121 = arith.constant 5 : i32
      %add3A_122 = arith.addi %add3A_120, %add3A_121 : i32
      %sub3A = arith.constant 1 : i32
      %sub3A_123 = arith.subi %add3A_122, %sub3A : i32
      %min3A = arith.constant 124 : i32
      %min3A_124 = arith.minsi %sub3A_123, %min3A : i32
      %dma_start3A_125 = arith.constant 0 : i32
      %dma_start3A_126 = tpu.memref_slice %arg7[%min3A_124, %dma_start3A_125] : memref<125x80xi32, #tpu.memory_space<vmem>> -> memref<1x80xi32, #tpu.memory_space<vmem>>
      %dma_start3A_127 = tpu.memref_squeeze %dma_start3A_126 : memref<1x80xi32, #tpu.memory_space<vmem>> -> memref<80xi32, #tpu.memory_space<vmem>>
      %dma_start3A_128 = arith.constant 0 : i32
      %dma_start3A_129 = arith.constant 0 : i32
      %dma_start3A_130 = tpu.memref_slice %arg2[%dma_start3A_128, %dma_start3A_129] : memref<10000x64xbf16, #tpu.memory_space<hbm>> -> memref<10000x64xbf16, #tpu.memory_space<hbm>>
      tpu.enqueue_indirect_dma source(%dma_start3A_130 : memref<10000x64xbf16, #tpu.memory_space<hbm>>) target(%arg13 : memref<80x64xbf16, #tpu.memory_space<vmem>>) offsets(%dma_start3A_127 : memref<80xi32, #tpu.memory_space<vmem>>) semaphore(%arg19 : memref<!tpu.dma_semaphore, #tpu.memory_space<semaphore_mem>>)
      %dma_wait3A_131 = arith.constant 0 : i32
      %dma_wait3A_132 = arith.constant 0 : i32
      %dma_wait3A_133 = tpu.memref_slice %arg7[%dma_wait3A_131, %dma_wait3A_132] : memref<125x80xi32, #tpu.memory_space<vmem>> -> memref<1x80xi32, #tpu.memory_space<vmem>>
      %dma_wait3A_134 = tpu.memref_squeeze %dma_wait3A_133 : memref<1x80xi32, #tpu.memory_space<vmem>> -> memref<80xi32, #tpu.memory_space<vmem>>
      %dma_wait3A_135 = arith.constant 0 : i32
      %dma_wait3A_136 = arith.constant 0 : i32
      %dma_wait3A_137 = tpu.memref_slice %arg2[%dma_wait3A_135, %dma_wait3A_136] : memref<10000x64xbf16, #tpu.memory_space<hbm>> -> memref<10000x64xbf16, #tpu.memory_space<hbm>>
      tpu.wait_indirect_dma semaphore(%arg15 : memref<!tpu.dma_semaphore, #tpu.memory_space<semaphore_mem>>) src(%dma_wait3A_137 : memref<10000x64xbf16, #tpu.memory_space<hbm>>) dst(%arg9 : memref<80x64xbf16, #tpu.memory_space<vmem>>)
      "tpu.region"() ({
        %run_scoped3A = tpu.sem_alloc : memref<!tpu.dma_semaphore, #tpu.memory_space<semaphore_mem>>
        %dma_start3A_222 = arith.constant 0 : i32
        %dma_start3A_223 = tpu.memref_slice %arg8[%add3A_120, %dma_start3A_222] : memref<125x80xi32, #tpu.memory_space<vmem>> -> memref<1x80xi32, #tpu.memory_space<vmem>>
        %dma_start3A_224 = tpu.memref_squeeze %dma_start3A_223 : memref<1x80xi32, #tpu.memory_space<vmem>> -> memref<80xi32, #tpu.memory_space<vmem>>
        %dma_start3A_225 = arith.constant 0 : i32
        %dma_start3A_226 = arith.constant 0 : i32
        %dma_start3A_227 = tpu.memref_slice %arg14[%dma_start3A_225, %dma_start3A_226] : memref<10000x64xbf16, #tpu.memory_space<vmem_shared>> -> memref<10000x64xbf16, #tpu.memory_space<vmem_shared>>
        tpu.enqueue_indirect_dma source(%arg9 : memref<80x64xbf16, #tpu.memory_space<vmem>>) target(%dma_start3A_227 : memref<10000x64xbf16, #tpu.memory_space<vmem_shared>>) offsets(%dma_start3A_224 : memref<80xi32, #tpu.memory_space<vmem>>) semaphore(%run_scoped3A : memref<!tpu.dma_semaphore, #tpu.memory_space<semaphore_mem>>) {add = true}
        %dma_wait3A_228 = arith.constant 0 : i32
        %dma_wait3A_229 = tpu.memref_slice %arg8[%add3A_120, %dma_wait3A_228] : memref<125x80xi32, #tpu.memory_space<vmem>> -> memref<1x80xi32, #tpu.memory_space<vmem>>
        %dma_wait3A_230 = tpu.memref_squeeze %dma_wait3A_229 : memref<1x80xi32, #tpu.memory_space<vmem>> -> memref<80xi32, #tpu.memory_space<vmem>>
        %dma_wait3A_231 = arith.constant 0 : i32
        %dma_wait3A_232 = arith.constant 0 : i32
        %dma_wait3A_233 = tpu.memref_slice %arg14[%dma_wait3A_231, %dma_wait3A_232] : memref<10000x64xbf16, #tpu.memory_space<vmem_shared>> -> memref<10000x64xbf16, #tpu.memory_space<vmem_shared>>
        tpu.wait_indirect_dma semaphore(%run_scoped3A : memref<!tpu.dma_semaphore, #tpu.memory_space<semaphore_mem>>) src(%arg9 : memref<80x64xbf16, #tpu.memory_space<vmem>>) dst(%dma_wait3A_233 : memref<10000x64xbf16, #tpu.memory_space<vmem_shared>>)
        tpu.yield
      }) : () -> ()
      %add3A_138 = arith.constant 1 : i32
      %add3A_139 = arith.addi %mul3A_118, %add3A_138 : i32
      %add3A_140 = arith.constant 5 : i32
      %add3A_141 = arith.addi %add3A_139, %add3A_140 : i32
      %sub3A_142 = arith.constant 1 : i32
      %sub3A_143 = arith.subi %add3A_141, %sub3A_142 : i32
      %min3A_144 = arith.constant 124 : i32
      %min3A_145 = arith.minsi %sub3A_143, %min3A_144 : i32
      %dma_start3A_146 = arith.constant 0 : i32
      %dma_start3A_147 = tpu.memref_slice %arg7[%min3A_145, %dma_start3A_146] : memref<125x80xi32, #tpu.memory_space<vmem>> -> memref<1x80xi32, #tpu.memory_space<vmem>>
      %dma_start3A_148 = tpu.memref_squeeze %dma_start3A_147 : memref<1x80xi32, #tpu.memory_space<vmem>> -> memref<80xi32, #tpu.memory_space<vmem>>
      %dma_start3A_149 = arith.constant 0 : i32
      %dma_start3A_150 = arith.constant 0 : i32
      %dma_start3A_151 = tpu.memref_slice %arg2[%dma_start3A_149, %dma_start3A_150] : memref<10000x64xbf16, #tpu.memory_space<hbm>> -> memref<10000x64xbf16, #tpu.memory_space<hbm>>
      tpu.enqueue_indirect_dma source(%dma_start3A_151 : memref<10000x64xbf16, #tpu.memory_space<hbm>>) target(%arg9 : memref<80x64xbf16, #tpu.memory_space<vmem>>) offsets(%dma_start3A_148 : memref<80xi32, #tpu.memory_space<vmem>>) semaphore(%arg15 : memref<!tpu.dma_semaphore, #tpu.memory_space<semaphore_mem>>)
      %dma_wait3A_152 = arith.constant 0 : i32
      %dma_wait3A_153 = arith.constant 0 : i32
      %dma_wait3A_154 = tpu.memref_slice %arg7[%dma_wait3A_152, %dma_wait3A_153] : memref<125x80xi32, #tpu.memory_space<vmem>> -> memref<1x80xi32, #tpu.memory_space<vmem>>
      %dma_wait3A_155 = tpu.memref_squeeze %dma_wait3A_154 : memref<1x80xi32, #tpu.memory_space<vmem>> -> memref<80xi32, #tpu.memory_space<vmem>>
      %dma_wait3A_156 = arith.constant 0 : i32
      %dma_wait3A_157 = arith.constant 0 : i32
      %dma_wait3A_158 = tpu.memref_slice %arg2[%dma_wait3A_156, %dma_wait3A_157] : memref<10000x64xbf16, #tpu.memory_space<hbm>> -> memref<10000x64xbf16, #tpu.memory_space<hbm>>
      tpu.wait_indirect_dma semaphore(%arg16 : memref<!tpu.dma_semaphore, #tpu.memory_space<semaphore_mem>>) src(%dma_wait3A_158 : memref<10000x64xbf16, #tpu.memory_space<hbm>>) dst(%arg10 : memref<80x64xbf16, #tpu.memory_space<vmem>>)
      "tpu.region"() ({
        %run_scoped3A = tpu.sem_alloc : memref<!tpu.dma_semaphore, #tpu.memory_space<semaphore_mem>>
        %dma_start3A_222 = arith.constant 0 : i32
        %dma_start3A_223 = tpu.memref_slice %arg8[%add3A_139, %dma_start3A_222] : memref<125x80xi32, #tpu.memory_space<vmem>> -> memref<1x80xi32, #tpu.memory_space<vmem>>
        %dma_start3A_224 = tpu.memref_squeeze %dma_start3A_223 : memref<1x80xi32, #tpu.memory_space<vmem>> -> memref<80xi32, #tpu.memory_space<vmem>>
        %dma_start3A_225 = arith.constant 0 : i32
        %dma_start3A_226 = arith.constant 0 : i32
        %dma_start3A_227 = tpu.memref_slice %arg14[%dma_start3A_225, %dma_start3A_226] : memref<10000x64xbf16, #tpu.memory_space<vmem_shared>> -> memref<10000x64xbf16, #tpu.memory_space<vmem_shared>>
        tpu.enqueue_indirect_dma source(%arg10 : memref<80x64xbf16, #tpu.memory_space<vmem>>) target(%dma_start3A_227 : memref<10000x64xbf16, #tpu.memory_space<vmem_shared>>) offsets(%dma_start3A_224 : memref<80xi32, #tpu.memory_space<vmem>>) semaphore(%run_scoped3A : memref<!tpu.dma_semaphore, #tpu.memory_space<semaphore_mem>>) {add = true}
        %dma_wait3A_228 = arith.constant 0 : i32
        %dma_wait3A_229 = tpu.memref_slice %arg8[%add3A_139, %dma_wait3A_228] : memref<125x80xi32, #tpu.memory_space<vmem>> -> memref<1x80xi32, #tpu.memory_space<vmem>>
        %dma_wait3A_230 = tpu.memref_squeeze %dma_wait3A_229 : memref<1x80xi32, #tpu.memory_space<vmem>> -> memref<80xi32, #tpu.memory_space<vmem>>
        %dma_wait3A_231 = arith.constant 0 : i32
        %dma_wait3A_232 = arith.constant 0 : i32
        %dma_wait3A_233 = tpu.memref_slice %arg14[%dma_wait3A_231, %dma_wait3A_232] : memref<10000x64xbf16, #tpu.memory_space<vmem_shared>> -> memref<10000x64xbf16, #tpu.memory_space<vmem_shared>>
        tpu.wait_indirect_dma semaphore(%run_scoped3A : memref<!tpu.dma_semaphore, #tpu.memory_space<semaphore_mem>>) src(%arg10 : memref<80x64xbf16, #tpu.memory_space<vmem>>) dst(%dma_wait3A_233 : memref<10000x64xbf16, #tpu.memory_space<vmem_shared>>)
        tpu.yield
      }) : () -> ()
      %add3A_159 = arith.constant 2 : i32
      %add3A_160 = arith.addi %mul3A_118, %add3A_159 : i32
      %add3A_161 = arith.constant 5 : i32
      %add3A_162 = arith.addi %add3A_160, %add3A_161 : i32
      %sub3A_163 = arith.constant 1 : i32
      %sub3A_164 = arith.subi %add3A_162, %sub3A_163 : i32
      %min3A_165 = arith.constant 124 : i32
      %min3A_166 = arith.minsi %sub3A_164, %min3A_165 : i32
      %dma_start3A_167 = arith.constant 0 : i32
      %dma_start3A_168 = tpu.memref_slice %arg7[%min3A_166, %dma_start3A_167] : memref<125x80xi32, #tpu.memory_space<vmem>> -> memref<1x80xi32, #tpu.memory_space<vmem>>
      %dma_start3A_169 = tpu.memref_squeeze %dma_start3A_168 : memref<1x80xi32, #tpu.memory_space<vmem>> -> memref<80xi32, #tpu.memory_space<vmem>>
      %dma_start3A_170 = arith.constant 0 : i32
      %dma_start3A_171 = arith.constant 0 : i32
      %dma_start3A_172 = tpu.memref_slice %arg2[%dma_start3A_170, %dma_start3A_171] : memref<10000x64xbf16, #tpu.memory_space<hbm>> -> memref<10000x64xbf16, #tpu.memory_space<hbm>>
      tpu.enqueue_indirect_dma source(%dma_start3A_172 : memref<10000x64xbf16, #tpu.memory_space<hbm>>) target(%arg10 : memref<80x64xbf16, #tpu.memory_space<vmem>>) offsets(%dma_start3A_169 : memref<80xi32, #tpu.memory_space<vmem>>) semaphore(%arg16 : memref<!tpu.dma_semaphore, #tpu.memory_space<semaphore_mem>>)
      %dma_wait3A_173 = arith.constant 0 : i32
      %dma_wait3A_174 = arith.constant 0 : i32
      %dma_wait3A_175 = tpu.memref_slice %arg7[%dma_wait3A_173, %dma_wait3A_174] : memref<125x80xi32, #tpu.memory_space<vmem>> -> memref<1x80xi32, #tpu.memory_space<vmem>>
      %dma_wait3A_176 = tpu.memref_squeeze %dma_wait3A_175 : memref<1x80xi32, #tpu.memory_space<vmem>> -> memref<80xi32, #tpu.memory_space<vmem>>
      %dma_wait3A_177 = arith.constant 0 : i32
      %dma_wait3A_178 = arith.constant 0 : i32
      %dma_wait3A_179 = tpu.memref_slice %arg2[%dma_wait3A_177, %dma_wait3A_178] : memref<10000x64xbf16, #tpu.memory_space<hbm>> -> memref<10000x64xbf16, #tpu.memory_space<hbm>>
      tpu.wait_indirect_dma semaphore(%arg17 : memref<!tpu.dma_semaphore, #tpu.memory_space<semaphore_mem>>) src(%dma_wait3A_179 : memref<10000x64xbf16, #tpu.memory_space<hbm>>) dst(%arg11 : memref<80x64xbf16, #tpu.memory_space<vmem>>)
      "tpu.region"() ({
        %run_scoped3A = tpu.sem_alloc : memref<!tpu.dma_semaphore, #tpu.memory_space<semaphore_mem>>
        %dma_start3A_222 = arith.constant 0 : i32
        %dma_start3A_223 = tpu.memref_slice %arg8[%add3A_160, %dma_start3A_222] : memref<125x80xi32, #tpu.memory_space<vmem>> -> memref<1x80xi32, #tpu.memory_space<vmem>>
        %dma_start3A_224 = tpu.memref_squeeze %dma_start3A_223 : memref<1x80xi32, #tpu.memory_space<vmem>> -> memref<80xi32, #tpu.memory_space<vmem>>
        %dma_start3A_225 = arith.constant 0 : i32
        %dma_start3A_226 = arith.constant 0 : i32
        %dma_start3A_227 = tpu.memref_slice %arg14[%dma_start3A_225, %dma_start3A_226] : memref<10000x64xbf16, #tpu.memory_space<vmem_shared>> -> memref<10000x64xbf16, #tpu.memory_space<vmem_shared>>
        tpu.enqueue_indirect_dma source(%arg11 : memref<80x64xbf16, #tpu.memory_space<vmem>>) target(%dma_start3A_227 : memref<10000x64xbf16, #tpu.memory_space<vmem_shared>>) offsets(%dma_start3A_224 : memref<80xi32, #tpu.memory_space<vmem>>) semaphore(%run_scoped3A : memref<!tpu.dma_semaphore, #tpu.memory_space<semaphore_mem>>) {add = true}
        %dma_wait3A_228 = arith.constant 0 : i32
        %dma_wait3A_229 = tpu.memref_slice %arg8[%add3A_160, %dma_wait3A_228] : memref<125x80xi32, #tpu.memory_space<vmem>> -> memref<1x80xi32, #tpu.memory_space<vmem>>
        %dma_wait3A_230 = tpu.memref_squeeze %dma_wait3A_229 : memref<1x80xi32, #tpu.memory_space<vmem>> -> memref<80xi32, #tpu.memory_space<vmem>>
        %dma_wait3A_231 = arith.constant 0 : i32
        %dma_wait3A_232 = arith.constant 0 : i32
        %dma_wait3A_233 = tpu.memref_slice %arg14[%dma_wait3A_231, %dma_wait3A_232] : memref<10000x64xbf16, #tpu.memory_space<vmem_shared>> -> memref<10000x64xbf16, #tpu.memory_space<vmem_shared>>
        tpu.wait_indirect_dma semaphore(%run_scoped3A : memref<!tpu.dma_semaphore, #tpu.memory_space<semaphore_mem>>) src(%arg11 : memref<80x64xbf16, #tpu.memory_space<vmem>>) dst(%dma_wait3A_233 : memref<10000x64xbf16, #tpu.memory_space<vmem_shared>>)
        tpu.yield
      }) : () -> ()
      %add3A_180 = arith.constant 3 : i32
      %add3A_181 = arith.addi %mul3A_118, %add3A_180 : i32
      %add3A_182 = arith.constant 5 : i32
      %add3A_183 = arith.addi %add3A_181, %add3A_182 : i32
      %sub3A_184 = arith.constant 1 : i32
      %sub3A_185 = arith.subi %add3A_183, %sub3A_184 : i32
      %min3A_186 = arith.constant 124 : i32
      %min3A_187 = arith.minsi %sub3A_185, %min3A_186 : i32
      %dma_start3A_188 = arith.constant 0 : i32
      %dma_start3A_189 = tpu.memref_slice %arg7[%min3A_187, %dma_start3A_188] : memref<125x80xi32, #tpu.memory_space<vmem>> -> memref<1x80xi32, #tpu.memory_space<vmem>>
      %dma_start3A_190 = tpu.memref_squeeze %dma_start3A_189 : memref<1x80xi32, #tpu.memory_space<vmem>> -> memref<80xi32, #tpu.memory_space<vmem>>
      %dma_start3A_191 = arith.constant 0 : i32
      %dma_start3A_192 = arith.constant 0 : i32
      %dma_start3A_193 = tpu.memref_slice %arg2[%dma_start3A_191, %dma_start3A_192] : memref<10000x64xbf16, #tpu.memory_space<hbm>> -> memref<10000x64xbf16, #tpu.memory_space<hbm>>
      tpu.enqueue_indirect_dma source(%dma_start3A_193 : memref<10000x64xbf16, #tpu.memory_space<hbm>>) target(%arg11 : memref<80x64xbf16, #tpu.memory_space<vmem>>) offsets(%dma_start3A_190 : memref<80xi32, #tpu.memory_space<vmem>>) semaphore(%arg17 : memref<!tpu.dma_semaphore, #tpu.memory_space<semaphore_mem>>)
      %dma_wait3A_194 = arith.constant 0 : i32
      %dma_wait3A_195 = arith.constant 0 : i32
      %dma_wait3A_196 = tpu.memref_slice %arg7[%dma_wait3A_194, %dma_wait3A_195] : memref<125x80xi32, #tpu.memory_space<vmem>> -> memref<1x80xi32, #tpu.memory_space<vmem>>
      %dma_wait3A_197 = tpu.memref_squeeze %dma_wait3A_196 : memref<1x80xi32, #tpu.memory_space<vmem>> -> memref<80xi32, #tpu.memory_space<vmem>>
      %dma_wait3A_198 = arith.constant 0 : i32
      %dma_wait3A_199 = arith.constant 0 : i32
      %dma_wait3A_200 = tpu.memref_slice %arg2[%dma_wait3A_198, %dma_wait3A_199] : memref<10000x64xbf16, #tpu.memory_space<hbm>> -> memref<10000x64xbf16, #tpu.memory_space<hbm>>
      tpu.wait_indirect_dma semaphore(%arg18 : memref<!tpu.dma_semaphore, #tpu.memory_space<semaphore_mem>>) src(%dma_wait3A_200 : memref<10000x64xbf16, #tpu.memory_space<hbm>>) dst(%arg12 : memref<80x64xbf16, #tpu.memory_space<vmem>>)
      "tpu.region"() ({
        %run_scoped3A = tpu.sem_alloc : memref<!tpu.dma_semaphore, #tpu.memory_space<semaphore_mem>>
        %dma_start3A_222 = arith.constant 0 : i32
        %dma_start3A_223 = tpu.memref_slice %arg8[%add3A_181, %dma_start3A_222] : memref<125x80xi32, #tpu.memory_space<vmem>> -> memref<1x80xi32, #tpu.memory_space<vmem>>
        %dma_start3A_224 = tpu.memref_squeeze %dma_start3A_223 : memref<1x80xi32, #tpu.memory_space<vmem>> -> memref<80xi32, #tpu.memory_space<vmem>>
        %dma_start3A_225 = arith.constant 0 : i32
        %dma_start3A_226 = arith.constant 0 : i32
        %dma_start3A_227 = tpu.memref_slice %arg14[%dma_start3A_225, %dma_start3A_226] : memref<10000x64xbf16, #tpu.memory_space<vmem_shared>> -> memref<10000x64xbf16, #tpu.memory_space<vmem_shared>>
        tpu.enqueue_indirect_dma source(%arg12 : memref<80x64xbf16, #tpu.memory_space<vmem>>) target(%dma_start3A_227 : memref<10000x64xbf16, #tpu.memory_space<vmem_shared>>) offsets(%dma_start3A_224 : memref<80xi32, #tpu.memory_space<vmem>>) semaphore(%run_scoped3A : memref<!tpu.dma_semaphore, #tpu.memory_space<semaphore_mem>>) {add = true}
        %dma_wait3A_228 = arith.constant 0 : i32
        %dma_wait3A_229 = tpu.memref_slice %arg8[%add3A_181, %dma_wait3A_228] : memref<125x80xi32, #tpu.memory_space<vmem>> -> memref<1x80xi32, #tpu.memory_space<vmem>>
        %dma_wait3A_230 = tpu.memref_squeeze %dma_wait3A_229 : memref<1x80xi32, #tpu.memory_space<vmem>> -> memref<80xi32, #tpu.memory_space<vmem>>
        %dma_wait3A_231 = arith.constant 0 : i32
        %dma_wait3A_232 = arith.constant 0 : i32
        %dma_wait3A_233 = tpu.memref_slice %arg14[%dma_wait3A_231, %dma_wait3A_232] : memref<10000x64xbf16, #tpu.memory_space<vmem_shared>> -> memref<10000x64xbf16, #tpu.memory_space<vmem_shared>>
        tpu.wait_indirect_dma semaphore(%run_scoped3A : memref<!tpu.dma_semaphore, #tpu.memory_space<semaphore_mem>>) src(%arg12 : memref<80x64xbf16, #tpu.memory_space<vmem>>) dst(%dma_wait3A_233 : memref<10000x64xbf16, #tpu.memory_space<vmem_shared>>)
        tpu.yield
      }) : () -> ()
      %add3A_201 = arith.constant 4 : i32
      %add3A_202 = arith.addi %mul3A_118, %add3A_201 : i32
      %add3A_203 = arith.constant 5 : i32
      %add3A_204 = arith.addi %add3A_202, %add3A_203 : i32
      %sub3A_205 = arith.constant 1 : i32
      %sub3A_206 = arith.subi %add3A_204, %sub3A_205 : i32
      %min3A_207 = arith.constant 124 : i32
      %min3A_208 = arith.minsi %sub3A_206, %min3A_207 : i32
      %dma_start3A_209 = arith.constant 0 : i32
      %dma_start3A_210 = tpu.memref_slice %arg7[%min3A_208, %dma_start3A_209] : memref<125x80xi32, #tpu.memory_space<vmem>> -> memref<1x80xi32, #tpu.memory_space<vmem>>
      %dma_start3A_211 = tpu.memref_squeeze %dma_start3A_210 : memref<1x80xi32, #tpu.memory_space<vmem>> -> memref<80xi32, #tpu.memory_space<vmem>>
      %dma_start3A_212 = arith.constant 0 : i32
      %dma_start3A_213 = arith.constant 0 : i32
      %dma_start3A_214 = tpu.memref_slice %arg2[%dma_start3A_212, %dma_start3A_213] : memref<10000x64xbf16, #tpu.memory_space<hbm>> -> memref<10000x64xbf16, #tpu.memory_space<hbm>>
      tpu.enqueue_indirect_dma source(%dma_start3A_214 : memref<10000x64xbf16, #tpu.memory_space<hbm>>) target(%arg12 : memref<80x64xbf16, #tpu.memory_space<vmem>>) offsets(%dma_start3A_211 : memref<80xi32, #tpu.memory_space<vmem>>) semaphore(%arg18 : memref<!tpu.dma_semaphore, #tpu.memory_space<semaphore_mem>>)
      %dma_wait3A_215 = arith.constant 0 : i32
      %dma_wait3A_216 = arith.constant 0 : i32
      %dma_wait3A_217 = tpu.memref_slice %arg7[%dma_wait3A_215, %dma_wait3A_216] : memref<125x80xi32, #tpu.memory_space<vmem>> -> memref<1x80xi32, #tpu.memory_space<vmem>>
      %dma_wait3A_218 = tpu.memref_squeeze %dma_wait3A_217 : memref<1x80xi32, #tpu.memory_space<vmem>> -> memref<80xi32, #tpu.memory_space<vmem>>
      %dma_wait3A_219 = arith.constant 0 : i32
      %dma_wait3A_220 = arith.constant 0 : i32
      %dma_wait3A_221 = tpu.memref_slice %arg2[%dma_wait3A_219, %dma_wait3A_220] : memref<10000x64xbf16, #tpu.memory_space<hbm>> -> memref<10000x64xbf16, #tpu.memory_space<hbm>>
      tpu.wait_indirect_dma semaphore(%arg19 : memref<!tpu.dma_semaphore, #tpu.memory_space<semaphore_mem>>) src(%dma_wait3A_221 : memref<10000x64xbf16, #tpu.memory_space<hbm>>) dst(%arg13 : memref<80x64xbf16, #tpu.memory_space<vmem>>)
      "tpu.region"() ({
        %run_scoped3A = tpu.sem_alloc : memref<!tpu.dma_semaphore, #tpu.memory_space<semaphore_mem>>
        %dma_start3A_222 = arith.constant 0 : i32
        %dma_start3A_223 = tpu.memref_slice %arg8[%add3A_202, %dma_start3A_222] : memref<125x80xi32, #tpu.memory_space<vmem>> -> memref<1x80xi32, #tpu.memory_space<vmem>>
        %dma_start3A_224 = tpu.memref_squeeze %dma_start3A_223 : memref<1x80xi32, #tpu.memory_space<vmem>> -> memref<80xi32, #tpu.memory_space<vmem>>
        %dma_start3A_225 = arith.constant 0 : i32
        %dma_start3A_226 = arith.constant 0 : i32
        %dma_start3A_227 = tpu.memref_slice %arg14[%dma_start3A_225, %dma_start3A_226] : memref<10000x64xbf16, #tpu.memory_space<vmem_shared>> -> memref<10000x64xbf16, #tpu.memory_space<vmem_shared>>
        tpu.enqueue_indirect_dma source(%arg13 : memref<80x64xbf16, #tpu.memory_space<vmem>>) target(%dma_start3A_227 : memref<10000x64xbf16, #tpu.memory_space<vmem_shared>>) offsets(%dma_start3A_224 : memref<80xi32, #tpu.memory_space<vmem>>) semaphore(%run_scoped3A : memref<!tpu.dma_semaphore, #tpu.memory_space<semaphore_mem>>) {add = true}
        %dma_wait3A_228 = arith.constant 0 : i32
        %dma_wait3A_229 = tpu.memref_slice %arg8[%add3A_202, %dma_wait3A_228] : memref<125x80xi32, #tpu.memory_space<vmem>> -> memref<1x80xi32, #tpu.memory_space<vmem>>
        %dma_wait3A_230 = tpu.memref_squeeze %dma_wait3A_229 : memref<1x80xi32, #tpu.memory_space<vmem>> -> memref<80xi32, #tpu.memory_space<vmem>>
        %dma_wait3A_231 = arith.constant 0 : i32
        %dma_wait3A_232 = arith.constant 0 : i32
        %dma_wait3A_233 = tpu.memref_slice %arg14[%dma_wait3A_231, %dma_wait3A_232] : memref<10000x64xbf16, #tpu.memory_space<vmem_shared>> -> memref<10000x64xbf16, #tpu.memory_space<vmem_shared>>
        tpu.wait_indirect_dma semaphore(%run_scoped3A : memref<!tpu.dma_semaphore, #tpu.memory_space<semaphore_mem>>) src(%arg13 : memref<80x64xbf16, #tpu.memory_space<vmem>>) dst(%dma_wait3A_233 : memref<10000x64xbf16, #tpu.memory_space<vmem_shared>>)
        tpu.yield
      }) : () -> ()
    }
    %scan3A_77 = arith.constant 25 : i32
    %dma_wait3A_78 = arith.constant 0 : i32
    %dma_wait3A_79 = arith.constant 0 : i32
    %dma_wait3A_80 = tpu.memref_slice %arg7[%dma_wait3A_78, %dma_wait3A_79] : memref<125x80xi32, #tpu.memory_space<vmem>> -> memref<1x80xi32, #tpu.memory_space<vmem>>
    %dma_wait3A_81 = tpu.memref_squeeze %dma_wait3A_80 : memref<1x80xi32, #tpu.memory_space<vmem>> -> memref<80xi32, #tpu.memory_space<vmem>>
    %dma_wait3A_82 = arith.constant 0 : i32
    %dma_wait3A_83 = arith.constant 0 : i32
    %dma_wait3A_84 = tpu.memref_slice %arg2[%dma_wait3A_82, %dma_wait3A_83] : memref<10000x64xbf16, #tpu.memory_space<hbm>> -> memref<10000x64xbf16, #tpu.memory_space<hbm>>
    tpu.wait_indirect_dma semaphore(%arg15 : memref<!tpu.dma_semaphore, #tpu.memory_space<semaphore_mem>>) src(%dma_wait3A_84 : memref<10000x64xbf16, #tpu.memory_space<hbm>>) dst(%arg9 : memref<80x64xbf16, #tpu.memory_space<vmem>>)
    %dma_wait3A_85 = arith.constant 0 : i32
    %dma_wait3A_86 = arith.constant 0 : i32
    %dma_wait3A_87 = tpu.memref_slice %arg7[%dma_wait3A_85, %dma_wait3A_86] : memref<125x80xi32, #tpu.memory_space<vmem>> -> memref<1x80xi32, #tpu.memory_space<vmem>>
    %dma_wait3A_88 = tpu.memref_squeeze %dma_wait3A_87 : memref<1x80xi32, #tpu.memory_space<vmem>> -> memref<80xi32, #tpu.memory_space<vmem>>
    %dma_wait3A_89 = arith.constant 0 : i32
    %dma_wait3A_90 = arith.constant 0 : i32
    %dma_wait3A_91 = tpu.memref_slice %arg2[%dma_wait3A_89, %dma_wait3A_90] : memref<10000x64xbf16, #tpu.memory_space<hbm>> -> memref<10000x64xbf16, #tpu.memory_space<hbm>>
    tpu.wait_indirect_dma semaphore(%arg16 : memref<!tpu.dma_semaphore, #tpu.memory_space<semaphore_mem>>) src(%dma_wait3A_91 : memref<10000x64xbf16, #tpu.memory_space<hbm>>) dst(%arg10 : memref<80x64xbf16, #tpu.memory_space<vmem>>)
    %dma_wait3A_92 = arith.constant 0 : i32
    %dma_wait3A_93 = arith.constant 0 : i32
    %dma_wait3A_94 = tpu.memref_slice %arg7[%dma_wait3A_92, %dma_wait3A_93] : memref<125x80xi32, #tpu.memory_space<vmem>> -> memref<1x80xi32, #tpu.memory_space<vmem>>
    %dma_wait3A_95 = tpu.memref_squeeze %dma_wait3A_94 : memref<1x80xi32, #tpu.memory_space<vmem>> -> memref<80xi32, #tpu.memory_space<vmem>>
    %dma_wait3A_96 = arith.constant 0 : i32
    %dma_wait3A_97 = arith.constant 0 : i32
    %dma_wait3A_98 = tpu.memref_slice %arg2[%dma_wait3A_96, %dma_wait3A_97] : memref<10000x64xbf16, #tpu.memory_space<hbm>> -> memref<10000x64xbf16, #tpu.memory_space<hbm>>
    tpu.wait_indirect_dma semaphore(%arg17 : memref<!tpu.dma_semaphore, #tpu.memory_space<semaphore_mem>>) src(%dma_wait3A_98 : memref<10000x64xbf16, #tpu.memory_space<hbm>>) dst(%arg11 : memref<80x64xbf16, #tpu.memory_space<vmem>>)
    %dma_wait3A_99 = arith.constant 0 : i32
    %dma_wait3A_100 = arith.constant 0 : i32
    %dma_wait3A_101 = tpu.memref_slice %arg7[%dma_wait3A_99, %dma_wait3A_100] : memref<125x80xi32, #tpu.memory_space<vmem>> -> memref<1x80xi32, #tpu.memory_space<vmem>>
    %dma_wait3A_102 = tpu.memref_squeeze %dma_wait3A_101 : memref<1x80xi32, #tpu.memory_space<vmem>> -> memref<80xi32, #tpu.memory_space<vmem>>
    %dma_wait3A_103 = arith.constant 0 : i32
    %dma_wait3A_104 = arith.constant 0 : i32
    %dma_wait3A_105 = tpu.memref_slice %arg2[%dma_wait3A_103, %dma_wait3A_104] : memref<10000x64xbf16, #tpu.memory_space<hbm>> -> memref<10000x64xbf16, #tpu.memory_space<hbm>>
    tpu.wait_indirect_dma semaphore(%arg18 : memref<!tpu.dma_semaphore, #tpu.memory_space<semaphore_mem>>) src(%dma_wait3A_105 : memref<10000x64xbf16, #tpu.memory_space<hbm>>) dst(%arg12 : memref<80x64xbf16, #tpu.memory_space<vmem>>)
    %barrier3A_106 = arith.constant 0 : index
    tpu.barrier barrier_id(%barrier3A_106)
    %mul3A_107 = arith.constant 624 : i32
    %mul3A_108 = arith.muli %arg1, %mul3A_107 : i32
    %mul3A_109 = arith.constant 624 : i32
    %mul3A_110 = arith.muli %arg1, %mul3A_109 : i32
    "tpu.region"() ({
      %run_scoped3A = tpu.sem_alloc : memref<!tpu.dma_semaphore, #tpu.memory_space<semaphore_mem>>
      %dma_start3A_116 = arith.constant 0 : i32
      %dma_start3A_117 = tpu.memref_slice %arg6[%arg0, %mul3A_110, %dma_start3A_116] : memref<2x10000x64xbf16, #tpu.memory_space<hbm>> -> memref<1x624x64xbf16, #tpu.memory_space<hbm>>
      %dma_start3A_118 = tpu.memref_squeeze %dma_start3A_117 : memref<1x624x64xbf16, #tpu.memory_space<hbm>> -> memref<624x64xbf16, #tpu.memory_space<hbm>>
      %dma_start3A_119 = arith.constant 0 : i32
      %dma_start3A_120 = tpu.memref_slice %arg14[%mul3A_108, %dma_start3A_119] : memref<10000x64xbf16, #tpu.memory_space<vmem_shared>> -> memref<624x64xbf16, #tpu.memory_space<vmem_shared>>
      tpu.enqueue_dma source(%dma_start3A_120 : memref<624x64xbf16, #tpu.memory_space<vmem_shared>>) target(%dma_start3A_118 : memref<624x64xbf16, #tpu.memory_space<hbm>>) target_semaphore(%run_scoped3A : memref<!tpu.dma_semaphore, #tpu.memory_space<semaphore_mem>>)
      %dma_wait3A_121 = arith.constant 0 : i32
      %dma_wait3A_122 = tpu.memref_slice %arg6[%arg0, %mul3A_110, %dma_wait3A_121] : memref<2x10000x64xbf16, #tpu.memory_space<hbm>> -> memref<1x624x64xbf16, #tpu.memory_space<hbm>>
      %dma_wait3A_123 = tpu.memref_squeeze %dma_wait3A_122 : memref<1x624x64xbf16, #tpu.memory_space<hbm>> -> memref<624x64xbf16, #tpu.memory_space<hbm>>
      %dma_wait3A_124 = arith.constant 0 : i32
      %dma_wait3A_125 = tpu.memref_slice %arg14[%mul3A_108, %dma_wait3A_124] : memref<10000x64xbf16, #tpu.memory_space<vmem_shared>> -> memref<624x64xbf16, #tpu.memory_space<vmem_shared>>
      tpu.wait_dma2 semaphore(%run_scoped3A : memref<!tpu.dma_semaphore, #tpu.memory_space<semaphore_mem>>) src(%dma_wait3A_125 : memref<624x64xbf16, #tpu.memory_space<vmem_shared>>) dst(%dma_wait3A_123 : memref<624x64xbf16, #tpu.memory_space<hbm>>)
      tpu.yield
    }) : () -> ()
    %eq3A_111 = arith.constant 15 : i32
    %eq3A_112 = arith.cmpi eq, %arg1, %eq3A_111 : i32
    %convert_element_type3A_113 = arith.extui %eq3A_112 : i1 to i32
    %cond3A_114 = arith.constant 0 : i32
    %cond3A_115 = arith.cmpi ne, %convert_element_type3A_113, %cond3A_114 : i32
    scf.if %cond3A_115 {
      "tpu.region"() ({
        %run_scoped3A = tpu.sem_alloc : memref<!tpu.dma_semaphore, #tpu.memory_space<semaphore_mem>>
        %dma_start3A_116 = arith.constant 9984 : i32
        %dma_start3A_117 = arith.constant 0 : i32
        %dma_start3A_118 = tpu.memref_slice %arg6[%arg0, %dma_start3A_116, %dma_start3A_117] : memref<2x10000x64xbf16, #tpu.memory_space<hbm>> -> memref<1x16x64xbf16, #tpu.memory_space<hbm>>
        %dma_start3A_119 = tpu.memref_squeeze %dma_start3A_118 : memref<1x16x64xbf16, #tpu.memory_space<hbm>> -> memref<16x64xbf16, #tpu.memory_space<hbm>>
        %dma_start3A_120 = arith.constant 9984 : i32
        %dma_start3A_121 = arith.constant 0 : i32
        %dma_start3A_122 = tpu.memref_slice %arg14[%dma_start3A_120, %dma_start3A_121] : memref<10000x64xbf16, #tpu.memory_space<vmem_shared>> -> memref<16x64xbf16, #tpu.memory_space<vmem_shared>>
        tpu.enqueue_dma source(%dma_start3A_122 : memref<16x64xbf16, #tpu.memory_space<vmem_shared>>) target(%dma_start3A_119 : memref<16x64xbf16, #tpu.memory_space<hbm>>) target_semaphore(%run_scoped3A : memref<!tpu.dma_semaphore, #tpu.memory_space<semaphore_mem>>)
        %dma_wait3A_123 = arith.constant 9984 : i32
        %dma_wait3A_124 = arith.constant 0 : i32
        %dma_wait3A_125 = tpu.memref_slice %arg6[%arg0, %dma_wait3A_123, %dma_wait3A_124] : memref<2x10000x64xbf16, #tpu.memory_space<hbm>> -> memref<1x16x64xbf16, #tpu.memory_space<hbm>>
        %dma_wait3A_126 = tpu.memref_squeeze %dma_wait3A_125 : memref<1x16x64xbf16, #tpu.memory_space<hbm>> -> memref<16x64xbf16, #tpu.memory_space<hbm>>
        %dma_wait3A_127 = arith.constant 9984 : i32
        %dma_wait3A_128 = arith.constant 0 : i32
        %dma_wait3A_129 = tpu.memref_slice %arg14[%dma_wait3A_127, %dma_wait3A_128] : memref<10000x64xbf16, #tpu.memory_space<vmem_shared>> -> memref<16x64xbf16, #tpu.memory_space<vmem_shared>>
        tpu.wait_dma2 semaphore(%run_scoped3A : memref<!tpu.dma_semaphore, #tpu.memory_space<semaphore_mem>>) src(%dma_wait3A_129 : memref<16x64xbf16, #tpu.memory_space<vmem_shared>>) dst(%dma_wait3A_126 : memref<16x64xbf16, #tpu.memory_space<hbm>>)
        tpu.yield
      }) : () -> ()
    } else {
    }
    return
  }
}

#map = affine_map<(d0, d1) -> (0, 0)>
#map1 = affine_map<(d0, d1) -> (0, 0, 0)>
module attributes {stable_mosaic.version = 14 : i64} {
  func.func @prop(%arg0: i32, %arg1: i32, %arg2: memref<10000x64xbf16, #tpu.memory_space<hbm>>, %arg3: memref<32x125x80xi32, #tpu.memory_space<hbm>>, %arg4: memref<32x125x80xi32, #tpu.memory_space<hbm>>, %arg5: memref<10000x64xbf16, #tpu.memory_space<hbm>>, %arg6: memref<2x10000x64xbf16, #tpu.memory_space<hbm>>, %arg7: memref<125x80xi32, #tpu.memory_space<vmem>>, %arg8: memref<125x80xi32, #tpu.memory_space<vmem>>, %arg9: memref<80x64xbf16, #tpu.memory_space<vmem>>, %arg10: memref<80x64xbf16, #tpu.memory_space<vmem>>, %arg11: memref<80x64xbf16, #tpu.memory_space<vmem>>, %arg12: memref<80x64xbf16, #tpu.memory_space<vmem>>, %arg13: memref<80x64xbf16, #tpu.memory_space<vmem>>, %arg14: memref<10000x64xbf16, #tpu.memory_space<vmem_shared>>, %arg15: memref<!tpu.dma_semaphore, #tpu.memory_space<semaphore_mem>>, %arg16: memref<!tpu.dma_semaphore, #tpu.memory_space<semaphore_mem>>, %arg17: memref<!tpu.dma_semaphore, #tpu.memory_space<semaphore_mem>>, %arg18: memref<!tpu.dma_semaphore, #tpu.memory_space<semaphore_mem>>, %arg19: memref<!tpu.dma_semaphore, #tpu.memory_space<semaphore_mem>>, %arg20: memref<!tpu.dma_semaphore, #tpu.memory_space<semaphore_mem>>, %arg21: memref<!tpu.dma_semaphore, #tpu.memory_space<semaphore_mem>>) attributes {dimension_semantics = [#tpu.dimension_semantics<core_parallel>, #tpu.dimension_semantics<subcore_parallel>], iteration_bounds = array<i64: 2, 16>, scalar_prefetch = 0 : i64, scratch_operands = 15 : i64, tpu.core_type = #tpu.core_type<sc_vector_subcore>, window_params = [{transform_indices = #map}, {transform_indices = #map1}, {transform_indices = #map1}, {transform_indices = #map}, {transform_indices = #map1}]} {
    %mul3A = arith.constant 2 : i32
    %mul3A_0 = arith.muli %arg1, %mul3A : i32
    %add3A = arith.addi %mul3A_0, %arg0 : i32
    %mul3A_1 = arith.constant 624 : i32
    %mul3A_2 = arith.muli %arg1, %mul3A_1 : i32
    %mul3A_3 = arith.constant 624 : i32
    %mul3A_4 = arith.muli %arg1, %mul3A_3 : i32
    %dma_start3A = arith.constant 0 : i32
    %dma_start3A_5 = tpu.memref_slice %arg14[%mul3A_4, %dma_start3A] : memref<10000x64xbf16, #tpu.memory_space<vmem_shared>> -> memref<624x64xbf16, #tpu.memory_space<vmem_shared>>
    %dma_start3A_6 = arith.constant 0 : i32
    %dma_start3A_7 = tpu.memref_slice %arg5[%mul3A_2, %dma_start3A_6] : memref<10000x64xbf16, #tpu.memory_space<hbm>> -> memref<624x64xbf16, #tpu.memory_space<hbm>>
    tpu.enqueue_dma source(%dma_start3A_7 : memref<624x64xbf16, #tpu.memory_space<hbm>>) target(%dma_start3A_5 : memref<624x64xbf16, #tpu.memory_space<vmem_shared>>) target_semaphore(%arg20 : memref<!tpu.dma_semaphore, #tpu.memory_space<semaphore_mem>>)
    %eq3A = arith.constant 15 : i32
    %eq3A_8 = arith.cmpi eq, %arg1, %eq3A : i32
    %convert_element_type3A = arith.extui %eq3A_8 : i1 to i32
    %cond3A = arith.constant 0 : i32
    %cond3A_9 = arith.cmpi ne, %convert_element_type3A, %cond3A : i32
    scf.if %cond3A_9 {
      "tpu.region"() ({
        %run_scoped3A = tpu.sem_alloc : memref<!tpu.dma_semaphore, #tpu.memory_space<semaphore_mem>>
        %dma_start3A_116 = arith.constant 9984 : i32
        %dma_start3A_117 = arith.constant 0 : i32
        %dma_start3A_118 = tpu.memref_slice %arg14[%dma_start3A_116, %dma_start3A_117] : memref<10000x64xbf16, #tpu.memory_space<vmem_shared>> -> memref<16x64xbf16, #tpu.memory_space<vmem_shared>>
        %dma_start3A_119 = arith.constant 9984 : i32
        %dma_start3A_120 = arith.constant 0 : i32
        %dma_start3A_121 = tpu.memref_slice %arg5[%dma_start3A_119, %dma_start3A_120] : memref<10000x64xbf16, #tpu.memory_space<hbm>> -> memref<16x64xbf16, #tpu.memory_space<hbm>>
        tpu.enqueue_dma source(%dma_start3A_121 : memref<16x64xbf16, #tpu.memory_space<hbm>>) target(%dma_start3A_118 : memref<16x64xbf16, #tpu.memory_space<vmem_shared>>) target_semaphore(%run_scoped3A : memref<!tpu.dma_semaphore, #tpu.memory_space<semaphore_mem>>)
        %dma_wait3A_122 = arith.constant 9984 : i32
        %dma_wait3A_123 = arith.constant 0 : i32
        %dma_wait3A_124 = tpu.memref_slice %arg14[%dma_wait3A_122, %dma_wait3A_123] : memref<10000x64xbf16, #tpu.memory_space<vmem_shared>> -> memref<16x64xbf16, #tpu.memory_space<vmem_shared>>
        %dma_wait3A_125 = arith.constant 9984 : i32
        %dma_wait3A_126 = arith.constant 0 : i32
        %dma_wait3A_127 = tpu.memref_slice %arg5[%dma_wait3A_125, %dma_wait3A_126] : memref<10000x64xbf16, #tpu.memory_space<hbm>> -> memref<16x64xbf16, #tpu.memory_space<hbm>>
        tpu.wait_dma2 semaphore(%run_scoped3A : memref<!tpu.dma_semaphore, #tpu.memory_space<semaphore_mem>>) src(%dma_wait3A_127 : memref<16x64xbf16, #tpu.memory_space<hbm>>) dst(%dma_wait3A_124 : memref<16x64xbf16, #tpu.memory_space<vmem_shared>>)
        tpu.yield
      }) : () -> ()
    } else {
    }
    %dma_start3A_10 = arith.constant 0 : i32
    %dma_start3A_11 = arith.constant 0 : i32
    %dma_start3A_12 = tpu.memref_slice %arg3[%add3A, %dma_start3A_10, %dma_start3A_11] : memref<32x125x80xi32, #tpu.memory_space<hbm>> -> memref<1x125x80xi32, #tpu.memory_space<hbm>>
    %dma_start3A_13 = tpu.memref_squeeze %dma_start3A_12 : memref<1x125x80xi32, #tpu.memory_space<hbm>> -> memref<125x80xi32, #tpu.memory_space<hbm>>
    %dma_start3A_14 = arith.constant 0 : i32
    %dma_start3A_15 = arith.constant 0 : i32
    %dma_start3A_16 = tpu.memref_slice %arg3[%add3A, %dma_start3A_14, %dma_start3A_15] : memref<32x125x80xi32, #tpu.memory_space<hbm>> -> memref<1x125x80xi32, #tpu.memory_space<hbm>>
    %dma_start3A_17 = tpu.memref_squeeze %dma_start3A_16 : memref<1x125x80xi32, #tpu.memory_space<hbm>> -> memref<125x80xi32, #tpu.memory_space<hbm>>
    tpu.enqueue_dma source(%dma_start3A_17 : memref<125x80xi32, #tpu.memory_space<hbm>>) target(%arg7 : memref<125x80xi32, #tpu.memory_space<vmem>>) target_semaphore(%arg21 : memref<!tpu.dma_semaphore, #tpu.memory_space<semaphore_mem>>)
    %dma_start3A_18 = arith.constant 0 : i32
    %dma_start3A_19 = arith.constant 0 : i32
    %dma_start3A_20 = tpu.memref_slice %arg4[%add3A, %dma_start3A_18, %dma_start3A_19] : memref<32x125x80xi32, #tpu.memory_space<hbm>> -> memref<1x125x80xi32, #tpu.memory_space<hbm>>
    %dma_start3A_21 = tpu.memref_squeeze %dma_start3A_20 : memref<1x125x80xi32, #tpu.memory_space<hbm>> -> memref<125x80xi32, #tpu.memory_space<hbm>>
    %dma_start3A_22 = arith.constant 0 : i32
    %dma_start3A_23 = arith.constant 0 : i32
    %dma_start3A_24 = tpu.memref_slice %arg4[%add3A, %dma_start3A_22, %dma_start3A_23] : memref<32x125x80xi32, #tpu.memory_space<hbm>> -> memref<1x125x80xi32, #tpu.memory_space<hbm>>
    %dma_start3A_25 = tpu.memref_squeeze %dma_start3A_24 : memref<1x125x80xi32, #tpu.memory_space<hbm>> -> memref<125x80xi32, #tpu.memory_space<hbm>>
    tpu.enqueue_dma source(%dma_start3A_25 : memref<125x80xi32, #tpu.memory_space<hbm>>) target(%arg8 : memref<125x80xi32, #tpu.memory_space<vmem>>) target_semaphore(%arg21 : memref<!tpu.dma_semaphore, #tpu.memory_space<semaphore_mem>>)
    %dma_wait3A = arith.constant 0 : i32
    %dma_wait3A_26 = arith.constant 0 : i32
    %dma_wait3A_27 = tpu.memref_slice %arg3[%add3A, %dma_wait3A, %dma_wait3A_26] : memref<32x125x80xi32, #tpu.memory_space<hbm>> -> memref<1x125x80xi32, #tpu.memory_space<hbm>>
    %dma_wait3A_28 = tpu.memref_squeeze %dma_wait3A_27 : memref<1x125x80xi32, #tpu.memory_space<hbm>> -> memref<125x80xi32, #tpu.memory_space<hbm>>
    %dma_wait3A_29 = arith.constant 0 : i32
    %dma_wait3A_30 = arith.constant 0 : i32
    %dma_wait3A_31 = tpu.memref_slice %arg3[%add3A, %dma_wait3A_29, %dma_wait3A_30] : memref<32x125x80xi32, #tpu.memory_space<hbm>> -> memref<1x125x80xi32, #tpu.memory_space<hbm>>
    %dma_wait3A_32 = tpu.memref_squeeze %dma_wait3A_31 : memref<1x125x80xi32, #tpu.memory_space<hbm>> -> memref<125x80xi32, #tpu.memory_space<hbm>>
    tpu.wait_dma2 semaphore(%arg21 : memref<!tpu.dma_semaphore, #tpu.memory_space<semaphore_mem>>) src(%dma_wait3A_32 : memref<125x80xi32, #tpu.memory_space<hbm>>) dst(%arg7 : memref<125x80xi32, #tpu.memory_space<vmem>>)
    %dma_wait3A_33 = arith.constant 0 : i32
    %dma_wait3A_34 = arith.constant 0 : i32
    %dma_wait3A_35 = tpu.memref_slice %arg4[%add3A, %dma_wait3A_33, %dma_wait3A_34] : memref<32x125x80xi32, #tpu.memory_space<hbm>> -> memref<1x125x80xi32, #tpu.memory_space<hbm>>
    %dma_wait3A_36 = tpu.memref_squeeze %dma_wait3A_35 : memref<1x125x80xi32, #tpu.memory_space<hbm>> -> memref<125x80xi32, #tpu.memory_space<hbm>>
    %dma_wait3A_37 = arith.constant 0 : i32
    %dma_wait3A_38 = arith.constant 0 : i32
    %dma_wait3A_39 = tpu.memref_slice %arg4[%add3A, %dma_wait3A_37, %dma_wait3A_38] : memref<32x125x80xi32, #tpu.memory_space<hbm>> -> memref<1x125x80xi32, #tpu.memory_space<hbm>>
    %dma_wait3A_40 = tpu.memref_squeeze %dma_wait3A_39 : memref<1x125x80xi32, #tpu.memory_space<hbm>> -> memref<125x80xi32, #tpu.memory_space<hbm>>
    tpu.wait_dma2 semaphore(%arg21 : memref<!tpu.dma_semaphore, #tpu.memory_space<semaphore_mem>>) src(%dma_wait3A_40 : memref<125x80xi32, #tpu.memory_space<hbm>>) dst(%arg8 : memref<125x80xi32, #tpu.memory_space<vmem>>)
    %dma_start3A_41 = arith.constant 0 : i32
    %dma_start3A_42 = arith.constant 0 : i32
    %dma_start3A_43 = tpu.memref_slice %arg7[%dma_start3A_41, %dma_start3A_42] : memref<125x80xi32, #tpu.memory_space<vmem>> -> memref<1x80xi32, #tpu.memory_space<vmem>>
    %dma_start3A_44 = tpu.memref_squeeze %dma_start3A_43 : memref<1x80xi32, #tpu.memory_space<vmem>> -> memref<80xi32, #tpu.memory_space<vmem>>
    %dma_start3A_45 = arith.constant 0 : i32
    %dma_start3A_46 = arith.constant 0 : i32
    %dma_start3A_47 = tpu.memref_slice %arg2[%dma_start3A_45, %dma_start3A_46] : memref<10000x64xbf16, #tpu.memory_space<hbm>> -> memref<10000x64xbf16, #tpu.memory_space<hbm>>
    tpu.enqueue_indirect_dma source(%dma_start3A_47 : memref<10000x64xbf16, #tpu.memory_space<hbm>>) target(%arg9 : memref<80x64xbf16, #tpu.memory_space<vmem>>) offsets(%dma_start3A_44 : memref<80xi32, #tpu.memory_space<vmem>>) semaphore(%arg15 : memref<!tpu.dma_semaphore, #tpu.memory_space<semaphore_mem>>)
    %dma_start3A_48 = arith.constant 1 : i32
    %dma_start3A_49 = arith.constant 0 : i32
    %dma_start3A_50 = tpu.memref_slice %arg7[%dma_start3A_48, %dma_start3A_49] : memref<125x80xi32, #tpu.memory_space<vmem>> -> memref<1x80xi32, #tpu.memory_space<vmem>>
    %dma_start3A_51 = tpu.memref_squeeze %dma_start3A_50 : memref<1x80xi32, #tpu.memory_space<vmem>> -> memref<80xi32, #tpu.memory_space<vmem>>
    %dma_start3A_52 = arith.constant 0 : i32
    %dma_start3A_53 = arith.constant 0 : i32
    %dma_start3A_54 = tpu.memref_slice %arg2[%dma_start3A_52, %dma_start3A_53] : memref<10000x64xbf16, #tpu.memory_space<hbm>> -> memref<10000x64xbf16, #tpu.memory_space<hbm>>
    tpu.enqueue_indirect_dma source(%dma_start3A_54 : memref<10000x64xbf16, #tpu.memory_space<hbm>>) target(%arg10 : memref<80x64xbf16, #tpu.memory_space<vmem>>) offsets(%dma_start3A_51 : memref<80xi32, #tpu.memory_space<vmem>>) semaphore(%arg16 : memref<!tpu.dma_semaphore, #tpu.memory_space<semaphore_mem>>)
    %dma_start3A_55 = arith.constant 2 : i32
    %dma_start3A_56 = arith.constant 0 : i32
    %dma_start3A_57 = tpu.memref_slice %arg7[%dma_start3A_55, %dma_start3A_56] : memref<125x80xi32, #tpu.memory_space<vmem>> -> memref<1x80xi32, #tpu.memory_space<vmem>>
    %dma_start3A_58 = tpu.memref_squeeze %dma_start3A_57 : memref<1x80xi32, #tpu.memory_space<vmem>> -> memref<80xi32, #tpu.memory_space<vmem>>
    %dma_start3A_59 = arith.constant 0 : i32
    %dma_start3A_60 = arith.constant 0 : i32
    %dma_start3A_61 = tpu.memref_slice %arg2[%dma_start3A_59, %dma_start3A_60] : memref<10000x64xbf16, #tpu.memory_space<hbm>> -> memref<10000x64xbf16, #tpu.memory_space<hbm>>
    tpu.enqueue_indirect_dma source(%dma_start3A_61 : memref<10000x64xbf16, #tpu.memory_space<hbm>>) target(%arg11 : memref<80x64xbf16, #tpu.memory_space<vmem>>) offsets(%dma_start3A_58 : memref<80xi32, #tpu.memory_space<vmem>>) semaphore(%arg17 : memref<!tpu.dma_semaphore, #tpu.memory_space<semaphore_mem>>)
    %dma_start3A_62 = arith.constant 3 : i32
    %dma_start3A_63 = arith.constant 0 : i32
    %dma_start3A_64 = tpu.memref_slice %arg7[%dma_start3A_62, %dma_start3A_63] : memref<125x80xi32, #tpu.memory_space<vmem>> -> memref<1x80xi32, #tpu.memory_space<vmem>>
    %dma_start3A_65 = tpu.memref_squeeze %dma_start3A_64 : memref<1x80xi32, #tpu.memory_space<vmem>> -> memref<80xi32, #tpu.memory_space<vmem>>
    %dma_start3A_66 = arith.constant 0 : i32
    %dma_start3A_67 = arith.constant 0 : i32
    %dma_start3A_68 = tpu.memref_slice %arg2[%dma_start3A_66, %dma_start3A_67] : memref<10000x64xbf16, #tpu.memory_space<hbm>> -> memref<10000x64xbf16, #tpu.memory_space<hbm>>
    tpu.enqueue_indirect_dma source(%dma_start3A_68 : memref<10000x64xbf16, #tpu.memory_space<hbm>>) target(%arg12 : memref<80x64xbf16, #tpu.memory_space<vmem>>) offsets(%dma_start3A_65 : memref<80xi32, #tpu.memory_space<vmem>>) semaphore(%arg18 : memref<!tpu.dma_semaphore, #tpu.memory_space<semaphore_mem>>)
    %dma_wait3A_69 = arith.constant 0 : i32
    %dma_wait3A_70 = tpu.memref_slice %arg14[%mul3A_4, %dma_wait3A_69] : memref<10000x64xbf16, #tpu.memory_space<vmem_shared>> -> memref<624x64xbf16, #tpu.memory_space<vmem_shared>>
    %dma_wait3A_71 = arith.constant 0 : i32
    %dma_wait3A_72 = tpu.memref_slice %arg5[%mul3A_2, %dma_wait3A_71] : memref<10000x64xbf16, #tpu.memory_space<hbm>> -> memref<624x64xbf16, #tpu.memory_space<hbm>>
    tpu.wait_dma2 semaphore(%arg20 : memref<!tpu.dma_semaphore, #tpu.memory_space<semaphore_mem>>) src(%dma_wait3A_72 : memref<624x64xbf16, #tpu.memory_space<hbm>>) dst(%dma_wait3A_70 : memref<624x64xbf16, #tpu.memory_space<vmem_shared>>)
    %barrier3A = arith.constant 0 : index
    tpu.barrier barrier_id(%barrier3A)
    %scan3A = arith.constant 0 : i32
    %scan3A_73 = arith.constant 0 : i32
    %scan3A_74 = arith.constant 25 : i32
    %scan3A_75 = arith.addi %scan3A_73, %scan3A_74 : i32
    %scan3A_76 = arith.constant 1 : i32
    scf.for %scan3A_116 = %scan3A_73 to %scan3A_75 step %scan3A_76  : i32 {
      %mul3A_117 = arith.constant 5 : i32
      %mul3A_118 = arith.muli %scan3A_116, %mul3A_117 : i32
      %add3A_119 = arith.constant 0 : i32
      %add3A_120 = arith.addi %mul3A_118, %add3A_119 : i32
      %add3A_121 = arith.constant 5 : i32
      %add3A_122 = arith.addi %add3A_120, %add3A_121 : i32
      %sub3A = arith.constant 1 : i32
      %sub3A_123 = arith.subi %add3A_122, %sub3A : i32
      %min3A = arith.constant 124 : i32
      %min3A_124 = arith.minsi %sub3A_123, %min3A : i32
      %dma_start3A_125 = arith.constant 0 : i32
      %dma_start3A_126 = tpu.memref_slice %arg7[%min3A_124, %dma_start3A_125] : memref<125x80xi32, #tpu.memory_space<vmem>> -> memref<1x80xi32, #tpu.memory_space<vmem>>
      %dma_start3A_127 = tpu.memref_squeeze %dma_start3A_126 : memref<1x80xi32, #tpu.memory_space<vmem>> -> memref<80xi32, #tpu.memory_space<vmem>>
      %dma_start3A_128 = arith.constant 0 : i32
      %dma_start3A_129 = arith.constant 0 : i32
      %dma_start3A_130 = tpu.memref_slice %arg2[%dma_start3A_128, %dma_start3A_129] : memref<10000x64xbf16, #tpu.memory_space<hbm>> -> memref<10000x64xbf16, #tpu.memory_space<hbm>>
      tpu.enqueue_indirect_dma source(%dma_start3A_130 : memref<10000x64xbf16, #tpu.memory_space<hbm>>) target(%arg13 : memref<80x64xbf16, #tpu.memory_space<vmem>>) offsets(%dma_start3A_127 : memref<80xi32, #tpu.memory_space<vmem>>) semaphore(%arg19 : memref<!tpu.dma_semaphore, #tpu.memory_space<semaphore_mem>>)
      %dma_wait3A_131 = arith.constant 0 : i32
      %dma_wait3A_132 = arith.constant 0 : i32
      %dma_wait3A_133 = tpu.memref_slice %arg7[%dma_wait3A_131, %dma_wait3A_132] : memref<125x80xi32, #tpu.memory_space<vmem>> -> memref<1x80xi32, #tpu.memory_space<vmem>>
      %dma_wait3A_134 = tpu.memref_squeeze %dma_wait3A_133 : memref<1x80xi32, #tpu.memory_space<vmem>> -> memref<80xi32, #tpu.memory_space<vmem>>
      %dma_wait3A_135 = arith.constant 0 : i32
      %dma_wait3A_136 = arith.constant 0 : i32
      %dma_wait3A_137 = tpu.memref_slice %arg2[%dma_wait3A_135, %dma_wait3A_136] : memref<10000x64xbf16, #tpu.memory_space<hbm>> -> memref<10000x64xbf16, #tpu.memory_space<hbm>>
      tpu.wait_indirect_dma semaphore(%arg15 : memref<!tpu.dma_semaphore, #tpu.memory_space<semaphore_mem>>) src(%dma_wait3A_137 : memref<10000x64xbf16, #tpu.memory_space<hbm>>) dst(%arg9 : memref<80x64xbf16, #tpu.memory_space<vmem>>)
      "tpu.region"() ({
        %run_scoped3A = tpu.sem_alloc : memref<!tpu.dma_semaphore, #tpu.memory_space<semaphore_mem>>
        %dma_start3A_222 = arith.constant 0 : i32
        %dma_start3A_223 = tpu.memref_slice %arg8[%add3A_120, %dma_start3A_222] : memref<125x80xi32, #tpu.memory_space<vmem>> -> memref<1x80xi32, #tpu.memory_space<vmem>>
        %dma_start3A_224 = tpu.memref_squeeze %dma_start3A_223 : memref<1x80xi32, #tpu.memory_space<vmem>> -> memref<80xi32, #tpu.memory_space<vmem>>
        %dma_start3A_225 = arith.constant 0 : i32
        %dma_start3A_226 = arith.constant 0 : i32
        %dma_start3A_227 = tpu.memref_slice %arg14[%dma_start3A_225, %dma_start3A_226] : memref<10000x64xbf16, #tpu.memory_space<vmem_shared>> -> memref<10000x64xbf16, #tpu.memory_space<vmem_shared>>
        tpu.enqueue_indirect_dma source(%arg9 : memref<80x64xbf16, #tpu.memory_space<vmem>>) target(%dma_start3A_227 : memref<10000x64xbf16, #tpu.memory_space<vmem_shared>>) offsets(%dma_start3A_224 : memref<80xi32, #tpu.memory_space<vmem>>) semaphore(%run_scoped3A : memref<!tpu.dma_semaphore, #tpu.memory_space<semaphore_mem>>) {add = true}
        %dma_wait3A_228 = arith.constant 0 : i32
        %dma_wait3A_229 = tpu.memref_slice %arg8[%add3A_120, %dma_wait3A_228] : memref<125x80xi32, #tpu.memory_space<vmem>> -> memref<1x80xi32, #tpu.memory_space<vmem>>
        %dma_wait3A_230 = tpu.memref_squeeze %dma_wait3A_229 : memref<1x80xi32, #tpu.memory_space<vmem>> -> memref<80xi32, #tpu.memory_space<vmem>>
        %dma_wait3A_231 = arith.constant 0 : i32
        %dma_wait3A_232 = arith.constant 0 : i32
        %dma_wait3A_233 = tpu.memref_slice %arg14[%dma_wait3A_231, %dma_wait3A_232] : memref<10000x64xbf16, #tpu.memory_space<vmem_shared>> -> memref<10000x64xbf16, #tpu.memory_space<vmem_shared>>
        tpu.wait_indirect_dma semaphore(%run_scoped3A : memref<!tpu.dma_semaphore, #tpu.memory_space<semaphore_mem>>) src(%arg9 : memref<80x64xbf16, #tpu.memory_space<vmem>>) dst(%dma_wait3A_233 : memref<10000x64xbf16, #tpu.memory_space<vmem_shared>>)
        tpu.yield
      }) : () -> ()
      %add3A_138 = arith.constant 1 : i32
      %add3A_139 = arith.addi %mul3A_118, %add3A_138 : i32
      %add3A_140 = arith.constant 5 : i32
      %add3A_141 = arith.addi %add3A_139, %add3A_140 : i32
      %sub3A_142 = arith.constant 1 : i32
      %sub3A_143 = arith.subi %add3A_141, %sub3A_142 : i32
      %min3A_144 = arith.constant 124 : i32
      %min3A_145 = arith.minsi %sub3A_143, %min3A_144 : i32
      %dma_start3A_146 = arith.constant 0 : i32
      %dma_start3A_147 = tpu.memref_slice %arg7[%min3A_145, %dma_start3A_146] : memref<125x80xi32, #tpu.memory_space<vmem>> -> memref<1x80xi32, #tpu.memory_space<vmem>>
      %dma_start3A_148 = tpu.memref_squeeze %dma_start3A_147 : memref<1x80xi32, #tpu.memory_space<vmem>> -> memref<80xi32, #tpu.memory_space<vmem>>
      %dma_start3A_149 = arith.constant 0 : i32
      %dma_start3A_150 = arith.constant 0 : i32
      %dma_start3A_151 = tpu.memref_slice %arg2[%dma_start3A_149, %dma_start3A_150] : memref<10000x64xbf16, #tpu.memory_space<hbm>> -> memref<10000x64xbf16, #tpu.memory_space<hbm>>
      tpu.enqueue_indirect_dma source(%dma_start3A_151 : memref<10000x64xbf16, #tpu.memory_space<hbm>>) target(%arg9 : memref<80x64xbf16, #tpu.memory_space<vmem>>) offsets(%dma_start3A_148 : memref<80xi32, #tpu.memory_space<vmem>>) semaphore(%arg15 : memref<!tpu.dma_semaphore, #tpu.memory_space<semaphore_mem>>)
      %dma_wait3A_152 = arith.constant 0 : i32
      %dma_wait3A_153 = arith.constant 0 : i32
      %dma_wait3A_154 = tpu.memref_slice %arg7[%dma_wait3A_152, %dma_wait3A_153] : memref<125x80xi32, #tpu.memory_space<vmem>> -> memref<1x80xi32, #tpu.memory_space<vmem>>
      %dma_wait3A_155 = tpu.memref_squeeze %dma_wait3A_154 : memref<1x80xi32, #tpu.memory_space<vmem>> -> memref<80xi32, #tpu.memory_space<vmem>>
      %dma_wait3A_156 = arith.constant 0 : i32
      %dma_wait3A_157 = arith.constant 0 : i32
      %dma_wait3A_158 = tpu.memref_slice %arg2[%dma_wait3A_156, %dma_wait3A_157] : memref<10000x64xbf16, #tpu.memory_space<hbm>> -> memref<10000x64xbf16, #tpu.memory_space<hbm>>
      tpu.wait_indirect_dma semaphore(%arg16 : memref<!tpu.dma_semaphore, #tpu.memory_space<semaphore_mem>>) src(%dma_wait3A_158 : memref<10000x64xbf16, #tpu.memory_space<hbm>>) dst(%arg10 : memref<80x64xbf16, #tpu.memory_space<vmem>>)
      "tpu.region"() ({
        %run_scoped3A = tpu.sem_alloc : memref<!tpu.dma_semaphore, #tpu.memory_space<semaphore_mem>>
        %dma_start3A_222 = arith.constant 0 : i32
        %dma_start3A_223 = tpu.memref_slice %arg8[%add3A_139, %dma_start3A_222] : memref<125x80xi32, #tpu.memory_space<vmem>> -> memref<1x80xi32, #tpu.memory_space<vmem>>
        %dma_start3A_224 = tpu.memref_squeeze %dma_start3A_223 : memref<1x80xi32, #tpu.memory_space<vmem>> -> memref<80xi32, #tpu.memory_space<vmem>>
        %dma_start3A_225 = arith.constant 0 : i32
        %dma_start3A_226 = arith.constant 0 : i32
        %dma_start3A_227 = tpu.memref_slice %arg14[%dma_start3A_225, %dma_start3A_226] : memref<10000x64xbf16, #tpu.memory_space<vmem_shared>> -> memref<10000x64xbf16, #tpu.memory_space<vmem_shared>>
        tpu.enqueue_indirect_dma source(%arg10 : memref<80x64xbf16, #tpu.memory_space<vmem>>) target(%dma_start3A_227 : memref<10000x64xbf16, #tpu.memory_space<vmem_shared>>) offsets(%dma_start3A_224 : memref<80xi32, #tpu.memory_space<vmem>>) semaphore(%run_scoped3A : memref<!tpu.dma_semaphore, #tpu.memory_space<semaphore_mem>>) {add = true}
        %dma_wait3A_228 = arith.constant 0 : i32
        %dma_wait3A_229 = tpu.memref_slice %arg8[%add3A_139, %dma_wait3A_228] : memref<125x80xi32, #tpu.memory_space<vmem>> -> memref<1x80xi32, #tpu.memory_space<vmem>>
        %dma_wait3A_230 = tpu.memref_squeeze %dma_wait3A_229 : memref<1x80xi32, #tpu.memory_space<vmem>> -> memref<80xi32, #tpu.memory_space<vmem>>
        %dma_wait3A_231 = arith.constant 0 : i32
        %dma_wait3A_232 = arith.constant 0 : i32
        %dma_wait3A_233 = tpu.memref_slice %arg14[%dma_wait3A_231, %dma_wait3A_232] : memref<10000x64xbf16, #tpu.memory_space<vmem_shared>> -> memref<10000x64xbf16, #tpu.memory_space<vmem_shared>>
        tpu.wait_indirect_dma semaphore(%run_scoped3A : memref<!tpu.dma_semaphore, #tpu.memory_space<semaphore_mem>>) src(%arg10 : memref<80x64xbf16, #tpu.memory_space<vmem>>) dst(%dma_wait3A_233 : memref<10000x64xbf16, #tpu.memory_space<vmem_shared>>)
        tpu.yield
      }) : () -> ()
      %add3A_159 = arith.constant 2 : i32
      %add3A_160 = arith.addi %mul3A_118, %add3A_159 : i32
      %add3A_161 = arith.constant 5 : i32
      %add3A_162 = arith.addi %add3A_160, %add3A_161 : i32
      %sub3A_163 = arith.constant 1 : i32
      %sub3A_164 = arith.subi %add3A_162, %sub3A_163 : i32
      %min3A_165 = arith.constant 124 : i32
      %min3A_166 = arith.minsi %sub3A_164, %min3A_165 : i32
      %dma_start3A_167 = arith.constant 0 : i32
      %dma_start3A_168 = tpu.memref_slice %arg7[%min3A_166, %dma_start3A_167] : memref<125x80xi32, #tpu.memory_space<vmem>> -> memref<1x80xi32, #tpu.memory_space<vmem>>
      %dma_start3A_169 = tpu.memref_squeeze %dma_start3A_168 : memref<1x80xi32, #tpu.memory_space<vmem>> -> memref<80xi32, #tpu.memory_space<vmem>>
      %dma_start3A_170 = arith.constant 0 : i32
      %dma_start3A_171 = arith.constant 0 : i32
      %dma_start3A_172 = tpu.memref_slice %arg2[%dma_start3A_170, %dma_start3A_171] : memref<10000x64xbf16, #tpu.memory_space<hbm>> -> memref<10000x64xbf16, #tpu.memory_space<hbm>>
      tpu.enqueue_indirect_dma source(%dma_start3A_172 : memref<10000x64xbf16, #tpu.memory_space<hbm>>) target(%arg10 : memref<80x64xbf16, #tpu.memory_space<vmem>>) offsets(%dma_start3A_169 : memref<80xi32, #tpu.memory_space<vmem>>) semaphore(%arg16 : memref<!tpu.dma_semaphore, #tpu.memory_space<semaphore_mem>>)
      %dma_wait3A_173 = arith.constant 0 : i32
      %dma_wait3A_174 = arith.constant 0 : i32
      %dma_wait3A_175 = tpu.memref_slice %arg7[%dma_wait3A_173, %dma_wait3A_174] : memref<125x80xi32, #tpu.memory_space<vmem>> -> memref<1x80xi32, #tpu.memory_space<vmem>>
      %dma_wait3A_176 = tpu.memref_squeeze %dma_wait3A_175 : memref<1x80xi32, #tpu.memory_space<vmem>> -> memref<80xi32, #tpu.memory_space<vmem>>
      %dma_wait3A_177 = arith.constant 0 : i32
      %dma_wait3A_178 = arith.constant 0 : i32
      %dma_wait3A_179 = tpu.memref_slice %arg2[%dma_wait3A_177, %dma_wait3A_178] : memref<10000x64xbf16, #tpu.memory_space<hbm>> -> memref<10000x64xbf16, #tpu.memory_space<hbm>>
      tpu.wait_indirect_dma semaphore(%arg17 : memref<!tpu.dma_semaphore, #tpu.memory_space<semaphore_mem>>) src(%dma_wait3A_179 : memref<10000x64xbf16, #tpu.memory_space<hbm>>) dst(%arg11 : memref<80x64xbf16, #tpu.memory_space<vmem>>)
      "tpu.region"() ({
        %run_scoped3A = tpu.sem_alloc : memref<!tpu.dma_semaphore, #tpu.memory_space<semaphore_mem>>
        %dma_start3A_222 = arith.constant 0 : i32
        %dma_start3A_223 = tpu.memref_slice %arg8[%add3A_160, %dma_start3A_222] : memref<125x80xi32, #tpu.memory_space<vmem>> -> memref<1x80xi32, #tpu.memory_space<vmem>>
        %dma_start3A_224 = tpu.memref_squeeze %dma_start3A_223 : memref<1x80xi32, #tpu.memory_space<vmem>> -> memref<80xi32, #tpu.memory_space<vmem>>
        %dma_start3A_225 = arith.constant 0 : i32
        %dma_start3A_226 = arith.constant 0 : i32
        %dma_start3A_227 = tpu.memref_slice %arg14[%dma_start3A_225, %dma_start3A_226] : memref<10000x64xbf16, #tpu.memory_space<vmem_shared>> -> memref<10000x64xbf16, #tpu.memory_space<vmem_shared>>
        tpu.enqueue_indirect_dma source(%arg11 : memref<80x64xbf16, #tpu.memory_space<vmem>>) target(%dma_start3A_227 : memref<10000x64xbf16, #tpu.memory_space<vmem_shared>>) offsets(%dma_start3A_224 : memref<80xi32, #tpu.memory_space<vmem>>) semaphore(%run_scoped3A : memref<!tpu.dma_semaphore, #tpu.memory_space<semaphore_mem>>) {add = true}
        %dma_wait3A_228 = arith.constant 0 : i32
        %dma_wait3A_229 = tpu.memref_slice %arg8[%add3A_160, %dma_wait3A_228] : memref<125x80xi32, #tpu.memory_space<vmem>> -> memref<1x80xi32, #tpu.memory_space<vmem>>
        %dma_wait3A_230 = tpu.memref_squeeze %dma_wait3A_229 : memref<1x80xi32, #tpu.memory_space<vmem>> -> memref<80xi32, #tpu.memory_space<vmem>>
        %dma_wait3A_231 = arith.constant 0 : i32
        %dma_wait3A_232 = arith.constant 0 : i32
        %dma_wait3A_233 = tpu.memref_slice %arg14[%dma_wait3A_231, %dma_wait3A_232] : memref<10000x64xbf16, #tpu.memory_space<vmem_shared>> -> memref<10000x64xbf16, #tpu.memory_space<vmem_shared>>
        tpu.wait_indirect_dma semaphore(%run_scoped3A : memref<!tpu.dma_semaphore, #tpu.memory_space<semaphore_mem>>) src(%arg11 : memref<80x64xbf16, #tpu.memory_space<vmem>>) dst(%dma_wait3A_233 : memref<10000x64xbf16, #tpu.memory_space<vmem_shared>>)
        tpu.yield
      }) : () -> ()
      %add3A_180 = arith.constant 3 : i32
      %add3A_181 = arith.addi %mul3A_118, %add3A_180 : i32
      %add3A_182 = arith.constant 5 : i32
      %add3A_183 = arith.addi %add3A_181, %add3A_182 : i32
      %sub3A_184 = arith.constant 1 : i32
      %sub3A_185 = arith.subi %add3A_183, %sub3A_184 : i32
      %min3A_186 = arith.constant 124 : i32
      %min3A_187 = arith.minsi %sub3A_185, %min3A_186 : i32
      %dma_start3A_188 = arith.constant 0 : i32
      %dma_start3A_189 = tpu.memref_slice %arg7[%min3A_187, %dma_start3A_188] : memref<125x80xi32, #tpu.memory_space<vmem>> -> memref<1x80xi32, #tpu.memory_space<vmem>>
      %dma_start3A_190 = tpu.memref_squeeze %dma_start3A_189 : memref<1x80xi32, #tpu.memory_space<vmem>> -> memref<80xi32, #tpu.memory_space<vmem>>
      %dma_start3A_191 = arith.constant 0 : i32
      %dma_start3A_192 = arith.constant 0 : i32
      %dma_start3A_193 = tpu.memref_slice %arg2[%dma_start3A_191, %dma_start3A_192] : memref<10000x64xbf16, #tpu.memory_space<hbm>> -> memref<10000x64xbf16, #tpu.memory_space<hbm>>
      tpu.enqueue_indirect_dma source(%dma_start3A_193 : memref<10000x64xbf16, #tpu.memory_space<hbm>>) target(%arg11 : memref<80x64xbf16, #tpu.memory_space<vmem>>) offsets(%dma_start3A_190 : memref<80xi32, #tpu.memory_space<vmem>>) semaphore(%arg17 : memref<!tpu.dma_semaphore, #tpu.memory_space<semaphore_mem>>)
      %dma_wait3A_194 = arith.constant 0 : i32
      %dma_wait3A_195 = arith.constant 0 : i32
      %dma_wait3A_196 = tpu.memref_slice %arg7[%dma_wait3A_194, %dma_wait3A_195] : memref<125x80xi32, #tpu.memory_space<vmem>> -> memref<1x80xi32, #tpu.memory_space<vmem>>
      %dma_wait3A_197 = tpu.memref_squeeze %dma_wait3A_196 : memref<1x80xi32, #tpu.memory_space<vmem>> -> memref<80xi32, #tpu.memory_space<vmem>>
      %dma_wait3A_198 = arith.constant 0 : i32
      %dma_wait3A_199 = arith.constant 0 : i32
      %dma_wait3A_200 = tpu.memref_slice %arg2[%dma_wait3A_198, %dma_wait3A_199] : memref<10000x64xbf16, #tpu.memory_space<hbm>> -> memref<10000x64xbf16, #tpu.memory_space<hbm>>
      tpu.wait_indirect_dma semaphore(%arg18 : memref<!tpu.dma_semaphore, #tpu.memory_space<semaphore_mem>>) src(%dma_wait3A_200 : memref<10000x64xbf16, #tpu.memory_space<hbm>>) dst(%arg12 : memref<80x64xbf16, #tpu.memory_space<vmem>>)
      "tpu.region"() ({
        %run_scoped3A = tpu.sem_alloc : memref<!tpu.dma_semaphore, #tpu.memory_space<semaphore_mem>>
        %dma_start3A_222 = arith.constant 0 : i32
        %dma_start3A_223 = tpu.memref_slice %arg8[%add3A_181, %dma_start3A_222] : memref<125x80xi32, #tpu.memory_space<vmem>> -> memref<1x80xi32, #tpu.memory_space<vmem>>
        %dma_start3A_224 = tpu.memref_squeeze %dma_start3A_223 : memref<1x80xi32, #tpu.memory_space<vmem>> -> memref<80xi32, #tpu.memory_space<vmem>>
        %dma_start3A_225 = arith.constant 0 : i32
        %dma_start3A_226 = arith.constant 0 : i32
        %dma_start3A_227 = tpu.memref_slice %arg14[%dma_start3A_225, %dma_start3A_226] : memref<10000x64xbf16, #tpu.memory_space<vmem_shared>> -> memref<10000x64xbf16, #tpu.memory_space<vmem_shared>>
        tpu.enqueue_indirect_dma source(%arg12 : memref<80x64xbf16, #tpu.memory_space<vmem>>) target(%dma_start3A_227 : memref<10000x64xbf16, #tpu.memory_space<vmem_shared>>) offsets(%dma_start3A_224 : memref<80xi32, #tpu.memory_space<vmem>>) semaphore(%run_scoped3A : memref<!tpu.dma_semaphore, #tpu.memory_space<semaphore_mem>>) {add = true}
        %dma_wait3A_228 = arith.constant 0 : i32
        %dma_wait3A_229 = tpu.memref_slice %arg8[%add3A_181, %dma_wait3A_228] : memref<125x80xi32, #tpu.memory_space<vmem>> -> memref<1x80xi32, #tpu.memory_space<vmem>>
        %dma_wait3A_230 = tpu.memref_squeeze %dma_wait3A_229 : memref<1x80xi32, #tpu.memory_space<vmem>> -> memref<80xi32, #tpu.memory_space<vmem>>
        %dma_wait3A_231 = arith.constant 0 : i32
        %dma_wait3A_232 = arith.constant 0 : i32
        %dma_wait3A_233 = tpu.memref_slice %arg14[%dma_wait3A_231, %dma_wait3A_232] : memref<10000x64xbf16, #tpu.memory_space<vmem_shared>> -> memref<10000x64xbf16, #tpu.memory_space<vmem_shared>>
        tpu.wait_indirect_dma semaphore(%run_scoped3A : memref<!tpu.dma_semaphore, #tpu.memory_space<semaphore_mem>>) src(%arg12 : memref<80x64xbf16, #tpu.memory_space<vmem>>) dst(%dma_wait3A_233 : memref<10000x64xbf16, #tpu.memory_space<vmem_shared>>)
        tpu.yield
      }) : () -> ()
      %add3A_201 = arith.constant 4 : i32
      %add3A_202 = arith.addi %mul3A_118, %add3A_201 : i32
      %add3A_203 = arith.constant 5 : i32
      %add3A_204 = arith.addi %add3A_202, %add3A_203 : i32
      %sub3A_205 = arith.constant 1 : i32
      %sub3A_206 = arith.subi %add3A_204, %sub3A_205 : i32
      %min3A_207 = arith.constant 124 : i32
      %min3A_208 = arith.minsi %sub3A_206, %min3A_207 : i32
      %dma_start3A_209 = arith.constant 0 : i32
      %dma_start3A_210 = tpu.memref_slice %arg7[%min3A_208, %dma_start3A_209] : memref<125x80xi32, #tpu.memory_space<vmem>> -> memref<1x80xi32, #tpu.memory_space<vmem>>
      %dma_start3A_211 = tpu.memref_squeeze %dma_start3A_210 : memref<1x80xi32, #tpu.memory_space<vmem>> -> memref<80xi32, #tpu.memory_space<vmem>>
      %dma_start3A_212 = arith.constant 0 : i32
      %dma_start3A_213 = arith.constant 0 : i32
      %dma_start3A_214 = tpu.memref_slice %arg2[%dma_start3A_212, %dma_start3A_213] : memref<10000x64xbf16, #tpu.memory_space<hbm>> -> memref<10000x64xbf16, #tpu.memory_space<hbm>>
      tpu.enqueue_indirect_dma source(%dma_start3A_214 : memref<10000x64xbf16, #tpu.memory_space<hbm>>) target(%arg12 : memref<80x64xbf16, #tpu.memory_space<vmem>>) offsets(%dma_start3A_211 : memref<80xi32, #tpu.memory_space<vmem>>) semaphore(%arg18 : memref<!tpu.dma_semaphore, #tpu.memory_space<semaphore_mem>>)
      %dma_wait3A_215 = arith.constant 0 : i32
      %dma_wait3A_216 = arith.constant 0 : i32
      %dma_wait3A_217 = tpu.memref_slice %arg7[%dma_wait3A_215, %dma_wait3A_216] : memref<125x80xi32, #tpu.memory_space<vmem>> -> memref<1x80xi32, #tpu.memory_space<vmem>>
      %dma_wait3A_218 = tpu.memref_squeeze %dma_wait3A_217 : memref<1x80xi32, #tpu.memory_space<vmem>> -> memref<80xi32, #tpu.memory_space<vmem>>
      %dma_wait3A_219 = arith.constant 0 : i32
      %dma_wait3A_220 = arith.constant 0 : i32
      %dma_wait3A_221 = tpu.memref_slice %arg2[%dma_wait3A_219, %dma_wait3A_220] : memref<10000x64xbf16, #tpu.memory_space<hbm>> -> memref<10000x64xbf16, #tpu.memory_space<hbm>>
      tpu.wait_indirect_dma semaphore(%arg19 : memref<!tpu.dma_semaphore, #tpu.memory_space<semaphore_mem>>) src(%dma_wait3A_221 : memref<10000x64xbf16, #tpu.memory_space<hbm>>) dst(%arg13 : memref<80x64xbf16, #tpu.memory_space<vmem>>)
      "tpu.region"() ({
        %run_scoped3A = tpu.sem_alloc : memref<!tpu.dma_semaphore, #tpu.memory_space<semaphore_mem>>
        %dma_start3A_222 = arith.constant 0 : i32
        %dma_start3A_223 = tpu.memref_slice %arg8[%add3A_202, %dma_start3A_222] : memref<125x80xi32, #tpu.memory_space<vmem>> -> memref<1x80xi32, #tpu.memory_space<vmem>>
        %dma_start3A_224 = tpu.memref_squeeze %dma_start3A_223 : memref<1x80xi32, #tpu.memory_space<vmem>> -> memref<80xi32, #tpu.memory_space<vmem>>
        %dma_start3A_225 = arith.constant 0 : i32
        %dma_start3A_226 = arith.constant 0 : i32
        %dma_start3A_227 = tpu.memref_slice %arg14[%dma_start3A_225, %dma_start3A_226] : memref<10000x64xbf16, #tpu.memory_space<vmem_shared>> -> memref<10000x64xbf16, #tpu.memory_space<vmem_shared>>
        tpu.enqueue_indirect_dma source(%arg13 : memref<80x64xbf16, #tpu.memory_space<vmem>>) target(%dma_start3A_227 : memref<10000x64xbf16, #tpu.memory_space<vmem_shared>>) offsets(%dma_start3A_224 : memref<80xi32, #tpu.memory_space<vmem>>) semaphore(%run_scoped3A : memref<!tpu.dma_semaphore, #tpu.memory_space<semaphore_mem>>) {add = true}
        %dma_wait3A_228 = arith.constant 0 : i32
        %dma_wait3A_229 = tpu.memref_slice %arg8[%add3A_202, %dma_wait3A_228] : memref<125x80xi32, #tpu.memory_space<vmem>> -> memref<1x80xi32, #tpu.memory_space<vmem>>
        %dma_wait3A_230 = tpu.memref_squeeze %dma_wait3A_229 : memref<1x80xi32, #tpu.memory_space<vmem>> -> memref<80xi32, #tpu.memory_space<vmem>>
        %dma_wait3A_231 = arith.constant 0 : i32
        %dma_wait3A_232 = arith.constant 0 : i32
        %dma_wait3A_233 = tpu.memref_slice %arg14[%dma_wait3A_231, %dma_wait3A_232] : memref<10000x64xbf16, #tpu.memory_space<vmem_shared>> -> memref<10000x64xbf16, #tpu.memory_space<vmem_shared>>
        tpu.wait_indirect_dma semaphore(%run_scoped3A : memref<!tpu.dma_semaphore, #tpu.memory_space<semaphore_mem>>) src(%arg13 : memref<80x64xbf16, #tpu.memory_space<vmem>>) dst(%dma_wait3A_233 : memref<10000x64xbf16, #tpu.memory_space<vmem_shared>>)
        tpu.yield
      }) : () -> ()
    }
    %scan3A_77 = arith.constant 25 : i32
    %dma_wait3A_78 = arith.constant 0 : i32
    %dma_wait3A_79 = arith.constant 0 : i32
    %dma_wait3A_80 = tpu.memref_slice %arg7[%dma_wait3A_78, %dma_wait3A_79] : memref<125x80xi32, #tpu.memory_space<vmem>> -> memref<1x80xi32, #tpu.memory_space<vmem>>
    %dma_wait3A_81 = tpu.memref_squeeze %dma_wait3A_80 : memref<1x80xi32, #tpu.memory_space<vmem>> -> memref<80xi32, #tpu.memory_space<vmem>>
    %dma_wait3A_82 = arith.constant 0 : i32
    %dma_wait3A_83 = arith.constant 0 : i32
    %dma_wait3A_84 = tpu.memref_slice %arg2[%dma_wait3A_82, %dma_wait3A_83] : memref<10000x64xbf16, #tpu.memory_space<hbm>> -> memref<10000x64xbf16, #tpu.memory_space<hbm>>
    tpu.wait_indirect_dma semaphore(%arg15 : memref<!tpu.dma_semaphore, #tpu.memory_space<semaphore_mem>>) src(%dma_wait3A_84 : memref<10000x64xbf16, #tpu.memory_space<hbm>>) dst(%arg9 : memref<80x64xbf16, #tpu.memory_space<vmem>>)
    %dma_wait3A_85 = arith.constant 0 : i32
    %dma_wait3A_86 = arith.constant 0 : i32
    %dma_wait3A_87 = tpu.memref_slice %arg7[%dma_wait3A_85, %dma_wait3A_86] : memref<125x80xi32, #tpu.memory_space<vmem>> -> memref<1x80xi32, #tpu.memory_space<vmem>>
    %dma_wait3A_88 = tpu.memref_squeeze %dma_wait3A_87 : memref<1x80xi32, #tpu.memory_space<vmem>> -> memref<80xi32, #tpu.memory_space<vmem>>
    %dma_wait3A_89 = arith.constant 0 : i32
    %dma_wait3A_90 = arith.constant 0 : i32
    %dma_wait3A_91 = tpu.memref_slice %arg2[%dma_wait3A_89, %dma_wait3A_90] : memref<10000x64xbf16, #tpu.memory_space<hbm>> -> memref<10000x64xbf16, #tpu.memory_space<hbm>>
    tpu.wait_indirect_dma semaphore(%arg16 : memref<!tpu.dma_semaphore, #tpu.memory_space<semaphore_mem>>) src(%dma_wait3A_91 : memref<10000x64xbf16, #tpu.memory_space<hbm>>) dst(%arg10 : memref<80x64xbf16, #tpu.memory_space<vmem>>)
    %dma_wait3A_92 = arith.constant 0 : i32
    %dma_wait3A_93 = arith.constant 0 : i32
    %dma_wait3A_94 = tpu.memref_slice %arg7[%dma_wait3A_92, %dma_wait3A_93] : memref<125x80xi32, #tpu.memory_space<vmem>> -> memref<1x80xi32, #tpu.memory_space<vmem>>
    %dma_wait3A_95 = tpu.memref_squeeze %dma_wait3A_94 : memref<1x80xi32, #tpu.memory_space<vmem>> -> memref<80xi32, #tpu.memory_space<vmem>>
    %dma_wait3A_96 = arith.constant 0 : i32
    %dma_wait3A_97 = arith.constant 0 : i32
    %dma_wait3A_98 = tpu.memref_slice %arg2[%dma_wait3A_96, %dma_wait3A_97] : memref<10000x64xbf16, #tpu.memory_space<hbm>> -> memref<10000x64xbf16, #tpu.memory_space<hbm>>
    tpu.wait_indirect_dma semaphore(%arg17 : memref<!tpu.dma_semaphore, #tpu.memory_space<semaphore_mem>>) src(%dma_wait3A_98 : memref<10000x64xbf16, #tpu.memory_space<hbm>>) dst(%arg11 : memref<80x64xbf16, #tpu.memory_space<vmem>>)
    %dma_wait3A_99 = arith.constant 0 : i32
    %dma_wait3A_100 = arith.constant 0 : i32
    %dma_wait3A_101 = tpu.memref_slice %arg7[%dma_wait3A_99, %dma_wait3A_100] : memref<125x80xi32, #tpu.memory_space<vmem>> -> memref<1x80xi32, #tpu.memory_space<vmem>>
    %dma_wait3A_102 = tpu.memref_squeeze %dma_wait3A_101 : memref<1x80xi32, #tpu.memory_space<vmem>> -> memref<80xi32, #tpu.memory_space<vmem>>
    %dma_wait3A_103 = arith.constant 0 : i32
    %dma_wait3A_104 = arith.constant 0 : i32
    %dma_wait3A_105 = tpu.memref_slice %arg2[%dma_wait3A_103, %dma_wait3A_104] : memref<10000x64xbf16, #tpu.memory_space<hbm>> -> memref<10000x64xbf16, #tpu.memory_space<hbm>>
    tpu.wait_indirect_dma semaphore(%arg18 : memref<!tpu.dma_semaphore, #tpu.memory_space<semaphore_mem>>) src(%dma_wait3A_105 : memref<10000x64xbf16, #tpu.memory_space<hbm>>) dst(%arg12 : memref<80x64xbf16, #tpu.memory_space<vmem>>)
    %barrier3A_106 = arith.constant 0 : index
    tpu.barrier barrier_id(%barrier3A_106)
    %mul3A_107 = arith.constant 624 : i32
    %mul3A_108 = arith.muli %arg1, %mul3A_107 : i32
    %mul3A_109 = arith.constant 624 : i32
    %mul3A_110 = arith.muli %arg1, %mul3A_109 : i32
    "tpu.region"() ({
      %run_scoped3A = tpu.sem_alloc : memref<!tpu.dma_semaphore, #tpu.memory_space<semaphore_mem>>
      %dma_start3A_116 = arith.constant 0 : i32
      %dma_start3A_117 = tpu.memref_slice %arg6[%arg0, %mul3A_110, %dma_start3A_116] : memref<2x10000x64xbf16, #tpu.memory_space<hbm>> -> memref<1x624x64xbf16, #tpu.memory_space<hbm>>
      %dma_start3A_118 = tpu.memref_squeeze %dma_start3A_117 : memref<1x624x64xbf16, #tpu.memory_space<hbm>> -> memref<624x64xbf16, #tpu.memory_space<hbm>>
      %dma_start3A_119 = arith.constant 0 : i32
      %dma_start3A_120 = tpu.memref_slice %arg14[%mul3A_108, %dma_start3A_119] : memref<10000x64xbf16, #tpu.memory_space<vmem_shared>> -> memref<624x64xbf16, #tpu.memory_space<vmem_shared>>
      tpu.enqueue_dma source(%dma_start3A_120 : memref<624x64xbf16, #tpu.memory_space<vmem_shared>>) target(%dma_start3A_118 : memref<624x64xbf16, #tpu.memory_space<hbm>>) target_semaphore(%run_scoped3A : memref<!tpu.dma_semaphore, #tpu.memory_space<semaphore_mem>>)
      %dma_wait3A_121 = arith.constant 0 : i32
      %dma_wait3A_122 = tpu.memref_slice %arg6[%arg0, %mul3A_110, %dma_wait3A_121] : memref<2x10000x64xbf16, #tpu.memory_space<hbm>> -> memref<1x624x64xbf16, #tpu.memory_space<hbm>>
      %dma_wait3A_123 = tpu.memref_squeeze %dma_wait3A_122 : memref<1x624x64xbf16, #tpu.memory_space<hbm>> -> memref<624x64xbf16, #tpu.memory_space<hbm>>
      %dma_wait3A_124 = arith.constant 0 : i32
      %dma_wait3A_125 = tpu.memref_slice %arg14[%mul3A_108, %dma_wait3A_124] : memref<10000x64xbf16, #tpu.memory_space<vmem_shared>> -> memref<624x64xbf16, #tpu.memory_space<vmem_shared>>
      tpu.wait_dma2 semaphore(%run_scoped3A : memref<!tpu.dma_semaphore, #tpu.memory_space<semaphore_mem>>) src(%dma_wait3A_125 : memref<624x64xbf16, #tpu.memory_space<vmem_shared>>) dst(%dma_wait3A_123 : memref<624x64xbf16, #tpu.memory_space<hbm>>)
      tpu.yield
    }) : () -> ()
    %eq3A_111 = arith.constant 15 : i32
    %eq3A_112 = arith.cmpi eq, %arg1, %eq3A_111 : i32
    %convert_element_type3A_113 = arith.extui %eq3A_112 : i1 to i32
    %cond3A_114 = arith.constant 0 : i32
    %cond3A_115 = arith.cmpi ne, %convert_element_type3A_113, %cond3A_114 : i32
    scf.if %cond3A_115 {
      "tpu.region"() ({
        %run_scoped3A = tpu.sem_alloc : memref<!tpu.dma_semaphore, #tpu.memory_space<semaphore_mem>>
        %dma_start3A_116 = arith.constant 9984 : i32
        %dma_start3A_117 = arith.constant 0 : i32
        %dma_start3A_118 = tpu.memref_slice %arg6[%arg0, %dma_start3A_116, %dma_start3A_117] : memref<2x10000x64xbf16, #tpu.memory_space<hbm>> -> memref<1x16x64xbf16, #tpu.memory_space<hbm>>
        %dma_start3A_119 = tpu.memref_squeeze %dma_start3A_118 : memref<1x16x64xbf16, #tpu.memory_space<hbm>> -> memref<16x64xbf16, #tpu.memory_space<hbm>>
        %dma_start3A_120 = arith.constant 9984 : i32
        %dma_start3A_121 = arith.constant 0 : i32
        %dma_start3A_122 = tpu.memref_slice %arg14[%dma_start3A_120, %dma_start3A_121] : memref<10000x64xbf16, #tpu.memory_space<vmem_shared>> -> memref<16x64xbf16, #tpu.memory_space<vmem_shared>>
        tpu.enqueue_dma source(%dma_start3A_122 : memref<16x64xbf16, #tpu.memory_space<vmem_shared>>) target(%dma_start3A_119 : memref<16x64xbf16, #tpu.memory_space<hbm>>) target_semaphore(%run_scoped3A : memref<!tpu.dma_semaphore, #tpu.memory_space<semaphore_mem>>)
        %dma_wait3A_123 = arith.constant 9984 : i32
        %dma_wait3A_124 = arith.constant 0 : i32
        %dma_wait3A_125 = tpu.memref_slice %arg6[%arg0, %dma_wait3A_123, %dma_wait3A_124] : memref<2x10000x64xbf16, #tpu.memory_space<hbm>> -> memref<1x16x64xbf16, #tpu.memory_space<hbm>>
        %dma_wait3A_126 = tpu.memref_squeeze %dma_wait3A_125 : memref<1x16x64xbf16, #tpu.memory_space<hbm>> -> memref<16x64xbf16, #tpu.memory_space<hbm>>
        %dma_wait3A_127 = arith.constant 9984 : i32
        %dma_wait3A_128 = arith.constant 0 : i32
        %dma_wait3A_129 = tpu.memref_slice %arg14[%dma_wait3A_127, %dma_wait3A_128] : memref<10000x64xbf16, #tpu.memory_space<vmem_shared>> -> memref<16x64xbf16, #tpu.memory_space<vmem_shared>>
        tpu.wait_dma2 semaphore(%run_scoped3A : memref<!tpu.dma_semaphore, #tpu.memory_space<semaphore_mem>>) src(%dma_wait3A_129 : memref<16x64xbf16, #tpu.memory_space<vmem_shared>>) dst(%dma_wait3A_126 : memref<16x64xbf16, #tpu.memory_space<hbm>>)
        tpu.yield
      }) : () -> ()
    } else {
    }
    return
  }
}

#map = affine_map<(d0, d1) -> (0, 0)>
#map1 = affine_map<(d0, d1) -> (0, 0, 0)>
module attributes {stable_mosaic.version = 14 : i64} {
  func.func @prop(%arg0: i32, %arg1: i32, %arg2: memref<10000x64xbf16, #tpu.memory_space<hbm>>, %arg3: memref<32x125x80xi32, #tpu.memory_space<hbm>>, %arg4: memref<32x125x80xi32, #tpu.memory_space<hbm>>, %arg5: memref<10000x64xbf16, #tpu.memory_space<hbm>>, %arg6: memref<2x10000x64xbf16, #tpu.memory_space<hbm>>, %arg7: memref<125x80xi32, #tpu.memory_space<vmem>>, %arg8: memref<125x80xi32, #tpu.memory_space<vmem>>, %arg9: memref<80x64xbf16, #tpu.memory_space<vmem>>, %arg10: memref<80x64xbf16, #tpu.memory_space<vmem>>, %arg11: memref<80x64xbf16, #tpu.memory_space<vmem>>, %arg12: memref<80x64xbf16, #tpu.memory_space<vmem>>, %arg13: memref<80x64xbf16, #tpu.memory_space<vmem>>, %arg14: memref<10000x64xbf16, #tpu.memory_space<vmem_shared>>, %arg15: memref<!tpu.dma_semaphore, #tpu.memory_space<semaphore_mem>>, %arg16: memref<!tpu.dma_semaphore, #tpu.memory_space<semaphore_mem>>, %arg17: memref<!tpu.dma_semaphore, #tpu.memory_space<semaphore_mem>>, %arg18: memref<!tpu.dma_semaphore, #tpu.memory_space<semaphore_mem>>, %arg19: memref<!tpu.dma_semaphore, #tpu.memory_space<semaphore_mem>>, %arg20: memref<!tpu.dma_semaphore, #tpu.memory_space<semaphore_mem>>, %arg21: memref<!tpu.dma_semaphore, #tpu.memory_space<semaphore_mem>>) attributes {dimension_semantics = [#tpu.dimension_semantics<core_parallel>, #tpu.dimension_semantics<subcore_parallel>], iteration_bounds = array<i64: 2, 16>, scalar_prefetch = 0 : i64, scratch_operands = 15 : i64, tpu.core_type = #tpu.core_type<sc_vector_subcore>, window_params = [{transform_indices = #map}, {transform_indices = #map1}, {transform_indices = #map1}, {transform_indices = #map}, {transform_indices = #map1}]} {
    %mul3A = arith.constant 2 : i32
    %mul3A_0 = arith.muli %arg1, %mul3A : i32
    %add3A = arith.addi %mul3A_0, %arg0 : i32
    %mul3A_1 = arith.constant 624 : i32
    %mul3A_2 = arith.muli %arg1, %mul3A_1 : i32
    %mul3A_3 = arith.constant 624 : i32
    %mul3A_4 = arith.muli %arg1, %mul3A_3 : i32
    %dma_start3A = arith.constant 0 : i32
    %dma_start3A_5 = tpu.memref_slice %arg14[%mul3A_4, %dma_start3A] : memref<10000x64xbf16, #tpu.memory_space<vmem_shared>> -> memref<624x64xbf16, #tpu.memory_space<vmem_shared>>
    %dma_start3A_6 = arith.constant 0 : i32
    %dma_start3A_7 = tpu.memref_slice %arg5[%mul3A_2, %dma_start3A_6] : memref<10000x64xbf16, #tpu.memory_space<hbm>> -> memref<624x64xbf16, #tpu.memory_space<hbm>>
    tpu.enqueue_dma source(%dma_start3A_7 : memref<624x64xbf16, #tpu.memory_space<hbm>>) target(%dma_start3A_5 : memref<624x64xbf16, #tpu.memory_space<vmem_shared>>) target_semaphore(%arg20 : memref<!tpu.dma_semaphore, #tpu.memory_space<semaphore_mem>>)
    %eq3A = arith.constant 15 : i32
    %eq3A_8 = arith.cmpi eq, %arg1, %eq3A : i32
    %convert_element_type3A = arith.extui %eq3A_8 : i1 to i32
    %cond3A = arith.constant 0 : i32
    %cond3A_9 = arith.cmpi ne, %convert_element_type3A, %cond3A : i32
    scf.if %cond3A_9 {
      "tpu.region"() ({
        %run_scoped3A = tpu.sem_alloc : memref<!tpu.dma_semaphore, #tpu.memory_space<semaphore_mem>>
        %dma_start3A_116 = arith.constant 9984 : i32
        %dma_start3A_117 = arith.constant 0 : i32
        %dma_start3A_118 = tpu.memref_slice %arg14[%dma_start3A_116, %dma_start3A_117] : memref<10000x64xbf16, #tpu.memory_space<vmem_shared>> -> memref<16x64xbf16, #tpu.memory_space<vmem_shared>>
        %dma_start3A_119 = arith.constant 9984 : i32
        %dma_start3A_120 = arith.constant 0 : i32
        %dma_start3A_121 = tpu.memref_slice %arg5[%dma_start3A_119, %dma_start3A_120] : memref<10000x64xbf16, #tpu.memory_space<hbm>> -> memref<16x64xbf16, #tpu.memory_space<hbm>>
        tpu.enqueue_dma source(%dma_start3A_121 : memref<16x64xbf16, #tpu.memory_space<hbm>>) target(%dma_start3A_118 : memref<16x64xbf16, #tpu.memory_space<vmem_shared>>) target_semaphore(%run_scoped3A : memref<!tpu.dma_semaphore, #tpu.memory_space<semaphore_mem>>)
        %dma_wait3A_122 = arith.constant 9984 : i32
        %dma_wait3A_123 = arith.constant 0 : i32
        %dma_wait3A_124 = tpu.memref_slice %arg14[%dma_wait3A_122, %dma_wait3A_123] : memref<10000x64xbf16, #tpu.memory_space<vmem_shared>> -> memref<16x64xbf16, #tpu.memory_space<vmem_shared>>
        %dma_wait3A_125 = arith.constant 9984 : i32
        %dma_wait3A_126 = arith.constant 0 : i32
        %dma_wait3A_127 = tpu.memref_slice %arg5[%dma_wait3A_125, %dma_wait3A_126] : memref<10000x64xbf16, #tpu.memory_space<hbm>> -> memref<16x64xbf16, #tpu.memory_space<hbm>>
        tpu.wait_dma2 semaphore(%run_scoped3A : memref<!tpu.dma_semaphore, #tpu.memory_space<semaphore_mem>>) src(%dma_wait3A_127 : memref<16x64xbf16, #tpu.memory_space<hbm>>) dst(%dma_wait3A_124 : memref<16x64xbf16, #tpu.memory_space<vmem_shared>>)
        tpu.yield
      }) : () -> ()
    } else {
    }
    %dma_start3A_10 = arith.constant 0 : i32
    %dma_start3A_11 = arith.constant 0 : i32
    %dma_start3A_12 = tpu.memref_slice %arg3[%add3A, %dma_start3A_10, %dma_start3A_11] : memref<32x125x80xi32, #tpu.memory_space<hbm>> -> memref<1x125x80xi32, #tpu.memory_space<hbm>>
    %dma_start3A_13 = tpu.memref_squeeze %dma_start3A_12 : memref<1x125x80xi32, #tpu.memory_space<hbm>> -> memref<125x80xi32, #tpu.memory_space<hbm>>
    %dma_start3A_14 = arith.constant 0 : i32
    %dma_start3A_15 = arith.constant 0 : i32
    %dma_start3A_16 = tpu.memref_slice %arg3[%add3A, %dma_start3A_14, %dma_start3A_15] : memref<32x125x80xi32, #tpu.memory_space<hbm>> -> memref<1x125x80xi32, #tpu.memory_space<hbm>>
    %dma_start3A_17 = tpu.memref_squeeze %dma_start3A_16 : memref<1x125x80xi32, #tpu.memory_space<hbm>> -> memref<125x80xi32, #tpu.memory_space<hbm>>
    tpu.enqueue_dma source(%dma_start3A_17 : memref<125x80xi32, #tpu.memory_space<hbm>>) target(%arg7 : memref<125x80xi32, #tpu.memory_space<vmem>>) target_semaphore(%arg21 : memref<!tpu.dma_semaphore, #tpu.memory_space<semaphore_mem>>)
    %dma_start3A_18 = arith.constant 0 : i32
    %dma_start3A_19 = arith.constant 0 : i32
    %dma_start3A_20 = tpu.memref_slice %arg4[%add3A, %dma_start3A_18, %dma_start3A_19] : memref<32x125x80xi32, #tpu.memory_space<hbm>> -> memref<1x125x80xi32, #tpu.memory_space<hbm>>
    %dma_start3A_21 = tpu.memref_squeeze %dma_start3A_20 : memref<1x125x80xi32, #tpu.memory_space<hbm>> -> memref<125x80xi32, #tpu.memory_space<hbm>>
    %dma_start3A_22 = arith.constant 0 : i32
    %dma_start3A_23 = arith.constant 0 : i32
    %dma_start3A_24 = tpu.memref_slice %arg4[%add3A, %dma_start3A_22, %dma_start3A_23] : memref<32x125x80xi32, #tpu.memory_space<hbm>> -> memref<1x125x80xi32, #tpu.memory_space<hbm>>
    %dma_start3A_25 = tpu.memref_squeeze %dma_start3A_24 : memref<1x125x80xi32, #tpu.memory_space<hbm>> -> memref<125x80xi32, #tpu.memory_space<hbm>>
    tpu.enqueue_dma source(%dma_start3A_25 : memref<125x80xi32, #tpu.memory_space<hbm>>) target(%arg8 : memref<125x80xi32, #tpu.memory_space<vmem>>) target_semaphore(%arg21 : memref<!tpu.dma_semaphore, #tpu.memory_space<semaphore_mem>>)
    %dma_wait3A = arith.constant 0 : i32
    %dma_wait3A_26 = arith.constant 0 : i32
    %dma_wait3A_27 = tpu.memref_slice %arg3[%add3A, %dma_wait3A, %dma_wait3A_26] : memref<32x125x80xi32, #tpu.memory_space<hbm>> -> memref<1x125x80xi32, #tpu.memory_space<hbm>>
    %dma_wait3A_28 = tpu.memref_squeeze %dma_wait3A_27 : memref<1x125x80xi32, #tpu.memory_space<hbm>> -> memref<125x80xi32, #tpu.memory_space<hbm>>
    %dma_wait3A_29 = arith.constant 0 : i32
    %dma_wait3A_30 = arith.constant 0 : i32
    %dma_wait3A_31 = tpu.memref_slice %arg3[%add3A, %dma_wait3A_29, %dma_wait3A_30] : memref<32x125x80xi32, #tpu.memory_space<hbm>> -> memref<1x125x80xi32, #tpu.memory_space<hbm>>
    %dma_wait3A_32 = tpu.memref_squeeze %dma_wait3A_31 : memref<1x125x80xi32, #tpu.memory_space<hbm>> -> memref<125x80xi32, #tpu.memory_space<hbm>>
    tpu.wait_dma2 semaphore(%arg21 : memref<!tpu.dma_semaphore, #tpu.memory_space<semaphore_mem>>) src(%dma_wait3A_32 : memref<125x80xi32, #tpu.memory_space<hbm>>) dst(%arg7 : memref<125x80xi32, #tpu.memory_space<vmem>>)
    %dma_wait3A_33 = arith.constant 0 : i32
    %dma_wait3A_34 = arith.constant 0 : i32
    %dma_wait3A_35 = tpu.memref_slice %arg4[%add3A, %dma_wait3A_33, %dma_wait3A_34] : memref<32x125x80xi32, #tpu.memory_space<hbm>> -> memref<1x125x80xi32, #tpu.memory_space<hbm>>
    %dma_wait3A_36 = tpu.memref_squeeze %dma_wait3A_35 : memref<1x125x80xi32, #tpu.memory_space<hbm>> -> memref<125x80xi32, #tpu.memory_space<hbm>>
    %dma_wait3A_37 = arith.constant 0 : i32
    %dma_wait3A_38 = arith.constant 0 : i32
    %dma_wait3A_39 = tpu.memref_slice %arg4[%add3A, %dma_wait3A_37, %dma_wait3A_38] : memref<32x125x80xi32, #tpu.memory_space<hbm>> -> memref<1x125x80xi32, #tpu.memory_space<hbm>>
    %dma_wait3A_40 = tpu.memref_squeeze %dma_wait3A_39 : memref<1x125x80xi32, #tpu.memory_space<hbm>> -> memref<125x80xi32, #tpu.memory_space<hbm>>
    tpu.wait_dma2 semaphore(%arg21 : memref<!tpu.dma_semaphore, #tpu.memory_space<semaphore_mem>>) src(%dma_wait3A_40 : memref<125x80xi32, #tpu.memory_space<hbm>>) dst(%arg8 : memref<125x80xi32, #tpu.memory_space<vmem>>)
    %dma_start3A_41 = arith.constant 0 : i32
    %dma_start3A_42 = arith.constant 0 : i32
    %dma_start3A_43 = tpu.memref_slice %arg7[%dma_start3A_41, %dma_start3A_42] : memref<125x80xi32, #tpu.memory_space<vmem>> -> memref<1x80xi32, #tpu.memory_space<vmem>>
    %dma_start3A_44 = tpu.memref_squeeze %dma_start3A_43 : memref<1x80xi32, #tpu.memory_space<vmem>> -> memref<80xi32, #tpu.memory_space<vmem>>
    %dma_start3A_45 = arith.constant 0 : i32
    %dma_start3A_46 = arith.constant 0 : i32
    %dma_start3A_47 = tpu.memref_slice %arg2[%dma_start3A_45, %dma_start3A_46] : memref<10000x64xbf16, #tpu.memory_space<hbm>> -> memref<10000x64xbf16, #tpu.memory_space<hbm>>
    tpu.enqueue_indirect_dma source(%dma_start3A_47 : memref<10000x64xbf16, #tpu.memory_space<hbm>>) target(%arg9 : memref<80x64xbf16, #tpu.memory_space<vmem>>) offsets(%dma_start3A_44 : memref<80xi32, #tpu.memory_space<vmem>>) semaphore(%arg15 : memref<!tpu.dma_semaphore, #tpu.memory_space<semaphore_mem>>)
    %dma_start3A_48 = arith.constant 1 : i32
    %dma_start3A_49 = arith.constant 0 : i32
    %dma_start3A_50 = tpu.memref_slice %arg7[%dma_start3A_48, %dma_start3A_49] : memref<125x80xi32, #tpu.memory_space<vmem>> -> memref<1x80xi32, #tpu.memory_space<vmem>>
    %dma_start3A_51 = tpu.memref_squeeze %dma_start3A_50 : memref<1x80xi32, #tpu.memory_space<vmem>> -> memref<80xi32, #tpu.memory_space<vmem>>
    %dma_start3A_52 = arith.constant 0 : i32
    %dma_start3A_53 = arith.constant 0 : i32
    %dma_start3A_54 = tpu.memref_slice %arg2[%dma_start3A_52, %dma_start3A_53] : memref<10000x64xbf16, #tpu.memory_space<hbm>> -> memref<10000x64xbf16, #tpu.memory_space<hbm>>
    tpu.enqueue_indirect_dma source(%dma_start3A_54 : memref<10000x64xbf16, #tpu.memory_space<hbm>>) target(%arg10 : memref<80x64xbf16, #tpu.memory_space<vmem>>) offsets(%dma_start3A_51 : memref<80xi32, #tpu.memory_space<vmem>>) semaphore(%arg16 : memref<!tpu.dma_semaphore, #tpu.memory_space<semaphore_mem>>)
    %dma_start3A_55 = arith.constant 2 : i32
    %dma_start3A_56 = arith.constant 0 : i32
    %dma_start3A_57 = tpu.memref_slice %arg7[%dma_start3A_55, %dma_start3A_56] : memref<125x80xi32, #tpu.memory_space<vmem>> -> memref<1x80xi32, #tpu.memory_space<vmem>>
    %dma_start3A_58 = tpu.memref_squeeze %dma_start3A_57 : memref<1x80xi32, #tpu.memory_space<vmem>> -> memref<80xi32, #tpu.memory_space<vmem>>
    %dma_start3A_59 = arith.constant 0 : i32
    %dma_start3A_60 = arith.constant 0 : i32
    %dma_start3A_61 = tpu.memref_slice %arg2[%dma_start3A_59, %dma_start3A_60] : memref<10000x64xbf16, #tpu.memory_space<hbm>> -> memref<10000x64xbf16, #tpu.memory_space<hbm>>
    tpu.enqueue_indirect_dma source(%dma_start3A_61 : memref<10000x64xbf16, #tpu.memory_space<hbm>>) target(%arg11 : memref<80x64xbf16, #tpu.memory_space<vmem>>) offsets(%dma_start3A_58 : memref<80xi32, #tpu.memory_space<vmem>>) semaphore(%arg17 : memref<!tpu.dma_semaphore, #tpu.memory_space<semaphore_mem>>)
    %dma_start3A_62 = arith.constant 3 : i32
    %dma_start3A_63 = arith.constant 0 : i32
    %dma_start3A_64 = tpu.memref_slice %arg7[%dma_start3A_62, %dma_start3A_63] : memref<125x80xi32, #tpu.memory_space<vmem>> -> memref<1x80xi32, #tpu.memory_space<vmem>>
    %dma_start3A_65 = tpu.memref_squeeze %dma_start3A_64 : memref<1x80xi32, #tpu.memory_space<vmem>> -> memref<80xi32, #tpu.memory_space<vmem>>
    %dma_start3A_66 = arith.constant 0 : i32
    %dma_start3A_67 = arith.constant 0 : i32
    %dma_start3A_68 = tpu.memref_slice %arg2[%dma_start3A_66, %dma_start3A_67] : memref<10000x64xbf16, #tpu.memory_space<hbm>> -> memref<10000x64xbf16, #tpu.memory_space<hbm>>
    tpu.enqueue_indirect_dma source(%dma_start3A_68 : memref<10000x64xbf16, #tpu.memory_space<hbm>>) target(%arg12 : memref<80x64xbf16, #tpu.memory_space<vmem>>) offsets(%dma_start3A_65 : memref<80xi32, #tpu.memory_space<vmem>>) semaphore(%arg18 : memref<!tpu.dma_semaphore, #tpu.memory_space<semaphore_mem>>)
    %dma_wait3A_69 = arith.constant 0 : i32
    %dma_wait3A_70 = tpu.memref_slice %arg14[%mul3A_4, %dma_wait3A_69] : memref<10000x64xbf16, #tpu.memory_space<vmem_shared>> -> memref<624x64xbf16, #tpu.memory_space<vmem_shared>>
    %dma_wait3A_71 = arith.constant 0 : i32
    %dma_wait3A_72 = tpu.memref_slice %arg5[%mul3A_2, %dma_wait3A_71] : memref<10000x64xbf16, #tpu.memory_space<hbm>> -> memref<624x64xbf16, #tpu.memory_space<hbm>>
    tpu.wait_dma2 semaphore(%arg20 : memref<!tpu.dma_semaphore, #tpu.memory_space<semaphore_mem>>) src(%dma_wait3A_72 : memref<624x64xbf16, #tpu.memory_space<hbm>>) dst(%dma_wait3A_70 : memref<624x64xbf16, #tpu.memory_space<vmem_shared>>)
    %barrier3A = arith.constant 0 : index
    tpu.barrier barrier_id(%barrier3A)
    %scan3A = arith.constant 0 : i32
    %scan3A_73 = arith.constant 0 : i32
    %scan3A_74 = arith.constant 25 : i32
    %scan3A_75 = arith.addi %scan3A_73, %scan3A_74 : i32
    %scan3A_76 = arith.constant 1 : i32
    scf.for %scan3A_116 = %scan3A_73 to %scan3A_75 step %scan3A_76  : i32 {
      %mul3A_117 = arith.constant 5 : i32
      %mul3A_118 = arith.muli %scan3A_116, %mul3A_117 : i32
      %add3A_119 = arith.constant 0 : i32
      %add3A_120 = arith.addi %mul3A_118, %add3A_119 : i32
      %add3A_121 = arith.constant 5 : i32
      %add3A_122 = arith.addi %add3A_120, %add3A_121 : i32
      %sub3A = arith.constant 1 : i32
      %sub3A_123 = arith.subi %add3A_122, %sub3A : i32
      %min3A = arith.constant 124 : i32
      %min3A_124 = arith.minsi %sub3A_123, %min3A : i32
      %dma_start3A_125 = arith.constant 0 : i32
      %dma_start3A_126 = tpu.memref_slice %arg7[%min3A_124, %dma_start3A_125] : memref<125x80xi32, #tpu.memory_space<vmem>> -> memref<1x80xi32, #tpu.memory_space<vmem>>
      %dma_start3A_127 = tpu.memref_squeeze %dma_start3A_126 : memref<1x80xi32, #tpu.memory_space<vmem>> -> memref<80xi32, #tpu.memory_space<vmem>>
      %dma_start3A_128 = arith.constant 0 : i32
      %dma_start3A_129 = arith.constant 0 : i32
      %dma_start3A_130 = tpu.memref_slice %arg2[%dma_start3A_128, %dma_start3A_129] : memref<10000x64xbf16, #tpu.memory_space<hbm>> -> memref<10000x64xbf16, #tpu.memory_space<hbm>>
      tpu.enqueue_indirect_dma source(%dma_start3A_130 : memref<10000x64xbf16, #tpu.memory_space<hbm>>) target(%arg13 : memref<80x64xbf16, #tpu.memory_space<vmem>>) offsets(%dma_start3A_127 : memref<80xi32, #tpu.memory_space<vmem>>) semaphore(%arg19 : memref<!tpu.dma_semaphore, #tpu.memory_space<semaphore_mem>>)
      %dma_wait3A_131 = arith.constant 0 : i32
      %dma_wait3A_132 = arith.constant 0 : i32
      %dma_wait3A_133 = tpu.memref_slice %arg7[%dma_wait3A_131, %dma_wait3A_132] : memref<125x80xi32, #tpu.memory_space<vmem>> -> memref<1x80xi32, #tpu.memory_space<vmem>>
      %dma_wait3A_134 = tpu.memref_squeeze %dma_wait3A_133 : memref<1x80xi32, #tpu.memory_space<vmem>> -> memref<80xi32, #tpu.memory_space<vmem>>
      %dma_wait3A_135 = arith.constant 0 : i32
      %dma_wait3A_136 = arith.constant 0 : i32
      %dma_wait3A_137 = tpu.memref_slice %arg2[%dma_wait3A_135, %dma_wait3A_136] : memref<10000x64xbf16, #tpu.memory_space<hbm>> -> memref<10000x64xbf16, #tpu.memory_space<hbm>>
      tpu.wait_indirect_dma semaphore(%arg15 : memref<!tpu.dma_semaphore, #tpu.memory_space<semaphore_mem>>) src(%dma_wait3A_137 : memref<10000x64xbf16, #tpu.memory_space<hbm>>) dst(%arg9 : memref<80x64xbf16, #tpu.memory_space<vmem>>)
      "tpu.region"() ({
        %run_scoped3A = tpu.sem_alloc : memref<!tpu.dma_semaphore, #tpu.memory_space<semaphore_mem>>
        %dma_start3A_222 = arith.constant 0 : i32
        %dma_start3A_223 = tpu.memref_slice %arg8[%add3A_120, %dma_start3A_222] : memref<125x80xi32, #tpu.memory_space<vmem>> -> memref<1x80xi32, #tpu.memory_space<vmem>>
        %dma_start3A_224 = tpu.memref_squeeze %dma_start3A_223 : memref<1x80xi32, #tpu.memory_space<vmem>> -> memref<80xi32, #tpu.memory_space<vmem>>
        %dma_start3A_225 = arith.constant 0 : i32
        %dma_start3A_226 = arith.constant 0 : i32
        %dma_start3A_227 = tpu.memref_slice %arg14[%dma_start3A_225, %dma_start3A_226] : memref<10000x64xbf16, #tpu.memory_space<vmem_shared>> -> memref<10000x64xbf16, #tpu.memory_space<vmem_shared>>
        tpu.enqueue_indirect_dma source(%arg9 : memref<80x64xbf16, #tpu.memory_space<vmem>>) target(%dma_start3A_227 : memref<10000x64xbf16, #tpu.memory_space<vmem_shared>>) offsets(%dma_start3A_224 : memref<80xi32, #tpu.memory_space<vmem>>) semaphore(%run_scoped3A : memref<!tpu.dma_semaphore, #tpu.memory_space<semaphore_mem>>) {add = true}
        %dma_wait3A_228 = arith.constant 0 : i32
        %dma_wait3A_229 = tpu.memref_slice %arg8[%add3A_120, %dma_wait3A_228] : memref<125x80xi32, #tpu.memory_space<vmem>> -> memref<1x80xi32, #tpu.memory_space<vmem>>
        %dma_wait3A_230 = tpu.memref_squeeze %dma_wait3A_229 : memref<1x80xi32, #tpu.memory_space<vmem>> -> memref<80xi32, #tpu.memory_space<vmem>>
        %dma_wait3A_231 = arith.constant 0 : i32
        %dma_wait3A_232 = arith.constant 0 : i32
        %dma_wait3A_233 = tpu.memref_slice %arg14[%dma_wait3A_231, %dma_wait3A_232] : memref<10000x64xbf16, #tpu.memory_space<vmem_shared>> -> memref<10000x64xbf16, #tpu.memory_space<vmem_shared>>
        tpu.wait_indirect_dma semaphore(%run_scoped3A : memref<!tpu.dma_semaphore, #tpu.memory_space<semaphore_mem>>) src(%arg9 : memref<80x64xbf16, #tpu.memory_space<vmem>>) dst(%dma_wait3A_233 : memref<10000x64xbf16, #tpu.memory_space<vmem_shared>>)
        tpu.yield
      }) : () -> ()
      %add3A_138 = arith.constant 1 : i32
      %add3A_139 = arith.addi %mul3A_118, %add3A_138 : i32
      %add3A_140 = arith.constant 5 : i32
      %add3A_141 = arith.addi %add3A_139, %add3A_140 : i32
      %sub3A_142 = arith.constant 1 : i32
      %sub3A_143 = arith.subi %add3A_141, %sub3A_142 : i32
      %min3A_144 = arith.constant 124 : i32
      %min3A_145 = arith.minsi %sub3A_143, %min3A_144 : i32
      %dma_start3A_146 = arith.constant 0 : i32
      %dma_start3A_147 = tpu.memref_slice %arg7[%min3A_145, %dma_start3A_146] : memref<125x80xi32, #tpu.memory_space<vmem>> -> memref<1x80xi32, #tpu.memory_space<vmem>>
      %dma_start3A_148 = tpu.memref_squeeze %dma_start3A_147 : memref<1x80xi32, #tpu.memory_space<vmem>> -> memref<80xi32, #tpu.memory_space<vmem>>
      %dma_start3A_149 = arith.constant 0 : i32
      %dma_start3A_150 = arith.constant 0 : i32
      %dma_start3A_151 = tpu.memref_slice %arg2[%dma_start3A_149, %dma_start3A_150] : memref<10000x64xbf16, #tpu.memory_space<hbm>> -> memref<10000x64xbf16, #tpu.memory_space<hbm>>
      tpu.enqueue_indirect_dma source(%dma_start3A_151 : memref<10000x64xbf16, #tpu.memory_space<hbm>>) target(%arg9 : memref<80x64xbf16, #tpu.memory_space<vmem>>) offsets(%dma_start3A_148 : memref<80xi32, #tpu.memory_space<vmem>>) semaphore(%arg15 : memref<!tpu.dma_semaphore, #tpu.memory_space<semaphore_mem>>)
      %dma_wait3A_152 = arith.constant 0 : i32
      %dma_wait3A_153 = arith.constant 0 : i32
      %dma_wait3A_154 = tpu.memref_slice %arg7[%dma_wait3A_152, %dma_wait3A_153] : memref<125x80xi32, #tpu.memory_space<vmem>> -> memref<1x80xi32, #tpu.memory_space<vmem>>
      %dma_wait3A_155 = tpu.memref_squeeze %dma_wait3A_154 : memref<1x80xi32, #tpu.memory_space<vmem>> -> memref<80xi32, #tpu.memory_space<vmem>>
      %dma_wait3A_156 = arith.constant 0 : i32
      %dma_wait3A_157 = arith.constant 0 : i32
      %dma_wait3A_158 = tpu.memref_slice %arg2[%dma_wait3A_156, %dma_wait3A_157] : memref<10000x64xbf16, #tpu.memory_space<hbm>> -> memref<10000x64xbf16, #tpu.memory_space<hbm>>
      tpu.wait_indirect_dma semaphore(%arg16 : memref<!tpu.dma_semaphore, #tpu.memory_space<semaphore_mem>>) src(%dma_wait3A_158 : memref<10000x64xbf16, #tpu.memory_space<hbm>>) dst(%arg10 : memref<80x64xbf16, #tpu.memory_space<vmem>>)
      "tpu.region"() ({
        %run_scoped3A = tpu.sem_alloc : memref<!tpu.dma_semaphore, #tpu.memory_space<semaphore_mem>>
        %dma_start3A_222 = arith.constant 0 : i32
        %dma_start3A_223 = tpu.memref_slice %arg8[%add3A_139, %dma_start3A_222] : memref<125x80xi32, #tpu.memory_space<vmem>> -> memref<1x80xi32, #tpu.memory_space<vmem>>
        %dma_start3A_224 = tpu.memref_squeeze %dma_start3A_223 : memref<1x80xi32, #tpu.memory_space<vmem>> -> memref<80xi32, #tpu.memory_space<vmem>>
        %dma_start3A_225 = arith.constant 0 : i32
        %dma_start3A_226 = arith.constant 0 : i32
        %dma_start3A_227 = tpu.memref_slice %arg14[%dma_start3A_225, %dma_start3A_226] : memref<10000x64xbf16, #tpu.memory_space<vmem_shared>> -> memref<10000x64xbf16, #tpu.memory_space<vmem_shared>>
        tpu.enqueue_indirect_dma source(%arg10 : memref<80x64xbf16, #tpu.memory_space<vmem>>) target(%dma_start3A_227 : memref<10000x64xbf16, #tpu.memory_space<vmem_shared>>) offsets(%dma_start3A_224 : memref<80xi32, #tpu.memory_space<vmem>>) semaphore(%run_scoped3A : memref<!tpu.dma_semaphore, #tpu.memory_space<semaphore_mem>>) {add = true}
        %dma_wait3A_228 = arith.constant 0 : i32
        %dma_wait3A_229 = tpu.memref_slice %arg8[%add3A_139, %dma_wait3A_228] : memref<125x80xi32, #tpu.memory_space<vmem>> -> memref<1x80xi32, #tpu.memory_space<vmem>>
        %dma_wait3A_230 = tpu.memref_squeeze %dma_wait3A_229 : memref<1x80xi32, #tpu.memory_space<vmem>> -> memref<80xi32, #tpu.memory_space<vmem>>
        %dma_wait3A_231 = arith.constant 0 : i32
        %dma_wait3A_232 = arith.constant 0 : i32
        %dma_wait3A_233 = tpu.memref_slice %arg14[%dma_wait3A_231, %dma_wait3A_232] : memref<10000x64xbf16, #tpu.memory_space<vmem_shared>> -> memref<10000x64xbf16, #tpu.memory_space<vmem_shared>>
        tpu.wait_indirect_dma semaphore(%run_scoped3A : memref<!tpu.dma_semaphore, #tpu.memory_space<semaphore_mem>>) src(%arg10 : memref<80x64xbf16, #tpu.memory_space<vmem>>) dst(%dma_wait3A_233 : memref<10000x64xbf16, #tpu.memory_space<vmem_shared>>)
        tpu.yield
      }) : () -> ()
      %add3A_159 = arith.constant 2 : i32
      %add3A_160 = arith.addi %mul3A_118, %add3A_159 : i32
      %add3A_161 = arith.constant 5 : i32
      %add3A_162 = arith.addi %add3A_160, %add3A_161 : i32
      %sub3A_163 = arith.constant 1 : i32
      %sub3A_164 = arith.subi %add3A_162, %sub3A_163 : i32
      %min3A_165 = arith.constant 124 : i32
      %min3A_166 = arith.minsi %sub3A_164, %min3A_165 : i32
      %dma_start3A_167 = arith.constant 0 : i32
      %dma_start3A_168 = tpu.memref_slice %arg7[%min3A_166, %dma_start3A_167] : memref<125x80xi32, #tpu.memory_space<vmem>> -> memref<1x80xi32, #tpu.memory_space<vmem>>
      %dma_start3A_169 = tpu.memref_squeeze %dma_start3A_168 : memref<1x80xi32, #tpu.memory_space<vmem>> -> memref<80xi32, #tpu.memory_space<vmem>>
      %dma_start3A_170 = arith.constant 0 : i32
      %dma_start3A_171 = arith.constant 0 : i32
      %dma_start3A_172 = tpu.memref_slice %arg2[%dma_start3A_170, %dma_start3A_171] : memref<10000x64xbf16, #tpu.memory_space<hbm>> -> memref<10000x64xbf16, #tpu.memory_space<hbm>>
      tpu.enqueue_indirect_dma source(%dma_start3A_172 : memref<10000x64xbf16, #tpu.memory_space<hbm>>) target(%arg10 : memref<80x64xbf16, #tpu.memory_space<vmem>>) offsets(%dma_start3A_169 : memref<80xi32, #tpu.memory_space<vmem>>) semaphore(%arg16 : memref<!tpu.dma_semaphore, #tpu.memory_space<semaphore_mem>>)
      %dma_wait3A_173 = arith.constant 0 : i32
      %dma_wait3A_174 = arith.constant 0 : i32
      %dma_wait3A_175 = tpu.memref_slice %arg7[%dma_wait3A_173, %dma_wait3A_174] : memref<125x80xi32, #tpu.memory_space<vmem>> -> memref<1x80xi32, #tpu.memory_space<vmem>>
      %dma_wait3A_176 = tpu.memref_squeeze %dma_wait3A_175 : memref<1x80xi32, #tpu.memory_space<vmem>> -> memref<80xi32, #tpu.memory_space<vmem>>
      %dma_wait3A_177 = arith.constant 0 : i32
      %dma_wait3A_178 = arith.constant 0 : i32
      %dma_wait3A_179 = tpu.memref_slice %arg2[%dma_wait3A_177, %dma_wait3A_178] : memref<10000x64xbf16, #tpu.memory_space<hbm>> -> memref<10000x64xbf16, #tpu.memory_space<hbm>>
      tpu.wait_indirect_dma semaphore(%arg17 : memref<!tpu.dma_semaphore, #tpu.memory_space<semaphore_mem>>) src(%dma_wait3A_179 : memref<10000x64xbf16, #tpu.memory_space<hbm>>) dst(%arg11 : memref<80x64xbf16, #tpu.memory_space<vmem>>)
      "tpu.region"() ({
        %run_scoped3A = tpu.sem_alloc : memref<!tpu.dma_semaphore, #tpu.memory_space<semaphore_mem>>
        %dma_start3A_222 = arith.constant 0 : i32
        %dma_start3A_223 = tpu.memref_slice %arg8[%add3A_160, %dma_start3A_222] : memref<125x80xi32, #tpu.memory_space<vmem>> -> memref<1x80xi32, #tpu.memory_space<vmem>>
        %dma_start3A_224 = tpu.memref_squeeze %dma_start3A_223 : memref<1x80xi32, #tpu.memory_space<vmem>> -> memref<80xi32, #tpu.memory_space<vmem>>
        %dma_start3A_225 = arith.constant 0 : i32
        %dma_start3A_226 = arith.constant 0 : i32
        %dma_start3A_227 = tpu.memref_slice %arg14[%dma_start3A_225, %dma_start3A_226] : memref<10000x64xbf16, #tpu.memory_space<vmem_shared>> -> memref<10000x64xbf16, #tpu.memory_space<vmem_shared>>
        tpu.enqueue_indirect_dma source(%arg11 : memref<80x64xbf16, #tpu.memory_space<vmem>>) target(%dma_start3A_227 : memref<10000x64xbf16, #tpu.memory_space<vmem_shared>>) offsets(%dma_start3A_224 : memref<80xi32, #tpu.memory_space<vmem>>) semaphore(%run_scoped3A : memref<!tpu.dma_semaphore, #tpu.memory_space<semaphore_mem>>) {add = true}
        %dma_wait3A_228 = arith.constant 0 : i32
        %dma_wait3A_229 = tpu.memref_slice %arg8[%add3A_160, %dma_wait3A_228] : memref<125x80xi32, #tpu.memory_space<vmem>> -> memref<1x80xi32, #tpu.memory_space<vmem>>
        %dma_wait3A_230 = tpu.memref_squeeze %dma_wait3A_229 : memref<1x80xi32, #tpu.memory_space<vmem>> -> memref<80xi32, #tpu.memory_space<vmem>>
        %dma_wait3A_231 = arith.constant 0 : i32
        %dma_wait3A_232 = arith.constant 0 : i32
        %dma_wait3A_233 = tpu.memref_slice %arg14[%dma_wait3A_231, %dma_wait3A_232] : memref<10000x64xbf16, #tpu.memory_space<vmem_shared>> -> memref<10000x64xbf16, #tpu.memory_space<vmem_shared>>
        tpu.wait_indirect_dma semaphore(%run_scoped3A : memref<!tpu.dma_semaphore, #tpu.memory_space<semaphore_mem>>) src(%arg11 : memref<80x64xbf16, #tpu.memory_space<vmem>>) dst(%dma_wait3A_233 : memref<10000x64xbf16, #tpu.memory_space<vmem_shared>>)
        tpu.yield
      }) : () -> ()
      %add3A_180 = arith.constant 3 : i32
      %add3A_181 = arith.addi %mul3A_118, %add3A_180 : i32
      %add3A_182 = arith.constant 5 : i32
      %add3A_183 = arith.addi %add3A_181, %add3A_182 : i32
      %sub3A_184 = arith.constant 1 : i32
      %sub3A_185 = arith.subi %add3A_183, %sub3A_184 : i32
      %min3A_186 = arith.constant 124 : i32
      %min3A_187 = arith.minsi %sub3A_185, %min3A_186 : i32
      %dma_start3A_188 = arith.constant 0 : i32
      %dma_start3A_189 = tpu.memref_slice %arg7[%min3A_187, %dma_start3A_188] : memref<125x80xi32, #tpu.memory_space<vmem>> -> memref<1x80xi32, #tpu.memory_space<vmem>>
      %dma_start3A_190 = tpu.memref_squeeze %dma_start3A_189 : memref<1x80xi32, #tpu.memory_space<vmem>> -> memref<80xi32, #tpu.memory_space<vmem>>
      %dma_start3A_191 = arith.constant 0 : i32
      %dma_start3A_192 = arith.constant 0 : i32
      %dma_start3A_193 = tpu.memref_slice %arg2[%dma_start3A_191, %dma_start3A_192] : memref<10000x64xbf16, #tpu.memory_space<hbm>> -> memref<10000x64xbf16, #tpu.memory_space<hbm>>
      tpu.enqueue_indirect_dma source(%dma_start3A_193 : memref<10000x64xbf16, #tpu.memory_space<hbm>>) target(%arg11 : memref<80x64xbf16, #tpu.memory_space<vmem>>) offsets(%dma_start3A_190 : memref<80xi32, #tpu.memory_space<vmem>>) semaphore(%arg17 : memref<!tpu.dma_semaphore, #tpu.memory_space<semaphore_mem>>)
      %dma_wait3A_194 = arith.constant 0 : i32
      %dma_wait3A_195 = arith.constant 0 : i32
      %dma_wait3A_196 = tpu.memref_slice %arg7[%dma_wait3A_194, %dma_wait3A_195] : memref<125x80xi32, #tpu.memory_space<vmem>> -> memref<1x80xi32, #tpu.memory_space<vmem>>
      %dma_wait3A_197 = tpu.memref_squeeze %dma_wait3A_196 : memref<1x80xi32, #tpu.memory_space<vmem>> -> memref<80xi32, #tpu.memory_space<vmem>>
      %dma_wait3A_198 = arith.constant 0 : i32
      %dma_wait3A_199 = arith.constant 0 : i32
      %dma_wait3A_200 = tpu.memref_slice %arg2[%dma_wait3A_198, %dma_wait3A_199] : memref<10000x64xbf16, #tpu.memory_space<hbm>> -> memref<10000x64xbf16, #tpu.memory_space<hbm>>
      tpu.wait_indirect_dma semaphore(%arg18 : memref<!tpu.dma_semaphore, #tpu.memory_space<semaphore_mem>>) src(%dma_wait3A_200 : memref<10000x64xbf16, #tpu.memory_space<hbm>>) dst(%arg12 : memref<80x64xbf16, #tpu.memory_space<vmem>>)
      "tpu.region"() ({
        %run_scoped3A = tpu.sem_alloc : memref<!tpu.dma_semaphore, #tpu.memory_space<semaphore_mem>>
        %dma_start3A_222 = arith.constant 0 : i32
        %dma_start3A_223 = tpu.memref_slice %arg8[%add3A_181, %dma_start3A_222] : memref<125x80xi32, #tpu.memory_space<vmem>> -> memref<1x80xi32, #tpu.memory_space<vmem>>
        %dma_start3A_224 = tpu.memref_squeeze %dma_start3A_223 : memref<1x80xi32, #tpu.memory_space<vmem>> -> memref<80xi32, #tpu.memory_space<vmem>>
        %dma_start3A_225 = arith.constant 0 : i32
        %dma_start3A_226 = arith.constant 0 : i32
        %dma_start3A_227 = tpu.memref_slice %arg14[%dma_start3A_225, %dma_start3A_226] : memref<10000x64xbf16, #tpu.memory_space<vmem_shared>> -> memref<10000x64xbf16, #tpu.memory_space<vmem_shared>>
        tpu.enqueue_indirect_dma source(%arg12 : memref<80x64xbf16, #tpu.memory_space<vmem>>) target(%dma_start3A_227 : memref<10000x64xbf16, #tpu.memory_space<vmem_shared>>) offsets(%dma_start3A_224 : memref<80xi32, #tpu.memory_space<vmem>>) semaphore(%run_scoped3A : memref<!tpu.dma_semaphore, #tpu.memory_space<semaphore_mem>>) {add = true}
        %dma_wait3A_228 = arith.constant 0 : i32
        %dma_wait3A_229 = tpu.memref_slice %arg8[%add3A_181, %dma_wait3A_228] : memref<125x80xi32, #tpu.memory_space<vmem>> -> memref<1x80xi32, #tpu.memory_space<vmem>>
        %dma_wait3A_230 = tpu.memref_squeeze %dma_wait3A_229 : memref<1x80xi32, #tpu.memory_space<vmem>> -> memref<80xi32, #tpu.memory_space<vmem>>
        %dma_wait3A_231 = arith.constant 0 : i32
        %dma_wait3A_232 = arith.constant 0 : i32
        %dma_wait3A_233 = tpu.memref_slice %arg14[%dma_wait3A_231, %dma_wait3A_232] : memref<10000x64xbf16, #tpu.memory_space<vmem_shared>> -> memref<10000x64xbf16, #tpu.memory_space<vmem_shared>>
        tpu.wait_indirect_dma semaphore(%run_scoped3A : memref<!tpu.dma_semaphore, #tpu.memory_space<semaphore_mem>>) src(%arg12 : memref<80x64xbf16, #tpu.memory_space<vmem>>) dst(%dma_wait3A_233 : memref<10000x64xbf16, #tpu.memory_space<vmem_shared>>)
        tpu.yield
      }) : () -> ()
      %add3A_201 = arith.constant 4 : i32
      %add3A_202 = arith.addi %mul3A_118, %add3A_201 : i32
      %add3A_203 = arith.constant 5 : i32
      %add3A_204 = arith.addi %add3A_202, %add3A_203 : i32
      %sub3A_205 = arith.constant 1 : i32
      %sub3A_206 = arith.subi %add3A_204, %sub3A_205 : i32
      %min3A_207 = arith.constant 124 : i32
      %min3A_208 = arith.minsi %sub3A_206, %min3A_207 : i32
      %dma_start3A_209 = arith.constant 0 : i32
      %dma_start3A_210 = tpu.memref_slice %arg7[%min3A_208, %dma_start3A_209] : memref<125x80xi32, #tpu.memory_space<vmem>> -> memref<1x80xi32, #tpu.memory_space<vmem>>
      %dma_start3A_211 = tpu.memref_squeeze %dma_start3A_210 : memref<1x80xi32, #tpu.memory_space<vmem>> -> memref<80xi32, #tpu.memory_space<vmem>>
      %dma_start3A_212 = arith.constant 0 : i32
      %dma_start3A_213 = arith.constant 0 : i32
      %dma_start3A_214 = tpu.memref_slice %arg2[%dma_start3A_212, %dma_start3A_213] : memref<10000x64xbf16, #tpu.memory_space<hbm>> -> memref<10000x64xbf16, #tpu.memory_space<hbm>>
      tpu.enqueue_indirect_dma source(%dma_start3A_214 : memref<10000x64xbf16, #tpu.memory_space<hbm>>) target(%arg12 : memref<80x64xbf16, #tpu.memory_space<vmem>>) offsets(%dma_start3A_211 : memref<80xi32, #tpu.memory_space<vmem>>) semaphore(%arg18 : memref<!tpu.dma_semaphore, #tpu.memory_space<semaphore_mem>>)
      %dma_wait3A_215 = arith.constant 0 : i32
      %dma_wait3A_216 = arith.constant 0 : i32
      %dma_wait3A_217 = tpu.memref_slice %arg7[%dma_wait3A_215, %dma_wait3A_216] : memref<125x80xi32, #tpu.memory_space<vmem>> -> memref<1x80xi32, #tpu.memory_space<vmem>>
      %dma_wait3A_218 = tpu.memref_squeeze %dma_wait3A_217 : memref<1x80xi32, #tpu.memory_space<vmem>> -> memref<80xi32, #tpu.memory_space<vmem>>
      %dma_wait3A_219 = arith.constant 0 : i32
      %dma_wait3A_220 = arith.constant 0 : i32
      %dma_wait3A_221 = tpu.memref_slice %arg2[%dma_wait3A_219, %dma_wait3A_220] : memref<10000x64xbf16, #tpu.memory_space<hbm>> -> memref<10000x64xbf16, #tpu.memory_space<hbm>>
      tpu.wait_indirect_dma semaphore(%arg19 : memref<!tpu.dma_semaphore, #tpu.memory_space<semaphore_mem>>) src(%dma_wait3A_221 : memref<10000x64xbf16, #tpu.memory_space<hbm>>) dst(%arg13 : memref<80x64xbf16, #tpu.memory_space<vmem>>)
      "tpu.region"() ({
        %run_scoped3A = tpu.sem_alloc : memref<!tpu.dma_semaphore, #tpu.memory_space<semaphore_mem>>
        %dma_start3A_222 = arith.constant 0 : i32
        %dma_start3A_223 = tpu.memref_slice %arg8[%add3A_202, %dma_start3A_222] : memref<125x80xi32, #tpu.memory_space<vmem>> -> memref<1x80xi32, #tpu.memory_space<vmem>>
        %dma_start3A_224 = tpu.memref_squeeze %dma_start3A_223 : memref<1x80xi32, #tpu.memory_space<vmem>> -> memref<80xi32, #tpu.memory_space<vmem>>
        %dma_start3A_225 = arith.constant 0 : i32
        %dma_start3A_226 = arith.constant 0 : i32
        %dma_start3A_227 = tpu.memref_slice %arg14[%dma_start3A_225, %dma_start3A_226] : memref<10000x64xbf16, #tpu.memory_space<vmem_shared>> -> memref<10000x64xbf16, #tpu.memory_space<vmem_shared>>
        tpu.enqueue_indirect_dma source(%arg13 : memref<80x64xbf16, #tpu.memory_space<vmem>>) target(%dma_start3A_227 : memref<10000x64xbf16, #tpu.memory_space<vmem_shared>>) offsets(%dma_start3A_224 : memref<80xi32, #tpu.memory_space<vmem>>) semaphore(%run_scoped3A : memref<!tpu.dma_semaphore, #tpu.memory_space<semaphore_mem>>) {add = true}
        %dma_wait3A_228 = arith.constant 0 : i32
        %dma_wait3A_229 = tpu.memref_slice %arg8[%add3A_202, %dma_wait3A_228] : memref<125x80xi32, #tpu.memory_space<vmem>> -> memref<1x80xi32, #tpu.memory_space<vmem>>
        %dma_wait3A_230 = tpu.memref_squeeze %dma_wait3A_229 : memref<1x80xi32, #tpu.memory_space<vmem>> -> memref<80xi32, #tpu.memory_space<vmem>>
        %dma_wait3A_231 = arith.constant 0 : i32
        %dma_wait3A_232 = arith.constant 0 : i32
        %dma_wait3A_233 = tpu.memref_slice %arg14[%dma_wait3A_231, %dma_wait3A_232] : memref<10000x64xbf16, #tpu.memory_space<vmem_shared>> -> memref<10000x64xbf16, #tpu.memory_space<vmem_shared>>
        tpu.wait_indirect_dma semaphore(%run_scoped3A : memref<!tpu.dma_semaphore, #tpu.memory_space<semaphore_mem>>) src(%arg13 : memref<80x64xbf16, #tpu.memory_space<vmem>>) dst(%dma_wait3A_233 : memref<10000x64xbf16, #tpu.memory_space<vmem_shared>>)
        tpu.yield
      }) : () -> ()
    }
    %scan3A_77 = arith.constant 25 : i32
    %dma_wait3A_78 = arith.constant 0 : i32
    %dma_wait3A_79 = arith.constant 0 : i32
    %dma_wait3A_80 = tpu.memref_slice %arg7[%dma_wait3A_78, %dma_wait3A_79] : memref<125x80xi32, #tpu.memory_space<vmem>> -> memref<1x80xi32, #tpu.memory_space<vmem>>
    %dma_wait3A_81 = tpu.memref_squeeze %dma_wait3A_80 : memref<1x80xi32, #tpu.memory_space<vmem>> -> memref<80xi32, #tpu.memory_space<vmem>>
    %dma_wait3A_82 = arith.constant 0 : i32
    %dma_wait3A_83 = arith.constant 0 : i32
    %dma_wait3A_84 = tpu.memref_slice %arg2[%dma_wait3A_82, %dma_wait3A_83] : memref<10000x64xbf16, #tpu.memory_space<hbm>> -> memref<10000x64xbf16, #tpu.memory_space<hbm>>
    tpu.wait_indirect_dma semaphore(%arg15 : memref<!tpu.dma_semaphore, #tpu.memory_space<semaphore_mem>>) src(%dma_wait3A_84 : memref<10000x64xbf16, #tpu.memory_space<hbm>>) dst(%arg9 : memref<80x64xbf16, #tpu.memory_space<vmem>>)
    %dma_wait3A_85 = arith.constant 0 : i32
    %dma_wait3A_86 = arith.constant 0 : i32
    %dma_wait3A_87 = tpu.memref_slice %arg7[%dma_wait3A_85, %dma_wait3A_86] : memref<125x80xi32, #tpu.memory_space<vmem>> -> memref<1x80xi32, #tpu.memory_space<vmem>>
    %dma_wait3A_88 = tpu.memref_squeeze %dma_wait3A_87 : memref<1x80xi32, #tpu.memory_space<vmem>> -> memref<80xi32, #tpu.memory_space<vmem>>
    %dma_wait3A_89 = arith.constant 0 : i32
    %dma_wait3A_90 = arith.constant 0 : i32
    %dma_wait3A_91 = tpu.memref_slice %arg2[%dma_wait3A_89, %dma_wait3A_90] : memref<10000x64xbf16, #tpu.memory_space<hbm>> -> memref<10000x64xbf16, #tpu.memory_space<hbm>>
    tpu.wait_indirect_dma semaphore(%arg16 : memref<!tpu.dma_semaphore, #tpu.memory_space<semaphore_mem>>) src(%dma_wait3A_91 : memref<10000x64xbf16, #tpu.memory_space<hbm>>) dst(%arg10 : memref<80x64xbf16, #tpu.memory_space<vmem>>)
    %dma_wait3A_92 = arith.constant 0 : i32
    %dma_wait3A_93 = arith.constant 0 : i32
    %dma_wait3A_94 = tpu.memref_slice %arg7[%dma_wait3A_92, %dma_wait3A_93] : memref<125x80xi32, #tpu.memory_space<vmem>> -> memref<1x80xi32, #tpu.memory_space<vmem>>
    %dma_wait3A_95 = tpu.memref_squeeze %dma_wait3A_94 : memref<1x80xi32, #tpu.memory_space<vmem>> -> memref<80xi32, #tpu.memory_space<vmem>>
    %dma_wait3A_96 = arith.constant 0 : i32
    %dma_wait3A_97 = arith.constant 0 : i32
    %dma_wait3A_98 = tpu.memref_slice %arg2[%dma_wait3A_96, %dma_wait3A_97] : memref<10000x64xbf16, #tpu.memory_space<hbm>> -> memref<10000x64xbf16, #tpu.memory_space<hbm>>
    tpu.wait_indirect_dma semaphore(%arg17 : memref<!tpu.dma_semaphore, #tpu.memory_space<semaphore_mem>>) src(%dma_wait3A_98 : memref<10000x64xbf16, #tpu.memory_space<hbm>>) dst(%arg11 : memref<80x64xbf16, #tpu.memory_space<vmem>>)
    %dma_wait3A_99 = arith.constant 0 : i32
    %dma_wait3A_100 = arith.constant 0 : i32
    %dma_wait3A_101 = tpu.memref_slice %arg7[%dma_wait3A_99, %dma_wait3A_100] : memref<125x80xi32, #tpu.memory_space<vmem>> -> memref<1x80xi32, #tpu.memory_space<vmem>>
    %dma_wait3A_102 = tpu.memref_squeeze %dma_wait3A_101 : memref<1x80xi32, #tpu.memory_space<vmem>> -> memref<80xi32, #tpu.memory_space<vmem>>
    %dma_wait3A_103 = arith.constant 0 : i32
    %dma_wait3A_104 = arith.constant 0 : i32
    %dma_wait3A_105 = tpu.memref_slice %arg2[%dma_wait3A_103, %dma_wait3A_104] : memref<10000x64xbf16, #tpu.memory_space<hbm>> -> memref<10000x64xbf16, #tpu.memory_space<hbm>>
    tpu.wait_indirect_dma semaphore(%arg18 : memref<!tpu.dma_semaphore, #tpu.memory_space<semaphore_mem>>) src(%dma_wait3A_105 : memref<10000x64xbf16, #tpu.memory_space<hbm>>) dst(%arg12 : memref<80x64xbf16, #tpu.memory_space<vmem>>)
    %barrier3A_106 = arith.constant 0 : index
    tpu.barrier barrier_id(%barrier3A_106)
    %mul3A_107 = arith.constant 624 : i32
    %mul3A_108 = arith.muli %arg1, %mul3A_107 : i32
    %mul3A_109 = arith.constant 624 : i32
    %mul3A_110 = arith.muli %arg1, %mul3A_109 : i32
    "tpu.region"() ({
      %run_scoped3A = tpu.sem_alloc : memref<!tpu.dma_semaphore, #tpu.memory_space<semaphore_mem>>
      %dma_start3A_116 = arith.constant 0 : i32
      %dma_start3A_117 = tpu.memref_slice %arg6[%arg0, %mul3A_110, %dma_start3A_116] : memref<2x10000x64xbf16, #tpu.memory_space<hbm>> -> memref<1x624x64xbf16, #tpu.memory_space<hbm>>
      %dma_start3A_118 = tpu.memref_squeeze %dma_start3A_117 : memref<1x624x64xbf16, #tpu.memory_space<hbm>> -> memref<624x64xbf16, #tpu.memory_space<hbm>>
      %dma_start3A_119 = arith.constant 0 : i32
      %dma_start3A_120 = tpu.memref_slice %arg14[%mul3A_108, %dma_start3A_119] : memref<10000x64xbf16, #tpu.memory_space<vmem_shared>> -> memref<624x64xbf16, #tpu.memory_space<vmem_shared>>
      tpu.enqueue_dma source(%dma_start3A_120 : memref<624x64xbf16, #tpu.memory_space<vmem_shared>>) target(%dma_start3A_118 : memref<624x64xbf16, #tpu.memory_space<hbm>>) target_semaphore(%run_scoped3A : memref<!tpu.dma_semaphore, #tpu.memory_space<semaphore_mem>>)
      %dma_wait3A_121 = arith.constant 0 : i32
      %dma_wait3A_122 = tpu.memref_slice %arg6[%arg0, %mul3A_110, %dma_wait3A_121] : memref<2x10000x64xbf16, #tpu.memory_space<hbm>> -> memref<1x624x64xbf16, #tpu.memory_space<hbm>>
      %dma_wait3A_123 = tpu.memref_squeeze %dma_wait3A_122 : memref<1x624x64xbf16, #tpu.memory_space<hbm>> -> memref<624x64xbf16, #tpu.memory_space<hbm>>
      %dma_wait3A_124 = arith.constant 0 : i32
      %dma_wait3A_125 = tpu.memref_slice %arg14[%mul3A_108, %dma_wait3A_124] : memref<10000x64xbf16, #tpu.memory_space<vmem_shared>> -> memref<624x64xbf16, #tpu.memory_space<vmem_shared>>
      tpu.wait_dma2 semaphore(%run_scoped3A : memref<!tpu.dma_semaphore, #tpu.memory_space<semaphore_mem>>) src(%dma_wait3A_125 : memref<624x64xbf16, #tpu.memory_space<vmem_shared>>) dst(%dma_wait3A_123 : memref<624x64xbf16, #tpu.memory_space<hbm>>)
      tpu.yield
    }) : () -> ()
    %eq3A_111 = arith.constant 15 : i32
    %eq3A_112 = arith.cmpi eq, %arg1, %eq3A_111 : i32
    %convert_element_type3A_113 = arith.extui %eq3A_112 : i1 to i32
    %cond3A_114 = arith.constant 0 : i32
    %cond3A_115 = arith.cmpi ne, %convert_element_type3A_113, %cond3A_114 : i32
    scf.if %cond3A_115 {
      "tpu.region"() ({
        %run_scoped3A = tpu.sem_alloc : memref<!tpu.dma_semaphore, #tpu.memory_space<semaphore_mem>>
        %dma_start3A_116 = arith.constant 9984 : i32
        %dma_start3A_117 = arith.constant 0 : i32
        %dma_start3A_118 = tpu.memref_slice %arg6[%arg0, %dma_start3A_116, %dma_start3A_117] : memref<2x10000x64xbf16, #tpu.memory_space<hbm>> -> memref<1x16x64xbf16, #tpu.memory_space<hbm>>
        %dma_start3A_119 = tpu.memref_squeeze %dma_start3A_118 : memref<1x16x64xbf16, #tpu.memory_space<hbm>> -> memref<16x64xbf16, #tpu.memory_space<hbm>>
        %dma_start3A_120 = arith.constant 9984 : i32
        %dma_start3A_121 = arith.constant 0 : i32
        %dma_start3A_122 = tpu.memref_slice %arg14[%dma_start3A_120, %dma_start3A_121] : memref<10000x64xbf16, #tpu.memory_space<vmem_shared>> -> memref<16x64xbf16, #tpu.memory_space<vmem_shared>>
        tpu.enqueue_dma source(%dma_start3A_122 : memref<16x64xbf16, #tpu.memory_space<vmem_shared>>) target(%dma_start3A_119 : memref<16x64xbf16, #tpu.memory_space<hbm>>) target_semaphore(%run_scoped3A : memref<!tpu.dma_semaphore, #tpu.memory_space<semaphore_mem>>)
        %dma_wait3A_123 = arith.constant 9984 : i32
        %dma_wait3A_124 = arith.constant 0 : i32
        %dma_wait3A_125 = tpu.memref_slice %arg6[%arg0, %dma_wait3A_123, %dma_wait3A_124] : memref<2x10000x64xbf16, #tpu.memory_space<hbm>> -> memref<1x16x64xbf16, #tpu.memory_space<hbm>>
        %dma_wait3A_126 = tpu.memref_squeeze %dma_wait3A_125 : memref<1x16x64xbf16, #tpu.memory_space<hbm>> -> memref<16x64xbf16, #tpu.memory_space<hbm>>
        %dma_wait3A_127 = arith.constant 9984 : i32
        %dma_wait3A_128 = arith.constant 0 : i32
        %dma_wait3A_129 = tpu.memref_slice %arg14[%dma_wait3A_127, %dma_wait3A_128] : memref<10000x64xbf16, #tpu.memory_space<vmem_shared>> -> memref<16x64xbf16, #tpu.memory_space<vmem_shared>>
        tpu.wait_dma2 semaphore(%run_scoped3A : memref<!tpu.dma_semaphore, #tpu.memory_space<semaphore_mem>>) src(%dma_wait3A_129 : memref<16x64xbf16, #tpu.memory_space<vmem_shared>>) dst(%dma_wait3A_126 : memref<16x64xbf16, #tpu.memory_space<hbm>>)
        tpu.yield
      }) : () -> ()
    } else {
    }
    return
  }
}

#map = affine_map<(d0, d1) -> (0, 0)>
#map1 = affine_map<(d0, d1) -> (0, 0, 0)>
module attributes {stable_mosaic.version = 14 : i64} {
  func.func @prop(%arg0: i32, %arg1: i32, %arg2: memref<10000x64xbf16, #tpu.memory_space<hbm>>, %arg3: memref<32x125x80xi32, #tpu.memory_space<hbm>>, %arg4: memref<32x125x80xi32, #tpu.memory_space<hbm>>, %arg5: memref<10000x64xbf16, #tpu.memory_space<hbm>>, %arg6: memref<2x10000x64xbf16, #tpu.memory_space<hbm>>, %arg7: memref<125x80xi32, #tpu.memory_space<vmem>>, %arg8: memref<125x80xi32, #tpu.memory_space<vmem>>, %arg9: memref<80x64xbf16, #tpu.memory_space<vmem>>, %arg10: memref<80x64xbf16, #tpu.memory_space<vmem>>, %arg11: memref<80x64xbf16, #tpu.memory_space<vmem>>, %arg12: memref<80x64xbf16, #tpu.memory_space<vmem>>, %arg13: memref<80x64xbf16, #tpu.memory_space<vmem>>, %arg14: memref<10000x64xbf16, #tpu.memory_space<vmem_shared>>, %arg15: memref<!tpu.dma_semaphore, #tpu.memory_space<semaphore_mem>>, %arg16: memref<!tpu.dma_semaphore, #tpu.memory_space<semaphore_mem>>, %arg17: memref<!tpu.dma_semaphore, #tpu.memory_space<semaphore_mem>>, %arg18: memref<!tpu.dma_semaphore, #tpu.memory_space<semaphore_mem>>, %arg19: memref<!tpu.dma_semaphore, #tpu.memory_space<semaphore_mem>>, %arg20: memref<!tpu.dma_semaphore, #tpu.memory_space<semaphore_mem>>, %arg21: memref<!tpu.dma_semaphore, #tpu.memory_space<semaphore_mem>>) attributes {dimension_semantics = [#tpu.dimension_semantics<core_parallel>, #tpu.dimension_semantics<subcore_parallel>], iteration_bounds = array<i64: 2, 16>, scalar_prefetch = 0 : i64, scratch_operands = 15 : i64, tpu.core_type = #tpu.core_type<sc_vector_subcore>, window_params = [{transform_indices = #map}, {transform_indices = #map1}, {transform_indices = #map1}, {transform_indices = #map}, {transform_indices = #map1}]} {
    %mul3A = arith.constant 2 : i32
    %mul3A_0 = arith.muli %arg1, %mul3A : i32
    %add3A = arith.addi %mul3A_0, %arg0 : i32
    %mul3A_1 = arith.constant 624 : i32
    %mul3A_2 = arith.muli %arg1, %mul3A_1 : i32
    %mul3A_3 = arith.constant 624 : i32
    %mul3A_4 = arith.muli %arg1, %mul3A_3 : i32
    %dma_start3A = arith.constant 0 : i32
    %dma_start3A_5 = tpu.memref_slice %arg14[%mul3A_4, %dma_start3A] : memref<10000x64xbf16, #tpu.memory_space<vmem_shared>> -> memref<624x64xbf16, #tpu.memory_space<vmem_shared>>
    %dma_start3A_6 = arith.constant 0 : i32
    %dma_start3A_7 = tpu.memref_slice %arg5[%mul3A_2, %dma_start3A_6] : memref<10000x64xbf16, #tpu.memory_space<hbm>> -> memref<624x64xbf16, #tpu.memory_space<hbm>>
    tpu.enqueue_dma source(%dma_start3A_7 : memref<624x64xbf16, #tpu.memory_space<hbm>>) target(%dma_start3A_5 : memref<624x64xbf16, #tpu.memory_space<vmem_shared>>) target_semaphore(%arg20 : memref<!tpu.dma_semaphore, #tpu.memory_space<semaphore_mem>>)
    %eq3A = arith.constant 15 : i32
    %eq3A_8 = arith.cmpi eq, %arg1, %eq3A : i32
    %convert_element_type3A = arith.extui %eq3A_8 : i1 to i32
    %cond3A = arith.constant 0 : i32
    %cond3A_9 = arith.cmpi ne, %convert_element_type3A, %cond3A : i32
    scf.if %cond3A_9 {
      "tpu.region"() ({
        %run_scoped3A = tpu.sem_alloc : memref<!tpu.dma_semaphore, #tpu.memory_space<semaphore_mem>>
        %dma_start3A_116 = arith.constant 9984 : i32
        %dma_start3A_117 = arith.constant 0 : i32
        %dma_start3A_118 = tpu.memref_slice %arg14[%dma_start3A_116, %dma_start3A_117] : memref<10000x64xbf16, #tpu.memory_space<vmem_shared>> -> memref<16x64xbf16, #tpu.memory_space<vmem_shared>>
        %dma_start3A_119 = arith.constant 9984 : i32
        %dma_start3A_120 = arith.constant 0 : i32
        %dma_start3A_121 = tpu.memref_slice %arg5[%dma_start3A_119, %dma_start3A_120] : memref<10000x64xbf16, #tpu.memory_space<hbm>> -> memref<16x64xbf16, #tpu.memory_space<hbm>>
        tpu.enqueue_dma source(%dma_start3A_121 : memref<16x64xbf16, #tpu.memory_space<hbm>>) target(%dma_start3A_118 : memref<16x64xbf16, #tpu.memory_space<vmem_shared>>) target_semaphore(%run_scoped3A : memref<!tpu.dma_semaphore, #tpu.memory_space<semaphore_mem>>)
        %dma_wait3A_122 = arith.constant 9984 : i32
        %dma_wait3A_123 = arith.constant 0 : i32
        %dma_wait3A_124 = tpu.memref_slice %arg14[%dma_wait3A_122, %dma_wait3A_123] : memref<10000x64xbf16, #tpu.memory_space<vmem_shared>> -> memref<16x64xbf16, #tpu.memory_space<vmem_shared>>
        %dma_wait3A_125 = arith.constant 9984 : i32
        %dma_wait3A_126 = arith.constant 0 : i32
        %dma_wait3A_127 = tpu.memref_slice %arg5[%dma_wait3A_125, %dma_wait3A_126] : memref<10000x64xbf16, #tpu.memory_space<hbm>> -> memref<16x64xbf16, #tpu.memory_space<hbm>>
        tpu.wait_dma2 semaphore(%run_scoped3A : memref<!tpu.dma_semaphore, #tpu.memory_space<semaphore_mem>>) src(%dma_wait3A_127 : memref<16x64xbf16, #tpu.memory_space<hbm>>) dst(%dma_wait3A_124 : memref<16x64xbf16, #tpu.memory_space<vmem_shared>>)
        tpu.yield
      }) : () -> ()
    } else {
    }
    %dma_start3A_10 = arith.constant 0 : i32
    %dma_start3A_11 = arith.constant 0 : i32
    %dma_start3A_12 = tpu.memref_slice %arg3[%add3A, %dma_start3A_10, %dma_start3A_11] : memref<32x125x80xi32, #tpu.memory_space<hbm>> -> memref<1x125x80xi32, #tpu.memory_space<hbm>>
    %dma_start3A_13 = tpu.memref_squeeze %dma_start3A_12 : memref<1x125x80xi32, #tpu.memory_space<hbm>> -> memref<125x80xi32, #tpu.memory_space<hbm>>
    %dma_start3A_14 = arith.constant 0 : i32
    %dma_start3A_15 = arith.constant 0 : i32
    %dma_start3A_16 = tpu.memref_slice %arg3[%add3A, %dma_start3A_14, %dma_start3A_15] : memref<32x125x80xi32, #tpu.memory_space<hbm>> -> memref<1x125x80xi32, #tpu.memory_space<hbm>>
    %dma_start3A_17 = tpu.memref_squeeze %dma_start3A_16 : memref<1x125x80xi32, #tpu.memory_space<hbm>> -> memref<125x80xi32, #tpu.memory_space<hbm>>
    tpu.enqueue_dma source(%dma_start3A_17 : memref<125x80xi32, #tpu.memory_space<hbm>>) target(%arg7 : memref<125x80xi32, #tpu.memory_space<vmem>>) target_semaphore(%arg21 : memref<!tpu.dma_semaphore, #tpu.memory_space<semaphore_mem>>)
    %dma_start3A_18 = arith.constant 0 : i32
    %dma_start3A_19 = arith.constant 0 : i32
    %dma_start3A_20 = tpu.memref_slice %arg4[%add3A, %dma_start3A_18, %dma_start3A_19] : memref<32x125x80xi32, #tpu.memory_space<hbm>> -> memref<1x125x80xi32, #tpu.memory_space<hbm>>
    %dma_start3A_21 = tpu.memref_squeeze %dma_start3A_20 : memref<1x125x80xi32, #tpu.memory_space<hbm>> -> memref<125x80xi32, #tpu.memory_space<hbm>>
    %dma_start3A_22 = arith.constant 0 : i32
    %dma_start3A_23 = arith.constant 0 : i32
    %dma_start3A_24 = tpu.memref_slice %arg4[%add3A, %dma_start3A_22, %dma_start3A_23] : memref<32x125x80xi32, #tpu.memory_space<hbm>> -> memref<1x125x80xi32, #tpu.memory_space<hbm>>
    %dma_start3A_25 = tpu.memref_squeeze %dma_start3A_24 : memref<1x125x80xi32, #tpu.memory_space<hbm>> -> memref<125x80xi32, #tpu.memory_space<hbm>>
    tpu.enqueue_dma source(%dma_start3A_25 : memref<125x80xi32, #tpu.memory_space<hbm>>) target(%arg8 : memref<125x80xi32, #tpu.memory_space<vmem>>) target_semaphore(%arg21 : memref<!tpu.dma_semaphore, #tpu.memory_space<semaphore_mem>>)
    %dma_wait3A = arith.constant 0 : i32
    %dma_wait3A_26 = arith.constant 0 : i32
    %dma_wait3A_27 = tpu.memref_slice %arg3[%add3A, %dma_wait3A, %dma_wait3A_26] : memref<32x125x80xi32, #tpu.memory_space<hbm>> -> memref<1x125x80xi32, #tpu.memory_space<hbm>>
    %dma_wait3A_28 = tpu.memref_squeeze %dma_wait3A_27 : memref<1x125x80xi32, #tpu.memory_space<hbm>> -> memref<125x80xi32, #tpu.memory_space<hbm>>
    %dma_wait3A_29 = arith.constant 0 : i32
    %dma_wait3A_30 = arith.constant 0 : i32
    %dma_wait3A_31 = tpu.memref_slice %arg3[%add3A, %dma_wait3A_29, %dma_wait3A_30] : memref<32x125x80xi32, #tpu.memory_space<hbm>> -> memref<1x125x80xi32, #tpu.memory_space<hbm>>
    %dma_wait3A_32 = tpu.memref_squeeze %dma_wait3A_31 : memref<1x125x80xi32, #tpu.memory_space<hbm>> -> memref<125x80xi32, #tpu.memory_space<hbm>>
    tpu.wait_dma2 semaphore(%arg21 : memref<!tpu.dma_semaphore, #tpu.memory_space<semaphore_mem>>) src(%dma_wait3A_32 : memref<125x80xi32, #tpu.memory_space<hbm>>) dst(%arg7 : memref<125x80xi32, #tpu.memory_space<vmem>>)
    %dma_wait3A_33 = arith.constant 0 : i32
    %dma_wait3A_34 = arith.constant 0 : i32
    %dma_wait3A_35 = tpu.memref_slice %arg4[%add3A, %dma_wait3A_33, %dma_wait3A_34] : memref<32x125x80xi32, #tpu.memory_space<hbm>> -> memref<1x125x80xi32, #tpu.memory_space<hbm>>
    %dma_wait3A_36 = tpu.memref_squeeze %dma_wait3A_35 : memref<1x125x80xi32, #tpu.memory_space<hbm>> -> memref<125x80xi32, #tpu.memory_space<hbm>>
    %dma_wait3A_37 = arith.constant 0 : i32
    %dma_wait3A_38 = arith.constant 0 : i32
    %dma_wait3A_39 = tpu.memref_slice %arg4[%add3A, %dma_wait3A_37, %dma_wait3A_38] : memref<32x125x80xi32, #tpu.memory_space<hbm>> -> memref<1x125x80xi32, #tpu.memory_space<hbm>>
    %dma_wait3A_40 = tpu.memref_squeeze %dma_wait3A_39 : memref<1x125x80xi32, #tpu.memory_space<hbm>> -> memref<125x80xi32, #tpu.memory_space<hbm>>
    tpu.wait_dma2 semaphore(%arg21 : memref<!tpu.dma_semaphore, #tpu.memory_space<semaphore_mem>>) src(%dma_wait3A_40 : memref<125x80xi32, #tpu.memory_space<hbm>>) dst(%arg8 : memref<125x80xi32, #tpu.memory_space<vmem>>)
    %dma_start3A_41 = arith.constant 0 : i32
    %dma_start3A_42 = arith.constant 0 : i32
    %dma_start3A_43 = tpu.memref_slice %arg7[%dma_start3A_41, %dma_start3A_42] : memref<125x80xi32, #tpu.memory_space<vmem>> -> memref<1x80xi32, #tpu.memory_space<vmem>>
    %dma_start3A_44 = tpu.memref_squeeze %dma_start3A_43 : memref<1x80xi32, #tpu.memory_space<vmem>> -> memref<80xi32, #tpu.memory_space<vmem>>
    %dma_start3A_45 = arith.constant 0 : i32
    %dma_start3A_46 = arith.constant 0 : i32
    %dma_start3A_47 = tpu.memref_slice %arg2[%dma_start3A_45, %dma_start3A_46] : memref<10000x64xbf16, #tpu.memory_space<hbm>> -> memref<10000x64xbf16, #tpu.memory_space<hbm>>
    tpu.enqueue_indirect_dma source(%dma_start3A_47 : memref<10000x64xbf16, #tpu.memory_space<hbm>>) target(%arg9 : memref<80x64xbf16, #tpu.memory_space<vmem>>) offsets(%dma_start3A_44 : memref<80xi32, #tpu.memory_space<vmem>>) semaphore(%arg15 : memref<!tpu.dma_semaphore, #tpu.memory_space<semaphore_mem>>)
    %dma_start3A_48 = arith.constant 1 : i32
    %dma_start3A_49 = arith.constant 0 : i32
    %dma_start3A_50 = tpu.memref_slice %arg7[%dma_start3A_48, %dma_start3A_49] : memref<125x80xi32, #tpu.memory_space<vmem>> -> memref<1x80xi32, #tpu.memory_space<vmem>>
    %dma_start3A_51 = tpu.memref_squeeze %dma_start3A_50 : memref<1x80xi32, #tpu.memory_space<vmem>> -> memref<80xi32, #tpu.memory_space<vmem>>
    %dma_start3A_52 = arith.constant 0 : i32
    %dma_start3A_53 = arith.constant 0 : i32
    %dma_start3A_54 = tpu.memref_slice %arg2[%dma_start3A_52, %dma_start3A_53] : memref<10000x64xbf16, #tpu.memory_space<hbm>> -> memref<10000x64xbf16, #tpu.memory_space<hbm>>
    tpu.enqueue_indirect_dma source(%dma_start3A_54 : memref<10000x64xbf16, #tpu.memory_space<hbm>>) target(%arg10 : memref<80x64xbf16, #tpu.memory_space<vmem>>) offsets(%dma_start3A_51 : memref<80xi32, #tpu.memory_space<vmem>>) semaphore(%arg16 : memref<!tpu.dma_semaphore, #tpu.memory_space<semaphore_mem>>)
    %dma_start3A_55 = arith.constant 2 : i32
    %dma_start3A_56 = arith.constant 0 : i32
    %dma_start3A_57 = tpu.memref_slice %arg7[%dma_start3A_55, %dma_start3A_56] : memref<125x80xi32, #tpu.memory_space<vmem>> -> memref<1x80xi32, #tpu.memory_space<vmem>>
    %dma_start3A_58 = tpu.memref_squeeze %dma_start3A_57 : memref<1x80xi32, #tpu.memory_space<vmem>> -> memref<80xi32, #tpu.memory_space<vmem>>
    %dma_start3A_59 = arith.constant 0 : i32
    %dma_start3A_60 = arith.constant 0 : i32
    %dma_start3A_61 = tpu.memref_slice %arg2[%dma_start3A_59, %dma_start3A_60] : memref<10000x64xbf16, #tpu.memory_space<hbm>> -> memref<10000x64xbf16, #tpu.memory_space<hbm>>
    tpu.enqueue_indirect_dma source(%dma_start3A_61 : memref<10000x64xbf16, #tpu.memory_space<hbm>>) target(%arg11 : memref<80x64xbf16, #tpu.memory_space<vmem>>) offsets(%dma_start3A_58 : memref<80xi32, #tpu.memory_space<vmem>>) semaphore(%arg17 : memref<!tpu.dma_semaphore, #tpu.memory_space<semaphore_mem>>)
    %dma_start3A_62 = arith.constant 3 : i32
    %dma_start3A_63 = arith.constant 0 : i32
    %dma_start3A_64 = tpu.memref_slice %arg7[%dma_start3A_62, %dma_start3A_63] : memref<125x80xi32, #tpu.memory_space<vmem>> -> memref<1x80xi32, #tpu.memory_space<vmem>>
    %dma_start3A_65 = tpu.memref_squeeze %dma_start3A_64 : memref<1x80xi32, #tpu.memory_space<vmem>> -> memref<80xi32, #tpu.memory_space<vmem>>
    %dma_start3A_66 = arith.constant 0 : i32
    %dma_start3A_67 = arith.constant 0 : i32
    %dma_start3A_68 = tpu.memref_slice %arg2[%dma_start3A_66, %dma_start3A_67] : memref<10000x64xbf16, #tpu.memory_space<hbm>> -> memref<10000x64xbf16, #tpu.memory_space<hbm>>
    tpu.enqueue_indirect_dma source(%dma_start3A_68 : memref<10000x64xbf16, #tpu.memory_space<hbm>>) target(%arg12 : memref<80x64xbf16, #tpu.memory_space<vmem>>) offsets(%dma_start3A_65 : memref<80xi32, #tpu.memory_space<vmem>>) semaphore(%arg18 : memref<!tpu.dma_semaphore, #tpu.memory_space<semaphore_mem>>)
    %dma_wait3A_69 = arith.constant 0 : i32
    %dma_wait3A_70 = tpu.memref_slice %arg14[%mul3A_4, %dma_wait3A_69] : memref<10000x64xbf16, #tpu.memory_space<vmem_shared>> -> memref<624x64xbf16, #tpu.memory_space<vmem_shared>>
    %dma_wait3A_71 = arith.constant 0 : i32
    %dma_wait3A_72 = tpu.memref_slice %arg5[%mul3A_2, %dma_wait3A_71] : memref<10000x64xbf16, #tpu.memory_space<hbm>> -> memref<624x64xbf16, #tpu.memory_space<hbm>>
    tpu.wait_dma2 semaphore(%arg20 : memref<!tpu.dma_semaphore, #tpu.memory_space<semaphore_mem>>) src(%dma_wait3A_72 : memref<624x64xbf16, #tpu.memory_space<hbm>>) dst(%dma_wait3A_70 : memref<624x64xbf16, #tpu.memory_space<vmem_shared>>)
    %barrier3A = arith.constant 0 : index
    tpu.barrier barrier_id(%barrier3A)
    %scan3A = arith.constant 0 : i32
    %scan3A_73 = arith.constant 0 : i32
    %scan3A_74 = arith.constant 25 : i32
    %scan3A_75 = arith.addi %scan3A_73, %scan3A_74 : i32
    %scan3A_76 = arith.constant 1 : i32
    scf.for %scan3A_116 = %scan3A_73 to %scan3A_75 step %scan3A_76  : i32 {
      %mul3A_117 = arith.constant 5 : i32
      %mul3A_118 = arith.muli %scan3A_116, %mul3A_117 : i32
      %add3A_119 = arith.constant 0 : i32
      %add3A_120 = arith.addi %mul3A_118, %add3A_119 : i32
      %add3A_121 = arith.constant 5 : i32
      %add3A_122 = arith.addi %add3A_120, %add3A_121 : i32
      %sub3A = arith.constant 1 : i32
      %sub3A_123 = arith.subi %add3A_122, %sub3A : i32
      %min3A = arith.constant 124 : i32
      %min3A_124 = arith.minsi %sub3A_123, %min3A : i32
      %dma_start3A_125 = arith.constant 0 : i32
      %dma_start3A_126 = tpu.memref_slice %arg7[%min3A_124, %dma_start3A_125] : memref<125x80xi32, #tpu.memory_space<vmem>> -> memref<1x80xi32, #tpu.memory_space<vmem>>
      %dma_start3A_127 = tpu.memref_squeeze %dma_start3A_126 : memref<1x80xi32, #tpu.memory_space<vmem>> -> memref<80xi32, #tpu.memory_space<vmem>>
      %dma_start3A_128 = arith.constant 0 : i32
      %dma_start3A_129 = arith.constant 0 : i32
      %dma_start3A_130 = tpu.memref_slice %arg2[%dma_start3A_128, %dma_start3A_129] : memref<10000x64xbf16, #tpu.memory_space<hbm>> -> memref<10000x64xbf16, #tpu.memory_space<hbm>>
      tpu.enqueue_indirect_dma source(%dma_start3A_130 : memref<10000x64xbf16, #tpu.memory_space<hbm>>) target(%arg13 : memref<80x64xbf16, #tpu.memory_space<vmem>>) offsets(%dma_start3A_127 : memref<80xi32, #tpu.memory_space<vmem>>) semaphore(%arg19 : memref<!tpu.dma_semaphore, #tpu.memory_space<semaphore_mem>>)
      %dma_wait3A_131 = arith.constant 0 : i32
      %dma_wait3A_132 = arith.constant 0 : i32
      %dma_wait3A_133 = tpu.memref_slice %arg7[%dma_wait3A_131, %dma_wait3A_132] : memref<125x80xi32, #tpu.memory_space<vmem>> -> memref<1x80xi32, #tpu.memory_space<vmem>>
      %dma_wait3A_134 = tpu.memref_squeeze %dma_wait3A_133 : memref<1x80xi32, #tpu.memory_space<vmem>> -> memref<80xi32, #tpu.memory_space<vmem>>
      %dma_wait3A_135 = arith.constant 0 : i32
      %dma_wait3A_136 = arith.constant 0 : i32
      %dma_wait3A_137 = tpu.memref_slice %arg2[%dma_wait3A_135, %dma_wait3A_136] : memref<10000x64xbf16, #tpu.memory_space<hbm>> -> memref<10000x64xbf16, #tpu.memory_space<hbm>>
      tpu.wait_indirect_dma semaphore(%arg15 : memref<!tpu.dma_semaphore, #tpu.memory_space<semaphore_mem>>) src(%dma_wait3A_137 : memref<10000x64xbf16, #tpu.memory_space<hbm>>) dst(%arg9 : memref<80x64xbf16, #tpu.memory_space<vmem>>)
      "tpu.region"() ({
        %run_scoped3A = tpu.sem_alloc : memref<!tpu.dma_semaphore, #tpu.memory_space<semaphore_mem>>
        %dma_start3A_222 = arith.constant 0 : i32
        %dma_start3A_223 = tpu.memref_slice %arg8[%add3A_120, %dma_start3A_222] : memref<125x80xi32, #tpu.memory_space<vmem>> -> memref<1x80xi32, #tpu.memory_space<vmem>>
        %dma_start3A_224 = tpu.memref_squeeze %dma_start3A_223 : memref<1x80xi32, #tpu.memory_space<vmem>> -> memref<80xi32, #tpu.memory_space<vmem>>
        %dma_start3A_225 = arith.constant 0 : i32
        %dma_start3A_226 = arith.constant 0 : i32
        %dma_start3A_227 = tpu.memref_slice %arg14[%dma_start3A_225, %dma_start3A_226] : memref<10000x64xbf16, #tpu.memory_space<vmem_shared>> -> memref<10000x64xbf16, #tpu.memory_space<vmem_shared>>
        tpu.enqueue_indirect_dma source(%arg9 : memref<80x64xbf16, #tpu.memory_space<vmem>>) target(%dma_start3A_227 : memref<10000x64xbf16, #tpu.memory_space<vmem_shared>>) offsets(%dma_start3A_224 : memref<80xi32, #tpu.memory_space<vmem>>) semaphore(%run_scoped3A : memref<!tpu.dma_semaphore, #tpu.memory_space<semaphore_mem>>) {add = true}
        %dma_wait3A_228 = arith.constant 0 : i32
        %dma_wait3A_229 = tpu.memref_slice %arg8[%add3A_120, %dma_wait3A_228] : memref<125x80xi32, #tpu.memory_space<vmem>> -> memref<1x80xi32, #tpu.memory_space<vmem>>
        %dma_wait3A_230 = tpu.memref_squeeze %dma_wait3A_229 : memref<1x80xi32, #tpu.memory_space<vmem>> -> memref<80xi32, #tpu.memory_space<vmem>>
        %dma_wait3A_231 = arith.constant 0 : i32
        %dma_wait3A_232 = arith.constant 0 : i32
        %dma_wait3A_233 = tpu.memref_slice %arg14[%dma_wait3A_231, %dma_wait3A_232] : memref<10000x64xbf16, #tpu.memory_space<vmem_shared>> -> memref<10000x64xbf16, #tpu.memory_space<vmem_shared>>
        tpu.wait_indirect_dma semaphore(%run_scoped3A : memref<!tpu.dma_semaphore, #tpu.memory_space<semaphore_mem>>) src(%arg9 : memref<80x64xbf16, #tpu.memory_space<vmem>>) dst(%dma_wait3A_233 : memref<10000x64xbf16, #tpu.memory_space<vmem_shared>>)
        tpu.yield
      }) : () -> ()
      %add3A_138 = arith.constant 1 : i32
      %add3A_139 = arith.addi %mul3A_118, %add3A_138 : i32
      %add3A_140 = arith.constant 5 : i32
      %add3A_141 = arith.addi %add3A_139, %add3A_140 : i32
      %sub3A_142 = arith.constant 1 : i32
      %sub3A_143 = arith.subi %add3A_141, %sub3A_142 : i32
      %min3A_144 = arith.constant 124 : i32
      %min3A_145 = arith.minsi %sub3A_143, %min3A_144 : i32
      %dma_start3A_146 = arith.constant 0 : i32
      %dma_start3A_147 = tpu.memref_slice %arg7[%min3A_145, %dma_start3A_146] : memref<125x80xi32, #tpu.memory_space<vmem>> -> memref<1x80xi32, #tpu.memory_space<vmem>>
      %dma_start3A_148 = tpu.memref_squeeze %dma_start3A_147 : memref<1x80xi32, #tpu.memory_space<vmem>> -> memref<80xi32, #tpu.memory_space<vmem>>
      %dma_start3A_149 = arith.constant 0 : i32
      %dma_start3A_150 = arith.constant 0 : i32
      %dma_start3A_151 = tpu.memref_slice %arg2[%dma_start3A_149, %dma_start3A_150] : memref<10000x64xbf16, #tpu.memory_space<hbm>> -> memref<10000x64xbf16, #tpu.memory_space<hbm>>
      tpu.enqueue_indirect_dma source(%dma_start3A_151 : memref<10000x64xbf16, #tpu.memory_space<hbm>>) target(%arg9 : memref<80x64xbf16, #tpu.memory_space<vmem>>) offsets(%dma_start3A_148 : memref<80xi32, #tpu.memory_space<vmem>>) semaphore(%arg15 : memref<!tpu.dma_semaphore, #tpu.memory_space<semaphore_mem>>)
      %dma_wait3A_152 = arith.constant 0 : i32
      %dma_wait3A_153 = arith.constant 0 : i32
      %dma_wait3A_154 = tpu.memref_slice %arg7[%dma_wait3A_152, %dma_wait3A_153] : memref<125x80xi32, #tpu.memory_space<vmem>> -> memref<1x80xi32, #tpu.memory_space<vmem>>
      %dma_wait3A_155 = tpu.memref_squeeze %dma_wait3A_154 : memref<1x80xi32, #tpu.memory_space<vmem>> -> memref<80xi32, #tpu.memory_space<vmem>>
      %dma_wait3A_156 = arith.constant 0 : i32
      %dma_wait3A_157 = arith.constant 0 : i32
      %dma_wait3A_158 = tpu.memref_slice %arg2[%dma_wait3A_156, %dma_wait3A_157] : memref<10000x64xbf16, #tpu.memory_space<hbm>> -> memref<10000x64xbf16, #tpu.memory_space<hbm>>
      tpu.wait_indirect_dma semaphore(%arg16 : memref<!tpu.dma_semaphore, #tpu.memory_space<semaphore_mem>>) src(%dma_wait3A_158 : memref<10000x64xbf16, #tpu.memory_space<hbm>>) dst(%arg10 : memref<80x64xbf16, #tpu.memory_space<vmem>>)
      "tpu.region"() ({
        %run_scoped3A = tpu.sem_alloc : memref<!tpu.dma_semaphore, #tpu.memory_space<semaphore_mem>>
        %dma_start3A_222 = arith.constant 0 : i32
        %dma_start3A_223 = tpu.memref_slice %arg8[%add3A_139, %dma_start3A_222] : memref<125x80xi32, #tpu.memory_space<vmem>> -> memref<1x80xi32, #tpu.memory_space<vmem>>
        %dma_start3A_224 = tpu.memref_squeeze %dma_start3A_223 : memref<1x80xi32, #tpu.memory_space<vmem>> -> memref<80xi32, #tpu.memory_space<vmem>>
        %dma_start3A_225 = arith.constant 0 : i32
        %dma_start3A_226 = arith.constant 0 : i32
        %dma_start3A_227 = tpu.memref_slice %arg14[%dma_start3A_225, %dma_start3A_226] : memref<10000x64xbf16, #tpu.memory_space<vmem_shared>> -> memref<10000x64xbf16, #tpu.memory_space<vmem_shared>>
        tpu.enqueue_indirect_dma source(%arg10 : memref<80x64xbf16, #tpu.memory_space<vmem>>) target(%dma_start3A_227 : memref<10000x64xbf16, #tpu.memory_space<vmem_shared>>) offsets(%dma_start3A_224 : memref<80xi32, #tpu.memory_space<vmem>>) semaphore(%run_scoped3A : memref<!tpu.dma_semaphore, #tpu.memory_space<semaphore_mem>>) {add = true}
        %dma_wait3A_228 = arith.constant 0 : i32
        %dma_wait3A_229 = tpu.memref_slice %arg8[%add3A_139, %dma_wait3A_228] : memref<125x80xi32, #tpu.memory_space<vmem>> -> memref<1x80xi32, #tpu.memory_space<vmem>>
        %dma_wait3A_230 = tpu.memref_squeeze %dma_wait3A_229 : memref<1x80xi32, #tpu.memory_space<vmem>> -> memref<80xi32, #tpu.memory_space<vmem>>
        %dma_wait3A_231 = arith.constant 0 : i32
        %dma_wait3A_232 = arith.constant 0 : i32
        %dma_wait3A_233 = tpu.memref_slice %arg14[%dma_wait3A_231, %dma_wait3A_232] : memref<10000x64xbf16, #tpu.memory_space<vmem_shared>> -> memref<10000x64xbf16, #tpu.memory_space<vmem_shared>>
        tpu.wait_indirect_dma semaphore(%run_scoped3A : memref<!tpu.dma_semaphore, #tpu.memory_space<semaphore_mem>>) src(%arg10 : memref<80x64xbf16, #tpu.memory_space<vmem>>) dst(%dma_wait3A_233 : memref<10000x64xbf16, #tpu.memory_space<vmem_shared>>)
        tpu.yield
      }) : () -> ()
      %add3A_159 = arith.constant 2 : i32
      %add3A_160 = arith.addi %mul3A_118, %add3A_159 : i32
      %add3A_161 = arith.constant 5 : i32
      %add3A_162 = arith.addi %add3A_160, %add3A_161 : i32
      %sub3A_163 = arith.constant 1 : i32
      %sub3A_164 = arith.subi %add3A_162, %sub3A_163 : i32
      %min3A_165 = arith.constant 124 : i32
      %min3A_166 = arith.minsi %sub3A_164, %min3A_165 : i32
      %dma_start3A_167 = arith.constant 0 : i32
      %dma_start3A_168 = tpu.memref_slice %arg7[%min3A_166, %dma_start3A_167] : memref<125x80xi32, #tpu.memory_space<vmem>> -> memref<1x80xi32, #tpu.memory_space<vmem>>
      %dma_start3A_169 = tpu.memref_squeeze %dma_start3A_168 : memref<1x80xi32, #tpu.memory_space<vmem>> -> memref<80xi32, #tpu.memory_space<vmem>>
      %dma_start3A_170 = arith.constant 0 : i32
      %dma_start3A_171 = arith.constant 0 : i32
      %dma_start3A_172 = tpu.memref_slice %arg2[%dma_start3A_170, %dma_start3A_171] : memref<10000x64xbf16, #tpu.memory_space<hbm>> -> memref<10000x64xbf16, #tpu.memory_space<hbm>>
      tpu.enqueue_indirect_dma source(%dma_start3A_172 : memref<10000x64xbf16, #tpu.memory_space<hbm>>) target(%arg10 : memref<80x64xbf16, #tpu.memory_space<vmem>>) offsets(%dma_start3A_169 : memref<80xi32, #tpu.memory_space<vmem>>) semaphore(%arg16 : memref<!tpu.dma_semaphore, #tpu.memory_space<semaphore_mem>>)
      %dma_wait3A_173 = arith.constant 0 : i32
      %dma_wait3A_174 = arith.constant 0 : i32
      %dma_wait3A_175 = tpu.memref_slice %arg7[%dma_wait3A_173, %dma_wait3A_174] : memref<125x80xi32, #tpu.memory_space<vmem>> -> memref<1x80xi32, #tpu.memory_space<vmem>>
      %dma_wait3A_176 = tpu.memref_squeeze %dma_wait3A_175 : memref<1x80xi32, #tpu.memory_space<vmem>> -> memref<80xi32, #tpu.memory_space<vmem>>
      %dma_wait3A_177 = arith.constant 0 : i32
      %dma_wait3A_178 = arith.constant 0 : i32
      %dma_wait3A_179 = tpu.memref_slice %arg2[%dma_wait3A_177, %dma_wait3A_178] : memref<10000x64xbf16, #tpu.memory_space<hbm>> -> memref<10000x64xbf16, #tpu.memory_space<hbm>>
      tpu.wait_indirect_dma semaphore(%arg17 : memref<!tpu.dma_semaphore, #tpu.memory_space<semaphore_mem>>) src(%dma_wait3A_179 : memref<10000x64xbf16, #tpu.memory_space<hbm>>) dst(%arg11 : memref<80x64xbf16, #tpu.memory_space<vmem>>)
      "tpu.region"() ({
        %run_scoped3A = tpu.sem_alloc : memref<!tpu.dma_semaphore, #tpu.memory_space<semaphore_mem>>
        %dma_start3A_222 = arith.constant 0 : i32
        %dma_start3A_223 = tpu.memref_slice %arg8[%add3A_160, %dma_start3A_222] : memref<125x80xi32, #tpu.memory_space<vmem>> -> memref<1x80xi32, #tpu.memory_space<vmem>>
        %dma_start3A_224 = tpu.memref_squeeze %dma_start3A_223 : memref<1x80xi32, #tpu.memory_space<vmem>> -> memref<80xi32, #tpu.memory_space<vmem>>
        %dma_start3A_225 = arith.constant 0 : i32
        %dma_start3A_226 = arith.constant 0 : i32
        %dma_start3A_227 = tpu.memref_slice %arg14[%dma_start3A_225, %dma_start3A_226] : memref<10000x64xbf16, #tpu.memory_space<vmem_shared>> -> memref<10000x64xbf16, #tpu.memory_space<vmem_shared>>
        tpu.enqueue_indirect_dma source(%arg11 : memref<80x64xbf16, #tpu.memory_space<vmem>>) target(%dma_start3A_227 : memref<10000x64xbf16, #tpu.memory_space<vmem_shared>>) offsets(%dma_start3A_224 : memref<80xi32, #tpu.memory_space<vmem>>) semaphore(%run_scoped3A : memref<!tpu.dma_semaphore, #tpu.memory_space<semaphore_mem>>) {add = true}
        %dma_wait3A_228 = arith.constant 0 : i32
        %dma_wait3A_229 = tpu.memref_slice %arg8[%add3A_160, %dma_wait3A_228] : memref<125x80xi32, #tpu.memory_space<vmem>> -> memref<1x80xi32, #tpu.memory_space<vmem>>
        %dma_wait3A_230 = tpu.memref_squeeze %dma_wait3A_229 : memref<1x80xi32, #tpu.memory_space<vmem>> -> memref<80xi32, #tpu.memory_space<vmem>>
        %dma_wait3A_231 = arith.constant 0 : i32
        %dma_wait3A_232 = arith.constant 0 : i32
        %dma_wait3A_233 = tpu.memref_slice %arg14[%dma_wait3A_231, %dma_wait3A_232] : memref<10000x64xbf16, #tpu.memory_space<vmem_shared>> -> memref<10000x64xbf16, #tpu.memory_space<vmem_shared>>
        tpu.wait_indirect_dma semaphore(%run_scoped3A : memref<!tpu.dma_semaphore, #tpu.memory_space<semaphore_mem>>) src(%arg11 : memref<80x64xbf16, #tpu.memory_space<vmem>>) dst(%dma_wait3A_233 : memref<10000x64xbf16, #tpu.memory_space<vmem_shared>>)
        tpu.yield
      }) : () -> ()
      %add3A_180 = arith.constant 3 : i32
      %add3A_181 = arith.addi %mul3A_118, %add3A_180 : i32
      %add3A_182 = arith.constant 5 : i32
      %add3A_183 = arith.addi %add3A_181, %add3A_182 : i32
      %sub3A_184 = arith.constant 1 : i32
      %sub3A_185 = arith.subi %add3A_183, %sub3A_184 : i32
      %min3A_186 = arith.constant 124 : i32
      %min3A_187 = arith.minsi %sub3A_185, %min3A_186 : i32
      %dma_start3A_188 = arith.constant 0 : i32
      %dma_start3A_189 = tpu.memref_slice %arg7[%min3A_187, %dma_start3A_188] : memref<125x80xi32, #tpu.memory_space<vmem>> -> memref<1x80xi32, #tpu.memory_space<vmem>>
      %dma_start3A_190 = tpu.memref_squeeze %dma_start3A_189 : memref<1x80xi32, #tpu.memory_space<vmem>> -> memref<80xi32, #tpu.memory_space<vmem>>
      %dma_start3A_191 = arith.constant 0 : i32
      %dma_start3A_192 = arith.constant 0 : i32
      %dma_start3A_193 = tpu.memref_slice %arg2[%dma_start3A_191, %dma_start3A_192] : memref<10000x64xbf16, #tpu.memory_space<hbm>> -> memref<10000x64xbf16, #tpu.memory_space<hbm>>
      tpu.enqueue_indirect_dma source(%dma_start3A_193 : memref<10000x64xbf16, #tpu.memory_space<hbm>>) target(%arg11 : memref<80x64xbf16, #tpu.memory_space<vmem>>) offsets(%dma_start3A_190 : memref<80xi32, #tpu.memory_space<vmem>>) semaphore(%arg17 : memref<!tpu.dma_semaphore, #tpu.memory_space<semaphore_mem>>)
      %dma_wait3A_194 = arith.constant 0 : i32
      %dma_wait3A_195 = arith.constant 0 : i32
      %dma_wait3A_196 = tpu.memref_slice %arg7[%dma_wait3A_194, %dma_wait3A_195] : memref<125x80xi32, #tpu.memory_space<vmem>> -> memref<1x80xi32, #tpu.memory_space<vmem>>
      %dma_wait3A_197 = tpu.memref_squeeze %dma_wait3A_196 : memref<1x80xi32, #tpu.memory_space<vmem>> -> memref<80xi32, #tpu.memory_space<vmem>>
      %dma_wait3A_198 = arith.constant 0 : i32
      %dma_wait3A_199 = arith.constant 0 : i32
      %dma_wait3A_200 = tpu.memref_slice %arg2[%dma_wait3A_198, %dma_wait3A_199] : memref<10000x64xbf16, #tpu.memory_space<hbm>> -> memref<10000x64xbf16, #tpu.memory_space<hbm>>
      tpu.wait_indirect_dma semaphore(%arg18 : memref<!tpu.dma_semaphore, #tpu.memory_space<semaphore_mem>>) src(%dma_wait3A_200 : memref<10000x64xbf16, #tpu.memory_space<hbm>>) dst(%arg12 : memref<80x64xbf16, #tpu.memory_space<vmem>>)
      "tpu.region"() ({
        %run_scoped3A = tpu.sem_alloc : memref<!tpu.dma_semaphore, #tpu.memory_space<semaphore_mem>>
        %dma_start3A_222 = arith.constant 0 : i32
        %dma_start3A_223 = tpu.memref_slice %arg8[%add3A_181, %dma_start3A_222] : memref<125x80xi32, #tpu.memory_space<vmem>> -> memref<1x80xi32, #tpu.memory_space<vmem>>
        %dma_start3A_224 = tpu.memref_squeeze %dma_start3A_223 : memref<1x80xi32, #tpu.memory_space<vmem>> -> memref<80xi32, #tpu.memory_space<vmem>>
        %dma_start3A_225 = arith.constant 0 : i32
        %dma_start3A_226 = arith.constant 0 : i32
        %dma_start3A_227 = tpu.memref_slice %arg14[%dma_start3A_225, %dma_start3A_226] : memref<10000x64xbf16, #tpu.memory_space<vmem_shared>> -> memref<10000x64xbf16, #tpu.memory_space<vmem_shared>>
        tpu.enqueue_indirect_dma source(%arg12 : memref<80x64xbf16, #tpu.memory_space<vmem>>) target(%dma_start3A_227 : memref<10000x64xbf16, #tpu.memory_space<vmem_shared>>) offsets(%dma_start3A_224 : memref<80xi32, #tpu.memory_space<vmem>>) semaphore(%run_scoped3A : memref<!tpu.dma_semaphore, #tpu.memory_space<semaphore_mem>>) {add = true}
        %dma_wait3A_228 = arith.constant 0 : i32
        %dma_wait3A_229 = tpu.memref_slice %arg8[%add3A_181, %dma_wait3A_228] : memref<125x80xi32, #tpu.memory_space<vmem>> -> memref<1x80xi32, #tpu.memory_space<vmem>>
        %dma_wait3A_230 = tpu.memref_squeeze %dma_wait3A_229 : memref<1x80xi32, #tpu.memory_space<vmem>> -> memref<80xi32, #tpu.memory_space<vmem>>
        %dma_wait3A_231 = arith.constant 0 : i32
        %dma_wait3A_232 = arith.constant 0 : i32
        %dma_wait3A_233 = tpu.memref_slice %arg14[%dma_wait3A_231, %dma_wait3A_232] : memref<10000x64xbf16, #tpu.memory_space<vmem_shared>> -> memref<10000x64xbf16, #tpu.memory_space<vmem_shared>>
        tpu.wait_indirect_dma semaphore(%run_scoped3A : memref<!tpu.dma_semaphore, #tpu.memory_space<semaphore_mem>>) src(%arg12 : memref<80x64xbf16, #tpu.memory_space<vmem>>) dst(%dma_wait3A_233 : memref<10000x64xbf16, #tpu.memory_space<vmem_shared>>)
        tpu.yield
      }) : () -> ()
      %add3A_201 = arith.constant 4 : i32
      %add3A_202 = arith.addi %mul3A_118, %add3A_201 : i32
      %add3A_203 = arith.constant 5 : i32
      %add3A_204 = arith.addi %add3A_202, %add3A_203 : i32
      %sub3A_205 = arith.constant 1 : i32
      %sub3A_206 = arith.subi %add3A_204, %sub3A_205 : i32
      %min3A_207 = arith.constant 124 : i32
      %min3A_208 = arith.minsi %sub3A_206, %min3A_207 : i32
      %dma_start3A_209 = arith.constant 0 : i32
      %dma_start3A_210 = tpu.memref_slice %arg7[%min3A_208, %dma_start3A_209] : memref<125x80xi32, #tpu.memory_space<vmem>> -> memref<1x80xi32, #tpu.memory_space<vmem>>
      %dma_start3A_211 = tpu.memref_squeeze %dma_start3A_210 : memref<1x80xi32, #tpu.memory_space<vmem>> -> memref<80xi32, #tpu.memory_space<vmem>>
      %dma_start3A_212 = arith.constant 0 : i32
      %dma_start3A_213 = arith.constant 0 : i32
      %dma_start3A_214 = tpu.memref_slice %arg2[%dma_start3A_212, %dma_start3A_213] : memref<10000x64xbf16, #tpu.memory_space<hbm>> -> memref<10000x64xbf16, #tpu.memory_space<hbm>>
      tpu.enqueue_indirect_dma source(%dma_start3A_214 : memref<10000x64xbf16, #tpu.memory_space<hbm>>) target(%arg12 : memref<80x64xbf16, #tpu.memory_space<vmem>>) offsets(%dma_start3A_211 : memref<80xi32, #tpu.memory_space<vmem>>) semaphore(%arg18 : memref<!tpu.dma_semaphore, #tpu.memory_space<semaphore_mem>>)
      %dma_wait3A_215 = arith.constant 0 : i32
      %dma_wait3A_216 = arith.constant 0 : i32
      %dma_wait3A_217 = tpu.memref_slice %arg7[%dma_wait3A_215, %dma_wait3A_216] : memref<125x80xi32, #tpu.memory_space<vmem>> -> memref<1x80xi32, #tpu.memory_space<vmem>>
      %dma_wait3A_218 = tpu.memref_squeeze %dma_wait3A_217 : memref<1x80xi32, #tpu.memory_space<vmem>> -> memref<80xi32, #tpu.memory_space<vmem>>
      %dma_wait3A_219 = arith.constant 0 : i32
      %dma_wait3A_220 = arith.constant 0 : i32
      %dma_wait3A_221 = tpu.memref_slice %arg2[%dma_wait3A_219, %dma_wait3A_220] : memref<10000x64xbf16, #tpu.memory_space<hbm>> -> memref<10000x64xbf16, #tpu.memory_space<hbm>>
      tpu.wait_indirect_dma semaphore(%arg19 : memref<!tpu.dma_semaphore, #tpu.memory_space<semaphore_mem>>) src(%dma_wait3A_221 : memref<10000x64xbf16, #tpu.memory_space<hbm>>) dst(%arg13 : memref<80x64xbf16, #tpu.memory_space<vmem>>)
      "tpu.region"() ({
        %run_scoped3A = tpu.sem_alloc : memref<!tpu.dma_semaphore, #tpu.memory_space<semaphore_mem>>
        %dma_start3A_222 = arith.constant 0 : i32
        %dma_start3A_223 = tpu.memref_slice %arg8[%add3A_202, %dma_start3A_222] : memref<125x80xi32, #tpu.memory_space<vmem>> -> memref<1x80xi32, #tpu.memory_space<vmem>>
        %dma_start3A_224 = tpu.memref_squeeze %dma_start3A_223 : memref<1x80xi32, #tpu.memory_space<vmem>> -> memref<80xi32, #tpu.memory_space<vmem>>
        %dma_start3A_225 = arith.constant 0 : i32
        %dma_start3A_226 = arith.constant 0 : i32
        %dma_start3A_227 = tpu.memref_slice %arg14[%dma_start3A_225, %dma_start3A_226] : memref<10000x64xbf16, #tpu.memory_space<vmem_shared>> -> memref<10000x64xbf16, #tpu.memory_space<vmem_shared>>
        tpu.enqueue_indirect_dma source(%arg13 : memref<80x64xbf16, #tpu.memory_space<vmem>>) target(%dma_start3A_227 : memref<10000x64xbf16, #tpu.memory_space<vmem_shared>>) offsets(%dma_start3A_224 : memref<80xi32, #tpu.memory_space<vmem>>) semaphore(%run_scoped3A : memref<!tpu.dma_semaphore, #tpu.memory_space<semaphore_mem>>) {add = true}
        %dma_wait3A_228 = arith.constant 0 : i32
        %dma_wait3A_229 = tpu.memref_slice %arg8[%add3A_202, %dma_wait3A_228] : memref<125x80xi32, #tpu.memory_space<vmem>> -> memref<1x80xi32, #tpu.memory_space<vmem>>
        %dma_wait3A_230 = tpu.memref_squeeze %dma_wait3A_229 : memref<1x80xi32, #tpu.memory_space<vmem>> -> memref<80xi32, #tpu.memory_space<vmem>>
        %dma_wait3A_231 = arith.constant 0 : i32
        %dma_wait3A_232 = arith.constant 0 : i32
        %dma_wait3A_233 = tpu.memref_slice %arg14[%dma_wait3A_231, %dma_wait3A_232] : memref<10000x64xbf16, #tpu.memory_space<vmem_shared>> -> memref<10000x64xbf16, #tpu.memory_space<vmem_shared>>
        tpu.wait_indirect_dma semaphore(%run_scoped3A : memref<!tpu.dma_semaphore, #tpu.memory_space<semaphore_mem>>) src(%arg13 : memref<80x64xbf16, #tpu.memory_space<vmem>>) dst(%dma_wait3A_233 : memref<10000x64xbf16, #tpu.memory_space<vmem_shared>>)
        tpu.yield
      }) : () -> ()
    }
    %scan3A_77 = arith.constant 25 : i32
    %dma_wait3A_78 = arith.constant 0 : i32
    %dma_wait3A_79 = arith.constant 0 : i32
    %dma_wait3A_80 = tpu.memref_slice %arg7[%dma_wait3A_78, %dma_wait3A_79] : memref<125x80xi32, #tpu.memory_space<vmem>> -> memref<1x80xi32, #tpu.memory_space<vmem>>
    %dma_wait3A_81 = tpu.memref_squeeze %dma_wait3A_80 : memref<1x80xi32, #tpu.memory_space<vmem>> -> memref<80xi32, #tpu.memory_space<vmem>>
    %dma_wait3A_82 = arith.constant 0 : i32
    %dma_wait3A_83 = arith.constant 0 : i32
    %dma_wait3A_84 = tpu.memref_slice %arg2[%dma_wait3A_82, %dma_wait3A_83] : memref<10000x64xbf16, #tpu.memory_space<hbm>> -> memref<10000x64xbf16, #tpu.memory_space<hbm>>
    tpu.wait_indirect_dma semaphore(%arg15 : memref<!tpu.dma_semaphore, #tpu.memory_space<semaphore_mem>>) src(%dma_wait3A_84 : memref<10000x64xbf16, #tpu.memory_space<hbm>>) dst(%arg9 : memref<80x64xbf16, #tpu.memory_space<vmem>>)
    %dma_wait3A_85 = arith.constant 0 : i32
    %dma_wait3A_86 = arith.constant 0 : i32
    %dma_wait3A_87 = tpu.memref_slice %arg7[%dma_wait3A_85, %dma_wait3A_86] : memref<125x80xi32, #tpu.memory_space<vmem>> -> memref<1x80xi32, #tpu.memory_space<vmem>>
    %dma_wait3A_88 = tpu.memref_squeeze %dma_wait3A_87 : memref<1x80xi32, #tpu.memory_space<vmem>> -> memref<80xi32, #tpu.memory_space<vmem>>
    %dma_wait3A_89 = arith.constant 0 : i32
    %dma_wait3A_90 = arith.constant 0 : i32
    %dma_wait3A_91 = tpu.memref_slice %arg2[%dma_wait3A_89, %dma_wait3A_90] : memref<10000x64xbf16, #tpu.memory_space<hbm>> -> memref<10000x64xbf16, #tpu.memory_space<hbm>>
    tpu.wait_indirect_dma semaphore(%arg16 : memref<!tpu.dma_semaphore, #tpu.memory_space<semaphore_mem>>) src(%dma_wait3A_91 : memref<10000x64xbf16, #tpu.memory_space<hbm>>) dst(%arg10 : memref<80x64xbf16, #tpu.memory_space<vmem>>)
    %dma_wait3A_92 = arith.constant 0 : i32
    %dma_wait3A_93 = arith.constant 0 : i32
    %dma_wait3A_94 = tpu.memref_slice %arg7[%dma_wait3A_92, %dma_wait3A_93] : memref<125x80xi32, #tpu.memory_space<vmem>> -> memref<1x80xi32, #tpu.memory_space<vmem>>
    %dma_wait3A_95 = tpu.memref_squeeze %dma_wait3A_94 : memref<1x80xi32, #tpu.memory_space<vmem>> -> memref<80xi32, #tpu.memory_space<vmem>>
    %dma_wait3A_96 = arith.constant 0 : i32
    %dma_wait3A_97 = arith.constant 0 : i32
    %dma_wait3A_98 = tpu.memref_slice %arg2[%dma_wait3A_96, %dma_wait3A_97] : memref<10000x64xbf16, #tpu.memory_space<hbm>> -> memref<10000x64xbf16, #tpu.memory_space<hbm>>
    tpu.wait_indirect_dma semaphore(%arg17 : memref<!tpu.dma_semaphore, #tpu.memory_space<semaphore_mem>>) src(%dma_wait3A_98 : memref<10000x64xbf16, #tpu.memory_space<hbm>>) dst(%arg11 : memref<80x64xbf16, #tpu.memory_space<vmem>>)
    %dma_wait3A_99 = arith.constant 0 : i32
    %dma_wait3A_100 = arith.constant 0 : i32
    %dma_wait3A_101 = tpu.memref_slice %arg7[%dma_wait3A_99, %dma_wait3A_100] : memref<125x80xi32, #tpu.memory_space<vmem>> -> memref<1x80xi32, #tpu.memory_space<vmem>>
    %dma_wait3A_102 = tpu.memref_squeeze %dma_wait3A_101 : memref<1x80xi32, #tpu.memory_space<vmem>> -> memref<80xi32, #tpu.memory_space<vmem>>
    %dma_wait3A_103 = arith.constant 0 : i32
    %dma_wait3A_104 = arith.constant 0 : i32
    %dma_wait3A_105 = tpu.memref_slice %arg2[%dma_wait3A_103, %dma_wait3A_104] : memref<10000x64xbf16, #tpu.memory_space<hbm>> -> memref<10000x64xbf16, #tpu.memory_space<hbm>>
    tpu.wait_indirect_dma semaphore(%arg18 : memref<!tpu.dma_semaphore, #tpu.memory_space<semaphore_mem>>) src(%dma_wait3A_105 : memref<10000x64xbf16, #tpu.memory_space<hbm>>) dst(%arg12 : memref<80x64xbf16, #tpu.memory_space<vmem>>)
    %barrier3A_106 = arith.constant 0 : index
    tpu.barrier barrier_id(%barrier3A_106)
    %mul3A_107 = arith.constant 624 : i32
    %mul3A_108 = arith.muli %arg1, %mul3A_107 : i32
    %mul3A_109 = arith.constant 624 : i32
    %mul3A_110 = arith.muli %arg1, %mul3A_109 : i32
    "tpu.region"() ({
      %run_scoped3A = tpu.sem_alloc : memref<!tpu.dma_semaphore, #tpu.memory_space<semaphore_mem>>
      %dma_start3A_116 = arith.constant 0 : i32
      %dma_start3A_117 = tpu.memref_slice %arg6[%arg0, %mul3A_110, %dma_start3A_116] : memref<2x10000x64xbf16, #tpu.memory_space<hbm>> -> memref<1x624x64xbf16, #tpu.memory_space<hbm>>
      %dma_start3A_118 = tpu.memref_squeeze %dma_start3A_117 : memref<1x624x64xbf16, #tpu.memory_space<hbm>> -> memref<624x64xbf16, #tpu.memory_space<hbm>>
      %dma_start3A_119 = arith.constant 0 : i32
      %dma_start3A_120 = tpu.memref_slice %arg14[%mul3A_108, %dma_start3A_119] : memref<10000x64xbf16, #tpu.memory_space<vmem_shared>> -> memref<624x64xbf16, #tpu.memory_space<vmem_shared>>
      tpu.enqueue_dma source(%dma_start3A_120 : memref<624x64xbf16, #tpu.memory_space<vmem_shared>>) target(%dma_start3A_118 : memref<624x64xbf16, #tpu.memory_space<hbm>>) target_semaphore(%run_scoped3A : memref<!tpu.dma_semaphore, #tpu.memory_space<semaphore_mem>>)
      %dma_wait3A_121 = arith.constant 0 : i32
      %dma_wait3A_122 = tpu.memref_slice %arg6[%arg0, %mul3A_110, %dma_wait3A_121] : memref<2x10000x64xbf16, #tpu.memory_space<hbm>> -> memref<1x624x64xbf16, #tpu.memory_space<hbm>>
      %dma_wait3A_123 = tpu.memref_squeeze %dma_wait3A_122 : memref<1x624x64xbf16, #tpu.memory_space<hbm>> -> memref<624x64xbf16, #tpu.memory_space<hbm>>
      %dma_wait3A_124 = arith.constant 0 : i32
      %dma_wait3A_125 = tpu.memref_slice %arg14[%mul3A_108, %dma_wait3A_124] : memref<10000x64xbf16, #tpu.memory_space<vmem_shared>> -> memref<624x64xbf16, #tpu.memory_space<vmem_shared>>
      tpu.wait_dma2 semaphore(%run_scoped3A : memref<!tpu.dma_semaphore, #tpu.memory_space<semaphore_mem>>) src(%dma_wait3A_125 : memref<624x64xbf16, #tpu.memory_space<vmem_shared>>) dst(%dma_wait3A_123 : memref<624x64xbf16, #tpu.memory_space<hbm>>)
      tpu.yield
    }) : () -> ()
    %eq3A_111 = arith.constant 15 : i32
    %eq3A_112 = arith.cmpi eq, %arg1, %eq3A_111 : i32
    %convert_element_type3A_113 = arith.extui %eq3A_112 : i1 to i32
    %cond3A_114 = arith.constant 0 : i32
    %cond3A_115 = arith.cmpi ne, %convert_element_type3A_113, %cond3A_114 : i32
    scf.if %cond3A_115 {
      "tpu.region"() ({
        %run_scoped3A = tpu.sem_alloc : memref<!tpu.dma_semaphore, #tpu.memory_space<semaphore_mem>>
        %dma_start3A_116 = arith.constant 9984 : i32
        %dma_start3A_117 = arith.constant 0 : i32
        %dma_start3A_118 = tpu.memref_slice %arg6[%arg0, %dma_start3A_116, %dma_start3A_117] : memref<2x10000x64xbf16, #tpu.memory_space<hbm>> -> memref<1x16x64xbf16, #tpu.memory_space<hbm>>
        %dma_start3A_119 = tpu.memref_squeeze %dma_start3A_118 : memref<1x16x64xbf16, #tpu.memory_space<hbm>> -> memref<16x64xbf16, #tpu.memory_space<hbm>>
        %dma_start3A_120 = arith.constant 9984 : i32
        %dma_start3A_121 = arith.constant 0 : i32
        %dma_start3A_122 = tpu.memref_slice %arg14[%dma_start3A_120, %dma_start3A_121] : memref<10000x64xbf16, #tpu.memory_space<vmem_shared>> -> memref<16x64xbf16, #tpu.memory_space<vmem_shared>>
        tpu.enqueue_dma source(%dma_start3A_122 : memref<16x64xbf16, #tpu.memory_space<vmem_shared>>) target(%dma_start3A_119 : memref<16x64xbf16, #tpu.memory_space<hbm>>) target_semaphore(%run_scoped3A : memref<!tpu.dma_semaphore, #tpu.memory_space<semaphore_mem>>)
        %dma_wait3A_123 = arith.constant 9984 : i32
        %dma_wait3A_124 = arith.constant 0 : i32
        %dma_wait3A_125 = tpu.memref_slice %arg6[%arg0, %dma_wait3A_123, %dma_wait3A_124] : memref<2x10000x64xbf16, #tpu.memory_space<hbm>> -> memref<1x16x64xbf16, #tpu.memory_space<hbm>>
        %dma_wait3A_126 = tpu.memref_squeeze %dma_wait3A_125 : memref<1x16x64xbf16, #tpu.memory_space<hbm>> -> memref<16x64xbf16, #tpu.memory_space<hbm>>
        %dma_wait3A_127 = arith.constant 9984 : i32
        %dma_wait3A_128 = arith.constant 0 : i32
        %dma_wait3A_129 = tpu.memref_slice %arg14[%dma_wait3A_127, %dma_wait3A_128] : memref<10000x64xbf16, #tpu.memory_space<vmem_shared>> -> memref<16x64xbf16, #tpu.memory_space<vmem_shared>>
        tpu.wait_dma2 semaphore(%run_scoped3A : memref<!tpu.dma_semaphore, #tpu.memory_space<semaphore_mem>>) src(%dma_wait3A_129 : memref<16x64xbf16, #tpu.memory_space<vmem_shared>>) dst(%dma_wait3A_126 : memref<16x64xbf16, #tpu.memory_space<hbm>>)
        tpu.yield
      }) : () -> ()
    } else {
    }
    return
  }
}

#map = affine_map<(d0, d1) -> (0, 0)>
#map1 = affine_map<(d0, d1) -> (0, 0, 0)>
module attributes {stable_mosaic.version = 14 : i64} {
  func.func @prop(%arg0: i32, %arg1: i32, %arg2: memref<10000x64xbf16, #tpu.memory_space<hbm>>, %arg3: memref<32x125x80xi32, #tpu.memory_space<hbm>>, %arg4: memref<32x125x80xi32, #tpu.memory_space<hbm>>, %arg5: memref<10000x64xbf16, #tpu.memory_space<hbm>>, %arg6: memref<2x10000x64xbf16, #tpu.memory_space<hbm>>, %arg7: memref<125x80xi32, #tpu.memory_space<vmem>>, %arg8: memref<125x80xi32, #tpu.memory_space<vmem>>, %arg9: memref<80x64xbf16, #tpu.memory_space<vmem>>, %arg10: memref<80x64xbf16, #tpu.memory_space<vmem>>, %arg11: memref<80x64xbf16, #tpu.memory_space<vmem>>, %arg12: memref<80x64xbf16, #tpu.memory_space<vmem>>, %arg13: memref<80x64xbf16, #tpu.memory_space<vmem>>, %arg14: memref<10000x64xbf16, #tpu.memory_space<vmem_shared>>, %arg15: memref<!tpu.dma_semaphore, #tpu.memory_space<semaphore_mem>>, %arg16: memref<!tpu.dma_semaphore, #tpu.memory_space<semaphore_mem>>, %arg17: memref<!tpu.dma_semaphore, #tpu.memory_space<semaphore_mem>>, %arg18: memref<!tpu.dma_semaphore, #tpu.memory_space<semaphore_mem>>, %arg19: memref<!tpu.dma_semaphore, #tpu.memory_space<semaphore_mem>>, %arg20: memref<!tpu.dma_semaphore, #tpu.memory_space<semaphore_mem>>, %arg21: memref<!tpu.dma_semaphore, #tpu.memory_space<semaphore_mem>>) attributes {dimension_semantics = [#tpu.dimension_semantics<core_parallel>, #tpu.dimension_semantics<subcore_parallel>], iteration_bounds = array<i64: 2, 16>, scalar_prefetch = 0 : i64, scratch_operands = 15 : i64, tpu.core_type = #tpu.core_type<sc_vector_subcore>, window_params = [{transform_indices = #map}, {transform_indices = #map1}, {transform_indices = #map1}, {transform_indices = #map}, {transform_indices = #map1}]} {
    %mul3A = arith.constant 2 : i32
    %mul3A_0 = arith.muli %arg1, %mul3A : i32
    %add3A = arith.addi %mul3A_0, %arg0 : i32
    %mul3A_1 = arith.constant 624 : i32
    %mul3A_2 = arith.muli %arg1, %mul3A_1 : i32
    %mul3A_3 = arith.constant 624 : i32
    %mul3A_4 = arith.muli %arg1, %mul3A_3 : i32
    %dma_start3A = arith.constant 0 : i32
    %dma_start3A_5 = tpu.memref_slice %arg14[%mul3A_4, %dma_start3A] : memref<10000x64xbf16, #tpu.memory_space<vmem_shared>> -> memref<624x64xbf16, #tpu.memory_space<vmem_shared>>
    %dma_start3A_6 = arith.constant 0 : i32
    %dma_start3A_7 = tpu.memref_slice %arg5[%mul3A_2, %dma_start3A_6] : memref<10000x64xbf16, #tpu.memory_space<hbm>> -> memref<624x64xbf16, #tpu.memory_space<hbm>>
    tpu.enqueue_dma source(%dma_start3A_7 : memref<624x64xbf16, #tpu.memory_space<hbm>>) target(%dma_start3A_5 : memref<624x64xbf16, #tpu.memory_space<vmem_shared>>) target_semaphore(%arg20 : memref<!tpu.dma_semaphore, #tpu.memory_space<semaphore_mem>>)
    %eq3A = arith.constant 15 : i32
    %eq3A_8 = arith.cmpi eq, %arg1, %eq3A : i32
    %convert_element_type3A = arith.extui %eq3A_8 : i1 to i32
    %cond3A = arith.constant 0 : i32
    %cond3A_9 = arith.cmpi ne, %convert_element_type3A, %cond3A : i32
    scf.if %cond3A_9 {
      "tpu.region"() ({
        %run_scoped3A = tpu.sem_alloc : memref<!tpu.dma_semaphore, #tpu.memory_space<semaphore_mem>>
        %dma_start3A_116 = arith.constant 9984 : i32
        %dma_start3A_117 = arith.constant 0 : i32
        %dma_start3A_118 = tpu.memref_slice %arg14[%dma_start3A_116, %dma_start3A_117] : memref<10000x64xbf16, #tpu.memory_space<vmem_shared>> -> memref<16x64xbf16, #tpu.memory_space<vmem_shared>>
        %dma_start3A_119 = arith.constant 9984 : i32
        %dma_start3A_120 = arith.constant 0 : i32
        %dma_start3A_121 = tpu.memref_slice %arg5[%dma_start3A_119, %dma_start3A_120] : memref<10000x64xbf16, #tpu.memory_space<hbm>> -> memref<16x64xbf16, #tpu.memory_space<hbm>>
        tpu.enqueue_dma source(%dma_start3A_121 : memref<16x64xbf16, #tpu.memory_space<hbm>>) target(%dma_start3A_118 : memref<16x64xbf16, #tpu.memory_space<vmem_shared>>) target_semaphore(%run_scoped3A : memref<!tpu.dma_semaphore, #tpu.memory_space<semaphore_mem>>)
        %dma_wait3A_122 = arith.constant 9984 : i32
        %dma_wait3A_123 = arith.constant 0 : i32
        %dma_wait3A_124 = tpu.memref_slice %arg14[%dma_wait3A_122, %dma_wait3A_123] : memref<10000x64xbf16, #tpu.memory_space<vmem_shared>> -> memref<16x64xbf16, #tpu.memory_space<vmem_shared>>
        %dma_wait3A_125 = arith.constant 9984 : i32
        %dma_wait3A_126 = arith.constant 0 : i32
        %dma_wait3A_127 = tpu.memref_slice %arg5[%dma_wait3A_125, %dma_wait3A_126] : memref<10000x64xbf16, #tpu.memory_space<hbm>> -> memref<16x64xbf16, #tpu.memory_space<hbm>>
        tpu.wait_dma2 semaphore(%run_scoped3A : memref<!tpu.dma_semaphore, #tpu.memory_space<semaphore_mem>>) src(%dma_wait3A_127 : memref<16x64xbf16, #tpu.memory_space<hbm>>) dst(%dma_wait3A_124 : memref<16x64xbf16, #tpu.memory_space<vmem_shared>>)
        tpu.yield
      }) : () -> ()
    } else {
    }
    %dma_start3A_10 = arith.constant 0 : i32
    %dma_start3A_11 = arith.constant 0 : i32
    %dma_start3A_12 = tpu.memref_slice %arg3[%add3A, %dma_start3A_10, %dma_start3A_11] : memref<32x125x80xi32, #tpu.memory_space<hbm>> -> memref<1x125x80xi32, #tpu.memory_space<hbm>>
    %dma_start3A_13 = tpu.memref_squeeze %dma_start3A_12 : memref<1x125x80xi32, #tpu.memory_space<hbm>> -> memref<125x80xi32, #tpu.memory_space<hbm>>
    %dma_start3A_14 = arith.constant 0 : i32
    %dma_start3A_15 = arith.constant 0 : i32
    %dma_start3A_16 = tpu.memref_slice %arg3[%add3A, %dma_start3A_14, %dma_start3A_15] : memref<32x125x80xi32, #tpu.memory_space<hbm>> -> memref<1x125x80xi32, #tpu.memory_space<hbm>>
    %dma_start3A_17 = tpu.memref_squeeze %dma_start3A_16 : memref<1x125x80xi32, #tpu.memory_space<hbm>> -> memref<125x80xi32, #tpu.memory_space<hbm>>
    tpu.enqueue_dma source(%dma_start3A_17 : memref<125x80xi32, #tpu.memory_space<hbm>>) target(%arg7 : memref<125x80xi32, #tpu.memory_space<vmem>>) target_semaphore(%arg21 : memref<!tpu.dma_semaphore, #tpu.memory_space<semaphore_mem>>)
    %dma_start3A_18 = arith.constant 0 : i32
    %dma_start3A_19 = arith.constant 0 : i32
    %dma_start3A_20 = tpu.memref_slice %arg4[%add3A, %dma_start3A_18, %dma_start3A_19] : memref<32x125x80xi32, #tpu.memory_space<hbm>> -> memref<1x125x80xi32, #tpu.memory_space<hbm>>
    %dma_start3A_21 = tpu.memref_squeeze %dma_start3A_20 : memref<1x125x80xi32, #tpu.memory_space<hbm>> -> memref<125x80xi32, #tpu.memory_space<hbm>>
    %dma_start3A_22 = arith.constant 0 : i32
    %dma_start3A_23 = arith.constant 0 : i32
    %dma_start3A_24 = tpu.memref_slice %arg4[%add3A, %dma_start3A_22, %dma_start3A_23] : memref<32x125x80xi32, #tpu.memory_space<hbm>> -> memref<1x125x80xi32, #tpu.memory_space<hbm>>
    %dma_start3A_25 = tpu.memref_squeeze %dma_start3A_24 : memref<1x125x80xi32, #tpu.memory_space<hbm>> -> memref<125x80xi32, #tpu.memory_space<hbm>>
    tpu.enqueue_dma source(%dma_start3A_25 : memref<125x80xi32, #tpu.memory_space<hbm>>) target(%arg8 : memref<125x80xi32, #tpu.memory_space<vmem>>) target_semaphore(%arg21 : memref<!tpu.dma_semaphore, #tpu.memory_space<semaphore_mem>>)
    %dma_wait3A = arith.constant 0 : i32
    %dma_wait3A_26 = arith.constant 0 : i32
    %dma_wait3A_27 = tpu.memref_slice %arg3[%add3A, %dma_wait3A, %dma_wait3A_26] : memref<32x125x80xi32, #tpu.memory_space<hbm>> -> memref<1x125x80xi32, #tpu.memory_space<hbm>>
    %dma_wait3A_28 = tpu.memref_squeeze %dma_wait3A_27 : memref<1x125x80xi32, #tpu.memory_space<hbm>> -> memref<125x80xi32, #tpu.memory_space<hbm>>
    %dma_wait3A_29 = arith.constant 0 : i32
    %dma_wait3A_30 = arith.constant 0 : i32
    %dma_wait3A_31 = tpu.memref_slice %arg3[%add3A, %dma_wait3A_29, %dma_wait3A_30] : memref<32x125x80xi32, #tpu.memory_space<hbm>> -> memref<1x125x80xi32, #tpu.memory_space<hbm>>
    %dma_wait3A_32 = tpu.memref_squeeze %dma_wait3A_31 : memref<1x125x80xi32, #tpu.memory_space<hbm>> -> memref<125x80xi32, #tpu.memory_space<hbm>>
    tpu.wait_dma2 semaphore(%arg21 : memref<!tpu.dma_semaphore, #tpu.memory_space<semaphore_mem>>) src(%dma_wait3A_32 : memref<125x80xi32, #tpu.memory_space<hbm>>) dst(%arg7 : memref<125x80xi32, #tpu.memory_space<vmem>>)
    %dma_wait3A_33 = arith.constant 0 : i32
    %dma_wait3A_34 = arith.constant 0 : i32
    %dma_wait3A_35 = tpu.memref_slice %arg4[%add3A, %dma_wait3A_33, %dma_wait3A_34] : memref<32x125x80xi32, #tpu.memory_space<hbm>> -> memref<1x125x80xi32, #tpu.memory_space<hbm>>
    %dma_wait3A_36 = tpu.memref_squeeze %dma_wait3A_35 : memref<1x125x80xi32, #tpu.memory_space<hbm>> -> memref<125x80xi32, #tpu.memory_space<hbm>>
    %dma_wait3A_37 = arith.constant 0 : i32
    %dma_wait3A_38 = arith.constant 0 : i32
    %dma_wait3A_39 = tpu.memref_slice %arg4[%add3A, %dma_wait3A_37, %dma_wait3A_38] : memref<32x125x80xi32, #tpu.memory_space<hbm>> -> memref<1x125x80xi32, #tpu.memory_space<hbm>>
    %dma_wait3A_40 = tpu.memref_squeeze %dma_wait3A_39 : memref<1x125x80xi32, #tpu.memory_space<hbm>> -> memref<125x80xi32, #tpu.memory_space<hbm>>
    tpu.wait_dma2 semaphore(%arg21 : memref<!tpu.dma_semaphore, #tpu.memory_space<semaphore_mem>>) src(%dma_wait3A_40 : memref<125x80xi32, #tpu.memory_space<hbm>>) dst(%arg8 : memref<125x80xi32, #tpu.memory_space<vmem>>)
    %dma_start3A_41 = arith.constant 0 : i32
    %dma_start3A_42 = arith.constant 0 : i32
    %dma_start3A_43 = tpu.memref_slice %arg7[%dma_start3A_41, %dma_start3A_42] : memref<125x80xi32, #tpu.memory_space<vmem>> -> memref<1x80xi32, #tpu.memory_space<vmem>>
    %dma_start3A_44 = tpu.memref_squeeze %dma_start3A_43 : memref<1x80xi32, #tpu.memory_space<vmem>> -> memref<80xi32, #tpu.memory_space<vmem>>
    %dma_start3A_45 = arith.constant 0 : i32
    %dma_start3A_46 = arith.constant 0 : i32
    %dma_start3A_47 = tpu.memref_slice %arg2[%dma_start3A_45, %dma_start3A_46] : memref<10000x64xbf16, #tpu.memory_space<hbm>> -> memref<10000x64xbf16, #tpu.memory_space<hbm>>
    tpu.enqueue_indirect_dma source(%dma_start3A_47 : memref<10000x64xbf16, #tpu.memory_space<hbm>>) target(%arg9 : memref<80x64xbf16, #tpu.memory_space<vmem>>) offsets(%dma_start3A_44 : memref<80xi32, #tpu.memory_space<vmem>>) semaphore(%arg15 : memref<!tpu.dma_semaphore, #tpu.memory_space<semaphore_mem>>)
    %dma_start3A_48 = arith.constant 1 : i32
    %dma_start3A_49 = arith.constant 0 : i32
    %dma_start3A_50 = tpu.memref_slice %arg7[%dma_start3A_48, %dma_start3A_49] : memref<125x80xi32, #tpu.memory_space<vmem>> -> memref<1x80xi32, #tpu.memory_space<vmem>>
    %dma_start3A_51 = tpu.memref_squeeze %dma_start3A_50 : memref<1x80xi32, #tpu.memory_space<vmem>> -> memref<80xi32, #tpu.memory_space<vmem>>
    %dma_start3A_52 = arith.constant 0 : i32
    %dma_start3A_53 = arith.constant 0 : i32
    %dma_start3A_54 = tpu.memref_slice %arg2[%dma_start3A_52, %dma_start3A_53] : memref<10000x64xbf16, #tpu.memory_space<hbm>> -> memref<10000x64xbf16, #tpu.memory_space<hbm>>
    tpu.enqueue_indirect_dma source(%dma_start3A_54 : memref<10000x64xbf16, #tpu.memory_space<hbm>>) target(%arg10 : memref<80x64xbf16, #tpu.memory_space<vmem>>) offsets(%dma_start3A_51 : memref<80xi32, #tpu.memory_space<vmem>>) semaphore(%arg16 : memref<!tpu.dma_semaphore, #tpu.memory_space<semaphore_mem>>)
    %dma_start3A_55 = arith.constant 2 : i32
    %dma_start3A_56 = arith.constant 0 : i32
    %dma_start3A_57 = tpu.memref_slice %arg7[%dma_start3A_55, %dma_start3A_56] : memref<125x80xi32, #tpu.memory_space<vmem>> -> memref<1x80xi32, #tpu.memory_space<vmem>>
    %dma_start3A_58 = tpu.memref_squeeze %dma_start3A_57 : memref<1x80xi32, #tpu.memory_space<vmem>> -> memref<80xi32, #tpu.memory_space<vmem>>
    %dma_start3A_59 = arith.constant 0 : i32
    %dma_start3A_60 = arith.constant 0 : i32
    %dma_start3A_61 = tpu.memref_slice %arg2[%dma_start3A_59, %dma_start3A_60] : memref<10000x64xbf16, #tpu.memory_space<hbm>> -> memref<10000x64xbf16, #tpu.memory_space<hbm>>
    tpu.enqueue_indirect_dma source(%dma_start3A_61 : memref<10000x64xbf16, #tpu.memory_space<hbm>>) target(%arg11 : memref<80x64xbf16, #tpu.memory_space<vmem>>) offsets(%dma_start3A_58 : memref<80xi32, #tpu.memory_space<vmem>>) semaphore(%arg17 : memref<!tpu.dma_semaphore, #tpu.memory_space<semaphore_mem>>)
    %dma_start3A_62 = arith.constant 3 : i32
    %dma_start3A_63 = arith.constant 0 : i32
    %dma_start3A_64 = tpu.memref_slice %arg7[%dma_start3A_62, %dma_start3A_63] : memref<125x80xi32, #tpu.memory_space<vmem>> -> memref<1x80xi32, #tpu.memory_space<vmem>>
    %dma_start3A_65 = tpu.memref_squeeze %dma_start3A_64 : memref<1x80xi32, #tpu.memory_space<vmem>> -> memref<80xi32, #tpu.memory_space<vmem>>
    %dma_start3A_66 = arith.constant 0 : i32
    %dma_start3A_67 = arith.constant 0 : i32
    %dma_start3A_68 = tpu.memref_slice %arg2[%dma_start3A_66, %dma_start3A_67] : memref<10000x64xbf16, #tpu.memory_space<hbm>> -> memref<10000x64xbf16, #tpu.memory_space<hbm>>
    tpu.enqueue_indirect_dma source(%dma_start3A_68 : memref<10000x64xbf16, #tpu.memory_space<hbm>>) target(%arg12 : memref<80x64xbf16, #tpu.memory_space<vmem>>) offsets(%dma_start3A_65 : memref<80xi32, #tpu.memory_space<vmem>>) semaphore(%arg18 : memref<!tpu.dma_semaphore, #tpu.memory_space<semaphore_mem>>)
    %dma_wait3A_69 = arith.constant 0 : i32
    %dma_wait3A_70 = tpu.memref_slice %arg14[%mul3A_4, %dma_wait3A_69] : memref<10000x64xbf16, #tpu.memory_space<vmem_shared>> -> memref<624x64xbf16, #tpu.memory_space<vmem_shared>>
    %dma_wait3A_71 = arith.constant 0 : i32
    %dma_wait3A_72 = tpu.memref_slice %arg5[%mul3A_2, %dma_wait3A_71] : memref<10000x64xbf16, #tpu.memory_space<hbm>> -> memref<624x64xbf16, #tpu.memory_space<hbm>>
    tpu.wait_dma2 semaphore(%arg20 : memref<!tpu.dma_semaphore, #tpu.memory_space<semaphore_mem>>) src(%dma_wait3A_72 : memref<624x64xbf16, #tpu.memory_space<hbm>>) dst(%dma_wait3A_70 : memref<624x64xbf16, #tpu.memory_space<vmem_shared>>)
    %barrier3A = arith.constant 0 : index
    tpu.barrier barrier_id(%barrier3A)
    %scan3A = arith.constant 0 : i32
    %scan3A_73 = arith.constant 0 : i32
    %scan3A_74 = arith.constant 25 : i32
    %scan3A_75 = arith.addi %scan3A_73, %scan3A_74 : i32
    %scan3A_76 = arith.constant 1 : i32
    scf.for %scan3A_116 = %scan3A_73 to %scan3A_75 step %scan3A_76  : i32 {
      %mul3A_117 = arith.constant 5 : i32
      %mul3A_118 = arith.muli %scan3A_116, %mul3A_117 : i32
      %add3A_119 = arith.constant 0 : i32
      %add3A_120 = arith.addi %mul3A_118, %add3A_119 : i32
      %add3A_121 = arith.constant 5 : i32
      %add3A_122 = arith.addi %add3A_120, %add3A_121 : i32
      %sub3A = arith.constant 1 : i32
      %sub3A_123 = arith.subi %add3A_122, %sub3A : i32
      %min3A = arith.constant 124 : i32
      %min3A_124 = arith.minsi %sub3A_123, %min3A : i32
      %dma_start3A_125 = arith.constant 0 : i32
      %dma_start3A_126 = tpu.memref_slice %arg7[%min3A_124, %dma_start3A_125] : memref<125x80xi32, #tpu.memory_space<vmem>> -> memref<1x80xi32, #tpu.memory_space<vmem>>
      %dma_start3A_127 = tpu.memref_squeeze %dma_start3A_126 : memref<1x80xi32, #tpu.memory_space<vmem>> -> memref<80xi32, #tpu.memory_space<vmem>>
      %dma_start3A_128 = arith.constant 0 : i32
      %dma_start3A_129 = arith.constant 0 : i32
      %dma_start3A_130 = tpu.memref_slice %arg2[%dma_start3A_128, %dma_start3A_129] : memref<10000x64xbf16, #tpu.memory_space<hbm>> -> memref<10000x64xbf16, #tpu.memory_space<hbm>>
      tpu.enqueue_indirect_dma source(%dma_start3A_130 : memref<10000x64xbf16, #tpu.memory_space<hbm>>) target(%arg13 : memref<80x64xbf16, #tpu.memory_space<vmem>>) offsets(%dma_start3A_127 : memref<80xi32, #tpu.memory_space<vmem>>) semaphore(%arg19 : memref<!tpu.dma_semaphore, #tpu.memory_space<semaphore_mem>>)
      %dma_wait3A_131 = arith.constant 0 : i32
      %dma_wait3A_132 = arith.constant 0 : i32
      %dma_wait3A_133 = tpu.memref_slice %arg7[%dma_wait3A_131, %dma_wait3A_132] : memref<125x80xi32, #tpu.memory_space<vmem>> -> memref<1x80xi32, #tpu.memory_space<vmem>>
      %dma_wait3A_134 = tpu.memref_squeeze %dma_wait3A_133 : memref<1x80xi32, #tpu.memory_space<vmem>> -> memref<80xi32, #tpu.memory_space<vmem>>
      %dma_wait3A_135 = arith.constant 0 : i32
      %dma_wait3A_136 = arith.constant 0 : i32
      %dma_wait3A_137 = tpu.memref_slice %arg2[%dma_wait3A_135, %dma_wait3A_136] : memref<10000x64xbf16, #tpu.memory_space<hbm>> -> memref<10000x64xbf16, #tpu.memory_space<hbm>>
      tpu.wait_indirect_dma semaphore(%arg15 : memref<!tpu.dma_semaphore, #tpu.memory_space<semaphore_mem>>) src(%dma_wait3A_137 : memref<10000x64xbf16, #tpu.memory_space<hbm>>) dst(%arg9 : memref<80x64xbf16, #tpu.memory_space<vmem>>)
      "tpu.region"() ({
        %run_scoped3A = tpu.sem_alloc : memref<!tpu.dma_semaphore, #tpu.memory_space<semaphore_mem>>
        %dma_start3A_222 = arith.constant 0 : i32
        %dma_start3A_223 = tpu.memref_slice %arg8[%add3A_120, %dma_start3A_222] : memref<125x80xi32, #tpu.memory_space<vmem>> -> memref<1x80xi32, #tpu.memory_space<vmem>>
        %dma_start3A_224 = tpu.memref_squeeze %dma_start3A_223 : memref<1x80xi32, #tpu.memory_space<vmem>> -> memref<80xi32, #tpu.memory_space<vmem>>
        %dma_start3A_225 = arith.constant 0 : i32
        %dma_start3A_226 = arith.constant 0 : i32
        %dma_start3A_227 = tpu.memref_slice %arg14[%dma_start3A_225, %dma_start3A_226] : memref<10000x64xbf16, #tpu.memory_space<vmem_shared>> -> memref<10000x64xbf16, #tpu.memory_space<vmem_shared>>
        tpu.enqueue_indirect_dma source(%arg9 : memref<80x64xbf16, #tpu.memory_space<vmem>>) target(%dma_start3A_227 : memref<10000x64xbf16, #tpu.memory_space<vmem_shared>>) offsets(%dma_start3A_224 : memref<80xi32, #tpu.memory_space<vmem>>) semaphore(%run_scoped3A : memref<!tpu.dma_semaphore, #tpu.memory_space<semaphore_mem>>) {add = true}
        %dma_wait3A_228 = arith.constant 0 : i32
        %dma_wait3A_229 = tpu.memref_slice %arg8[%add3A_120, %dma_wait3A_228] : memref<125x80xi32, #tpu.memory_space<vmem>> -> memref<1x80xi32, #tpu.memory_space<vmem>>
        %dma_wait3A_230 = tpu.memref_squeeze %dma_wait3A_229 : memref<1x80xi32, #tpu.memory_space<vmem>> -> memref<80xi32, #tpu.memory_space<vmem>>
        %dma_wait3A_231 = arith.constant 0 : i32
        %dma_wait3A_232 = arith.constant 0 : i32
        %dma_wait3A_233 = tpu.memref_slice %arg14[%dma_wait3A_231, %dma_wait3A_232] : memref<10000x64xbf16, #tpu.memory_space<vmem_shared>> -> memref<10000x64xbf16, #tpu.memory_space<vmem_shared>>
        tpu.wait_indirect_dma semaphore(%run_scoped3A : memref<!tpu.dma_semaphore, #tpu.memory_space<semaphore_mem>>) src(%arg9 : memref<80x64xbf16, #tpu.memory_space<vmem>>) dst(%dma_wait3A_233 : memref<10000x64xbf16, #tpu.memory_space<vmem_shared>>)
        tpu.yield
      }) : () -> ()
      %add3A_138 = arith.constant 1 : i32
      %add3A_139 = arith.addi %mul3A_118, %add3A_138 : i32
      %add3A_140 = arith.constant 5 : i32
      %add3A_141 = arith.addi %add3A_139, %add3A_140 : i32
      %sub3A_142 = arith.constant 1 : i32
      %sub3A_143 = arith.subi %add3A_141, %sub3A_142 : i32
      %min3A_144 = arith.constant 124 : i32
      %min3A_145 = arith.minsi %sub3A_143, %min3A_144 : i32
      %dma_start3A_146 = arith.constant 0 : i32
      %dma_start3A_147 = tpu.memref_slice %arg7[%min3A_145, %dma_start3A_146] : memref<125x80xi32, #tpu.memory_space<vmem>> -> memref<1x80xi32, #tpu.memory_space<vmem>>
      %dma_start3A_148 = tpu.memref_squeeze %dma_start3A_147 : memref<1x80xi32, #tpu.memory_space<vmem>> -> memref<80xi32, #tpu.memory_space<vmem>>
      %dma_start3A_149 = arith.constant 0 : i32
      %dma_start3A_150 = arith.constant 0 : i32
      %dma_start3A_151 = tpu.memref_slice %arg2[%dma_start3A_149, %dma_start3A_150] : memref<10000x64xbf16, #tpu.memory_space<hbm>> -> memref<10000x64xbf16, #tpu.memory_space<hbm>>
      tpu.enqueue_indirect_dma source(%dma_start3A_151 : memref<10000x64xbf16, #tpu.memory_space<hbm>>) target(%arg9 : memref<80x64xbf16, #tpu.memory_space<vmem>>) offsets(%dma_start3A_148 : memref<80xi32, #tpu.memory_space<vmem>>) semaphore(%arg15 : memref<!tpu.dma_semaphore, #tpu.memory_space<semaphore_mem>>)
      %dma_wait3A_152 = arith.constant 0 : i32
      %dma_wait3A_153 = arith.constant 0 : i32
      %dma_wait3A_154 = tpu.memref_slice %arg7[%dma_wait3A_152, %dma_wait3A_153] : memref<125x80xi32, #tpu.memory_space<vmem>> -> memref<1x80xi32, #tpu.memory_space<vmem>>
      %dma_wait3A_155 = tpu.memref_squeeze %dma_wait3A_154 : memref<1x80xi32, #tpu.memory_space<vmem>> -> memref<80xi32, #tpu.memory_space<vmem>>
      %dma_wait3A_156 = arith.constant 0 : i32
      %dma_wait3A_157 = arith.constant 0 : i32
      %dma_wait3A_158 = tpu.memref_slice %arg2[%dma_wait3A_156, %dma_wait3A_157] : memref<10000x64xbf16, #tpu.memory_space<hbm>> -> memref<10000x64xbf16, #tpu.memory_space<hbm>>
      tpu.wait_indirect_dma semaphore(%arg16 : memref<!tpu.dma_semaphore, #tpu.memory_space<semaphore_mem>>) src(%dma_wait3A_158 : memref<10000x64xbf16, #tpu.memory_space<hbm>>) dst(%arg10 : memref<80x64xbf16, #tpu.memory_space<vmem>>)
      "tpu.region"() ({
        %run_scoped3A = tpu.sem_alloc : memref<!tpu.dma_semaphore, #tpu.memory_space<semaphore_mem>>
        %dma_start3A_222 = arith.constant 0 : i32
        %dma_start3A_223 = tpu.memref_slice %arg8[%add3A_139, %dma_start3A_222] : memref<125x80xi32, #tpu.memory_space<vmem>> -> memref<1x80xi32, #tpu.memory_space<vmem>>
        %dma_start3A_224 = tpu.memref_squeeze %dma_start3A_223 : memref<1x80xi32, #tpu.memory_space<vmem>> -> memref<80xi32, #tpu.memory_space<vmem>>
        %dma_start3A_225 = arith.constant 0 : i32
        %dma_start3A_226 = arith.constant 0 : i32
        %dma_start3A_227 = tpu.memref_slice %arg14[%dma_start3A_225, %dma_start3A_226] : memref<10000x64xbf16, #tpu.memory_space<vmem_shared>> -> memref<10000x64xbf16, #tpu.memory_space<vmem_shared>>
        tpu.enqueue_indirect_dma source(%arg10 : memref<80x64xbf16, #tpu.memory_space<vmem>>) target(%dma_start3A_227 : memref<10000x64xbf16, #tpu.memory_space<vmem_shared>>) offsets(%dma_start3A_224 : memref<80xi32, #tpu.memory_space<vmem>>) semaphore(%run_scoped3A : memref<!tpu.dma_semaphore, #tpu.memory_space<semaphore_mem>>) {add = true}
        %dma_wait3A_228 = arith.constant 0 : i32
        %dma_wait3A_229 = tpu.memref_slice %arg8[%add3A_139, %dma_wait3A_228] : memref<125x80xi32, #tpu.memory_space<vmem>> -> memref<1x80xi32, #tpu.memory_space<vmem>>
        %dma_wait3A_230 = tpu.memref_squeeze %dma_wait3A_229 : memref<1x80xi32, #tpu.memory_space<vmem>> -> memref<80xi32, #tpu.memory_space<vmem>>
        %dma_wait3A_231 = arith.constant 0 : i32
        %dma_wait3A_232 = arith.constant 0 : i32
        %dma_wait3A_233 = tpu.memref_slice %arg14[%dma_wait3A_231, %dma_wait3A_232] : memref<10000x64xbf16, #tpu.memory_space<vmem_shared>> -> memref<10000x64xbf16, #tpu.memory_space<vmem_shared>>
        tpu.wait_indirect_dma semaphore(%run_scoped3A : memref<!tpu.dma_semaphore, #tpu.memory_space<semaphore_mem>>) src(%arg10 : memref<80x64xbf16, #tpu.memory_space<vmem>>) dst(%dma_wait3A_233 : memref<10000x64xbf16, #tpu.memory_space<vmem_shared>>)
        tpu.yield
      }) : () -> ()
      %add3A_159 = arith.constant 2 : i32
      %add3A_160 = arith.addi %mul3A_118, %add3A_159 : i32
      %add3A_161 = arith.constant 5 : i32
      %add3A_162 = arith.addi %add3A_160, %add3A_161 : i32
      %sub3A_163 = arith.constant 1 : i32
      %sub3A_164 = arith.subi %add3A_162, %sub3A_163 : i32
      %min3A_165 = arith.constant 124 : i32
      %min3A_166 = arith.minsi %sub3A_164, %min3A_165 : i32
      %dma_start3A_167 = arith.constant 0 : i32
      %dma_start3A_168 = tpu.memref_slice %arg7[%min3A_166, %dma_start3A_167] : memref<125x80xi32, #tpu.memory_space<vmem>> -> memref<1x80xi32, #tpu.memory_space<vmem>>
      %dma_start3A_169 = tpu.memref_squeeze %dma_start3A_168 : memref<1x80xi32, #tpu.memory_space<vmem>> -> memref<80xi32, #tpu.memory_space<vmem>>
      %dma_start3A_170 = arith.constant 0 : i32
      %dma_start3A_171 = arith.constant 0 : i32
      %dma_start3A_172 = tpu.memref_slice %arg2[%dma_start3A_170, %dma_start3A_171] : memref<10000x64xbf16, #tpu.memory_space<hbm>> -> memref<10000x64xbf16, #tpu.memory_space<hbm>>
      tpu.enqueue_indirect_dma source(%dma_start3A_172 : memref<10000x64xbf16, #tpu.memory_space<hbm>>) target(%arg10 : memref<80x64xbf16, #tpu.memory_space<vmem>>) offsets(%dma_start3A_169 : memref<80xi32, #tpu.memory_space<vmem>>) semaphore(%arg16 : memref<!tpu.dma_semaphore, #tpu.memory_space<semaphore_mem>>)
      %dma_wait3A_173 = arith.constant 0 : i32
      %dma_wait3A_174 = arith.constant 0 : i32
      %dma_wait3A_175 = tpu.memref_slice %arg7[%dma_wait3A_173, %dma_wait3A_174] : memref<125x80xi32, #tpu.memory_space<vmem>> -> memref<1x80xi32, #tpu.memory_space<vmem>>
      %dma_wait3A_176 = tpu.memref_squeeze %dma_wait3A_175 : memref<1x80xi32, #tpu.memory_space<vmem>> -> memref<80xi32, #tpu.memory_space<vmem>>
      %dma_wait3A_177 = arith.constant 0 : i32
      %dma_wait3A_178 = arith.constant 0 : i32
      %dma_wait3A_179 = tpu.memref_slice %arg2[%dma_wait3A_177, %dma_wait3A_178] : memref<10000x64xbf16, #tpu.memory_space<hbm>> -> memref<10000x64xbf16, #tpu.memory_space<hbm>>
      tpu.wait_indirect_dma semaphore(%arg17 : memref<!tpu.dma_semaphore, #tpu.memory_space<semaphore_mem>>) src(%dma_wait3A_179 : memref<10000x64xbf16, #tpu.memory_space<hbm>>) dst(%arg11 : memref<80x64xbf16, #tpu.memory_space<vmem>>)
      "tpu.region"() ({
        %run_scoped3A = tpu.sem_alloc : memref<!tpu.dma_semaphore, #tpu.memory_space<semaphore_mem>>
        %dma_start3A_222 = arith.constant 0 : i32
        %dma_start3A_223 = tpu.memref_slice %arg8[%add3A_160, %dma_start3A_222] : memref<125x80xi32, #tpu.memory_space<vmem>> -> memref<1x80xi32, #tpu.memory_space<vmem>>
        %dma_start3A_224 = tpu.memref_squeeze %dma_start3A_223 : memref<1x80xi32, #tpu.memory_space<vmem>> -> memref<80xi32, #tpu.memory_space<vmem>>
        %dma_start3A_225 = arith.constant 0 : i32
        %dma_start3A_226 = arith.constant 0 : i32
        %dma_start3A_227 = tpu.memref_slice %arg14[%dma_start3A_225, %dma_start3A_226] : memref<10000x64xbf16, #tpu.memory_space<vmem_shared>> -> memref<10000x64xbf16, #tpu.memory_space<vmem_shared>>
        tpu.enqueue_indirect_dma source(%arg11 : memref<80x64xbf16, #tpu.memory_space<vmem>>) target(%dma_start3A_227 : memref<10000x64xbf16, #tpu.memory_space<vmem_shared>>) offsets(%dma_start3A_224 : memref<80xi32, #tpu.memory_space<vmem>>) semaphore(%run_scoped3A : memref<!tpu.dma_semaphore, #tpu.memory_space<semaphore_mem>>) {add = true}
        %dma_wait3A_228 = arith.constant 0 : i32
        %dma_wait3A_229 = tpu.memref_slice %arg8[%add3A_160, %dma_wait3A_228] : memref<125x80xi32, #tpu.memory_space<vmem>> -> memref<1x80xi32, #tpu.memory_space<vmem>>
        %dma_wait3A_230 = tpu.memref_squeeze %dma_wait3A_229 : memref<1x80xi32, #tpu.memory_space<vmem>> -> memref<80xi32, #tpu.memory_space<vmem>>
        %dma_wait3A_231 = arith.constant 0 : i32
        %dma_wait3A_232 = arith.constant 0 : i32
        %dma_wait3A_233 = tpu.memref_slice %arg14[%dma_wait3A_231, %dma_wait3A_232] : memref<10000x64xbf16, #tpu.memory_space<vmem_shared>> -> memref<10000x64xbf16, #tpu.memory_space<vmem_shared>>
        tpu.wait_indirect_dma semaphore(%run_scoped3A : memref<!tpu.dma_semaphore, #tpu.memory_space<semaphore_mem>>) src(%arg11 : memref<80x64xbf16, #tpu.memory_space<vmem>>) dst(%dma_wait3A_233 : memref<10000x64xbf16, #tpu.memory_space<vmem_shared>>)
        tpu.yield
      }) : () -> ()
      %add3A_180 = arith.constant 3 : i32
      %add3A_181 = arith.addi %mul3A_118, %add3A_180 : i32
      %add3A_182 = arith.constant 5 : i32
      %add3A_183 = arith.addi %add3A_181, %add3A_182 : i32
      %sub3A_184 = arith.constant 1 : i32
      %sub3A_185 = arith.subi %add3A_183, %sub3A_184 : i32
      %min3A_186 = arith.constant 124 : i32
      %min3A_187 = arith.minsi %sub3A_185, %min3A_186 : i32
      %dma_start3A_188 = arith.constant 0 : i32
      %dma_start3A_189 = tpu.memref_slice %arg7[%min3A_187, %dma_start3A_188] : memref<125x80xi32, #tpu.memory_space<vmem>> -> memref<1x80xi32, #tpu.memory_space<vmem>>
      %dma_start3A_190 = tpu.memref_squeeze %dma_start3A_189 : memref<1x80xi32, #tpu.memory_space<vmem>> -> memref<80xi32, #tpu.memory_space<vmem>>
      %dma_start3A_191 = arith.constant 0 : i32
      %dma_start3A_192 = arith.constant 0 : i32
      %dma_start3A_193 = tpu.memref_slice %arg2[%dma_start3A_191, %dma_start3A_192] : memref<10000x64xbf16, #tpu.memory_space<hbm>> -> memref<10000x64xbf16, #tpu.memory_space<hbm>>
      tpu.enqueue_indirect_dma source(%dma_start3A_193 : memref<10000x64xbf16, #tpu.memory_space<hbm>>) target(%arg11 : memref<80x64xbf16, #tpu.memory_space<vmem>>) offsets(%dma_start3A_190 : memref<80xi32, #tpu.memory_space<vmem>>) semaphore(%arg17 : memref<!tpu.dma_semaphore, #tpu.memory_space<semaphore_mem>>)
      %dma_wait3A_194 = arith.constant 0 : i32
      %dma_wait3A_195 = arith.constant 0 : i32
      %dma_wait3A_196 = tpu.memref_slice %arg7[%dma_wait3A_194, %dma_wait3A_195] : memref<125x80xi32, #tpu.memory_space<vmem>> -> memref<1x80xi32, #tpu.memory_space<vmem>>
      %dma_wait3A_197 = tpu.memref_squeeze %dma_wait3A_196 : memref<1x80xi32, #tpu.memory_space<vmem>> -> memref<80xi32, #tpu.memory_space<vmem>>
      %dma_wait3A_198 = arith.constant 0 : i32
      %dma_wait3A_199 = arith.constant 0 : i32
      %dma_wait3A_200 = tpu.memref_slice %arg2[%dma_wait3A_198, %dma_wait3A_199] : memref<10000x64xbf16, #tpu.memory_space<hbm>> -> memref<10000x64xbf16, #tpu.memory_space<hbm>>
      tpu.wait_indirect_dma semaphore(%arg18 : memref<!tpu.dma_semaphore, #tpu.memory_space<semaphore_mem>>) src(%dma_wait3A_200 : memref<10000x64xbf16, #tpu.memory_space<hbm>>) dst(%arg12 : memref<80x64xbf16, #tpu.memory_space<vmem>>)
      "tpu.region"() ({
        %run_scoped3A = tpu.sem_alloc : memref<!tpu.dma_semaphore, #tpu.memory_space<semaphore_mem>>
        %dma_start3A_222 = arith.constant 0 : i32
        %dma_start3A_223 = tpu.memref_slice %arg8[%add3A_181, %dma_start3A_222] : memref<125x80xi32, #tpu.memory_space<vmem>> -> memref<1x80xi32, #tpu.memory_space<vmem>>
        %dma_start3A_224 = tpu.memref_squeeze %dma_start3A_223 : memref<1x80xi32, #tpu.memory_space<vmem>> -> memref<80xi32, #tpu.memory_space<vmem>>
        %dma_start3A_225 = arith.constant 0 : i32
        %dma_start3A_226 = arith.constant 0 : i32
        %dma_start3A_227 = tpu.memref_slice %arg14[%dma_start3A_225, %dma_start3A_226] : memref<10000x64xbf16, #tpu.memory_space<vmem_shared>> -> memref<10000x64xbf16, #tpu.memory_space<vmem_shared>>
        tpu.enqueue_indirect_dma source(%arg12 : memref<80x64xbf16, #tpu.memory_space<vmem>>) target(%dma_start3A_227 : memref<10000x64xbf16, #tpu.memory_space<vmem_shared>>) offsets(%dma_start3A_224 : memref<80xi32, #tpu.memory_space<vmem>>) semaphore(%run_scoped3A : memref<!tpu.dma_semaphore, #tpu.memory_space<semaphore_mem>>) {add = true}
        %dma_wait3A_228 = arith.constant 0 : i32
        %dma_wait3A_229 = tpu.memref_slice %arg8[%add3A_181, %dma_wait3A_228] : memref<125x80xi32, #tpu.memory_space<vmem>> -> memref<1x80xi32, #tpu.memory_space<vmem>>
        %dma_wait3A_230 = tpu.memref_squeeze %dma_wait3A_229 : memref<1x80xi32, #tpu.memory_space<vmem>> -> memref<80xi32, #tpu.memory_space<vmem>>
        %dma_wait3A_231 = arith.constant 0 : i32
        %dma_wait3A_232 = arith.constant 0 : i32
        %dma_wait3A_233 = tpu.memref_slice %arg14[%dma_wait3A_231, %dma_wait3A_232] : memref<10000x64xbf16, #tpu.memory_space<vmem_shared>> -> memref<10000x64xbf16, #tpu.memory_space<vmem_shared>>
        tpu.wait_indirect_dma semaphore(%run_scoped3A : memref<!tpu.dma_semaphore, #tpu.memory_space<semaphore_mem>>) src(%arg12 : memref<80x64xbf16, #tpu.memory_space<vmem>>) dst(%dma_wait3A_233 : memref<10000x64xbf16, #tpu.memory_space<vmem_shared>>)
        tpu.yield
      }) : () -> ()
      %add3A_201 = arith.constant 4 : i32
      %add3A_202 = arith.addi %mul3A_118, %add3A_201 : i32
      %add3A_203 = arith.constant 5 : i32
      %add3A_204 = arith.addi %add3A_202, %add3A_203 : i32
      %sub3A_205 = arith.constant 1 : i32
      %sub3A_206 = arith.subi %add3A_204, %sub3A_205 : i32
      %min3A_207 = arith.constant 124 : i32
      %min3A_208 = arith.minsi %sub3A_206, %min3A_207 : i32
      %dma_start3A_209 = arith.constant 0 : i32
      %dma_start3A_210 = tpu.memref_slice %arg7[%min3A_208, %dma_start3A_209] : memref<125x80xi32, #tpu.memory_space<vmem>> -> memref<1x80xi32, #tpu.memory_space<vmem>>
      %dma_start3A_211 = tpu.memref_squeeze %dma_start3A_210 : memref<1x80xi32, #tpu.memory_space<vmem>> -> memref<80xi32, #tpu.memory_space<vmem>>
      %dma_start3A_212 = arith.constant 0 : i32
      %dma_start3A_213 = arith.constant 0 : i32
      %dma_start3A_214 = tpu.memref_slice %arg2[%dma_start3A_212, %dma_start3A_213] : memref<10000x64xbf16, #tpu.memory_space<hbm>> -> memref<10000x64xbf16, #tpu.memory_space<hbm>>
      tpu.enqueue_indirect_dma source(%dma_start3A_214 : memref<10000x64xbf16, #tpu.memory_space<hbm>>) target(%arg12 : memref<80x64xbf16, #tpu.memory_space<vmem>>) offsets(%dma_start3A_211 : memref<80xi32, #tpu.memory_space<vmem>>) semaphore(%arg18 : memref<!tpu.dma_semaphore, #tpu.memory_space<semaphore_mem>>)
      %dma_wait3A_215 = arith.constant 0 : i32
      %dma_wait3A_216 = arith.constant 0 : i32
      %dma_wait3A_217 = tpu.memref_slice %arg7[%dma_wait3A_215, %dma_wait3A_216] : memref<125x80xi32, #tpu.memory_space<vmem>> -> memref<1x80xi32, #tpu.memory_space<vmem>>
      %dma_wait3A_218 = tpu.memref_squeeze %dma_wait3A_217 : memref<1x80xi32, #tpu.memory_space<vmem>> -> memref<80xi32, #tpu.memory_space<vmem>>
      %dma_wait3A_219 = arith.constant 0 : i32
      %dma_wait3A_220 = arith.constant 0 : i32
      %dma_wait3A_221 = tpu.memref_slice %arg2[%dma_wait3A_219, %dma_wait3A_220] : memref<10000x64xbf16, #tpu.memory_space<hbm>> -> memref<10000x64xbf16, #tpu.memory_space<hbm>>
      tpu.wait_indirect_dma semaphore(%arg19 : memref<!tpu.dma_semaphore, #tpu.memory_space<semaphore_mem>>) src(%dma_wait3A_221 : memref<10000x64xbf16, #tpu.memory_space<hbm>>) dst(%arg13 : memref<80x64xbf16, #tpu.memory_space<vmem>>)
      "tpu.region"() ({
        %run_scoped3A = tpu.sem_alloc : memref<!tpu.dma_semaphore, #tpu.memory_space<semaphore_mem>>
        %dma_start3A_222 = arith.constant 0 : i32
        %dma_start3A_223 = tpu.memref_slice %arg8[%add3A_202, %dma_start3A_222] : memref<125x80xi32, #tpu.memory_space<vmem>> -> memref<1x80xi32, #tpu.memory_space<vmem>>
        %dma_start3A_224 = tpu.memref_squeeze %dma_start3A_223 : memref<1x80xi32, #tpu.memory_space<vmem>> -> memref<80xi32, #tpu.memory_space<vmem>>
        %dma_start3A_225 = arith.constant 0 : i32
        %dma_start3A_226 = arith.constant 0 : i32
        %dma_start3A_227 = tpu.memref_slice %arg14[%dma_start3A_225, %dma_start3A_226] : memref<10000x64xbf16, #tpu.memory_space<vmem_shared>> -> memref<10000x64xbf16, #tpu.memory_space<vmem_shared>>
        tpu.enqueue_indirect_dma source(%arg13 : memref<80x64xbf16, #tpu.memory_space<vmem>>) target(%dma_start3A_227 : memref<10000x64xbf16, #tpu.memory_space<vmem_shared>>) offsets(%dma_start3A_224 : memref<80xi32, #tpu.memory_space<vmem>>) semaphore(%run_scoped3A : memref<!tpu.dma_semaphore, #tpu.memory_space<semaphore_mem>>) {add = true}
        %dma_wait3A_228 = arith.constant 0 : i32
        %dma_wait3A_229 = tpu.memref_slice %arg8[%add3A_202, %dma_wait3A_228] : memref<125x80xi32, #tpu.memory_space<vmem>> -> memref<1x80xi32, #tpu.memory_space<vmem>>
        %dma_wait3A_230 = tpu.memref_squeeze %dma_wait3A_229 : memref<1x80xi32, #tpu.memory_space<vmem>> -> memref<80xi32, #tpu.memory_space<vmem>>
        %dma_wait3A_231 = arith.constant 0 : i32
        %dma_wait3A_232 = arith.constant 0 : i32
        %dma_wait3A_233 = tpu.memref_slice %arg14[%dma_wait3A_231, %dma_wait3A_232] : memref<10000x64xbf16, #tpu.memory_space<vmem_shared>> -> memref<10000x64xbf16, #tpu.memory_space<vmem_shared>>
        tpu.wait_indirect_dma semaphore(%run_scoped3A : memref<!tpu.dma_semaphore, #tpu.memory_space<semaphore_mem>>) src(%arg13 : memref<80x64xbf16, #tpu.memory_space<vmem>>) dst(%dma_wait3A_233 : memref<10000x64xbf16, #tpu.memory_space<vmem_shared>>)
        tpu.yield
      }) : () -> ()
    }
    %scan3A_77 = arith.constant 25 : i32
    %dma_wait3A_78 = arith.constant 0 : i32
    %dma_wait3A_79 = arith.constant 0 : i32
    %dma_wait3A_80 = tpu.memref_slice %arg7[%dma_wait3A_78, %dma_wait3A_79] : memref<125x80xi32, #tpu.memory_space<vmem>> -> memref<1x80xi32, #tpu.memory_space<vmem>>
    %dma_wait3A_81 = tpu.memref_squeeze %dma_wait3A_80 : memref<1x80xi32, #tpu.memory_space<vmem>> -> memref<80xi32, #tpu.memory_space<vmem>>
    %dma_wait3A_82 = arith.constant 0 : i32
    %dma_wait3A_83 = arith.constant 0 : i32
    %dma_wait3A_84 = tpu.memref_slice %arg2[%dma_wait3A_82, %dma_wait3A_83] : memref<10000x64xbf16, #tpu.memory_space<hbm>> -> memref<10000x64xbf16, #tpu.memory_space<hbm>>
    tpu.wait_indirect_dma semaphore(%arg15 : memref<!tpu.dma_semaphore, #tpu.memory_space<semaphore_mem>>) src(%dma_wait3A_84 : memref<10000x64xbf16, #tpu.memory_space<hbm>>) dst(%arg9 : memref<80x64xbf16, #tpu.memory_space<vmem>>)
    %dma_wait3A_85 = arith.constant 0 : i32
    %dma_wait3A_86 = arith.constant 0 : i32
    %dma_wait3A_87 = tpu.memref_slice %arg7[%dma_wait3A_85, %dma_wait3A_86] : memref<125x80xi32, #tpu.memory_space<vmem>> -> memref<1x80xi32, #tpu.memory_space<vmem>>
    %dma_wait3A_88 = tpu.memref_squeeze %dma_wait3A_87 : memref<1x80xi32, #tpu.memory_space<vmem>> -> memref<80xi32, #tpu.memory_space<vmem>>
    %dma_wait3A_89 = arith.constant 0 : i32
    %dma_wait3A_90 = arith.constant 0 : i32
    %dma_wait3A_91 = tpu.memref_slice %arg2[%dma_wait3A_89, %dma_wait3A_90] : memref<10000x64xbf16, #tpu.memory_space<hbm>> -> memref<10000x64xbf16, #tpu.memory_space<hbm>>
    tpu.wait_indirect_dma semaphore(%arg16 : memref<!tpu.dma_semaphore, #tpu.memory_space<semaphore_mem>>) src(%dma_wait3A_91 : memref<10000x64xbf16, #tpu.memory_space<hbm>>) dst(%arg10 : memref<80x64xbf16, #tpu.memory_space<vmem>>)
    %dma_wait3A_92 = arith.constant 0 : i32
    %dma_wait3A_93 = arith.constant 0 : i32
    %dma_wait3A_94 = tpu.memref_slice %arg7[%dma_wait3A_92, %dma_wait3A_93] : memref<125x80xi32, #tpu.memory_space<vmem>> -> memref<1x80xi32, #tpu.memory_space<vmem>>
    %dma_wait3A_95 = tpu.memref_squeeze %dma_wait3A_94 : memref<1x80xi32, #tpu.memory_space<vmem>> -> memref<80xi32, #tpu.memory_space<vmem>>
    %dma_wait3A_96 = arith.constant 0 : i32
    %dma_wait3A_97 = arith.constant 0 : i32
    %dma_wait3A_98 = tpu.memref_slice %arg2[%dma_wait3A_96, %dma_wait3A_97] : memref<10000x64xbf16, #tpu.memory_space<hbm>> -> memref<10000x64xbf16, #tpu.memory_space<hbm>>
    tpu.wait_indirect_dma semaphore(%arg17 : memref<!tpu.dma_semaphore, #tpu.memory_space<semaphore_mem>>) src(%dma_wait3A_98 : memref<10000x64xbf16, #tpu.memory_space<hbm>>) dst(%arg11 : memref<80x64xbf16, #tpu.memory_space<vmem>>)
    %dma_wait3A_99 = arith.constant 0 : i32
    %dma_wait3A_100 = arith.constant 0 : i32
    %dma_wait3A_101 = tpu.memref_slice %arg7[%dma_wait3A_99, %dma_wait3A_100] : memref<125x80xi32, #tpu.memory_space<vmem>> -> memref<1x80xi32, #tpu.memory_space<vmem>>
    %dma_wait3A_102 = tpu.memref_squeeze %dma_wait3A_101 : memref<1x80xi32, #tpu.memory_space<vmem>> -> memref<80xi32, #tpu.memory_space<vmem>>
    %dma_wait3A_103 = arith.constant 0 : i32
    %dma_wait3A_104 = arith.constant 0 : i32
    %dma_wait3A_105 = tpu.memref_slice %arg2[%dma_wait3A_103, %dma_wait3A_104] : memref<10000x64xbf16, #tpu.memory_space<hbm>> -> memref<10000x64xbf16, #tpu.memory_space<hbm>>
    tpu.wait_indirect_dma semaphore(%arg18 : memref<!tpu.dma_semaphore, #tpu.memory_space<semaphore_mem>>) src(%dma_wait3A_105 : memref<10000x64xbf16, #tpu.memory_space<hbm>>) dst(%arg12 : memref<80x64xbf16, #tpu.memory_space<vmem>>)
    %barrier3A_106 = arith.constant 0 : index
    tpu.barrier barrier_id(%barrier3A_106)
    %mul3A_107 = arith.constant 624 : i32
    %mul3A_108 = arith.muli %arg1, %mul3A_107 : i32
    %mul3A_109 = arith.constant 624 : i32
    %mul3A_110 = arith.muli %arg1, %mul3A_109 : i32
    "tpu.region"() ({
      %run_scoped3A = tpu.sem_alloc : memref<!tpu.dma_semaphore, #tpu.memory_space<semaphore_mem>>
      %dma_start3A_116 = arith.constant 0 : i32
      %dma_start3A_117 = tpu.memref_slice %arg6[%arg0, %mul3A_110, %dma_start3A_116] : memref<2x10000x64xbf16, #tpu.memory_space<hbm>> -> memref<1x624x64xbf16, #tpu.memory_space<hbm>>
      %dma_start3A_118 = tpu.memref_squeeze %dma_start3A_117 : memref<1x624x64xbf16, #tpu.memory_space<hbm>> -> memref<624x64xbf16, #tpu.memory_space<hbm>>
      %dma_start3A_119 = arith.constant 0 : i32
      %dma_start3A_120 = tpu.memref_slice %arg14[%mul3A_108, %dma_start3A_119] : memref<10000x64xbf16, #tpu.memory_space<vmem_shared>> -> memref<624x64xbf16, #tpu.memory_space<vmem_shared>>
      tpu.enqueue_dma source(%dma_start3A_120 : memref<624x64xbf16, #tpu.memory_space<vmem_shared>>) target(%dma_start3A_118 : memref<624x64xbf16, #tpu.memory_space<hbm>>) target_semaphore(%run_scoped3A : memref<!tpu.dma_semaphore, #tpu.memory_space<semaphore_mem>>)
      %dma_wait3A_121 = arith.constant 0 : i32
      %dma_wait3A_122 = tpu.memref_slice %arg6[%arg0, %mul3A_110, %dma_wait3A_121] : memref<2x10000x64xbf16, #tpu.memory_space<hbm>> -> memref<1x624x64xbf16, #tpu.memory_space<hbm>>
      %dma_wait3A_123 = tpu.memref_squeeze %dma_wait3A_122 : memref<1x624x64xbf16, #tpu.memory_space<hbm>> -> memref<624x64xbf16, #tpu.memory_space<hbm>>
      %dma_wait3A_124 = arith.constant 0 : i32
      %dma_wait3A_125 = tpu.memref_slice %arg14[%mul3A_108, %dma_wait3A_124] : memref<10000x64xbf16, #tpu.memory_space<vmem_shared>> -> memref<624x64xbf16, #tpu.memory_space<vmem_shared>>
      tpu.wait_dma2 semaphore(%run_scoped3A : memref<!tpu.dma_semaphore, #tpu.memory_space<semaphore_mem>>) src(%dma_wait3A_125 : memref<624x64xbf16, #tpu.memory_space<vmem_shared>>) dst(%dma_wait3A_123 : memref<624x64xbf16, #tpu.memory_space<hbm>>)
      tpu.yield
    }) : () -> ()
    %eq3A_111 = arith.constant 15 : i32
    %eq3A_112 = arith.cmpi eq, %arg1, %eq3A_111 : i32
    %convert_element_type3A_113 = arith.extui %eq3A_112 : i1 to i32
    %cond3A_114 = arith.constant 0 : i32
    %cond3A_115 = arith.cmpi ne, %convert_element_type3A_113, %cond3A_114 : i32
    scf.if %cond3A_115 {
      "tpu.region"() ({
        %run_scoped3A = tpu.sem_alloc : memref<!tpu.dma_semaphore, #tpu.memory_space<semaphore_mem>>
        %dma_start3A_116 = arith.constant 9984 : i32
        %dma_start3A_117 = arith.constant 0 : i32
        %dma_start3A_118 = tpu.memref_slice %arg6[%arg0, %dma_start3A_116, %dma_start3A_117] : memref<2x10000x64xbf16, #tpu.memory_space<hbm>> -> memref<1x16x64xbf16, #tpu.memory_space<hbm>>
        %dma_start3A_119 = tpu.memref_squeeze %dma_start3A_118 : memref<1x16x64xbf16, #tpu.memory_space<hbm>> -> memref<16x64xbf16, #tpu.memory_space<hbm>>
        %dma_start3A_120 = arith.constant 9984 : i32
        %dma_start3A_121 = arith.constant 0 : i32
        %dma_start3A_122 = tpu.memref_slice %arg14[%dma_start3A_120, %dma_start3A_121] : memref<10000x64xbf16, #tpu.memory_space<vmem_shared>> -> memref<16x64xbf16, #tpu.memory_space<vmem_shared>>
        tpu.enqueue_dma source(%dma_start3A_122 : memref<16x64xbf16, #tpu.memory_space<vmem_shared>>) target(%dma_start3A_119 : memref<16x64xbf16, #tpu.memory_space<hbm>>) target_semaphore(%run_scoped3A : memref<!tpu.dma_semaphore, #tpu.memory_space<semaphore_mem>>)
        %dma_wait3A_123 = arith.constant 9984 : i32
        %dma_wait3A_124 = arith.constant 0 : i32
        %dma_wait3A_125 = tpu.memref_slice %arg6[%arg0, %dma_wait3A_123, %dma_wait3A_124] : memref<2x10000x64xbf16, #tpu.memory_space<hbm>> -> memref<1x16x64xbf16, #tpu.memory_space<hbm>>
        %dma_wait3A_126 = tpu.memref_squeeze %dma_wait3A_125 : memref<1x16x64xbf16, #tpu.memory_space<hbm>> -> memref<16x64xbf16, #tpu.memory_space<hbm>>
        %dma_wait3A_127 = arith.constant 9984 : i32
        %dma_wait3A_128 = arith.constant 0 : i32
        %dma_wait3A_129 = tpu.memref_slice %arg14[%dma_wait3A_127, %dma_wait3A_128] : memref<10000x64xbf16, #tpu.memory_space<vmem_shared>> -> memref<16x64xbf16, #tpu.memory_space<vmem_shared>>
        tpu.wait_dma2 semaphore(%run_scoped3A : memref<!tpu.dma_semaphore, #tpu.memory_space<semaphore_mem>>) src(%dma_wait3A_129 : memref<16x64xbf16, #tpu.memory_space<vmem_shared>>) dst(%dma_wait3A_126 : memref<16x64xbf16, #tpu.memory_space<hbm>>)
        tpu.yield
      }) : () -> ()
    } else {
    }
    return
  }
}

module attributes {stable_mosaic.version = 14 : i64} {
  func.func @body(%arg0: i32, %arg1: memref<2000x128xf32, #tpu.memory_space<vmem>>, %arg2: memref<128x64xf32, #tpu.memory_space<vmem>>, %arg3: memref<1x64xf32, #tpu.memory_space<vmem>>, %arg4: memref<2000x64xf32, #tpu.memory_space<vmem>>, %arg5: memref<2000x64xbf16, #tpu.memory_space<vmem>>) attributes {dimension_semantics = [#tpu.dimension_semantics<arbitrary>], iteration_bounds = array<i64: 5>, scalar_prefetch = 0 : i64, scratch_operands = 0 : i64, tpu.core_type = #tpu.core_type<tc>, window_params = [{transform_indices = @transform_0, window_bounds = array<i64: 2000, 128>}, {pipeline_mode = #tpu.pipeline_mode<synchronous>, transform_indices = @transform_1, window_bounds = array<i64: 128, 64>}, {pipeline_mode = #tpu.pipeline_mode<synchronous>, transform_indices = @transform_2, window_bounds = array<i64: 1, 64>}, {transform_indices = @transform_3, window_bounds = array<i64: 2000, 64>}, {transform_indices = @transform_4, window_bounds = array<i64: 2000, 64>}]} {
    %get3A = arith.constant 0 : index
    %get3A_0 = arith.constant 0 : index
    %get3A_1 = vector.load %arg1[%get3A, %get3A_0] : memref<2000x128xf32, #tpu.memory_space<vmem>>, vector<2000x128xf32>
    %get3A_2 = arith.constant 0 : index
    %get3A_3 = arith.constant 0 : index
    %get3A_4 = vector.load %arg2[%get3A_2, %get3A_3] : memref<128x64xf32, #tpu.memory_space<vmem>>, vector<128x64xf32>
    %dot_general3A = arith.constant dense<0.000000e+00> : vector<2000x64xf32>
    %dot_general3A_5 = tpu.matmul %get3A_1, %get3A_4, %dot_general3A {dimension_numbers = #tpu.dot_dimension_numbers<[1], [0], [0], [1], [0, 0, 1, 1], [], []>, transpose_lhs_hint = false} : vector<2000x128xf32>, vector<128x64xf32>, vector<2000x64xf32> -> vector<2000x64xf32>
    %get3A_6 = arith.constant 0 : index
    %get3A_7 = arith.constant 0 : index
    %get3A_8 = vector.load %arg3[%get3A_6, %get3A_7] : memref<1x64xf32, #tpu.memory_space<vmem>>, vector<1x64xf32>
    %add3A = vector.broadcast %get3A_8 : vector<1x64xf32> to vector<2000x64xf32>
    %add3A_9 = arith.addf %dot_general3A_5, %add3A : vector<2000x64xf32>
    %max3A = arith.constant 0.000000e+00 : f32
    %max3A_10 = vector.broadcast %max3A : f32 to vector<2000x64xf32>
    %max3A_11 = arith.maximumf %add3A_9, %max3A_10 : vector<2000x64xf32>
    %swap3A = arith.constant 0 : index
    %swap3A_12 = arith.constant 0 : index
    %swap3A_13 = vector.load %arg4[%swap3A, %swap3A_12] : memref<2000x64xf32, #tpu.memory_space<vmem>>, vector<2000x64xf32>
    tpu.vector_store %arg4[%swap3A, %swap3A_12], %max3A_11 {strides = array<i32>} : memref<2000x64xf32, #tpu.memory_space<vmem>>, vector<2000x64xf32>,
    %convert_element_type3A = arith.truncf %max3A_11 : vector<2000x64xf32> to vector<2000x64xbf16>
    %swap3A_14 = arith.constant 0 : index
    %swap3A_15 = arith.constant 0 : index
    %swap3A_16 = vector.load %arg5[%swap3A_14, %swap3A_15] : memref<2000x64xbf16, #tpu.memory_space<vmem>>, vector<2000x64xbf16>
    tpu.vector_store %arg5[%swap3A_14, %swap3A_15], %convert_element_type3A {strides = array<i32>} : memref<2000x64xbf16, #tpu.memory_space<vmem>>, vector<2000x64xbf16>,
    return
  }
  func.func @transform_0(%arg0: i32) -> (i32, i32) {
    %c0_i32 = arith.constant 0 : i32
    %c0_i32_0 = arith.constant 0 : i32
    return %arg0, %c0_i32 : i32, i32
  }
  func.func @transform_1(%arg0: i32) -> (i32, i32) {
    %c0_i32 = arith.constant 0 : i32
    %c0_i32_0 = arith.constant 0 : i32
    %c0_i32_1 = arith.constant 0 : i32
    return %c0_i32, %c0_i32_0 : i32, i32
  }
  func.func @transform_2(%arg0: i32) -> (i32, i32) {
    %c0_i32 = arith.constant 0 : i32
    %c0_i32_0 = arith.constant 0 : i32
    %c0_i32_1 = arith.constant 0 : i32
    return %c0_i32, %c0_i32_0 : i32, i32
  }
  func.func @transform_3(%arg0: i32) -> (i32, i32) {
    %c0_i32 = arith.constant 0 : i32
    %c0_i32_0 = arith.constant 0 : i32
    return %arg0, %c0_i32 : i32, i32
  }
  func.func @transform_4(%arg0: i32) -> (i32, i32) {
    %c0_i32 = arith.constant 0 : i32
    %c0_i32_0 = arith.constant 0 : i32
    return %arg0, %c0_i32 : i32, i32
  }
}

module attributes {stable_mosaic.version = 14 : i64} {
  func.func @body(%arg0: i32, %arg1: memref<2x2000x64xbf16, #tpu.memory_space<vmem>>, %arg2: memref<64x64xf32, #tpu.memory_space<vmem>>, %arg3: memref<1x64xf32, #tpu.memory_space<vmem>>, %arg4: memref<2000x64xf32, #tpu.memory_space<vmem>>, %arg5: memref<2000x64xbf16, #tpu.memory_space<vmem>>) attributes {dimension_semantics = [#tpu.dimension_semantics<arbitrary>], iteration_bounds = array<i64: 5>, scalar_prefetch = 0 : i64, scratch_operands = 0 : i64, tpu.core_type = #tpu.core_type<tc>, window_params = [{transform_indices = @transform_0, window_bounds = array<i64: 2, 2000, 64>}, {pipeline_mode = #tpu.pipeline_mode<synchronous>, transform_indices = @transform_1, window_bounds = array<i64: 64, 64>}, {pipeline_mode = #tpu.pipeline_mode<synchronous>, transform_indices = @transform_2, window_bounds = array<i64: 1, 64>}, {transform_indices = @transform_3, window_bounds = array<i64: 2000, 64>}, {transform_indices = @transform_4, window_bounds = array<i64: 2000, 64>}]} {
    %get3A = arith.constant 0 : index
    %get3A_0 = arith.constant 0 : index
    %get3A_1 = arith.constant 0 : index
    %get3A_2 = vector.load %arg1[%get3A, %get3A_0, %get3A_1] : memref<2x2000x64xbf16, #tpu.memory_space<vmem>>, vector<1x2000x64xbf16>
    %get3A_3 = vector.shape_cast %get3A_2 : vector<1x2000x64xbf16> to vector<2000x64xbf16>
    %convert_element_type3A = arith.extf %get3A_3 : vector<2000x64xbf16> to vector<2000x64xf32>
    %get3A_4 = arith.constant 1 : index
    %get3A_5 = arith.constant 0 : index
    %get3A_6 = arith.constant 0 : index
    %get3A_7 = vector.load %arg1[%get3A_4, %get3A_5, %get3A_6] : memref<2x2000x64xbf16, #tpu.memory_space<vmem>>, vector<1x2000x64xbf16>
    %get3A_8 = vector.shape_cast %get3A_7 : vector<1x2000x64xbf16> to vector<2000x64xbf16>
    %convert_element_type3A_9 = arith.extf %get3A_8 : vector<2000x64xbf16> to vector<2000x64xf32>
    %add3A = arith.addf %convert_element_type3A, %convert_element_type3A_9 : vector<2000x64xf32>
    %get3A_10 = arith.constant 0 : index
    %get3A_11 = arith.constant 0 : index
    %get3A_12 = vector.load %arg2[%get3A_10, %get3A_11] : memref<64x64xf32, #tpu.memory_space<vmem>>, vector<64x64xf32>
    %dot_general3A = arith.constant dense<0.000000e+00> : vector<2000x64xf32>
    %dot_general3A_13 = tpu.matmul %add3A, %get3A_12, %dot_general3A {dimension_numbers = #tpu.dot_dimension_numbers<[1], [0], [0], [1], [0, 0, 1, 1], [], []>, transpose_lhs_hint = false} : vector<2000x64xf32>, vector<64x64xf32>, vector<2000x64xf32> -> vector<2000x64xf32>
    %get3A_14 = arith.constant 0 : index
    %get3A_15 = arith.constant 0 : index
    %get3A_16 = vector.load %arg3[%get3A_14, %get3A_15] : memref<1x64xf32, #tpu.memory_space<vmem>>, vector<1x64xf32>
    %add3A_17 = vector.broadcast %get3A_16 : vector<1x64xf32> to vector<2000x64xf32>
    %add3A_18 = arith.addf %dot_general3A_13, %add3A_17 : vector<2000x64xf32>
    %swap3A = arith.constant 0 : index
    %swap3A_19 = arith.constant 0 : index
    %swap3A_20 = vector.load %arg4[%swap3A, %swap3A_19] : memref<2000x64xf32, #tpu.memory_space<vmem>>, vector<2000x64xf32>
    tpu.vector_store %arg4[%swap3A, %swap3A_19], %add3A_18 {strides = array<i32>} : memref<2000x64xf32, #tpu.memory_space<vmem>>, vector<2000x64xf32>,
    %convert_element_type3A_21 = arith.truncf %add3A_18 : vector<2000x64xf32> to vector<2000x64xbf16>
    %swap3A_22 = arith.constant 0 : index
    %swap3A_23 = arith.constant 0 : index
    %swap3A_24 = vector.load %arg5[%swap3A_22, %swap3A_23] : memref<2000x64xbf16, #tpu.memory_space<vmem>>, vector<2000x64xbf16>
    tpu.vector_store %arg5[%swap3A_22, %swap3A_23], %convert_element_type3A_21 {strides = array<i32>} : memref<2000x64xbf16, #tpu.memory_space<vmem>>, vector<2000x64xbf16>,
    return
  }
  func.func @transform_0(%arg0: i32) -> (i32, i32, i32) {
    %c0_i32 = arith.constant 0 : i32
    %c0_i32_0 = arith.constant 0 : i32
    %c0_i32_1 = arith.constant 0 : i32
    return %c0_i32, %arg0, %c0_i32_0 : i32, i32, i32
  }
  func.func @transform_1(%arg0: i32) -> (i32, i32) {
    %c0_i32 = arith.constant 0 : i32
    %c0_i32_0 = arith.constant 0 : i32
    %c0_i32_1 = arith.constant 0 : i32
    return %c0_i32, %c0_i32_0 : i32, i32
  }
  func.func @transform_2(%arg0: i32) -> (i32, i32) {
    %c0_i32 = arith.constant 0 : i32
    %c0_i32_0 = arith.constant 0 : i32
    %c0_i32_1 = arith.constant 0 : i32
    return %c0_i32, %c0_i32_0 : i32, i32
  }
  func.func @transform_3(%arg0: i32) -> (i32, i32) {
    %c0_i32 = arith.constant 0 : i32
    %c0_i32_0 = arith.constant 0 : i32
    return %arg0, %c0_i32 : i32, i32
  }
  func.func @transform_4(%arg0: i32) -> (i32, i32) {
    %c0_i32 = arith.constant 0 : i32
    %c0_i32_0 = arith.constant 0 : i32
    return %arg0, %c0_i32 : i32, i32
  }
}

module attributes {stable_mosaic.version = 14 : i64} {
  func.func @body(%arg0: i32, %arg1: memref<2x2000x64xbf16, #tpu.memory_space<vmem>>, %arg2: memref<64x64xf32, #tpu.memory_space<vmem>>, %arg3: memref<1x64xf32, #tpu.memory_space<vmem>>, %arg4: memref<2000x64xf32, #tpu.memory_space<vmem>>, %arg5: memref<2000x64xf32, #tpu.memory_space<vmem>>, %arg6: memref<2000x64xbf16, #tpu.memory_space<vmem>>) attributes {dimension_semantics = [#tpu.dimension_semantics<arbitrary>], iteration_bounds = array<i64: 5>, scalar_prefetch = 0 : i64, scratch_operands = 0 : i64, tpu.core_type = #tpu.core_type<tc>, window_params = [{transform_indices = @transform_0, window_bounds = array<i64: 2, 2000, 64>}, {pipeline_mode = #tpu.pipeline_mode<synchronous>, transform_indices = @transform_1, window_bounds = array<i64: 64, 64>}, {pipeline_mode = #tpu.pipeline_mode<synchronous>, transform_indices = @transform_2, window_bounds = array<i64: 1, 64>}, {transform_indices = @transform_3, window_bounds = array<i64: 2000, 64>}, {transform_indices = @transform_4, window_bounds = array<i64: 2000, 64>}, {transform_indices = @transform_5, window_bounds = array<i64: 2000, 64>}]} {
    %get3A = arith.constant 0 : index
    %get3A_0 = arith.constant 0 : index
    %get3A_1 = arith.constant 0 : index
    %get3A_2 = vector.load %arg1[%get3A, %get3A_0, %get3A_1] : memref<2x2000x64xbf16, #tpu.memory_space<vmem>>, vector<1x2000x64xbf16>
    %get3A_3 = vector.shape_cast %get3A_2 : vector<1x2000x64xbf16> to vector<2000x64xbf16>
    %convert_element_type3A = arith.extf %get3A_3 : vector<2000x64xbf16> to vector<2000x64xf32>
    %get3A_4 = arith.constant 1 : index
    %get3A_5 = arith.constant 0 : index
    %get3A_6 = arith.constant 0 : index
    %get3A_7 = vector.load %arg1[%get3A_4, %get3A_5, %get3A_6] : memref<2x2000x64xbf16, #tpu.memory_space<vmem>>, vector<1x2000x64xbf16>
    %get3A_8 = vector.shape_cast %get3A_7 : vector<1x2000x64xbf16> to vector<2000x64xbf16>
    %convert_element_type3A_9 = arith.extf %get3A_8 : vector<2000x64xbf16> to vector<2000x64xf32>
    %add3A = arith.addf %convert_element_type3A, %convert_element_type3A_9 : vector<2000x64xf32>
    %swap3A = arith.constant 0 : index
    %swap3A_10 = arith.constant 0 : index
    %swap3A_11 = vector.load %arg4[%swap3A, %swap3A_10] : memref<2000x64xf32, #tpu.memory_space<vmem>>, vector<2000x64xf32>
    tpu.vector_store %arg4[%swap3A, %swap3A_10], %add3A {strides = array<i32>} : memref<2000x64xf32, #tpu.memory_space<vmem>>, vector<2000x64xf32>,
    %get3A_12 = arith.constant 0 : index
    %get3A_13 = arith.constant 0 : index
    %get3A_14 = vector.load %arg2[%get3A_12, %get3A_13] : memref<64x64xf32, #tpu.memory_space<vmem>>, vector<64x64xf32>
    %dot_general3A = arith.constant dense<0.000000e+00> : vector<2000x64xf32>
    %dot_general3A_15 = tpu.matmul %add3A, %get3A_14, %dot_general3A {dimension_numbers = #tpu.dot_dimension_numbers<[1], [0], [0], [1], [0, 0, 1, 1], [], []>, transpose_lhs_hint = false} : vector<2000x64xf32>, vector<64x64xf32>, vector<2000x64xf32> -> vector<2000x64xf32>
    %get3A_16 = arith.constant 0 : index
    %get3A_17 = arith.constant 0 : index
    %get3A_18 = vector.load %arg3[%get3A_16, %get3A_17] : memref<1x64xf32, #tpu.memory_space<vmem>>, vector<1x64xf32>
    %add3A_19 = vector.broadcast %get3A_18 : vector<1x64xf32> to vector<2000x64xf32>
    %add3A_20 = arith.addf %dot_general3A_15, %add3A_19 : vector<2000x64xf32>
    %swap3A_21 = arith.constant 0 : index
    %swap3A_22 = arith.constant 0 : index
    %swap3A_23 = vector.load %arg5[%swap3A_21, %swap3A_22] : memref<2000x64xf32, #tpu.memory_space<vmem>>, vector<2000x64xf32>
    tpu.vector_store %arg5[%swap3A_21, %swap3A_22], %add3A_20 {strides = array<i32>} : memref<2000x64xf32, #tpu.memory_space<vmem>>, vector<2000x64xf32>,
    %convert_element_type3A_24 = arith.truncf %add3A_20 : vector<2000x64xf32> to vector<2000x64xbf16>
    %swap3A_25 = arith.constant 0 : index
    %swap3A_26 = arith.constant 0 : index
    %swap3A_27 = vector.load %arg6[%swap3A_25, %swap3A_26] : memref<2000x64xbf16, #tpu.memory_space<vmem>>, vector<2000x64xbf16>
    tpu.vector_store %arg6[%swap3A_25, %swap3A_26], %convert_element_type3A_24 {strides = array<i32>} : memref<2000x64xbf16, #tpu.memory_space<vmem>>, vector<2000x64xbf16>,
    return
  }
  func.func @transform_0(%arg0: i32) -> (i32, i32, i32) {
    %c0_i32 = arith.constant 0 : i32
    %c0_i32_0 = arith.constant 0 : i32
    %c0_i32_1 = arith.constant 0 : i32
    return %c0_i32, %arg0, %c0_i32_0 : i32, i32, i32
  }
  func.func @transform_1(%arg0: i32) -> (i32, i32) {
    %c0_i32 = arith.constant 0 : i32
    %c0_i32_0 = arith.constant 0 : i32
    %c0_i32_1 = arith.constant 0 : i32
    return %c0_i32, %c0_i32_0 : i32, i32
  }
  func.func @transform_2(%arg0: i32) -> (i32, i32) {
    %c0_i32 = arith.constant 0 : i32
    %c0_i32_0 = arith.constant 0 : i32
    %c0_i32_1 = arith.constant 0 : i32
    return %c0_i32, %c0_i32_0 : i32, i32
  }
  func.func @transform_3(%arg0: i32) -> (i32, i32) {
    %c0_i32 = arith.constant 0 : i32
    %c0_i32_0 = arith.constant 0 : i32
    return %arg0, %c0_i32 : i32, i32
  }
  func.func @transform_4(%arg0: i32) -> (i32, i32) {
    %c0_i32 = arith.constant 0 : i32
    %c0_i32_0 = arith.constant 0 : i32
    return %arg0, %c0_i32 : i32, i32
  }
  func.func @transform_5(%arg0: i32) -> (i32, i32) {
    %c0_i32 = arith.constant 0 : i32
    %c0_i32_0 = arith.constant 0 : i32
    return %arg0, %c0_i32 : i32, i32
  }
}

module attributes {stable_mosaic.version = 14 : i64} {
  func.func @body(%arg0: i32, %arg1: memref<2000x64xf32, #tpu.memory_space<vmem>>, %arg2: memref<2x2000x64xbf16, #tpu.memory_space<vmem>>, %arg3: memref<64x128xf32, #tpu.memory_space<vmem>>, %arg4: memref<64x128xf32, #tpu.memory_space<vmem>>, %arg5: memref<1x128xf32, #tpu.memory_space<vmem>>, %arg6: memref<2000x64xf32, #tpu.memory_space<vmem>>, %arg7: memref<2000x64xf32, #tpu.memory_space<vmem>>, %arg8: memref<2000x64xbf16, #tpu.memory_space<vmem>>, %arg9: memref<2000x64xbf16, #tpu.memory_space<vmem>>) attributes {dimension_semantics = [#tpu.dimension_semantics<arbitrary>], iteration_bounds = array<i64: 5>, scalar_prefetch = 0 : i64, scratch_operands = 0 : i64, tpu.core_type = #tpu.core_type<tc>, window_params = [{transform_indices = @transform_0, window_bounds = array<i64: 2000, 64>}, {transform_indices = @transform_1, window_bounds = array<i64: 2, 2000, 64>}, {pipeline_mode = #tpu.pipeline_mode<synchronous>, transform_indices = @transform_2, window_bounds = array<i64: 64, 128>}, {pipeline_mode = #tpu.pipeline_mode<synchronous>, transform_indices = @transform_3, window_bounds = array<i64: 64, 128>}, {pipeline_mode = #tpu.pipeline_mode<synchronous>, transform_indices = @transform_4, window_bounds = array<i64: 1, 128>}, {transform_indices = @transform_5, window_bounds = array<i64: 2000, 64>}, {transform_indices = @transform_6, window_bounds = array<i64: 2000, 64>}, {transform_indices = @transform_7, window_bounds = array<i64: 2000, 64>}, {transform_indices = @transform_8, window_bounds = array<i64: 2000, 64>}]} {
    %get3A = arith.constant 0 : index
    %get3A_0 = arith.constant 0 : index
    %get3A_1 = vector.load %arg1[%get3A, %get3A_0] : memref<2000x64xf32, #tpu.memory_space<vmem>>, vector<2000x64xf32>
    %get3A_2 = arith.constant 0 : index
    %get3A_3 = arith.constant 0 : index
    %get3A_4 = vector.load %arg3[%get3A_2, %get3A_3] : memref<64x128xf32, #tpu.memory_space<vmem>>, vector<64x128xf32>
    %dot_general3A = arith.constant dense<0.000000e+00> : vector<2000x128xf32>
    %dot_general3A_5 = tpu.matmul %get3A_1, %get3A_4, %dot_general3A {dimension_numbers = #tpu.dot_dimension_numbers<[1], [0], [0], [1], [0, 0, 1, 1], [], []>, transpose_lhs_hint = false} : vector<2000x64xf32>, vector<64x128xf32>, vector<2000x128xf32> -> vector<2000x128xf32>
    %get3A_6 = arith.constant 0 : index
    %get3A_7 = arith.constant 0 : index
    %get3A_8 = arith.constant 0 : index
    %get3A_9 = vector.load %arg2[%get3A_6, %get3A_7, %get3A_8] : memref<2x2000x64xbf16, #tpu.memory_space<vmem>>, vector<1x2000x64xbf16>
    %get3A_10 = vector.shape_cast %get3A_9 : vector<1x2000x64xbf16> to vector<2000x64xbf16>
    %convert_element_type3A = arith.extf %get3A_10 : vector<2000x64xbf16> to vector<2000x64xf32>
    %get3A_11 = arith.constant 1 : index
    %get3A_12 = arith.constant 0 : index
    %get3A_13 = arith.constant 0 : index
    %get3A_14 = vector.load %arg2[%get3A_11, %get3A_12, %get3A_13] : memref<2x2000x64xbf16, #tpu.memory_space<vmem>>, vector<1x2000x64xbf16>
    %get3A_15 = vector.shape_cast %get3A_14 : vector<1x2000x64xbf16> to vector<2000x64xbf16>
    %convert_element_type3A_16 = arith.extf %get3A_15 : vector<2000x64xbf16> to vector<2000x64xf32>
    %add3A = arith.addf %convert_element_type3A, %convert_element_type3A_16 : vector<2000x64xf32>
    %get3A_17 = arith.constant 0 : index
    %get3A_18 = arith.constant 0 : index
    %get3A_19 = vector.load %arg4[%get3A_17, %get3A_18] : memref<64x128xf32, #tpu.memory_space<vmem>>, vector<64x128xf32>
    %dot_general3A_20 = arith.constant dense<0.000000e+00> : vector<2000x128xf32>
    %dot_general3A_21 = tpu.matmul %add3A, %get3A_19, %dot_general3A_20 {dimension_numbers = #tpu.dot_dimension_numbers<[1], [0], [0], [1], [0, 0, 1, 1], [], []>, transpose_lhs_hint = false} : vector<2000x64xf32>, vector<64x128xf32>, vector<2000x128xf32> -> vector<2000x128xf32>
    %add3A_22 = arith.addf %dot_general3A_5, %dot_general3A_21 : vector<2000x128xf32>
    %get3A_23 = arith.constant 0 : index
    %get3A_24 = arith.constant 0 : index
    %get3A_25 = vector.load %arg5[%get3A_23, %get3A_24] : memref<1x128xf32, #tpu.memory_space<vmem>>, vector<1x128xf32>
    %add3A_26 = vector.broadcast %get3A_25 : vector<1x128xf32> to vector<2000x128xf32>
    %add3A_27 = arith.addf %add3A_22, %add3A_26 : vector<2000x128xf32>
    %slice3A = vector.extract_strided_slice %add3A_27 {offsets = [0, 0], sizes = [2000, 64], strides = [1, 1]} : vector<2000x128xf32> to vector<2000x64xf32>
    %swap3A = arith.constant 0 : index
    %swap3A_28 = arith.constant 0 : index
    %swap3A_29 = vector.load %arg6[%swap3A, %swap3A_28] : memref<2000x64xf32, #tpu.memory_space<vmem>>, vector<2000x64xf32>
    tpu.vector_store %arg6[%swap3A, %swap3A_28], %slice3A {strides = array<i32>} : memref<2000x64xf32, #tpu.memory_space<vmem>>, vector<2000x64xf32>,
    %slice3A_30 = vector.extract_strided_slice %add3A_27 {offsets = [0, 64], sizes = [2000, 64], strides = [1, 1]} : vector<2000x128xf32> to vector<2000x64xf32>
    %swap3A_31 = arith.constant 0 : index
    %swap3A_32 = arith.constant 0 : index
    %swap3A_33 = vector.load %arg7[%swap3A_31, %swap3A_32] : memref<2000x64xf32, #tpu.memory_space<vmem>>, vector<2000x64xf32>
    tpu.vector_store %arg7[%swap3A_31, %swap3A_32], %slice3A_30 {strides = array<i32>} : memref<2000x64xf32, #tpu.memory_space<vmem>>, vector<2000x64xf32>,
    %slice3A_34 = vector.extract_strided_slice %add3A_27 {offsets = [0, 0], sizes = [2000, 64], strides = [1, 1]} : vector<2000x128xf32> to vector<2000x64xf32>
    %convert_element_type3A_35 = arith.truncf %slice3A_34 : vector<2000x64xf32> to vector<2000x64xbf16>
    %swap3A_36 = arith.constant 0 : index
    %swap3A_37 = arith.constant 0 : index
    %swap3A_38 = vector.load %arg8[%swap3A_36, %swap3A_37] : memref<2000x64xbf16, #tpu.memory_space<vmem>>, vector<2000x64xbf16>
    tpu.vector_store %arg8[%swap3A_36, %swap3A_37], %convert_element_type3A_35 {strides = array<i32>} : memref<2000x64xbf16, #tpu.memory_space<vmem>>, vector<2000x64xbf16>,
    %slice3A_39 = vector.extract_strided_slice %add3A_27 {offsets = [0, 64], sizes = [2000, 64], strides = [1, 1]} : vector<2000x128xf32> to vector<2000x64xf32>
    %convert_element_type3A_40 = arith.truncf %slice3A_39 : vector<2000x64xf32> to vector<2000x64xbf16>
    %swap3A_41 = arith.constant 0 : index
    %swap3A_42 = arith.constant 0 : index
    %swap3A_43 = vector.load %arg9[%swap3A_41, %swap3A_42] : memref<2000x64xbf16, #tpu.memory_space<vmem>>, vector<2000x64xbf16>
    tpu.vector_store %arg9[%swap3A_41, %swap3A_42], %convert_element_type3A_40 {strides = array<i32>} : memref<2000x64xbf16, #tpu.memory_space<vmem>>, vector<2000x64xbf16>,
    return
  }
  func.func @transform_0(%arg0: i32) -> (i32, i32) {
    %c0_i32 = arith.constant 0 : i32
    %c0_i32_0 = arith.constant 0 : i32
    return %arg0, %c0_i32 : i32, i32
  }
  func.func @transform_1(%arg0: i32) -> (i32, i32, i32) {
    %c0_i32 = arith.constant 0 : i32
    %c0_i32_0 = arith.constant 0 : i32
    %c0_i32_1 = arith.constant 0 : i32
    return %c0_i32, %arg0, %c0_i32_0 : i32, i32, i32
  }
  func.func @transform_2(%arg0: i32) -> (i32, i32) {
    %c0_i32 = arith.constant 0 : i32
    %c0_i32_0 = arith.constant 0 : i32
    %c0_i32_1 = arith.constant 0 : i32
    return %c0_i32, %c0_i32_0 : i32, i32
  }
  func.func @transform_3(%arg0: i32) -> (i32, i32) {
    %c0_i32 = arith.constant 0 : i32
    %c0_i32_0 = arith.constant 0 : i32
    %c0_i32_1 = arith.constant 0 : i32
    return %c0_i32, %c0_i32_0 : i32, i32
  }
  func.func @transform_4(%arg0: i32) -> (i32, i32) {
    %c0_i32 = arith.constant 0 : i32
    %c0_i32_0 = arith.constant 0 : i32
    %c0_i32_1 = arith.constant 0 : i32
    return %c0_i32, %c0_i32_0 : i32, i32
  }
  func.func @transform_5(%arg0: i32) -> (i32, i32) {
    %c0_i32 = arith.constant 0 : i32
    %c0_i32_0 = arith.constant 0 : i32
    return %arg0, %c0_i32 : i32, i32
  }
  func.func @transform_6(%arg0: i32) -> (i32, i32) {
    %c0_i32 = arith.constant 0 : i32
    %c0_i32_0 = arith.constant 0 : i32
    return %arg0, %c0_i32 : i32, i32
  }
  func.func @transform_7(%arg0: i32) -> (i32, i32) {
    %c0_i32 = arith.constant 0 : i32
    %c0_i32_0 = arith.constant 0 : i32
    return %arg0, %c0_i32 : i32, i32
  }
  func.func @transform_8(%arg0: i32) -> (i32, i32) {
    %c0_i32 = arith.constant 0 : i32
    %c0_i32_0 = arith.constant 0 : i32
    return %arg0, %c0_i32 : i32, i32
  }
}

module attributes {stable_mosaic.version = 14 : i64} {
  func.func @body(%arg0: i32, %arg1: memref<2000x64xf32, #tpu.memory_space<vmem>>, %arg2: memref<2000x64xf32, #tpu.memory_space<vmem>>, %arg3: memref<2000x64xf32, #tpu.memory_space<vmem>>, %arg4: memref<2000x64xf32, #tpu.memory_space<vmem>>, %arg5: memref<2000x64xf32, #tpu.memory_space<vmem>>, %arg6: memref<2x2000x64xbf16, #tpu.memory_space<vmem>>, %arg7: memref<2x2000x64xbf16, #tpu.memory_space<vmem>>, %arg8: memref<64x128xf32, #tpu.memory_space<vmem>>, %arg9: memref<64x128xf32, #tpu.memory_space<vmem>>, %arg10: memref<1x128xf32, #tpu.memory_space<vmem>>, %arg11: memref<64x32xf32, #tpu.memory_space<vmem>>, %arg12: memref<64x32xf32, #tpu.memory_space<vmem>>, %arg13: memref<64x32xf32, #tpu.memory_space<vmem>>, %arg14: memref<64x32xf32, #tpu.memory_space<vmem>>, %arg15: memref<64x32xf32, #tpu.memory_space<vmem>>, %arg16: memref<128x32xf32, #tpu.memory_space<vmem>>, %arg17: memref<1x32xf32, #tpu.memory_space<vmem>>, %arg18: memref<2000x32xf32, #tpu.memory_space<vmem>>) attributes {dimension_semantics = [#tpu.dimension_semantics<arbitrary>], iteration_bounds = array<i64: 5>, scalar_prefetch = 0 : i64, scratch_operands = 0 : i64, tpu.core_type = #tpu.core_type<tc>, window_params = [{transform_indices = @transform_0, window_bounds = array<i64: 2000, 64>}, {transform_indices = @transform_1, window_bounds = array<i64: 2000, 64>}, {transform_indices = @transform_2, window_bounds = array<i64: 2000, 64>}, {transform_indices = @transform_3, window_bounds = array<i64: 2000, 64>}, {transform_indices = @transform_4, window_bounds = array<i64: 2000, 64>}, {transform_indices = @transform_5, window_bounds = array<i64: 2, 2000, 64>}, {transform_indices = @transform_6, window_bounds = array<i64: 2, 2000, 64>}, {pipeline_mode = #tpu.pipeline_mode<synchronous>, transform_indices = @transform_7, window_bounds = array<i64: 64, 128>}, {pipeline_mode = #tpu.pipeline_mode<synchronous>, transform_indices = @transform_8, window_bounds = array<i64: 64, 128>}, {pipeline_mode = #tpu.pipeline_mode<synchronous>, transform_indices = @transform_9, window_bounds = array<i64: 1, 128>}, {pipeline_mode = #tpu.pipeline_mode<synchronous>, transform_indices = @transform_10, window_bounds = array<i64: 64, 32>}, {pipeline_mode = #tpu.pipeline_mode<synchronous>, transform_indices = @transform_11, window_bounds = array<i64: 64, 32>}, {pipeline_mode = #tpu.pipeline_mode<synchronous>, transform_indices = @transform_12, window_bounds = array<i64: 64, 32>}, {pipeline_mode = #tpu.pipeline_mode<synchronous>, transform_indices = @transform_13, window_bounds = array<i64: 64, 32>}, {pipeline_mode = #tpu.pipeline_mode<synchronous>, transform_indices = @transform_14, window_bounds = array<i64: 64, 32>}, {pipeline_mode = #tpu.pipeline_mode<synchronous>, transform_indices = @transform_15, window_bounds = array<i64: 128, 32>}, {pipeline_mode = #tpu.pipeline_mode<synchronous>, transform_indices = @transform_16, window_bounds = array<i64: 1, 32>}, {transform_indices = @transform_17, window_bounds = array<i64: 2000, 32>}]} {
    %get3A = arith.constant 0 : index
    %get3A_0 = arith.constant 0 : index
    %get3A_1 = arith.constant 0 : index
    %get3A_2 = vector.load %arg6[%get3A, %get3A_0, %get3A_1] : memref<2x2000x64xbf16, #tpu.memory_space<vmem>>, vector<1x2000x64xbf16>
    %get3A_3 = vector.shape_cast %get3A_2 : vector<1x2000x64xbf16> to vector<2000x64xbf16>
    %convert_element_type3A = arith.extf %get3A_3 : vector<2000x64xbf16> to vector<2000x64xf32>
    %get3A_4 = arith.constant 1 : index
    %get3A_5 = arith.constant 0 : index
    %get3A_6 = arith.constant 0 : index
    %get3A_7 = vector.load %arg6[%get3A_4, %get3A_5, %get3A_6] : memref<2x2000x64xbf16, #tpu.memory_space<vmem>>, vector<1x2000x64xbf16>
    %get3A_8 = vector.shape_cast %get3A_7 : vector<1x2000x64xbf16> to vector<2000x64xbf16>
    %convert_element_type3A_9 = arith.extf %get3A_8 : vector<2000x64xbf16> to vector<2000x64xf32>
    %add3A = arith.addf %convert_element_type3A, %convert_element_type3A_9 : vector<2000x64xf32>
    %get3A_10 = arith.constant 0 : index
    %get3A_11 = arith.constant 0 : index
    %get3A_12 = vector.load %arg8[%get3A_10, %get3A_11] : memref<64x128xf32, #tpu.memory_space<vmem>>, vector<64x128xf32>
    %dot_general3A = arith.constant dense<0.000000e+00> : vector<2000x128xf32>
    %dot_general3A_13 = tpu.matmul %add3A, %get3A_12, %dot_general3A {dimension_numbers = #tpu.dot_dimension_numbers<[1], [0], [0], [1], [0, 0, 1, 1], [], []>, transpose_lhs_hint = false} : vector<2000x64xf32>, vector<64x128xf32>, vector<2000x128xf32> -> vector<2000x128xf32>
    %get3A_14 = arith.constant 0 : index
    %get3A_15 = arith.constant 0 : index
    %get3A_16 = arith.constant 0 : index
    %get3A_17 = vector.load %arg7[%get3A_14, %get3A_15, %get3A_16] : memref<2x2000x64xbf16, #tpu.memory_space<vmem>>, vector<1x2000x64xbf16>
    %get3A_18 = vector.shape_cast %get3A_17 : vector<1x2000x64xbf16> to vector<2000x64xbf16>
    %convert_element_type3A_19 = arith.extf %get3A_18 : vector<2000x64xbf16> to vector<2000x64xf32>
    %get3A_20 = arith.constant 1 : index
    %get3A_21 = arith.constant 0 : index
    %get3A_22 = arith.constant 0 : index
    %get3A_23 = vector.load %arg7[%get3A_20, %get3A_21, %get3A_22] : memref<2x2000x64xbf16, #tpu.memory_space<vmem>>, vector<1x2000x64xbf16>
    %get3A_24 = vector.shape_cast %get3A_23 : vector<1x2000x64xbf16> to vector<2000x64xbf16>
    %convert_element_type3A_25 = arith.extf %get3A_24 : vector<2000x64xbf16> to vector<2000x64xf32>
    %add3A_26 = arith.addf %convert_element_type3A_19, %convert_element_type3A_25 : vector<2000x64xf32>
    %get3A_27 = arith.constant 0 : index
    %get3A_28 = arith.constant 0 : index
    %get3A_29 = vector.load %arg9[%get3A_27, %get3A_28] : memref<64x128xf32, #tpu.memory_space<vmem>>, vector<64x128xf32>
    %dot_general3A_30 = arith.constant dense<0.000000e+00> : vector<2000x128xf32>
    %dot_general3A_31 = tpu.matmul %add3A_26, %get3A_29, %dot_general3A_30 {dimension_numbers = #tpu.dot_dimension_numbers<[1], [0], [0], [1], [0, 0, 1, 1], [], []>, transpose_lhs_hint = false} : vector<2000x64xf32>, vector<64x128xf32>, vector<2000x128xf32> -> vector<2000x128xf32>
    %add3A_32 = arith.addf %dot_general3A_13, %dot_general3A_31 : vector<2000x128xf32>
    %get3A_33 = arith.constant 0 : index
    %get3A_34 = arith.constant 0 : index
    %get3A_35 = vector.load %arg10[%get3A_33, %get3A_34] : memref<1x128xf32, #tpu.memory_space<vmem>>, vector<1x128xf32>
    %add3A_36 = vector.broadcast %get3A_35 : vector<1x128xf32> to vector<2000x128xf32>
    %add3A_37 = arith.addf %add3A_32, %add3A_36 : vector<2000x128xf32>
    %get3A_38 = arith.constant 0 : index
    %get3A_39 = arith.constant 0 : index
    %get3A_40 = vector.load %arg1[%get3A_38, %get3A_39] : memref<2000x64xf32, #tpu.memory_space<vmem>>, vector<2000x64xf32>
    %get3A_41 = arith.constant 0 : index
    %get3A_42 = arith.constant 0 : index
    %get3A_43 = vector.load %arg11[%get3A_41, %get3A_42] : memref<64x32xf32, #tpu.memory_space<vmem>>, vector<64x32xf32>
    %dot_general3A_44 = arith.constant dense<0.000000e+00> : vector<2000x32xf32>
    %dot_general3A_45 = tpu.matmul %get3A_40, %get3A_43, %dot_general3A_44 {dimension_numbers = #tpu.dot_dimension_numbers<[1], [0], [0], [1], [0, 0, 1, 1], [], []>, transpose_lhs_hint = false} : vector<2000x64xf32>, vector<64x32xf32>, vector<2000x32xf32> -> vector<2000x32xf32>
    %get3A_46 = arith.constant 0 : index
    %get3A_47 = arith.constant 0 : index
    %get3A_48 = vector.load %arg2[%get3A_46, %get3A_47] : memref<2000x64xf32, #tpu.memory_space<vmem>>, vector<2000x64xf32>
    %get3A_49 = arith.constant 0 : index
    %get3A_50 = arith.constant 0 : index
    %get3A_51 = vector.load %arg12[%get3A_49, %get3A_50] : memref<64x32xf32, #tpu.memory_space<vmem>>, vector<64x32xf32>
    %dot_general3A_52 = arith.constant dense<0.000000e+00> : vector<2000x32xf32>
    %dot_general3A_53 = tpu.matmul %get3A_48, %get3A_51, %dot_general3A_52 {dimension_numbers = #tpu.dot_dimension_numbers<[1], [0], [0], [1], [0, 0, 1, 1], [], []>, transpose_lhs_hint = false} : vector<2000x64xf32>, vector<64x32xf32>, vector<2000x32xf32> -> vector<2000x32xf32>
    %add3A_54 = arith.addf %dot_general3A_45, %dot_general3A_53 : vector<2000x32xf32>
    %get3A_55 = arith.constant 0 : index
    %get3A_56 = arith.constant 0 : index
    %get3A_57 = vector.load %arg3[%get3A_55, %get3A_56] : memref<2000x64xf32, #tpu.memory_space<vmem>>, vector<2000x64xf32>
    %get3A_58 = arith.constant 0 : index
    %get3A_59 = arith.constant 0 : index
    %get3A_60 = vector.load %arg13[%get3A_58, %get3A_59] : memref<64x32xf32, #tpu.memory_space<vmem>>, vector<64x32xf32>
    %dot_general3A_61 = arith.constant dense<0.000000e+00> : vector<2000x32xf32>
    %dot_general3A_62 = tpu.matmul %get3A_57, %get3A_60, %dot_general3A_61 {dimension_numbers = #tpu.dot_dimension_numbers<[1], [0], [0], [1], [0, 0, 1, 1], [], []>, transpose_lhs_hint = false} : vector<2000x64xf32>, vector<64x32xf32>, vector<2000x32xf32> -> vector<2000x32xf32>
    %add3A_63 = arith.addf %add3A_54, %dot_general3A_62 : vector<2000x32xf32>
    %get3A_64 = arith.constant 0 : index
    %get3A_65 = arith.constant 0 : index
    %get3A_66 = vector.load %arg4[%get3A_64, %get3A_65] : memref<2000x64xf32, #tpu.memory_space<vmem>>, vector<2000x64xf32>
    %get3A_67 = arith.constant 0 : index
    %get3A_68 = arith.constant 0 : index
    %get3A_69 = vector.load %arg14[%get3A_67, %get3A_68] : memref<64x32xf32, #tpu.memory_space<vmem>>, vector<64x32xf32>
    %dot_general3A_70 = arith.constant dense<0.000000e+00> : vector<2000x32xf32>
    %dot_general3A_71 = tpu.matmul %get3A_66, %get3A_69, %dot_general3A_70 {dimension_numbers = #tpu.dot_dimension_numbers<[1], [0], [0], [1], [0, 0, 1, 1], [], []>, transpose_lhs_hint = false} : vector<2000x64xf32>, vector<64x32xf32>, vector<2000x32xf32> -> vector<2000x32xf32>
    %add3A_72 = arith.addf %add3A_63, %dot_general3A_71 : vector<2000x32xf32>
    %get3A_73 = arith.constant 0 : index
    %get3A_74 = arith.constant 0 : index
    %get3A_75 = vector.load %arg5[%get3A_73, %get3A_74] : memref<2000x64xf32, #tpu.memory_space<vmem>>, vector<2000x64xf32>
    %get3A_76 = arith.constant 0 : index
    %get3A_77 = arith.constant 0 : index
    %get3A_78 = vector.load %arg15[%get3A_76, %get3A_77] : memref<64x32xf32, #tpu.memory_space<vmem>>, vector<64x32xf32>
    %dot_general3A_79 = arith.constant dense<0.000000e+00> : vector<2000x32xf32>
    %dot_general3A_80 = tpu.matmul %get3A_75, %get3A_78, %dot_general3A_79 {dimension_numbers = #tpu.dot_dimension_numbers<[1], [0], [0], [1], [0, 0, 1, 1], [], []>, transpose_lhs_hint = false} : vector<2000x64xf32>, vector<64x32xf32>, vector<2000x32xf32> -> vector<2000x32xf32>
    %add3A_81 = arith.addf %add3A_72, %dot_general3A_80 : vector<2000x32xf32>
    %get3A_82 = arith.constant 0 : index
    %get3A_83 = arith.constant 0 : index
    %get3A_84 = vector.load %arg16[%get3A_82, %get3A_83] : memref<128x32xf32, #tpu.memory_space<vmem>>, vector<128x32xf32>
    %dot_general3A_85 = arith.constant dense<0.000000e+00> : vector<2000x32xf32>
    %dot_general3A_86 = tpu.matmul %add3A_37, %get3A_84, %dot_general3A_85 {dimension_numbers = #tpu.dot_dimension_numbers<[1], [0], [0], [1], [0, 0, 1, 1], [], []>, transpose_lhs_hint = false} : vector<2000x128xf32>, vector<128x32xf32>, vector<2000x32xf32> -> vector<2000x32xf32>
    %add3A_87 = arith.addf %add3A_81, %dot_general3A_86 : vector<2000x32xf32>
    %get3A_88 = arith.constant 0 : index
    %get3A_89 = arith.constant 0 : index
    %get3A_90 = vector.load %arg17[%get3A_88, %get3A_89] : memref<1x32xf32, #tpu.memory_space<vmem>>, vector<1x32xf32>
    %add3A_91 = vector.broadcast %get3A_90 : vector<1x32xf32> to vector<2000x32xf32>
    %add3A_92 = arith.addf %add3A_87, %add3A_91 : vector<2000x32xf32>
    %logistic3A = arith.negf %add3A_92 : vector<2000x32xf32>
    %logistic3A_93 = math.exp %logistic3A : vector<2000x32xf32>
    %logistic3A_94 = arith.constant 1.000000e+00 : f32
    %logistic3A_95 = vector.broadcast %logistic3A_94 : f32 to vector<2000x32xf32>
    %logistic3A_96 = arith.addf %logistic3A_95, %logistic3A_93 : vector<2000x32xf32>
    %logistic3A_97 = arith.divf %logistic3A_95, %logistic3A_96 : vector<2000x32xf32>
    %swap3A = arith.constant 0 : index
    %swap3A_98 = arith.constant 0 : index
    %swap3A_99 = vector.load %arg18[%swap3A, %swap3A_98] : memref<2000x32xf32, #tpu.memory_space<vmem>>, vector<2000x32xf32>
    tpu.vector_store %arg18[%swap3A, %swap3A_98], %logistic3A_97 {strides = array<i32>} : memref<2000x32xf32, #tpu.memory_space<vmem>>, vector<2000x32xf32>,
    return
  }
  func.func @transform_0(%arg0: i32) -> (i32, i32) {
    %c0_i32 = arith.constant 0 : i32
    %c0_i32_0 = arith.constant 0 : i32
    return %arg0, %c0_i32 : i32, i32
  }
  func.func @transform_1(%arg0: i32) -> (i32, i32) {
    %c0_i32 = arith.constant 0 : i32
    %c0_i32_0 = arith.constant 0 : i32
    return %arg0, %c0_i32 : i32, i32
  }
  func.func @transform_2(%arg0: i32) -> (i32, i32) {
    %c0_i32 = arith.constant 0 : i32
    %c0_i32_0 = arith.constant 0 : i32
    return %arg0, %c0_i32 : i32, i32
  }
  func.func @transform_3(%arg0: i32) -> (i32, i32) {
    %c0_i32 = arith.constant 0 : i32
    %c0_i32_0 = arith.constant 0 : i32
    return %arg0, %c0_i32 : i32, i32
  }
  func.func @transform_4(%arg0: i32) -> (i32, i32) {
    %c0_i32 = arith.constant 0 : i32
    %c0_i32_0 = arith.constant 0 : i32
    return %arg0, %c0_i32 : i32, i32
  }
  func.func @transform_5(%arg0: i32) -> (i32, i32, i32) {
    %c0_i32 = arith.constant 0 : i32
    %c0_i32_0 = arith.constant 0 : i32
    %c0_i32_1 = arith.constant 0 : i32
    return %c0_i32, %arg0, %c0_i32_0 : i32, i32, i32
  }
  func.func @transform_6(%arg0: i32) -> (i32, i32, i32) {
    %c0_i32 = arith.constant 0 : i32
    %c0_i32_0 = arith.constant 0 : i32
    %c0_i32_1 = arith.constant 0 : i32
    return %c0_i32, %arg0, %c0_i32_0 : i32, i32, i32
  }
  func.func @transform_7(%arg0: i32) -> (i32, i32) {
    %c0_i32 = arith.constant 0 : i32
    %c0_i32_0 = arith.constant 0 : i32
    %c0_i32_1 = arith.constant 0 : i32
    return %c0_i32, %c0_i32_0 : i32, i32
  }
  func.func @transform_8(%arg0: i32) -> (i32, i32) {
    %c0_i32 = arith.constant 0 : i32
    %c0_i32_0 = arith.constant 0 : i32
    %c0_i32_1 = arith.constant 0 : i32
    return %c0_i32, %c0_i32_0 : i32, i32
  }
  func.func @transform_9(%arg0: i32) -> (i32, i32) {
    %c0_i32 = arith.constant 0 : i32
    %c0_i32_0 = arith.constant 0 : i32
    %c0_i32_1 = arith.constant 0 : i32
    return %c0_i32, %c0_i32_0 : i32, i32
  }
  func.func @transform_10(%arg0: i32) -> (i32, i32) {
    %c0_i32 = arith.constant 0 : i32
    %c0_i32_0 = arith.constant 0 : i32
    %c0_i32_1 = arith.constant 0 : i32
    return %c0_i32, %c0_i32_0 : i32, i32
  }
  func.func @transform_11(%arg0: i32) -> (i32, i32) {
    %c0_i32 = arith.constant 0 : i32
    %c0_i32_0 = arith.constant 0 : i32
    %c0_i32_1 = arith.constant 0 : i32
    return %c0_i32, %c0_i32_0 : i32, i32
  }
  func.func @transform_12(%arg0: i32) -> (i32, i32) {
    %c0_i32 = arith.constant 0 : i32
    %c0_i32_0 = arith.constant 0 : i32
    %c0_i32_1 = arith.constant 0 : i32
    return %c0_i32, %c0_i32_0 : i32, i32
  }
  func.func @transform_13(%arg0: i32) -> (i32, i32) {
    %c0_i32 = arith.constant 0 : i32
    %c0_i32_0 = arith.constant 0 : i32
    %c0_i32_1 = arith.constant 0 : i32
    return %c0_i32, %c0_i32_0 : i32, i32
  }
  func.func @transform_14(%arg0: i32) -> (i32, i32) {
    %c0_i32 = arith.constant 0 : i32
    %c0_i32_0 = arith.constant 0 : i32
    %c0_i32_1 = arith.constant 0 : i32
    return %c0_i32, %c0_i32_0 : i32, i32
  }
  func.func @transform_15(%arg0: i32) -> (i32, i32) {
    %c0_i32 = arith.constant 0 : i32
    %c0_i32_0 = arith.constant 0 : i32
    %c0_i32_1 = arith.constant 0 : i32
    return %c0_i32, %c0_i32_0 : i32, i32
  }
  func.func @transform_16(%arg0: i32) -> (i32, i32) {
    %c0_i32 = arith.constant 0 : i32
    %c0_i32_0 = arith.constant 0 : i32
    %c0_i32_1 = arith.constant 0 : i32
    return %c0_i32, %c0_i32_0 : i32, i32
  }
  func.func @transform_17(%arg0: i32) -> (i32, i32) {
    %c0_i32 = arith.constant 0 : i32
    %c0_i32_0 = arith.constant 0 : i32
    return %arg0, %c0_i32 : i32, i32
  }
}

</mosaic_0001>

<sc_bundles>
// kernel: kernel.12.cloned.1.call-start
scs
__scs_entry_jumppad:
0x0: {  	(pc) =	sbr.rel $0x88, $3  }
0x1: {  	(tag) =	ssettag $0x0;
	lr =	simm.s32 $0x1  }
0x2: {  	[smem:$0x3F97] =	sst lr;
	_ =	strace $0xD0000000  }
0x3: {  	_ = 	snop  }
0x4: {  	_ = 	snop  }
0x5: {  	_ = 	snop  }
0x6: {  	_ = 	snop  }
0x7: {  	_ = 	snop  }
__scs_overlays_trampoline_lowered:
0x8: {  	[smem:$0x3FA6] =	sst s0  }
0x9: {  	[smem:$0x3FA7] =	sst s1  }
0xa: {  	[smem:$0x3FA8] =	sst s2  }
0xb: {  	[smem:$0x3FA9] =	sst s3  }
0xc: {  	[smem:$0x3FAA] =	sst s4  }
0xd: {  	[smem:$0x3FAB] =	sst s5  }
0xe: {  	[smem:$0x3FAC] =	sst s6  }
0xf: {  	[smem:$0x3FAD] =	sst s7  }
0x10: {  	[smem:$0x3FAE] =	sst s8  }
0x11: {  	[smem:$0x3FAF] =	sst s9;
	s0 =	simm.s32 @!p0 $0x0  }
0x12: {  	s1 =	sld [smem:$0x3F95];
	s0 =	simm.s32 @p0 $0x1  }
0x13: {  	[smem:$0x3FB0] =	sst s0;
	s0 =	simm.s32 @!p1 $0x0  }
0x14: {  	s2 =	sld [smem:$0x3F94];
	s0 =	simm.s32 @p1 $0x1  }
0x15: {  	[smem:$0x3FB1] =	sst s0;
	s0 =	simm.s32 @!p2 $0x0  }
0x16: {  	s3 =	sld [smem:$0x3FDB];
	s0 =	simm.s32 @p2 $0x1  }
0x17: {  	s4 =	simm.s32 $0x1BF5;
	[smem:$0x3FB3] =	sst s0  }
0x18: {  	s0 =	sld [smem:$0x3F96];
	_ =	swait.ge [sflag:s4], $0x0  }
0x19: {  	s7 =	sld [smem:$0x3F97]  }
0x1a: {  	s8 =	sadd.s32 $0xFFFFE003, lr  }
0x1b: {  	s9 =	sadd.s32 $0xFFFFFEF7, lr;
	s5 =	simm.s32 $0xFFFFFFFF;
	p2 =	slt.u32 s8, $0xFFFFF086  }
0x1c: {  	p1 =	slt.u32 s9, $0xF7A;
	s5 =	simm.s32 @!p2 $0x0  }
0x1d: {  	s5 =	simm.s32 @p1 $0x1;
	p0 =	seq.s32 s7, s2  }
0x1e: {  	s7 =	smul.u32 @!p0 $0xF7A, s2;
	p2 =	seq.s32 @!p0 s5, $0x0  }
0x1f: {  	s9 =	smul.u32 $0xF7A, s1;
	s8 =	simm.s32 @!p0 $0x1BF5;
	p2 =	por !p2, p0  }
0x20: {  	[sflag:s8] =	ssyncset.s32 @!p0 $0xFFFFF086;
	s6 =	sadd.s32 @!p0 s3, s7;
	s7 =	simm.s32 @!p0 $0x108  }
0x21: {  	s3 =	sadd.s32 s3, s9;
	s6 =	sadd.s32 @!p0 $0x88, s6;
	s7 =	simm.s32 @p2 $0x1082  }
0x22: {  	[simem:s7], [sflag:s8] =	dma.local @!p0 [hbm:s6], $0xF7A  }
0x23: {  	s9 =	sor.u32 $0xD0000000, s2;
	s6 =	simm.s32 $0x108;
	_ =	swait.ge @!p0 [sflag:s8], $0x0  }
0x24: {  	s3 =	sadd.s32 $0x88, s3;
	s6 =	simm.s32 @!p1 $0x1082;
	[sflag:s4] =	ssyncset.s32 $0xFFFFF086  }
0x25: {  	[simem:s6], [sflag:s4] =	dma.local [hbm:s3], $0xF7A  }
0x26: {  	[smem:$0x3F97] =	sst s1;
	(tag) =	ssettag s2;
	_ =	strace s9  }
0x27: {  	s1 =	sld [smem:$0x3FA7]  }
0x28: {  	s2 =	sld [smem:$0x3FA8]  }
0x29: {  	s4 =	sld [smem:$0x3FAA]  }
0x2a: {  	p0 =	seq.s32 s5, $0x0;
	s5 =	sld [smem:$0x3FAB]  }
0x2b: {  	s6 =	sld [smem:$0x3FAC]  }
0x2c: {  	s7 =	sld [smem:$0x3FAD]  }
0x2d: {  	s3 =	simm.s32 $0x108;
	s8 =	sld [smem:$0x3FAE]  }
0x2e: {  	s3 =	simm.s32 @!p0 $0x1082;
	s9 =	sld [smem:$0x3FAF]  }
0x2f: {  	lr =	sadd.s32 s0, s3;
	s0 =	sld [smem:$0x3FA6]  }
0x30: {  	s3 =	sld [smem:$0x3FA9]  }
0x31: {  	[smem:$0x3FB2] =	sst s10  }
0x32: {  	s10 =	sld [smem:$0x3FB0];
	_ =	sdelay $0x3  }
0x33: {  	p0 =	seq.s32 s10, $0x1;
	s10 =	sld [smem:$0x3FB2];
	_ =	sdelay $0x3  }
0x34: {  	[smem:$0x3FB2] =	sst s10  }
0x35: {  	s10 =	sld [smem:$0x3FB1];
	_ =	sdelay $0x3  }
0x36: {  	p1 =	seq.s32 s10, $0x1;
	s10 =	sld [smem:$0x3FB2];
	_ =	sdelay $0x3  }
0x37: {  	[smem:$0x3FB2] =	sst s10  }
0x38: {  	s10 =	sld [smem:$0x3FB3]  }
0x39: {  	_ = 	snop;
	(pc) =	sbr.ind lr, $3  }
0x3a: {  	_ = 	snop  }
0x3b: {  	_ = 	snop  }
0x3c: {  	p2 =	seq.s32 s10, $0x1;
	s10 =	sld [smem:$0x3FB2]  }
0x3d: {  	_ =	shalt  }
0x3e: {  	_ =	shalt  }
0x3f: {  	_ =	shalt  }
0x40: {  	_ =	shalt  }
0x41: {  	_ =	shalt  }
0x42: {  	_ =	shalt  }
0x43: {  	_ =	shalt  }
0x44: {  	_ =	shalt  }
0x45: {  	_ =	shalt  }
0x46: {  	_ =	shalt  }
0x47: {  	_ =	shalt  }
0x48: {  	_ =	shalt  }
0x49: {  	_ =	shalt  }
0x4a: {  	_ =	shalt  }
0x4b: {  	_ =	shalt  }
0x4c: {  	_ =	shalt  }
0x4d: {  	_ =	shalt  }
0x4e: {  	_ =	shalt  }
0x4f: {  	_ =	shalt  }
0x50: {  	_ =	shalt  }
0x51: {  	_ =	shalt  }
0x52: {  	_ =	shalt  }
0x53: {  	_ =	shalt  }
0x54: {  	_ =	shalt  }
0x55: {  	_ =	shalt  }
0x56: {  	_ =	shalt  }
0x57: {  	_ =	shalt  }
0x58: {  	_ =	shalt  }
0x59: {  	_ =	shalt  }
0x5a: {  	_ =	shalt  }
0x5b: {  	_ =	shalt  }
0x5c: {  	_ =	shalt  }
0x5d: {  	_ =	shalt  }
0x5e: {  	_ =	shalt  }
0x5f: {  	_ =	shalt  }
0x60: {  	_ =	shalt  }
0x61: {  	_ =	shalt  }
0x62: {  	_ =	shalt  }
0x63: {  	_ =	shalt  }
0x64: {  	_ =	shalt  }
0x65: {  	_ =	shalt  }
0x66: {  	_ =	shalt  }
0x67: {  	_ =	shalt  }
0x68: {  	_ =	shalt  }
0x69: {  	_ =	shalt  }
0x6a: {  	_ =	shalt  }
0x6b: {  	_ =	shalt  }
0x6c: {  	_ =	shalt  }
0x6d: {  	_ =	shalt  }
0x6e: {  	_ =	shalt  }
0x6f: {  	_ =	shalt  }
0x70: {  	_ =	shalt  }
0x71: {  	_ =	shalt  }
0x72: {  	_ =	shalt  }
0x73: {  	_ =	shalt  }
0x74: {  	_ =	shalt  }
0x75: {  	_ =	shalt  }
0x76: {  	_ =	shalt  }
0x77: {  	_ =	shalt  }
0x78: {  	_ =	shalt  }
0x79: {  	_ =	shalt  }
0x7a: {  	_ =	shalt  }
0x7b: {  	_ =	shalt  }
0x7c: {  	_ =	shalt  }
0x7d: {  	_ =	shalt  }
0x7e: {  	_ =	shalt  }
0x7f: {  	_ =	shalt  }
0x80: {  	_ =	shalt  }
0x81: {  	_ =	shalt  }
0x82: {  	_ =	shalt  }
0x83: {  	_ =	shalt  }
0x84: {  	_ =	shalt  }
0x85: {  	_ =	shalt  }
0x86: {  	_ =	shalt  }
0x87: {  	_ =	shalt  }
.Lfunc_end0:
.L_simem_size_0:
called_computation_lowered:
.L_overlay_start_0:
0x88: {  	s2 =	sld [smem:$0x3FD9]  }
0x89: {  	s3 =	sld [smem:$0x3FFE];
	_ =	sdelay $0x1  }
0x8a: {  	s1 =	srdreg.scid  }
0x8b: {  	s0 =	sand.u32 $0x1, s1  }
0x8c: {  	s17 =	sshll.u32 s0, $0xA;
	s2 =	sadd.s32 s3, s2  }
0x8d: {  	s2 =	sadd.s32 s2, s17  }
0x8e: {  	[smem:$0x3FBE] =	sst s2  }
0x8f: {  	_ = 	snop  }
0x90: {  	s2 =	sld [smem:$0x3FD0];
	(tm) =	ssettm $0x1  }
0x91: {  	s18 =	sld [smem:$0x3FFB];
	_ =	sdelay $0x3  }
0x92: {  	_ =	strace s18  }
0x93: {  	s3 =	sld [smem:$0x3FFC];
	_ =	sdelay $0x3  }
0x94: {  	_ =	strace s3  }
0x95: {  	s3 =	sld [smem:$0x3FFD];
	_ =	sdelay $0x3  }
0x96: {  	_ =	strace s3  }
0x97: {  	_ =	strace $0x8FFFFFFF  }
0x98: {  	s19 =	sld [smem:$0x3FDB];
	_ =	sdelay $0x1  }
0x99: {  	s4 =	simm.s32 $_scs_section_size  }
0x9a: {  	s5 =	simm.s32 $_size__tile_overlayer_lowered;
	s6 =	simm.s32 $_tile_overlayer_lowered  }
0x9b: {  	s22 =	simm.s32 $0x1BFF;
	s21 =	sshll.u32 s6, $0x1;
	s3 =	sadd.s32 s4, s19  }
0x9c: {  	s7 =	simm.s32 $0x0;
	s20 =	sshll.u32 s5, $0x1;
	s5 =	sadd.s32 s21, s3  }
0x9d: {  	[timem:s7], [sflag:s22] =	dma.local [hbm:s5], s20  }
0x9e: {  	_ =	swait.ge [sflag:s22], s20  }
0x9f: {  	s4 =	ssub.s32 $0x0, s20;
	[sflag:s22] =	ssyncset.done $0x0  }
0xa0: {  	[sflag:s22] =	ssyncadd.s32 s4;
	_ =	sdelay $0x1  }
0xa1: {  	s23 =	simm.s32 $0x1B8B  }
0xa2: {  	_ =	swait.ge [sflag:s23], $0x1  }
0xa3: {  	[sflag:s23] =	ssyncset.done $0x0  }
0xa4: {  	s25 =	simm.s32 $0x1B8E;
	s24 =	sld [smem:$0x3FFE];
	[sflag:s23] =	ssyncadd.s32 $0xFFFFFFFF  }
0xa5: {  	s26 =	simm.s32 $execute0_lowered;
	[smem:$0x3FD2] =	sst s25  }
0xa6: {  	s5 =	sshll.u32 s26, $0x1;
	_ =	strace $0x80000046;
	[dreg:$0x1] =	wrdreg $0xFFFFFFFF  }
0xa7: {  	s28 =	simm.s32 $_size_execute0_lowered;
	s3 =	sadd.s32 s3, s5;
	[dreg:$0x0] =	wrdreg $0x0  }
0xa8: {  	s5 =	sshll.u32 s28, $0x1;
	[dreg:$0x2] =	wrdreg s3  }
0xa9: {  	[dreg:$0x3] =	wrdreg s5  }
0xaa: {  	[dreg:$0x4] =	wrdreg $0xC0  }
0xab: {  	_ =	task [dreg:s7], $0x5FFFF  }
0xac: {  	[dreg:$0x1] =	wrdreg $0xFFFFFFFF  }
0xad: {  	[dreg:$0x0] =	wrdreg $0x60  }
0xae: {  	[dreg:$0x2] =	wrdreg s24  }
0xaf: {  	[dreg:$0x3] =	wrdreg s2  }
0xb0: {  	[dreg:$0x4] =	wrdreg $0x80200  }
0xb1: {  	[dreg:$0x5] =	wrdreg $0x9  }
0xb2: {  	_ =	task.clear_ibuf [dreg:s7], $0x6FFFF;
	_ =	strace $0x90000046  }
0xb3: {  	s29 =	simm.s32 $0x9;
	_ =	strace $0x80000048  }
0xb4: {  	_ =	swait.ge [sflag:s29], $0x1  }
0xb5: {  	[sflag:s29] =	ssyncadd.s32 $0xFFFFFFFF  }
0xb6: {  	_ =	strace $0x90000048  }
0xb7: {  	_ =	sfence  }
0xb8: {  	s30 =	sld [smem:$0x0];
	_ =	sdelay $0x2  }
0xb9: {  	s31 =	sshll.u32 s1, $0xD;
	s1 =	sshrl.u32 s1, $0x2  }
0xba: {  	s3 =	sand.u32 $0x4000, s31;
	s1 =	sadd.s32 s1, s30  }
0xbb: {  	s0 =	sor.u32 s3, s0;
	s1 =	sshll.u32 s1, $0x11  }
0xbc: {  	s0 =	sor.u32 s1, s0  }
0xbd: {  	s0 =	sadd.s32 $0x8F2B, s0  }
0xbe: {  	[sflag:s0] =	ssyncadd.remote.s32 $0x1  }
0xbf: {  	_ =	sfence.sel $0xFFFF  }
0xc0: {  	[dreg:$0x0] =	wrdreg $0xFFFFFFFF;
	(pc) =	sbr.abs _section_cstart, $3  }
0xc1: {  	[dreg:$0x1] =	wrdreg $0xFFFFFFFF  }
0xc2: {  	_ =	task.clear_ibuf [dreg:s7], $0x2FFFF;
	_ =	strace $0x9FFFFFFF  }
0xc3: {  	(tm) =	ssettm $0x7FFFFFFF  }
tec
execute0_lowered:
.L_overlay_start_1:
0x0: {  	(tag) =	ssettag $0x1  }
0x1: {  	s0 =	rddreg [dreg:$0x0];
	s1 =	srdreg.scid  }
0x2: {  	s17 =	stileid.u32;
	s5 =	rddreg [dreg:$0x1]  }
0x3: {  	s2 =	rddreg [dreg:$0x2];
	s18 =	simm.s32 $0x50;
	s19 =	simm.s32 $0x4E20  }
0x4: {  	s20 =	simm.s32 $0x5820;
	s22 =	simm.s32 $0x6220;
	s28 =	simm.s32 $0x1  }
0x5: {  	s29 =	simm.s32 $0x8;
	s30 =	simm.s32 $0x2;
	s31 =	simm.s32 $0x3  }
0x6: {  	s23 =	simm.s32 $0x0;
	s1 =	sand.u32 $0x1, s1;
	s3 =	sshll.u32 s17, $0x1  }
0x7: {  	s8 =	smul.u32 $0x9C00, s17;
	s13 =	sadd.s32 $0x21C00, s0;
	s16 =	sadd.s32 $0x4E000, s2  }
0x8: {  	s4 =	sor.u32 s1, s3;
	s10 =	ssub.s32 $0x2, s1;
	s1 =	smul.u32 $0x9C400, s1  }
0x9: {  	p0 =	sne.s32 s17, $0xF;
	s3 =	simm.s32 $0x0;
	s7 =	smul.u32 $0x4E2, s4  }
0xa: {  	[smem:$0x7FF] =	sst s3;
	s4 =	sadd.s32 $0x4200, s0;
	s6 =	sshrl.u32 s8, $0x4  }
0xb: {  	s11 =	sshrl.u32 s10, $0x1;
	s12 =	sshrl.u32 s8, $0x1;
	_ =	strace $0x80000047  }
0xc: {  	s6 =	sadd.s32 s6, s0;
	s14 =	ssub.s32 s10, s11;
	s15 =	sadd.s32 s12, s2  }
0xd: {  	s26 =	sadd.s32 s8, s1;
	s1 =	sshrl.u32 s1, $0x4;
	s9 =	sadd.s32 s7, s0  }
0xe: {  	s6 =	sadd.s32 $0x17E00, s6;
	s0 =	sadd.s32 $0x21A00, s0;
	s10 =	sadd.s32 s5, s7  }
0xf: {  	s1 =	sadd.s32 s13, s1;
	[dreg:$0x4] =	wrdreg s6;
	s6 =	sshll.u32 s17, $0x6  }
0x10: {  	[dreg:$0x6] =	wrdreg s0;
	s25 =	sadd.s32 $0xE000, s9;
	s0 =	sshrl.u32 s26, $0x4  }
0x11: {  	s12 =	sadd.s32 $0x9C00, s1;
	s17 =	simm.s32 $0x7;
	s26 =	simm.s32 $0x7620  }
0x12: {  	s1 =	simm.s32 $0x4;
	s24 =	sor.u32 $0x1C06, s6;
	[dreg:$0x7] =	wrdreg s25  }
0x13: {  	s11 =	sadd.s32 s13, s0;
	s13 =	smax.u32 s14, $0x1;
	s14 =	sshrl.u32 s15, $0x3  }
0x14: {  	s15 =	sshrl.u32 @!p0 s16, $0x3;
	s25 =	simm.s32 $0x6;
	s0 =	simm.s32 $0x5  }
0x15: {  	s16 =	simm.s32 $0x26C0;
	[dreg:$0x5] =	wrdreg s24;
	s24 =	simm.s32 $0x6C20  }
.LBB2_1:
0x16: {  	s5 =	rddreg [dreg:$0x4]  }
0x17: {  	s7 =	rddreg [dreg:$0x5]  }
0x18: {  	[spmem:s14], [sflag:s7] =	dma.local [hbm:s5], $0x9C0  }
0x19: {  	s5 =	simm.s32 @!p0 $0x1FC8;
	s7 =	rddreg [dreg:$0x6]  }
0x1a: {  	[spmem:s15], [sflag:s5] =	dma.local @!p0 [hbm:s7], $0x40  }
0x1b: {  	s5 =	simm.s32 @!p0 $0x8  }
0x1c: {  	_ =	swait.ge @!p0 [sflag:s5], $0x40  }
0x1d: {  	[sflag:s5] =	ssyncset.done @!p0 $0x0  }
0x1e: {  	s9 =	rddreg [dreg:$0x7];
	[sflag:s5] =	ssyncadd.s32 @!p0 $0xFFFFFFC0  }
0x1f: {  	[tilespmem:s3], [sflag:$0x7] =	stream.linear.gather [hbm4b:s9+s3], $0x2710, $0x38;
	[tilespmem:$0xCE40] =	vst v63  }
0x20: {  	s21 =	simm.s32 $0x2710  }
0x21: {  	[tilespmem:s21], [sflag:$0x7] =	stream.linear.gather [hbm4b:s10+s3], $0x2710, $0x38;
	[tilespmem:$0xCE40] =	vst v63  }
0x22: {  	_ =	swait.ge [sflag:s17], $0x2710  }
0x23: {  	[sflag:s17] =	ssyncset.done $0x0  }
0x24: {  	[sflag:s17] =	ssyncadd.s32 $0xFFFFD8F0  }
0x25: {  	_ =	swait.ge [sflag:s17], $0x2710  }
0x26: {  	[sflag:s17] =	ssyncset.done $0x0  }
0x27: {  	[sflag:s17] =	ssyncadd.s32 $0xFFFFD8F0  }
0x28: {  	[tilespmem:s19], [sflag:$0x1] =	stream.indirect.gather [hbm4b:s4+s18], $0x20, s3, s18, $0xb8;
	[tilespmem:$0xCE40] =	vst v63  }
0x29: {  	_ = 	snop  }
0x2a: {  	[tilespmem:s20], [sflag:$0x2] =	stream.indirect.gather [hbm4b:s4+s18], $0x20, s18, s18, $0xb8;
	[tilespmem:$0xCE40] =	vst v63  }
0x2b: {  	s7 =	simm.s32 $0xA0  }
0x2c: {  	[tilespmem:s22], [sflag:$0x3] =	stream.indirect.gather [hbm4b:s4+s18], $0x20, s7, s18, $0xb8;
	[tilespmem:$0xCE40] =	vst v63  }
0x2d: {  	s8 =	simm.s32 $0xF0  }
0x2e: {  	[tilespmem:s24], [sflag:$0x4] =	stream.indirect.gather [hbm4b:s4+s18], $0x20, s8, s18, $0xb8;
	[tilespmem:$0xCE40] =	vst v63  }
0x2f: {  	_ =	swait.ge [sflag:s25], $0x9C0  }
0x30: {  	[sflag:s25] =	ssyncset.done $0x0  }
0x31: {  	[sflag:s25] =	ssyncadd.s32 $0xFFFFF640  }
0x32: {  	s9 =	simm.s32 $0x140;
	[bflag:$0x0] =	sbarrier.arrive $0xFFFF  }
0x33: {  	[tilespmem:s26], [sflag:$0x5] =	stream.indirect.gather [hbm4b:s4+s18], $0x20, s9, s18, $0xb8;
	[tilespmem:$0xCE40] =	vst v63  }
0x34: {  	_ =	swait.ge [sflag:s28], $0xA00  }
0x35: {  	[sflag:s28] =	ssyncset.done $0x0  }
0x36: {  	s21 =	simm.s32 $0x2710;
	[sflag:s28] =	ssyncadd.s32 $0xFFFFF600  }
0x37: {  	[spmem:s2] =	stream.indirect.scatter.add.bf16 [tilespmem:s19], [sflag:$0x8], $0x20, s21, s18, $0xb8;
	[tilespmem:$0xCE40] =	vst v63  }
0x38: {  	_ =	swait.ge [sflag:s29], $0xA00  }
0x39: {  	[sflag:s29] =	ssyncset.done $0x0  }
0x3a: {  	s7 =	simm.s32 $0x190;
	[sflag:s29] =	ssyncadd.s32 $0xFFFFF600  }
0x3b: {  	[tilespmem:s19], [sflag:$0x1] =	stream.indirect.gather [hbm4b:s4+s18], $0x20, s7, s18, $0xb8;
	[tilespmem:$0xCE40] =	vst v63  }
0x3c: {  	_ =	swait.ge [sflag:s30], $0xA00  }
0x3d: {  	[sflag:s30] =	ssyncset.done $0x0  }
0x3e: {  	s8 =	simm.s32 $0x2760;
	[sflag:s30] =	ssyncadd.s32 $0xFFFFF600  }
0x3f: {  	[spmem:s2] =	stream.indirect.scatter.add.bf16 [tilespmem:s20], [sflag:$0x8], $0x20, s8, s18, $0xb8;
	[tilespmem:$0xCE40] =	vst v63  }
0x40: {  	_ =	swait.ge [sflag:s29], $0xA00  }
0x41: {  	[sflag:s29] =	ssyncset.done $0x0  }
0x42: {  	s9 =	simm.s32 $0x1E0;
	[sflag:s29] =	ssyncadd.s32 $0xFFFFF600  }
0x43: {  	[tilespmem:s20], [sflag:$0x2] =	stream.indirect.gather [hbm4b:s4+s18], $0x20, s9, s18, $0xb8;
	[tilespmem:$0xCE40] =	vst v63  }
0x44: {  	_ =	swait.ge [sflag:s31], $0xA00  }
0x45: {  	[sflag:s31] =	ssyncset.done $0x0  }
0x46: {  	s21 =	simm.s32 $0x27B0;
	[sflag:s31] =	ssyncadd.s32 $0xFFFFF600  }
0x47: {  	[spmem:s2] =	stream.indirect.scatter.add.bf16 [tilespmem:s22], [sflag:$0x8], $0x20, s21, s18, $0xb8;
	[tilespmem:$0xCE40] =	vst v63  }
0x48: {  	_ =	swait.ge [sflag:s29], $0xA00  }
0x49: {  	[sflag:s29] =	ssyncset.done $0x0  }
0x4a: {  	s7 =	simm.s32 $0x230;
	[sflag:s29] =	ssyncadd.s32 $0xFFFFF600  }
0x4b: {  	[tilespmem:s22], [sflag:$0x3] =	stream.indirect.gather [hbm4b:s4+s18], $0x20, s7, s18, $0xb8;
	[tilespmem:$0xCE40] =	vst v63  }
0x4c: {  	_ =	swait.ge [sflag:s1], $0xA00  }
0x4d: {  	[sflag:s1] =	ssyncset.done $0x0  }
0x4e: {  	s8 =	simm.s32 $0x2800;
	[sflag:s1] =	ssyncadd.s32 $0xFFFFF600  }
0x4f: {  	[spmem:s2] =	stream.indirect.scatter.add.bf16 [tilespmem:s24], [sflag:$0x8], $0x20, s8, s18, $0xb8;
	[tilespmem:$0xCE40] =	vst v63  }
0x50: {  	_ =	swait.ge [sflag:s29], $0xA00  }
0x51: {  	[sflag:s29] =	ssyncset.done $0x0  }
0x52: {  	s9 =	simm.s32 $0x280;
	[sflag:s29] =	ssyncadd.s32 $0xFFFFF600  }
0x53: {  	[tilespmem:s24], [sflag:$0x4] =	stream.indirect.gather [hbm4b:s4+s18], $0x20, s9, s18, $0xb8;
	[tilespmem:$0xCE40] =	vst v63  }
0x54: {  	_ =	swait.ge [sflag:s0], $0xA00  }
0x55: {  	[sflag:s0] =	ssyncset.done $0x0  }
0x56: {  	s21 =	simm.s32 $0x2850;
	[sflag:s0] =	ssyncadd.s32 $0xFFFFF600  }
0x57: {  	[spmem:s2] =	stream.indirect.scatter.add.bf16 [tilespmem:s26], [sflag:$0x8], $0x20, s21, s18, $0xb8;
	[tilespmem:$0xCE40] =	vst v63  }
0x58: {  	_ =	swait.ge [sflag:s29], $0xA00  }
0x59: {  	s5 =	simm.s32 $0xC80;
	s21 =	simm.s32 $0x190;
	[sflag:s29] =	ssyncset.done $0x0  }
.LBB2_2:
0x5a: {  	s9 =	sadd.s32 $0x140, s21  }
0x5b: {  	[sflag:s29] =	ssyncadd.s32 $0xFFFFF600;
	s7 =	smov.u32 s5;
	s8 =	sadd.s32 $0x640, s5  }
0x5c: {  	[tilespmem:s26], [sflag:$0x5] =	stream.indirect.gather [hbm4b:s4+s18], $0x20, s9, s18, $0xb8;
	[tilespmem:$0xCE40] =	vst v63  }
0x5d: {  	p1 =	sne.s32 s5, $0x8FC0;
	_ =	swait.ge [sflag:s28], $0xA00  }
0x5e: {  	[sflag:s28] =	ssyncset.done $0x0  }
0x5f: {  	s5 =	sadd.s32 $0x2710, s21;
	[sflag:s28] =	ssyncadd.s32 $0xFFFFF600  }
0x60: {  	[spmem:s2] =	stream.indirect.scatter.add.bf16 [tilespmem:s19], [sflag:$0x8], $0x20, s5, s18, $0xb8;
	[tilespmem:$0xCE40] =	vst v63  }
0x61: {  	_ =	swait.ge [sflag:s29], $0xA00  }
0x62: {  	[sflag:s29] =	ssyncset.done $0x0  }
0x63: {  	s5 =	sadd.s32 $0x190, s21;
	[sflag:s29] =	ssyncadd.s32 $0xFFFFF600  }
0x64: {  	[tilespmem:s19], [sflag:$0x1] =	stream.indirect.gather [hbm4b:s4+s18], $0x20, s5, s18, $0xb8;
	[tilespmem:$0xCE40] =	vst v63  }
0x65: {  	_ =	swait.ge [sflag:s30], $0xA00  }
0x66: {  	[sflag:s30] =	ssyncset.done $0x0  }
0x67: {  	s5 =	sadd.s32 $0x2760, s21;
	[sflag:s30] =	ssyncadd.s32 $0xFFFFF600  }
0x68: {  	[spmem:s2] =	stream.indirect.scatter.add.bf16 [tilespmem:s20], [sflag:$0x8], $0x20, s5, s18, $0xb8;
	[tilespmem:$0xCE40] =	vst v63  }
0x69: {  	_ =	swait.ge [sflag:s29], $0xA00  }
0x6a: {  	[sflag:s29] =	ssyncset.done $0x0  }
0x6b: {  	s5 =	sadd.s32 $0x1E0, s21;
	[sflag:s29] =	ssyncadd.s32 $0xFFFFF600  }
0x6c: {  	[tilespmem:s20], [sflag:$0x2] =	stream.indirect.gather [hbm4b:s4+s18], $0x20, s5, s18, $0xb8;
	[tilespmem:$0xCE40] =	vst v63  }
0x6d: {  	_ =	swait.ge [sflag:s31], $0xA00  }
0x6e: {  	[sflag:s31] =	ssyncset.done $0x0  }
0x6f: {  	s5 =	sadd.s32 $0x27B0, s21;
	[sflag:s31] =	ssyncadd.s32 $0xFFFFF600  }
0x70: {  	[spmem:s2] =	stream.indirect.scatter.add.bf16 [tilespmem:s22], [sflag:$0x8], $0x20, s5, s18, $0xb8;
	[tilespmem:$0xCE40] =	vst v63  }
0x71: {  	_ =	swait.ge [sflag:s29], $0xA00  }
0x72: {  	[sflag:s29] =	ssyncset.done $0x0  }
0x73: {  	s5 =	sadd.s32 $0x230, s21;
	[sflag:s29] =	ssyncadd.s32 $0xFFFFF600  }
0x74: {  	[tilespmem:s22], [sflag:$0x3] =	stream.indirect.gather [hbm4b:s4+s18], $0x20, s5, s18, $0xb8;
	[tilespmem:$0xCE40] =	vst v63  }
0x75: {  	_ =	swait.ge [sflag:s1], $0xA00  }
0x76: {  	[sflag:s1] =	ssyncset.done $0x0  }
0x77: {  	s5 =	sadd.s32 $0x2800, s21;
	[sflag:s1] =	ssyncadd.s32 $0xFFFFF600  }
0x78: {  	[spmem:s2] =	stream.indirect.scatter.add.bf16 [tilespmem:s24], [sflag:$0x8], $0x20, s5, s18, $0xb8;
	[tilespmem:$0xCE40] =	vst v63  }
0x79: {  	_ =	swait.ge [sflag:s29], $0xA00  }
0x7a: {  	[sflag:s29] =	ssyncset.done $0x0  }
0x7b: {  	s5 =	sadd.s32 $0x280, s21;
	[sflag:s29] =	ssyncadd.s32 $0xFFFFF600  }
0x7c: {  	[tilespmem:s24], [sflag:$0x4] =	stream.indirect.gather [hbm4b:s4+s18], $0x20, s5, s18, $0xb8;
	[tilespmem:$0xCE40] =	vst v63  }
0x7d: {  	_ =	swait.ge [sflag:s0], $0xA00  }
.Ltmp0:
0x7e: {  	[sflag:s0] =	ssyncset.done $0x0;
	(pc) =	sbr.rel @p1 .LBB2_2-.Ltmp0, $4  }
0x7f: {  	s5 =	sadd.s32 $0x2850, s21;
	[sflag:s0] =	ssyncadd.s32 $0xFFFFF600  }
0x80: {  	[spmem:s2] =	stream.indirect.scatter.add.bf16 [tilespmem:s26], [sflag:$0x8], $0x20, s5, s18, $0xb8;
	[tilespmem:$0xCE40] =	vst v63  }
0x81: {  	_ =	swait.ge [sflag:s29], $0xA00  }
0x82: {  	s21 =	sshra.s32 s7, $0x2;
	s5 =	smov.u32 s8;
	[sflag:s29] =	ssyncset.done $0x0  }
0x83: {  	s5 =	sadd.s32 $0x140, s21;
	[sflag:s29] =	ssyncadd.s32 $0xFFFFF600  }
0x84: {  	[tilespmem:s26], [sflag:$0x5] =	stream.indirect.gather [hbm4b:s4+s18], $0x20, s5, s18, $0xb8;
	[tilespmem:$0xCE40] =	vst v63  }
0x85: {  	_ =	swait.ge [sflag:s28], $0xA00  }
0x86: {  	[sflag:s28] =	ssyncset.done $0x0  }
0x87: {  	s7 =	sadd.s32 $0x2710, s21;
	[sflag:s28] =	ssyncadd.s32 $0xFFFFF600  }
0x88: {  	[spmem:s2] =	stream.indirect.scatter.add.bf16 [tilespmem:s19], [sflag:$0x8], $0x20, s7, s18, $0xb8;
	[tilespmem:$0xCE40] =	vst v63  }
0x89: {  	_ =	swait.ge [sflag:s29], $0xA00  }
0x8a: {  	[sflag:s29] =	ssyncset.done $0x0  }
0x8b: {  	s8 =	sadd.s32 $0x190, s21;
	[sflag:s29] =	ssyncadd.s32 $0xFFFFF600  }
0x8c: {  	[tilespmem:s19], [sflag:$0x1] =	stream.indirect.gather [hbm4b:s4+s18], $0x20, s8, s18, $0xb8;
	[tilespmem:$0xCE40] =	vst v63  }
0x8d: {  	_ =	swait.ge [sflag:s30], $0xA00  }
0x8e: {  	[sflag:s30] =	ssyncset.done $0x0  }
0x8f: {  	s9 =	sadd.s32 $0x2760, s21;
	[sflag:s30] =	ssyncadd.s32 $0xFFFFF600  }
0x90: {  	[spmem:s2] =	stream.indirect.scatter.add.bf16 [tilespmem:s20], [sflag:$0x8], $0x20, s9, s18, $0xb8;
	[tilespmem:$0xCE40] =	vst v63  }
0x91: {  	_ =	swait.ge [sflag:s29], $0xA00  }
0x92: {  	[sflag:s29] =	ssyncset.done $0x0  }
0x93: {  	s7 =	sadd.s32 $0x1E0, s21;
	[sflag:s29] =	ssyncadd.s32 $0xFFFFF600  }
0x94: {  	[tilespmem:s20], [sflag:$0x2] =	stream.indirect.gather [hbm4b:s4+s18], $0x20, s7, s18, $0xb8;
	[tilespmem:$0xCE40] =	vst v63  }
0x95: {  	_ =	swait.ge [sflag:s31], $0xA00  }
0x96: {  	[sflag:s31] =	ssyncset.done $0x0  }
0x97: {  	s8 =	sadd.s32 $0x27B0, s21;
	[sflag:s31] =	ssyncadd.s32 $0xFFFFF600  }
0x98: {  	[spmem:s2] =	stream.indirect.scatter.add.bf16 [tilespmem:s22], [sflag:$0x8], $0x20, s8, s18, $0xb8;
	[tilespmem:$0xCE40] =	vst v63  }
0x99: {  	_ =	swait.ge [sflag:s29], $0xA00  }
0x9a: {  	[sflag:s29] =	ssyncset.done $0x0  }
0x9b: {  	s9 =	sadd.s32 $0x230, s21;
	[sflag:s29] =	ssyncadd.s32 $0xFFFFF600  }
0x9c: {  	[tilespmem:s22], [sflag:$0x3] =	stream.indirect.gather [hbm4b:s4+s18], $0x20, s9, s18, $0xb8;
	[tilespmem:$0xCE40] =	vst v63  }
0x9d: {  	_ =	swait.ge [sflag:s1], $0xA00  }
0x9e: {  	[sflag:s1] =	ssyncset.done $0x0  }
0x9f: {  	s7 =	sadd.s32 $0x2800, s21;
	[sflag:s1] =	ssyncadd.s32 $0xFFFFF600  }
0xa0: {  	[spmem:s2] =	stream.indirect.scatter.add.bf16 [tilespmem:s24], [sflag:$0x8], $0x20, s7, s18, $0xb8;
	[tilespmem:$0xCE40] =	vst v63  }
0xa1: {  	_ =	swait.ge [sflag:s29], $0xA00  }
0xa2: {  	[sflag:s29] =	ssyncset.done $0x0  }
0xa3: {  	s8 =	sadd.s32 $0x280, s21;
	[sflag:s29] =	ssyncadd.s32 $0xFFFFF600  }
0xa4: {  	[tilespmem:s24], [sflag:$0x4] =	stream.indirect.gather [hbm4b:s4+s18], $0x20, s8, s18, $0xb8;
	[tilespmem:$0xCE40] =	vst v63  }
0xa5: {  	_ =	swait.ge [sflag:s0], $0xA00  }
0xa6: {  	[sflag:s0] =	ssyncset.done $0x0  }
0xa7: {  	s9 =	sadd.s32 $0x2850, s21;
	[sflag:s0] =	ssyncadd.s32 $0xFFFFF600  }
0xa8: {  	[spmem:s2] =	stream.indirect.scatter.add.bf16 [tilespmem:s26], [sflag:$0x8], $0x20, s9, s18, $0xb8;
	[tilespmem:$0xCE40] =	vst v63  }
0xa9: {  	_ =	swait.ge [sflag:s29], $0xA00  }
0xaa: {  	[sflag:s29] =	ssyncset.done $0x0  }
0xab: {  	[sflag:s29] =	ssyncadd.s32 $0xFFFFF600  }
0xac: {  	[tilespmem:s26], [sflag:$0x5] =	stream.indirect.gather [hbm4b:s4+s18], $0x20, s16, s18, $0xb8;
	[tilespmem:$0xCE40] =	vst v63  }
0xad: {  	_ =	swait.ge [sflag:s28], $0xA00  }
0xae: {  	[sflag:s28] =	ssyncset.done $0x0  }
0xaf: {  	s21 =	simm.s32 $0x4C90;
	[sflag:s28] =	ssyncadd.s32 $0xFFFFF600  }
0xb0: {  	[spmem:s2] =	stream.indirect.scatter.add.bf16 [tilespmem:s19], [sflag:$0x8], $0x20, s21, s18, $0xb8;
	[tilespmem:$0xCE40] =	vst v63  }
0xb1: {  	_ =	swait.ge [sflag:s29], $0xA00  }
0xb2: {  	[sflag:s29] =	ssyncset.done $0x0  }
0xb3: {  	[sflag:s29] =	ssyncadd.s32 $0xFFFFF600  }
0xb4: {  	[tilespmem:s19], [sflag:$0x1] =	stream.indirect.gather [hbm4b:s4+s18], $0x20, s16, s18, $0xb8;
	[tilespmem:$0xCE40] =	vst v63  }
0xb5: {  	_ =	swait.ge [sflag:s30], $0xA00  }
0xb6: {  	[sflag:s30] =	ssyncset.done $0x0  }
0xb7: {  	s7 =	simm.s32 $0x4CE0;
	[sflag:s30] =	ssyncadd.s32 $0xFFFFF600  }
0xb8: {  	[spmem:s2] =	stream.indirect.scatter.add.bf16 [tilespmem:s20], [sflag:$0x8], $0x20, s7, s18, $0xb8;
	[tilespmem:$0xCE40] =	vst v63  }
0xb9: {  	_ =	swait.ge [sflag:s29], $0xA00  }
0xba: {  	[sflag:s29] =	ssyncset.done $0x0  }
0xbb: {  	[sflag:s29] =	ssyncadd.s32 $0xFFFFF600  }
0xbc: {  	[tilespmem:s20], [sflag:$0x2] =	stream.indirect.gather [hbm4b:s4+s18], $0x20, s16, s18, $0xb8;
	[tilespmem:$0xCE40] =	vst v63  }
0xbd: {  	_ =	swait.ge [sflag:s31], $0xA00  }
0xbe: {  	[sflag:s31] =	ssyncset.done $0x0  }
0xbf: {  	s8 =	simm.s32 $0x4D30;
	[sflag:s31] =	ssyncadd.s32 $0xFFFFF600  }
0xc0: {  	[spmem:s2] =	stream.indirect.scatter.add.bf16 [tilespmem:s22], [sflag:$0x8], $0x20, s8, s18, $0xb8;
	[tilespmem:$0xCE40] =	vst v63  }
0xc1: {  	_ =	swait.ge [sflag:s29], $0xA00  }
0xc2: {  	[sflag:s29] =	ssyncset.done $0x0  }
0xc3: {  	[sflag:s29] =	ssyncadd.s32 $0xFFFFF600  }
0xc4: {  	[tilespmem:s22], [sflag:$0x3] =	stream.indirect.gather [hbm4b:s4+s18], $0x20, s16, s18, $0xb8;
	[tilespmem:$0xCE40] =	vst v63  }
0xc5: {  	_ =	swait.ge [sflag:s1], $0xA00  }
0xc6: {  	[sflag:s1] =	ssyncset.done $0x0  }
0xc7: {  	s9 =	simm.s32 $0x4D80;
	[sflag:s1] =	ssyncadd.s32 $0xFFFFF600  }
0xc8: {  	[spmem:s2] =	stream.indirect.scatter.add.bf16 [tilespmem:s24], [sflag:$0x8], $0x20, s9, s18, $0xb8;
	[tilespmem:$0xCE40] =	vst v63  }
0xc9: {  	_ =	swait.ge [sflag:s29], $0xA00  }
0xca: {  	[sflag:s29] =	ssyncset.done $0x0  }
0xcb: {  	[sflag:s29] =	ssyncadd.s32 $0xFFFFF600  }
0xcc: {  	[tilespmem:s24], [sflag:$0x4] =	stream.indirect.gather [hbm4b:s4+s18], $0x20, s16, s18, $0xb8;
	[tilespmem:$0xCE40] =	vst v63  }
0xcd: {  	_ =	swait.ge [sflag:s0], $0xA00  }
0xce: {  	[sflag:s0] =	ssyncset.done $0x0  }
0xcf: {  	s21 =	simm.s32 $0x4DD0;
	[sflag:s0] =	ssyncadd.s32 $0xFFFFF600  }
0xd0: {  	[spmem:s2] =	stream.indirect.scatter.add.bf16 [tilespmem:s26], [sflag:$0x8], $0x20, s21, s18, $0xb8;
	[tilespmem:$0xCE40] =	vst v63  }
0xd1: {  	_ =	swait.ge [sflag:s29], $0xA00  }
0xd2: {  	[sflag:s29] =	ssyncset.done $0x0  }
0xd3: {  	[sflag:s29] =	ssyncadd.s32 $0xFFFFF600  }
0xd4: {  	_ =	swait.ge [sflag:s28], $0xA00  }
0xd5: {  	[sflag:s28] =	ssyncset.done $0x0  }
0xd6: {  	[sflag:s28] =	ssyncadd.s32 $0xFFFFF600  }
0xd7: {  	_ =	swait.ge [sflag:s30], $0xA00  }
0xd8: {  	[sflag:s30] =	ssyncset.done $0x0  }
0xd9: {  	[sflag:s30] =	ssyncadd.s32 $0xFFFFF600  }
0xda: {  	_ =	swait.ge [sflag:s31], $0xA00  }
0xdb: {  	[sflag:s31] =	ssyncset.done $0x0  }
0xdc: {  	[sflag:s31] =	ssyncadd.s32 $0xFFFFF600  }
0xdd: {  	_ =	swait.ge [sflag:s1], $0xA00  }
0xde: {  	[sflag:s1] =	ssyncset.done $0x0  }
0xdf: {  	[sflag:s1] =	ssyncadd.s32 $0xFFFFF600  }
0xe0: {  	s5 =	sor.u32 $0x1C08, s6;
	[bflag:$0x0] =	sbarrier.arrive $0xFFFF  }
0xe1: {  	[hbm:s11], [sflag:s5] =	dma.local [spmem:s14], $0x9C0  }
0xe2: {  	_ =	swait.ge [sflag:s29], $0x9C0  }
0xe3: {  	s23 =	sadd.s32 $0x1, s23;
	[sflag:s29] =	ssyncset.done $0x0  }
0xe4: {  	p1 =	sne.s32 s23, s13;
	[sflag:s29] =	ssyncadd.s32 $0xFFFFF640  }
0xe5: {  	[hbm:s12], [sflag:s5] =	dma.local @!p0 [spmem:s15], $0x40  }
.Ltmp1:
0xe6: {  	_ = 	snop;
	(pc) =	sbr.rel @p1 .LBB2_1-.Ltmp1, $4  }
0xe7: {  	s5 =	simm.s32 @!p0 $0x8  }
0xe8: {  	_ =	swait.ge @!p0 [sflag:s5], $0x40  }
0xe9: {  	[sflag:s5] =	ssyncset.done @!p0 $0x0  }
0xea: {  	[sflag:s5] =	ssyncadd.s32 @!p0 $0xFFFFFFC0  }
0xeb: {  	_ =	sfence.sel $0x180000  }
0xec: {  	[bflag:$0x0] =	sbarrier.arrive $0xFFFF  }
0xed: {  	_ =	strace $0x90000047  }
0xee: {  	s0 =	stileid.u32;
	[bflag:$0x2] =	sbarrier.arrive $0xFFFF  }
0xef: {  	p0 =	sne.s32 s0, $0x0;
	s0 =	rddreg [dreg:$0x3]  }
0xf0: {  	s0 =	sadd.s32 @!p0 $0x100000, s0  }
0xf1: {  	[sflag:s0] =	ssyncadd.tile.s32 @!p0 $0x1;
	_ =	shalt  }
.Lfunc_end2:
_tile_overlayer_lowered:
.L_overlay_start_2:
0xf2: {  	(tag) =	ssettag $0x2  }
0xf3: {  	s0 =	rddreg [dreg:$0x0];
	s2 =	stileid.u32  }
0xf4: {  	s1 =	rddreg [dreg:$0x1];
	p0 =	sne.s32 s2, $0x0  }
0xf5: {  	s3 =	rddreg [dreg:$0x2];
	[bflag:$0x3] =	sbarrier.arrive $0xFFFF;
	s2 =	simm.s32 @!p0 $0x1C08  }
0xf6: {  	[timem:s3], [sflag:s2] =	dma.local @!p0 [hbm:s0], s1  }
0xf7: {  	s0 =	simm.s32 @!p0 $0x8  }
0xf8: {  	_ =	swait.ge @!p0 [sflag:s0], s1  }
0xf9: {  	s1 =	ssub.s32 @!p0 $0x0, s1;
	[sflag:s0] =	ssyncset.done @!p0 $0x0  }
0xfa: {  	[sflag:s0] =	ssyncadd.s32 @!p0 s1  }
0xfb: {  	[bflag:$0x3] =	sbarrier.arrive $0xFFFF  }
0xfc: {  	_ =	shalt  }

// kernel: kernel.15.cloned.1.call-start
scs
__scs_entry_jumppad:
0x0: {  	(pc) =	sbr.rel $0x88, $3  }
0x1: {  	(tag) =	ssettag $0x0;
	lr =	simm.s32 $0x1  }
0x2: {  	[smem:$0x3F97] =	sst lr;
	_ =	strace $0xD0000000  }
0x3: {  	_ = 	snop  }
0x4: {  	_ = 	snop  }
0x5: {  	_ = 	snop  }
0x6: {  	_ = 	snop  }
0x7: {  	_ = 	snop  }
__scs_overlays_trampoline_lowered:
0x8: {  	[smem:$0x3FA6] =	sst s0  }
0x9: {  	[smem:$0x3FA7] =	sst s1  }
0xa: {  	[smem:$0x3FA8] =	sst s2  }
0xb: {  	[smem:$0x3FA9] =	sst s3  }
0xc: {  	[smem:$0x3FAA] =	sst s4  }
0xd: {  	[smem:$0x3FAB] =	sst s5  }
0xe: {  	[smem:$0x3FAC] =	sst s6  }
0xf: {  	[smem:$0x3FAD] =	sst s7  }
0x10: {  	[smem:$0x3FAE] =	sst s8  }
0x11: {  	[smem:$0x3FAF] =	sst s9;
	s0 =	simm.s32 @!p0 $0x0  }
0x12: {  	s1 =	sld [smem:$0x3F95];
	s0 =	simm.s32 @p0 $0x1  }
0x13: {  	[smem:$0x3FB0] =	sst s0;
	s0 =	simm.s32 @!p1 $0x0  }
0x14: {  	s2 =	sld [smem:$0x3F94];
	s0 =	simm.s32 @p1 $0x1  }
0x15: {  	[smem:$0x3FB1] =	sst s0;
	s0 =	simm.s32 @!p2 $0x0  }
0x16: {  	s3 =	sld [smem:$0x3FDB];
	s0 =	simm.s32 @p2 $0x1  }
0x17: {  	s4 =	simm.s32 $0x1BF5;
	[smem:$0x3FB3] =	sst s0  }
0x18: {  	s0 =	sld [smem:$0x3F96];
	_ =	swait.ge [sflag:s4], $0x0  }
0x19: {  	s7 =	sld [smem:$0x3F97]  }
0x1a: {  	s8 =	sadd.s32 $0xFFFFE003, lr  }
0x1b: {  	s9 =	sadd.s32 $0xFFFFFEF7, lr;
	s5 =	simm.s32 $0xFFFFFFFF;
	p2 =	slt.u32 s8, $0xFFFFF086  }
0x1c: {  	p1 =	slt.u32 s9, $0xF7A;
	s5 =	simm.s32 @!p2 $0x0  }
0x1d: {  	s5 =	simm.s32 @p1 $0x1;
	p0 =	seq.s32 s7, s2  }
0x1e: {  	s7 =	smul.u32 @!p0 $0xF7A, s2;
	p2 =	seq.s32 @!p0 s5, $0x0  }
0x1f: {  	s9 =	smul.u32 $0xF7A, s1;
	s8 =	simm.s32 @!p0 $0x1BF5;
	p2 =	por !p2, p0  }
0x20: {  	[sflag:s8] =	ssyncset.s32 @!p0 $0xFFFFF086;
	s6 =	sadd.s32 @!p0 s3, s7;
	s7 =	simm.s32 @!p0 $0x108  }
0x21: {  	s3 =	sadd.s32 s3, s9;
	s6 =	sadd.s32 @!p0 $0x88, s6;
	s7 =	simm.s32 @p2 $0x1082  }
0x22: {  	[simem:s7], [sflag:s8] =	dma.local @!p0 [hbm:s6], $0xF7A  }
0x23: {  	s9 =	sor.u32 $0xD0000000, s2;
	s6 =	simm.s32 $0x108;
	_ =	swait.ge @!p0 [sflag:s8], $0x0  }
0x24: {  	s3 =	sadd.s32 $0x88, s3;
	s6 =	simm.s32 @!p1 $0x1082;
	[sflag:s4] =	ssyncset.s32 $0xFFFFF086  }
0x25: {  	[simem:s6], [sflag:s4] =	dma.local [hbm:s3], $0xF7A  }
0x26: {  	[smem:$0x3F97] =	sst s1;
	(tag) =	ssettag s2;
	_ =	strace s9  }
0x27: {  	s1 =	sld [smem:$0x3FA7]  }
0x28: {  	s2 =	sld [smem:$0x3FA8]  }
0x29: {  	s4 =	sld [smem:$0x3FAA]  }
0x2a: {  	p0 =	seq.s32 s5, $0x0;
	s5 =	sld [smem:$0x3FAB]  }
0x2b: {  	s6 =	sld [smem:$0x3FAC]  }
0x2c: {  	s7 =	sld [smem:$0x3FAD]  }
0x2d: {  	s3 =	simm.s32 $0x108;
	s8 =	sld [smem:$0x3FAE]  }
0x2e: {  	s3 =	simm.s32 @!p0 $0x1082;
	s9 =	sld [smem:$0x3FAF]  }
0x2f: {  	lr =	sadd.s32 s0, s3;
	s0 =	sld [smem:$0x3FA6]  }
0x30: {  	s3 =	sld [smem:$0x3FA9]  }
0x31: {  	[smem:$0x3FB2] =	sst s10  }
0x32: {  	s10 =	sld [smem:$0x3FB0];
	_ =	sdelay $0x3  }
0x33: {  	p0 =	seq.s32 s10, $0x1;
	s10 =	sld [smem:$0x3FB2];
	_ =	sdelay $0x3  }
0x34: {  	[smem:$0x3FB2] =	sst s10  }
0x35: {  	s10 =	sld [smem:$0x3FB1];
	_ =	sdelay $0x3  }
0x36: {  	p1 =	seq.s32 s10, $0x1;
	s10 =	sld [smem:$0x3FB2];
	_ =	sdelay $0x3  }
0x37: {  	[smem:$0x3FB2] =	sst s10  }
0x38: {  	s10 =	sld [smem:$0x3FB3]  }
0x39: {  	_ = 	snop;
	(pc) =	sbr.ind lr, $3  }
0x3a: {  	_ = 	snop  }
0x3b: {  	_ = 	snop  }
0x3c: {  	p2 =	seq.s32 s10, $0x1;
	s10 =	sld [smem:$0x3FB2]  }
0x3d: {  	_ =	shalt  }
0x3e: {  	_ =	shalt  }
0x3f: {  	_ =	shalt  }
0x40: {  	_ =	shalt  }
0x41: {  	_ =	shalt  }
0x42: {  	_ =	shalt  }
0x43: {  	_ =	shalt  }
0x44: {  	_ =	shalt  }
0x45: {  	_ =	shalt  }
0x46: {  	_ =	shalt  }
0x47: {  	_ =	shalt  }
0x48: {  	_ =	shalt  }
0x49: {  	_ =	shalt  }
0x4a: {  	_ =	shalt  }
0x4b: {  	_ =	shalt  }
0x4c: {  	_ =	shalt  }
0x4d: {  	_ =	shalt  }
0x4e: {  	_ =	shalt  }
0x4f: {  	_ =	shalt  }
0x50: {  	_ =	shalt  }
0x51: {  	_ =	shalt  }
0x52: {  	_ =	shalt  }
0x53: {  	_ =	shalt  }
0x54: {  	_ =	shalt  }
0x55: {  	_ =	shalt  }
0x56: {  	_ =	shalt  }
0x57: {  	_ =	shalt  }
0x58: {  	_ =	shalt  }
0x59: {  	_ =	shalt  }
0x5a: {  	_ =	shalt  }
0x5b: {  	_ =	shalt  }
0x5c: {  	_ =	shalt  }
0x5d: {  	_ =	shalt  }
0x5e: {  	_ =	shalt  }
0x5f: {  	_ =	shalt  }
0x60: {  	_ =	shalt  }
0x61: {  	_ =	shalt  }
0x62: {  	_ =	shalt  }
0x63: {  	_ =	shalt  }
0x64: {  	_ =	shalt  }
0x65: {  	_ =	shalt  }
0x66: {  	_ =	shalt  }
0x67: {  	_ =	shalt  }
0x68: {  	_ =	shalt  }
0x69: {  	_ =	shalt  }
0x6a: {  	_ =	shalt  }
0x6b: {  	_ =	shalt  }
0x6c: {  	_ =	shalt  }
0x6d: {  	_ =	shalt  }
0x6e: {  	_ =	shalt  }
0x6f: {  	_ =	shalt  }
0x70: {  	_ =	shalt  }
0x71: {  	_ =	shalt  }
0x72: {  	_ =	shalt  }
0x73: {  	_ =	shalt  }
0x74: {  	_ =	shalt  }
0x75: {  	_ =	shalt  }
0x76: {  	_ =	shalt  }
0x77: {  	_ =	shalt  }
0x78: {  	_ =	shalt  }
0x79: {  	_ =	shalt  }
0x7a: {  	_ =	shalt  }
0x7b: {  	_ =	shalt  }
0x7c: {  	_ =	shalt  }
0x7d: {  	_ =	shalt  }
0x7e: {  	_ =	shalt  }
0x7f: {  	_ =	shalt  }
0x80: {  	_ =	shalt  }
0x81: {  	_ =	shalt  }
0x82: {  	_ =	shalt  }
0x83: {  	_ =	shalt  }
0x84: {  	_ =	shalt  }
0x85: {  	_ =	shalt  }
0x86: {  	_ =	shalt  }
0x87: {  	_ =	shalt  }
.Lfunc_end0:
.L_simem_size_0:
called_computation.1_lowered:
.L_overlay_start_0:
0x88: {  	s2 =	sld [smem:$0x3FD9]  }
0x89: {  	s3 =	sld [smem:$0x3FFE];
	_ =	sdelay $0x1  }
0x8a: {  	s1 =	srdreg.scid  }
0x8b: {  	s0 =	sand.u32 $0x1, s1  }
0x8c: {  	s17 =	sshll.u32 s0, $0xA;
	s2 =	sadd.s32 s3, s2  }
0x8d: {  	s2 =	sadd.s32 s2, s17  }
0x8e: {  	[smem:$0x3FBE] =	sst s2  }
0x8f: {  	_ = 	snop  }
0x90: {  	s2 =	sld [smem:$0x3FD0];
	(tm) =	ssettm $0x1  }
0x91: {  	s18 =	sld [smem:$0x3FFB];
	_ =	sdelay $0x3  }
0x92: {  	_ =	strace s18  }
0x93: {  	s3 =	sld [smem:$0x3FFC];
	_ =	sdelay $0x3  }
0x94: {  	_ =	strace s3  }
0x95: {  	s3 =	sld [smem:$0x3FFD];
	_ =	sdelay $0x3  }
0x96: {  	_ =	strace s3  }
0x97: {  	_ =	strace $0x8FFFFFFF  }
0x98: {  	s19 =	sld [smem:$0x3FDB];
	_ =	sdelay $0x1  }
0x99: {  	s4 =	simm.s32 $_scs_section_size  }
0x9a: {  	s5 =	simm.s32 $_size__tile_overlayer_lowered;
	s6 =	simm.s32 $_tile_overlayer_lowered  }
0x9b: {  	s22 =	simm.s32 $0x1BFF;
	s21 =	sshll.u32 s6, $0x1;
	s3 =	sadd.s32 s4, s19  }
0x9c: {  	s7 =	simm.s32 $0x0;
	s20 =	sshll.u32 s5, $0x1;
	s5 =	sadd.s32 s21, s3  }
0x9d: {  	[timem:s7], [sflag:s22] =	dma.local [hbm:s5], s20  }
0x9e: {  	_ =	swait.ge [sflag:s22], s20  }
0x9f: {  	s4 =	ssub.s32 $0x0, s20;
	[sflag:s22] =	ssyncset.done $0x0  }
0xa0: {  	[sflag:s22] =	ssyncadd.s32 s4;
	_ =	sdelay $0x1  }
0xa1: {  	s23 =	simm.s32 $0x1B8B  }
0xa2: {  	_ =	swait.ge [sflag:s23], $0x1  }
0xa3: {  	[sflag:s23] =	ssyncset.done $0x0  }
0xa4: {  	s25 =	simm.s32 $0x1B8E;
	s24 =	sld [smem:$0x3FFE];
	[sflag:s23] =	ssyncadd.s32 $0xFFFFFFFF  }
0xa5: {  	s26 =	simm.s32 $execute0_lowered;
	[smem:$0x3FD2] =	sst s25  }
0xa6: {  	s5 =	sshll.u32 s26, $0x1;
	_ =	strace $0x80000049;
	[dreg:$0x1] =	wrdreg $0xFFFFFFFF  }
0xa7: {  	s28 =	simm.s32 $_size_execute0_lowered;
	s3 =	sadd.s32 s3, s5;
	[dreg:$0x0] =	wrdreg $0x0  }
0xa8: {  	s5 =	sshll.u32 s28, $0x1;
	[dreg:$0x2] =	wrdreg s3  }
0xa9: {  	[dreg:$0x3] =	wrdreg s5  }
0xaa: {  	[dreg:$0x4] =	wrdreg $0xC0  }
0xab: {  	_ =	task [dreg:s7], $0x5FFFF  }
0xac: {  	[dreg:$0x1] =	wrdreg $0xFFFFFFFF  }
0xad: {  	[dreg:$0x0] =	wrdreg $0x60  }
0xae: {  	[dreg:$0x2] =	wrdreg s24  }
0xaf: {  	[dreg:$0x3] =	wrdreg s2  }
0xb0: {  	[dreg:$0x4] =	wrdreg $0x80200  }
0xb1: {  	[dreg:$0x5] =	wrdreg $0x9  }
0xb2: {  	_ =	task.clear_ibuf [dreg:s7], $0x6FFFF;
	_ =	strace $0x90000049  }
0xb3: {  	s29 =	simm.s32 $0x9;
	_ =	strace $0x8000004B  }
0xb4: {  	_ =	swait.ge [sflag:s29], $0x1  }
0xb5: {  	[sflag:s29] =	ssyncadd.s32 $0xFFFFFFFF  }
0xb6: {  	_ =	strace $0x9000004B  }
0xb7: {  	_ =	sfence  }
0xb8: {  	s30 =	sld [smem:$0x0];
	_ =	sdelay $0x2  }
0xb9: {  	s31 =	sshll.u32 s1, $0xD;
	s1 =	sshrl.u32 s1, $0x2  }
0xba: {  	s3 =	sand.u32 $0x4000, s31;
	s1 =	sadd.s32 s1, s30  }
0xbb: {  	s0 =	sor.u32 s3, s0;
	s1 =	sshll.u32 s1, $0x11  }
0xbc: {  	s0 =	sor.u32 s1, s0  }
0xbd: {  	s0 =	sadd.s32 $0x8F2B, s0  }
0xbe: {  	[sflag:s0] =	ssyncadd.remote.s32 $0x1  }
0xbf: {  	_ =	sfence.sel $0xFFFF  }
0xc0: {  	[dreg:$0x0] =	wrdreg $0xFFFFFFFF;
	(pc) =	sbr.abs _section_cstart, $3  }
0xc1: {  	[dreg:$0x1] =	wrdreg $0xFFFFFFFF  }
0xc2: {  	_ =	task.clear_ibuf [dreg:s7], $0x2FFFF;
	_ =	strace $0x9FFFFFFF  }
0xc3: {  	(tm) =	ssettm $0x7FFFFFFF  }
tec
execute0_lowered:
.L_overlay_start_1:
0x0: {  	(tag) =	ssettag $0x1  }
0x1: {  	s0 =	rddreg [dreg:$0x0];
	s1 =	srdreg.scid  }
0x2: {  	s17 =	stileid.u32;
	s5 =	rddreg [dreg:$0x1]  }
0x3: {  	s2 =	rddreg [dreg:$0x2];
	s18 =	simm.s32 $0x50;
	s19 =	simm.s32 $0x4E20  }
0x4: {  	s20 =	simm.s32 $0x5820;
	s22 =	simm.s32 $0x6220;
	s28 =	simm.s32 $0x1  }
0x5: {  	s29 =	simm.s32 $0x8;
	s30 =	simm.s32 $0x2;
	s31 =	simm.s32 $0x3  }
0x6: {  	s23 =	simm.s32 $0x0;
	s1 =	sand.u32 $0x1, s1;
	s3 =	sshll.u32 s17, $0x1  }
0x7: {  	s8 =	smul.u32 $0x9C00, s17;
	s13 =	sadd.s32 $0x21C00, s0;
	s16 =	sadd.s32 $0x4E000, s2  }
0x8: {  	s4 =	sor.u32 s1, s3;
	s10 =	ssub.s32 $0x2, s1;
	s1 =	smul.u32 $0x9C400, s1  }
0x9: {  	p0 =	sne.s32 s17, $0xF;
	s3 =	simm.s32 $0x0;
	s7 =	smul.u32 $0x4E2, s4  }
0xa: {  	[smem:$0x7FF] =	sst s3;
	s4 =	sadd.s32 $0x4200, s0;
	s6 =	sshrl.u32 s8, $0x4  }
0xb: {  	s11 =	sshrl.u32 s10, $0x1;
	s12 =	sshrl.u32 s8, $0x1;
	_ =	strace $0x8000004A  }
0xc: {  	s6 =	sadd.s32 s6, s0;
	s14 =	ssub.s32 s10, s11;
	s15 =	sadd.s32 s12, s2  }
0xd: {  	s26 =	sadd.s32 s8, s1;
	s1 =	sshrl.u32 s1, $0x4;
	s9 =	sadd.s32 s7, s0  }
0xe: {  	s6 =	sadd.s32 $0x17E00, s6;
	s0 =	sadd.s32 $0x21A00, s0;
	s10 =	sadd.s32 s5, s7  }
0xf: {  	s1 =	sadd.s32 s13, s1;
	[dreg:$0x4] =	wrdreg s6;
	s6 =	sshll.u32 s17, $0x6  }
0x10: {  	[dreg:$0x6] =	wrdreg s0;
	s25 =	sadd.s32 $0xE000, s9;
	s0 =	sshrl.u32 s26, $0x4  }
0x11: {  	s12 =	sadd.s32 $0x9C00, s1;
	s17 =	simm.s32 $0x7;
	s26 =	simm.s32 $0x7620  }
0x12: {  	s1 =	simm.s32 $0x4;
	s24 =	sor.u32 $0x1C06, s6;
	[dreg:$0x7] =	wrdreg s25  }
0x13: {  	s11 =	sadd.s32 s13, s0;
	s13 =	smax.u32 s14, $0x1;
	s14 =	sshrl.u32 s15, $0x3  }
0x14: {  	s15 =	sshrl.u32 @!p0 s16, $0x3;
	s25 =	simm.s32 $0x6;
	s0 =	simm.s32 $0x5  }
0x15: {  	s16 =	simm.s32 $0x26C0;
	[dreg:$0x5] =	wrdreg s24;
	s24 =	simm.s32 $0x6C20  }
.LBB2_1:
0x16: {  	s5 =	rddreg [dreg:$0x4]  }
0x17: {  	s7 =	rddreg [dreg:$0x5]  }
0x18: {  	[spmem:s14], [sflag:s7] =	dma.local [hbm:s5], $0x9C0  }
0x19: {  	s5 =	simm.s32 @!p0 $0x1FC8;
	s7 =	rddreg [dreg:$0x6]  }
0x1a: {  	[spmem:s15], [sflag:s5] =	dma.local @!p0 [hbm:s7], $0x40  }
0x1b: {  	s5 =	simm.s32 @!p0 $0x8  }
0x1c: {  	_ =	swait.ge @!p0 [sflag:s5], $0x40  }
0x1d: {  	[sflag:s5] =	ssyncset.done @!p0 $0x0  }
0x1e: {  	s9 =	rddreg [dreg:$0x7];
	[sflag:s5] =	ssyncadd.s32 @!p0 $0xFFFFFFC0  }
0x1f: {  	[tilespmem:s3], [sflag:$0x7] =	stream.linear.gather [hbm4b:s9+s3], $0x2710, $0x38;
	[tilespmem:$0xCE40] =	vst v63  }
0x20: {  	s21 =	simm.s32 $0x2710  }
0x21: {  	[tilespmem:s21], [sflag:$0x7] =	stream.linear.gather [hbm4b:s10+s3], $0x2710, $0x38;
	[tilespmem:$0xCE40] =	vst v63  }
0x22: {  	_ =	swait.ge [sflag:s17], $0x2710  }
0x23: {  	[sflag:s17] =	ssyncset.done $0x0  }
0x24: {  	[sflag:s17] =	ssyncadd.s32 $0xFFFFD8F0  }
0x25: {  	_ =	swait.ge [sflag:s17], $0x2710  }
0x26: {  	[sflag:s17] =	ssyncset.done $0x0  }
0x27: {  	[sflag:s17] =	ssyncadd.s32 $0xFFFFD8F0  }
0x28: {  	[tilespmem:s19], [sflag:$0x1] =	stream.indirect.gather [hbm4b:s4+s18], $0x20, s3, s18, $0xb8;
	[tilespmem:$0xCE40] =	vst v63  }
0x29: {  	_ = 	snop  }
0x2a: {  	[tilespmem:s20], [sflag:$0x2] =	stream.indirect.gather [hbm4b:s4+s18], $0x20, s18, s18, $0xb8;
	[tilespmem:$0xCE40] =	vst v63  }
0x2b: {  	s7 =	simm.s32 $0xA0  }
0x2c: {  	[tilespmem:s22], [sflag:$0x3] =	stream.indirect.gather [hbm4b:s4+s18], $0x20, s7, s18, $0xb8;
	[tilespmem:$0xCE40] =	vst v63  }
0x2d: {  	s8 =	simm.s32 $0xF0  }
0x2e: {  	[tilespmem:s24], [sflag:$0x4] =	stream.indirect.gather [hbm4b:s4+s18], $0x20, s8, s18, $0xb8;
	[tilespmem:$0xCE40] =	vst v63  }
0x2f: {  	_ =	swait.ge [sflag:s25], $0x9C0  }
0x30: {  	[sflag:s25] =	ssyncset.done $0x0  }
0x31: {  	[sflag:s25] =	ssyncadd.s32 $0xFFFFF640  }
0x32: {  	s9 =	simm.s32 $0x140;
	[bflag:$0x0] =	sbarrier.arrive $0xFFFF  }
0x33: {  	[tilespmem:s26], [sflag:$0x5] =	stream.indirect.gather [hbm4b:s4+s18], $0x20, s9, s18, $0xb8;
	[tilespmem:$0xCE40] =	vst v63  }
0x34: {  	_ =	swait.ge [sflag:s28], $0xA00  }
0x35: {  	[sflag:s28] =	ssyncset.done $0x0  }
0x36: {  	s21 =	simm.s32 $0x2710;
	[sflag:s28] =	ssyncadd.s32 $0xFFFFF600  }
0x37: {  	[spmem:s2] =	stream.indirect.scatter.add.bf16 [tilespmem:s19], [sflag:$0x8], $0x20, s21, s18, $0xb8;
	[tilespmem:$0xCE40] =	vst v63  }
0x38: {  	_ =	swait.ge [sflag:s29], $0xA00  }
0x39: {  	[sflag:s29] =	ssyncset.done $0x0  }
0x3a: {  	s7 =	simm.s32 $0x190;
	[sflag:s29] =	ssyncadd.s32 $0xFFFFF600  }
0x3b: {  	[tilespmem:s19], [sflag:$0x1] =	stream.indirect.gather [hbm4b:s4+s18], $0x20, s7, s18, $0xb8;
	[tilespmem:$0xCE40] =	vst v63  }
0x3c: {  	_ =	swait.ge [sflag:s30], $0xA00  }
0x3d: {  	[sflag:s30] =	ssyncset.done $0x0  }
0x3e: {  	s8 =	simm.s32 $0x2760;
	[sflag:s30] =	ssyncadd.s32 $0xFFFFF600  }
0x3f: {  	[spmem:s2] =	stream.indirect.scatter.add.bf16 [tilespmem:s20], [sflag:$0x8], $0x20, s8, s18, $0xb8;
	[tilespmem:$0xCE40] =	vst v63  }
0x40: {  	_ =	swait.ge [sflag:s29], $0xA00  }
0x41: {  	[sflag:s29] =	ssyncset.done $0x0  }
0x42: {  	s9 =	simm.s32 $0x1E0;
	[sflag:s29] =	ssyncadd.s32 $0xFFFFF600  }
0x43: {  	[tilespmem:s20], [sflag:$0x2] =	stream.indirect.gather [hbm4b:s4+s18], $0x20, s9, s18, $0xb8;
	[tilespmem:$0xCE40] =	vst v63  }
0x44: {  	_ =	swait.ge [sflag:s31], $0xA00  }
0x45: {  	[sflag:s31] =	ssyncset.done $0x0  }
0x46: {  	s21 =	simm.s32 $0x27B0;
	[sflag:s31] =	ssyncadd.s32 $0xFFFFF600  }
0x47: {  	[spmem:s2] =	stream.indirect.scatter.add.bf16 [tilespmem:s22], [sflag:$0x8], $0x20, s21, s18, $0xb8;
	[tilespmem:$0xCE40] =	vst v63  }
0x48: {  	_ =	swait.ge [sflag:s29], $0xA00  }
0x49: {  	[sflag:s29] =	ssyncset.done $0x0  }
0x4a: {  	s7 =	simm.s32 $0x230;
	[sflag:s29] =	ssyncadd.s32 $0xFFFFF600  }
0x4b: {  	[tilespmem:s22], [sflag:$0x3] =	stream.indirect.gather [hbm4b:s4+s18], $0x20, s7, s18, $0xb8;
	[tilespmem:$0xCE40] =	vst v63  }
0x4c: {  	_ =	swait.ge [sflag:s1], $0xA00  }
0x4d: {  	[sflag:s1] =	ssyncset.done $0x0  }
0x4e: {  	s8 =	simm.s32 $0x2800;
	[sflag:s1] =	ssyncadd.s32 $0xFFFFF600  }
0x4f: {  	[spmem:s2] =	stream.indirect.scatter.add.bf16 [tilespmem:s24], [sflag:$0x8], $0x20, s8, s18, $0xb8;
	[tilespmem:$0xCE40] =	vst v63  }
0x50: {  	_ =	swait.ge [sflag:s29], $0xA00  }
0x51: {  	[sflag:s29] =	ssyncset.done $0x0  }
0x52: {  	s9 =	simm.s32 $0x280;
	[sflag:s29] =	ssyncadd.s32 $0xFFFFF600  }
0x53: {  	[tilespmem:s24], [sflag:$0x4] =	stream.indirect.gather [hbm4b:s4+s18], $0x20, s9, s18, $0xb8;
	[tilespmem:$0xCE40] =	vst v63  }
0x54: {  	_ =	swait.ge [sflag:s0], $0xA00  }
0x55: {  	[sflag:s0] =	ssyncset.done $0x0  }
0x56: {  	s21 =	simm.s32 $0x2850;
	[sflag:s0] =	ssyncadd.s32 $0xFFFFF600  }
0x57: {  	[spmem:s2] =	stream.indirect.scatter.add.bf16 [tilespmem:s26], [sflag:$0x8], $0x20, s21, s18, $0xb8;
	[tilespmem:$0xCE40] =	vst v63  }
0x58: {  	_ =	swait.ge [sflag:s29], $0xA00  }
0x59: {  	s5 =	simm.s32 $0xC80;
	s21 =	simm.s32 $0x190;
	[sflag:s29] =	ssyncset.done $0x0  }
.LBB2_2:
0x5a: {  	s9 =	sadd.s32 $0x140, s21  }
0x5b: {  	[sflag:s29] =	ssyncadd.s32 $0xFFFFF600;
	s7 =	smov.u32 s5;
	s8 =	sadd.s32 $0x640, s5  }
0x5c: {  	[tilespmem:s26], [sflag:$0x5] =	stream.indirect.gather [hbm4b:s4+s18], $0x20, s9, s18, $0xb8;
	[tilespmem:$0xCE40] =	vst v63  }
0x5d: {  	p1 =	sne.s32 s5, $0x8FC0;
	_ =	swait.ge [sflag:s28], $0xA00  }
0x5e: {  	[sflag:s28] =	ssyncset.done $0x0  }
0x5f: {  	s5 =	sadd.s32 $0x2710, s21;
	[sflag:s28] =	ssyncadd.s32 $0xFFFFF600  }
0x60: {  	[spmem:s2] =	stream.indirect.scatter.add.bf16 [tilespmem:s19], [sflag:$0x8], $0x20, s5, s18, $0xb8;
	[tilespmem:$0xCE40] =	vst v63  }
0x61: {  	_ =	swait.ge [sflag:s29], $0xA00  }
0x62: {  	[sflag:s29] =	ssyncset.done $0x0  }
0x63: {  	s5 =	sadd.s32 $0x190, s21;
	[sflag:s29] =	ssyncadd.s32 $0xFFFFF600  }
0x64: {  	[tilespmem:s19], [sflag:$0x1] =	stream.indirect.gather [hbm4b:s4+s18], $0x20, s5, s18, $0xb8;
	[tilespmem:$0xCE40] =	vst v63  }
0x65: {  	_ =	swait.ge [sflag:s30], $0xA00  }
0x66: {  	[sflag:s30] =	ssyncset.done $0x0  }
0x67: {  	s5 =	sadd.s32 $0x2760, s21;
	[sflag:s30] =	ssyncadd.s32 $0xFFFFF600  }
0x68: {  	[spmem:s2] =	stream.indirect.scatter.add.bf16 [tilespmem:s20], [sflag:$0x8], $0x20, s5, s18, $0xb8;
	[tilespmem:$0xCE40] =	vst v63  }
0x69: {  	_ =	swait.ge [sflag:s29], $0xA00  }
0x6a: {  	[sflag:s29] =	ssyncset.done $0x0  }
0x6b: {  	s5 =	sadd.s32 $0x1E0, s21;
	[sflag:s29] =	ssyncadd.s32 $0xFFFFF600  }
0x6c: {  	[tilespmem:s20], [sflag:$0x2] =	stream.indirect.gather [hbm4b:s4+s18], $0x20, s5, s18, $0xb8;
	[tilespmem:$0xCE40] =	vst v63  }
0x6d: {  	_ =	swait.ge [sflag:s31], $0xA00  }
0x6e: {  	[sflag:s31] =	ssyncset.done $0x0  }
0x6f: {  	s5 =	sadd.s32 $0x27B0, s21;
	[sflag:s31] =	ssyncadd.s32 $0xFFFFF600  }
0x70: {  	[spmem:s2] =	stream.indirect.scatter.add.bf16 [tilespmem:s22], [sflag:$0x8], $0x20, s5, s18, $0xb8;
	[tilespmem:$0xCE40] =	vst v63  }
0x71: {  	_ =	swait.ge [sflag:s29], $0xA00  }
0x72: {  	[sflag:s29] =	ssyncset.done $0x0  }
0x73: {  	s5 =	sadd.s32 $0x230, s21;
	[sflag:s29] =	ssyncadd.s32 $0xFFFFF600  }
0x74: {  	[tilespmem:s22], [sflag:$0x3] =	stream.indirect.gather [hbm4b:s4+s18], $0x20, s5, s18, $0xb8;
	[tilespmem:$0xCE40] =	vst v63  }
0x75: {  	_ =	swait.ge [sflag:s1], $0xA00  }
0x76: {  	[sflag:s1] =	ssyncset.done $0x0  }
0x77: {  	s5 =	sadd.s32 $0x2800, s21;
	[sflag:s1] =	ssyncadd.s32 $0xFFFFF600  }
0x78: {  	[spmem:s2] =	stream.indirect.scatter.add.bf16 [tilespmem:s24], [sflag:$0x8], $0x20, s5, s18, $0xb8;
	[tilespmem:$0xCE40] =	vst v63  }
0x79: {  	_ =	swait.ge [sflag:s29], $0xA00  }
0x7a: {  	[sflag:s29] =	ssyncset.done $0x0  }
0x7b: {  	s5 =	sadd.s32 $0x280, s21;
	[sflag:s29] =	ssyncadd.s32 $0xFFFFF600  }
0x7c: {  	[tilespmem:s24], [sflag:$0x4] =	stream.indirect.gather [hbm4b:s4+s18], $0x20, s5, s18, $0xb8;
	[tilespmem:$0xCE40] =	vst v63  }
0x7d: {  	_ =	swait.ge [sflag:s0], $0xA00  }
.Ltmp0:
0x7e: {  	[sflag:s0] =	ssyncset.done $0x0;
	(pc) =	sbr.rel @p1 .LBB2_2-.Ltmp0, $4  }
0x7f: {  	s5 =	sadd.s32 $0x2850, s21;
	[sflag:s0] =	ssyncadd.s32 $0xFFFFF600  }
0x80: {  	[spmem:s2] =	stream.indirect.scatter.add.bf16 [tilespmem:s26], [sflag:$0x8], $0x20, s5, s18, $0xb8;
	[tilespmem:$0xCE40] =	vst v63  }
0x81: {  	_ =	swait.ge [sflag:s29], $0xA00  }
0x82: {  	s21 =	sshra.s32 s7, $0x2;
	s5 =	smov.u32 s8;
	[sflag:s29] =	ssyncset.done $0x0  }
0x83: {  	s5 =	sadd.s32 $0x140, s21;
	[sflag:s29] =	ssyncadd.s32 $0xFFFFF600  }
0x84: {  	[tilespmem:s26], [sflag:$0x5] =	stream.indirect.gather [hbm4b:s4+s18], $0x20, s5, s18, $0xb8;
	[tilespmem:$0xCE40] =	vst v63  }
0x85: {  	_ =	swait.ge [sflag:s28], $0xA00  }
0x86: {  	[sflag:s28] =	ssyncset.done $0x0  }
0x87: {  	s7 =	sadd.s32 $0x2710, s21;
	[sflag:s28] =	ssyncadd.s32 $0xFFFFF600  }
0x88: {  	[spmem:s2] =	stream.indirect.scatter.add.bf16 [tilespmem:s19], [sflag:$0x8], $0x20, s7, s18, $0xb8;
	[tilespmem:$0xCE40] =	vst v63  }
0x89: {  	_ =	swait.ge [sflag:s29], $0xA00  }
0x8a: {  	[sflag:s29] =	ssyncset.done $0x0  }
0x8b: {  	s8 =	sadd.s32 $0x190, s21;
	[sflag:s29] =	ssyncadd.s32 $0xFFFFF600  }
0x8c: {  	[tilespmem:s19], [sflag:$0x1] =	stream.indirect.gather [hbm4b:s4+s18], $0x20, s8, s18, $0xb8;
	[tilespmem:$0xCE40] =	vst v63  }
0x8d: {  	_ =	swait.ge [sflag:s30], $0xA00  }
0x8e: {  	[sflag:s30] =	ssyncset.done $0x0  }
0x8f: {  	s9 =	sadd.s32 $0x2760, s21;
	[sflag:s30] =	ssyncadd.s32 $0xFFFFF600  }
0x90: {  	[spmem:s2] =	stream.indirect.scatter.add.bf16 [tilespmem:s20], [sflag:$0x8], $0x20, s9, s18, $0xb8;
	[tilespmem:$0xCE40] =	vst v63  }
0x91: {  	_ =	swait.ge [sflag:s29], $0xA00  }
0x92: {  	[sflag:s29] =	ssyncset.done $0x0  }
0x93: {  	s7 =	sadd.s32 $0x1E0, s21;
	[sflag:s29] =	ssyncadd.s32 $0xFFFFF600  }
0x94: {  	[tilespmem:s20], [sflag:$0x2] =	stream.indirect.gather [hbm4b:s4+s18], $0x20, s7, s18, $0xb8;
	[tilespmem:$0xCE40] =	vst v63  }
0x95: {  	_ =	swait.ge [sflag:s31], $0xA00  }
0x96: {  	[sflag:s31] =	ssyncset.done $0x0  }
0x97: {  	s8 =	sadd.s32 $0x27B0, s21;
	[sflag:s31] =	ssyncadd.s32 $0xFFFFF600  }
0x98: {  	[spmem:s2] =	stream.indirect.scatter.add.bf16 [tilespmem:s22], [sflag:$0x8], $0x20, s8, s18, $0xb8;
	[tilespmem:$0xCE40] =	vst v63  }
0x99: {  	_ =	swait.ge [sflag:s29], $0xA00  }
0x9a: {  	[sflag:s29] =	ssyncset.done $0x0  }
0x9b: {  	s9 =	sadd.s32 $0x230, s21;
	[sflag:s29] =	ssyncadd.s32 $0xFFFFF600  }
0x9c: {  	[tilespmem:s22], [sflag:$0x3] =	stream.indirect.gather [hbm4b:s4+s18], $0x20, s9, s18, $0xb8;
	[tilespmem:$0xCE40] =	vst v63  }
0x9d: {  	_ =	swait.ge [sflag:s1], $0xA00  }
0x9e: {  	[sflag:s1] =	ssyncset.done $0x0  }
0x9f: {  	s7 =	sadd.s32 $0x2800, s21;
	[sflag:s1] =	ssyncadd.s32 $0xFFFFF600  }
0xa0: {  	[spmem:s2] =	stream.indirect.scatter.add.bf16 [tilespmem:s24], [sflag:$0x8], $0x20, s7, s18, $0xb8;
	[tilespmem:$0xCE40] =	vst v63  }
0xa1: {  	_ =	swait.ge [sflag:s29], $0xA00  }
0xa2: {  	[sflag:s29] =	ssyncset.done $0x0  }
0xa3: {  	s8 =	sadd.s32 $0x280, s21;
	[sflag:s29] =	ssyncadd.s32 $0xFFFFF600  }
0xa4: {  	[tilespmem:s24], [sflag:$0x4] =	stream.indirect.gather [hbm4b:s4+s18], $0x20, s8, s18, $0xb8;
	[tilespmem:$0xCE40] =	vst v63  }
0xa5: {  	_ =	swait.ge [sflag:s0], $0xA00  }
0xa6: {  	[sflag:s0] =	ssyncset.done $0x0  }
0xa7: {  	s9 =	sadd.s32 $0x2850, s21;
	[sflag:s0] =	ssyncadd.s32 $0xFFFFF600  }
0xa8: {  	[spmem:s2] =	stream.indirect.scatter.add.bf16 [tilespmem:s26], [sflag:$0x8], $0x20, s9, s18, $0xb8;
	[tilespmem:$0xCE40] =	vst v63  }
0xa9: {  	_ =	swait.ge [sflag:s29], $0xA00  }
0xaa: {  	[sflag:s29] =	ssyncset.done $0x0  }
0xab: {  	[sflag:s29] =	ssyncadd.s32 $0xFFFFF600  }
0xac: {  	[tilespmem:s26], [sflag:$0x5] =	stream.indirect.gather [hbm4b:s4+s18], $0x20, s16, s18, $0xb8;
	[tilespmem:$0xCE40] =	vst v63  }
0xad: {  	_ =	swait.ge [sflag:s28], $0xA00  }
0xae: {  	[sflag:s28] =	ssyncset.done $0x0  }
0xaf: {  	s21 =	simm.s32 $0x4C90;
	[sflag:s28] =	ssyncadd.s32 $0xFFFFF600  }
0xb0: {  	[spmem:s2] =	stream.indirect.scatter.add.bf16 [tilespmem:s19], [sflag:$0x8], $0x20, s21, s18, $0xb8;
	[tilespmem:$0xCE40] =	vst v63  }
0xb1: {  	_ =	swait.ge [sflag:s29], $0xA00  }
0xb2: {  	[sflag:s29] =	ssyncset.done $0x0  }
0xb3: {  	[sflag:s29] =	ssyncadd.s32 $0xFFFFF600  }
0xb4: {  	[tilespmem:s19], [sflag:$0x1] =	stream.indirect.gather [hbm4b:s4+s18], $0x20, s16, s18, $0xb8;
	[tilespmem:$0xCE40] =	vst v63  }
0xb5: {  	_ =	swait.ge [sflag:s30], $0xA00  }
0xb6: {  	[sflag:s30] =	ssyncset.done $0x0  }
0xb7: {  	s7 =	simm.s32 $0x4CE0;
	[sflag:s30] =	ssyncadd.s32 $0xFFFFF600  }
0xb8: {  	[spmem:s2] =	stream.indirect.scatter.add.bf16 [tilespmem:s20], [sflag:$0x8], $0x20, s7, s18, $0xb8;
	[tilespmem:$0xCE40] =	vst v63  }
0xb9: {  	_ =	swait.ge [sflag:s29], $0xA00  }
0xba: {  	[sflag:s29] =	ssyncset.done $0x0  }
0xbb: {  	[sflag:s29] =	ssyncadd.s32 $0xFFFFF600  }
0xbc: {  	[tilespmem:s20], [sflag:$0x2] =	stream.indirect.gather [hbm4b:s4+s18], $0x20, s16, s18, $0xb8;
	[tilespmem:$0xCE40] =	vst v63  }
0xbd: {  	_ =	swait.ge [sflag:s31], $0xA00  }
0xbe: {  	[sflag:s31] =	ssyncset.done $0x0  }
0xbf: {  	s8 =	simm.s32 $0x4D30;
	[sflag:s31] =	ssyncadd.s32 $0xFFFFF600  }
0xc0: {  	[spmem:s2] =	stream.indirect.scatter.add.bf16 [tilespmem:s22], [sflag:$0x8], $0x20, s8, s18, $0xb8;
	[tilespmem:$0xCE40] =	vst v63  }
0xc1: {  	_ =	swait.ge [sflag:s29], $0xA00  }
0xc2: {  	[sflag:s29] =	ssyncset.done $0x0  }
0xc3: {  	[sflag:s29] =	ssyncadd.s32 $0xFFFFF600  }
0xc4: {  	[tilespmem:s22], [sflag:$0x3] =	stream.indirect.gather [hbm4b:s4+s18], $0x20, s16, s18, $0xb8;
	[tilespmem:$0xCE40] =	vst v63  }
0xc5: {  	_ =	swait.ge [sflag:s1], $0xA00  }
0xc6: {  	[sflag:s1] =	ssyncset.done $0x0  }
0xc7: {  	s9 =	simm.s32 $0x4D80;
	[sflag:s1] =	ssyncadd.s32 $0xFFFFF600  }
0xc8: {  	[spmem:s2] =	stream.indirect.scatter.add.bf16 [tilespmem:s24], [sflag:$0x8], $0x20, s9, s18, $0xb8;
	[tilespmem:$0xCE40] =	vst v63  }
0xc9: {  	_ =	swait.ge [sflag:s29], $0xA00  }
0xca: {  	[sflag:s29] =	ssyncset.done $0x0  }
0xcb: {  	[sflag:s29] =	ssyncadd.s32 $0xFFFFF600  }
0xcc: {  	[tilespmem:s24], [sflag:$0x4] =	stream.indirect.gather [hbm4b:s4+s18], $0x20, s16, s18, $0xb8;
	[tilespmem:$0xCE40] =	vst v63  }
0xcd: {  	_ =	swait.ge [sflag:s0], $0xA00  }
0xce: {  	[sflag:s0] =	ssyncset.done $0x0  }
0xcf: {  	s21 =	simm.s32 $0x4DD0;
	[sflag:s0] =	ssyncadd.s32 $0xFFFFF600  }
0xd0: {  	[spmem:s2] =	stream.indirect.scatter.add.bf16 [tilespmem:s26], [sflag:$0x8], $0x20, s21, s18, $0xb8;
	[tilespmem:$0xCE40] =	vst v63  }
0xd1: {  	_ =	swait.ge [sflag:s29], $0xA00  }
0xd2: {  	[sflag:s29] =	ssyncset.done $0x0  }
0xd3: {  	[sflag:s29] =	ssyncadd.s32 $0xFFFFF600  }
0xd4: {  	_ =	swait.ge [sflag:s28], $0xA00  }
0xd5: {  	[sflag:s28] =	ssyncset.done $0x0  }
0xd6: {  	[sflag:s28] =	ssyncadd.s32 $0xFFFFF600  }
0xd7: {  	_ =	swait.ge [sflag:s30], $0xA00  }
0xd8: {  	[sflag:s30] =	ssyncset.done $0x0  }
0xd9: {  	[sflag:s30] =	ssyncadd.s32 $0xFFFFF600  }
0xda: {  	_ =	swait.ge [sflag:s31], $0xA00  }
0xdb: {  	[sflag:s31] =	ssyncset.done $0x0  }
0xdc: {  	[sflag:s31] =	ssyncadd.s32 $0xFFFFF600  }
0xdd: {  	_ =	swait.ge [sflag:s1], $0xA00  }
0xde: {  	[sflag:s1] =	ssyncset.done $0x0  }
0xdf: {  	[sflag:s1] =	ssyncadd.s32 $0xFFFFF600  }
0xe0: {  	s5 =	sor.u32 $0x1C08, s6;
	[bflag:$0x0] =	sbarrier.arrive $0xFFFF  }
0xe1: {  	[hbm:s11], [sflag:s5] =	dma.local [spmem:s14], $0x9C0  }
0xe2: {  	_ =	swait.ge [sflag:s29], $0x9C0  }
0xe3: {  	s23 =	sadd.s32 $0x1, s23;
	[sflag:s29] =	ssyncset.done $0x0  }
0xe4: {  	p1 =	sne.s32 s23, s13;
	[sflag:s29] =	ssyncadd.s32 $0xFFFFF640  }
0xe5: {  	[hbm:s12], [sflag:s5] =	dma.local @!p0 [spmem:s15], $0x40  }
.Ltmp1:
0xe6: {  	_ = 	snop;
	(pc) =	sbr.rel @p1 .LBB2_1-.Ltmp1, $4  }
0xe7: {  	s5 =	simm.s32 @!p0 $0x8  }
0xe8: {  	_ =	swait.ge @!p0 [sflag:s5], $0x40  }
0xe9: {  	[sflag:s5] =	ssyncset.done @!p0 $0x0  }
0xea: {  	[sflag:s5] =	ssyncadd.s32 @!p0 $0xFFFFFFC0  }
0xeb: {  	_ =	sfence.sel $0x180000  }
0xec: {  	[bflag:$0x0] =	sbarrier.arrive $0xFFFF  }
0xed: {  	_ =	strace $0x9000004A  }
0xee: {  	s0 =	stileid.u32;
	[bflag:$0x2] =	sbarrier.arrive $0xFFFF  }
0xef: {  	p0 =	sne.s32 s0, $0x0;
	s0 =	rddreg [dreg:$0x3]  }
0xf0: {  	s0 =	sadd.s32 @!p0 $0x100000, s0  }
0xf1: {  	[sflag:s0] =	ssyncadd.tile.s32 @!p0 $0x1;
	_ =	shalt  }
.Lfunc_end2:
_tile_overlayer_lowered:
.L_overlay_start_2:
0xf2: {  	(tag) =	ssettag $0x2  }
0xf3: {  	s0 =	rddreg [dreg:$0x0];
	s2 =	stileid.u32  }
0xf4: {  	s1 =	rddreg [dreg:$0x1];
	p0 =	sne.s32 s2, $0x0  }
0xf5: {  	s3 =	rddreg [dreg:$0x2];
	[bflag:$0x3] =	sbarrier.arrive $0xFFFF;
	s2 =	simm.s32 @!p0 $0x1C08  }
0xf6: {  	[timem:s3], [sflag:s2] =	dma.local @!p0 [hbm:s0], s1  }
0xf7: {  	s0 =	simm.s32 @!p0 $0x8  }
0xf8: {  	_ =	swait.ge @!p0 [sflag:s0], s1  }
0xf9: {  	s1 =	ssub.s32 @!p0 $0x0, s1;
	[sflag:s0] =	ssyncset.done @!p0 $0x0  }
0xfa: {  	[sflag:s0] =	ssyncadd.s32 @!p0 s1  }
0xfb: {  	[bflag:$0x3] =	sbarrier.arrive $0xFFFF  }
0xfc: {  	_ =	shalt  }

// kernel: kernel.18.cloned.1.call-start
scs
__scs_entry_jumppad:
0x0: {  	(pc) =	sbr.rel $0x88, $3  }
0x1: {  	(tag) =	ssettag $0x0;
	lr =	simm.s32 $0x1  }
0x2: {  	[smem:$0x3F97] =	sst lr;
	_ =	strace $0xD0000000  }
0x3: {  	_ = 	snop  }
0x4: {  	_ = 	snop  }
0x5: {  	_ = 	snop  }
0x6: {  	_ = 	snop  }
0x7: {  	_ = 	snop  }
__scs_overlays_trampoline_lowered:
0x8: {  	[smem:$0x3FA6] =	sst s0  }
0x9: {  	[smem:$0x3FA7] =	sst s1  }
0xa: {  	[smem:$0x3FA8] =	sst s2  }
0xb: {  	[smem:$0x3FA9] =	sst s3  }
0xc: {  	[smem:$0x3FAA] =	sst s4  }
0xd: {  	[smem:$0x3FAB] =	sst s5  }
0xe: {  	[smem:$0x3FAC] =	sst s6  }
0xf: {  	[smem:$0x3FAD] =	sst s7  }
0x10: {  	[smem:$0x3FAE] =	sst s8  }
0x11: {  	[smem:$0x3FAF] =	sst s9;
	s0 =	simm.s32 @!p0 $0x0  }
0x12: {  	s1 =	sld [smem:$0x3F95];
	s0 =	simm.s32 @p0 $0x1  }
0x13: {  	[smem:$0x3FB0] =	sst s0;
	s0 =	simm.s32 @!p1 $0x0  }
0x14: {  	s2 =	sld [smem:$0x3F94];
	s0 =	simm.s32 @p1 $0x1  }
0x15: {  	[smem:$0x3FB1] =	sst s0;
	s0 =	simm.s32 @!p2 $0x0  }
0x16: {  	s3 =	sld [smem:$0x3FDB];
	s0 =	simm.s32 @p2 $0x1  }
0x17: {  	s4 =	simm.s32 $0x1BF5;
	[smem:$0x3FB3] =	sst s0  }
0x18: {  	s0 =	sld [smem:$0x3F96];
	_ =	swait.ge [sflag:s4], $0x0  }
0x19: {  	s7 =	sld [smem:$0x3F97]  }
0x1a: {  	s8 =	sadd.s32 $0xFFFFE003, lr  }
0x1b: {  	s9 =	sadd.s32 $0xFFFFFEF7, lr;
	s5 =	simm.s32 $0xFFFFFFFF;
	p2 =	slt.u32 s8, $0xFFFFF086  }
0x1c: {  	p1 =	slt.u32 s9, $0xF7A;
	s5 =	simm.s32 @!p2 $0x0  }
0x1d: {  	s5 =	simm.s32 @p1 $0x1;
	p0 =	seq.s32 s7, s2  }
0x1e: {  	s7 =	smul.u32 @!p0 $0xF7A, s2;
	p2 =	seq.s32 @!p0 s5, $0x0  }
0x1f: {  	s9 =	smul.u32 $0xF7A, s1;
	s8 =	simm.s32 @!p0 $0x1BF5;
	p2 =	por !p2, p0  }
0x20: {  	[sflag:s8] =	ssyncset.s32 @!p0 $0xFFFFF086;
	s6 =	sadd.s32 @!p0 s3, s7;
	s7 =	simm.s32 @!p0 $0x108  }
0x21: {  	s3 =	sadd.s32 s3, s9;
	s6 =	sadd.s32 @!p0 $0x88, s6;
	s7 =	simm.s32 @p2 $0x1082  }
0x22: {  	[simem:s7], [sflag:s8] =	dma.local @!p0 [hbm:s6], $0xF7A  }
0x23: {  	s9 =	sor.u32 $0xD0000000, s2;
	s6 =	simm.s32 $0x108;
	_ =	swait.ge @!p0 [sflag:s8], $0x0  }
0x24: {  	s3 =	sadd.s32 $0x88, s3;
	s6 =	simm.s32 @!p1 $0x1082;
	[sflag:s4] =	ssyncset.s32 $0xFFFFF086  }
0x25: {  	[simem:s6], [sflag:s4] =	dma.local [hbm:s3], $0xF7A  }
0x26: {  	[smem:$0x3F97] =	sst s1;
	(tag) =	ssettag s2;
	_ =	strace s9  }
0x27: {  	s1 =	sld [smem:$0x3FA7]  }
0x28: {  	s2 =	sld [smem:$0x3FA8]  }
0x29: {  	s4 =	sld [smem:$0x3FAA]  }
0x2a: {  	p0 =	seq.s32 s5, $0x0;
	s5 =	sld [smem:$0x3FAB]  }
0x2b: {  	s6 =	sld [smem:$0x3FAC]  }
0x2c: {  	s7 =	sld [smem:$0x3FAD]  }
0x2d: {  	s3 =	simm.s32 $0x108;
	s8 =	sld [smem:$0x3FAE]  }
0x2e: {  	s3 =	simm.s32 @!p0 $0x1082;
	s9 =	sld [smem:$0x3FAF]  }
0x2f: {  	lr =	sadd.s32 s0, s3;
	s0 =	sld [smem:$0x3FA6]  }
0x30: {  	s3 =	sld [smem:$0x3FA9]  }
0x31: {  	[smem:$0x3FB2] =	sst s10  }
0x32: {  	s10 =	sld [smem:$0x3FB0];
	_ =	sdelay $0x3  }
0x33: {  	p0 =	seq.s32 s10, $0x1;
	s10 =	sld [smem:$0x3FB2];
	_ =	sdelay $0x3  }
0x34: {  	[smem:$0x3FB2] =	sst s10  }
0x35: {  	s10 =	sld [smem:$0x3FB1];
	_ =	sdelay $0x3  }
0x36: {  	p1 =	seq.s32 s10, $0x1;
	s10 =	sld [smem:$0x3FB2];
	_ =	sdelay $0x3  }
0x37: {  	[smem:$0x3FB2] =	sst s10  }
0x38: {  	s10 =	sld [smem:$0x3FB3]  }
0x39: {  	_ = 	snop;
	(pc) =	sbr.ind lr, $3  }
0x3a: {  	_ = 	snop  }
0x3b: {  	_ = 	snop  }
0x3c: {  	p2 =	seq.s32 s10, $0x1;
	s10 =	sld [smem:$0x3FB2]  }
0x3d: {  	_ =	shalt  }
0x3e: {  	_ =	shalt  }
0x3f: {  	_ =	shalt  }
0x40: {  	_ =	shalt  }
0x41: {  	_ =	shalt  }
0x42: {  	_ =	shalt  }
0x43: {  	_ =	shalt  }
0x44: {  	_ =	shalt  }
0x45: {  	_ =	shalt  }
0x46: {  	_ =	shalt  }
0x47: {  	_ =	shalt  }
0x48: {  	_ =	shalt  }
0x49: {  	_ =	shalt  }
0x4a: {  	_ =	shalt  }
0x4b: {  	_ =	shalt  }
0x4c: {  	_ =	shalt  }
0x4d: {  	_ =	shalt  }
0x4e: {  	_ =	shalt  }
0x4f: {  	_ =	shalt  }
0x50: {  	_ =	shalt  }
0x51: {  	_ =	shalt  }
0x52: {  	_ =	shalt  }
0x53: {  	_ =	shalt  }
0x54: {  	_ =	shalt  }
0x55: {  	_ =	shalt  }
0x56: {  	_ =	shalt  }
0x57: {  	_ =	shalt  }
0x58: {  	_ =	shalt  }
0x59: {  	_ =	shalt  }
0x5a: {  	_ =	shalt  }
0x5b: {  	_ =	shalt  }
0x5c: {  	_ =	shalt  }
0x5d: {  	_ =	shalt  }
0x5e: {  	_ =	shalt  }
0x5f: {  	_ =	shalt  }
0x60: {  	_ =	shalt  }
0x61: {  	_ =	shalt  }
0x62: {  	_ =	shalt  }
0x63: {  	_ =	shalt  }
0x64: {  	_ =	shalt  }
0x65: {  	_ =	shalt  }
0x66: {  	_ =	shalt  }
0x67: {  	_ =	shalt  }
0x68: {  	_ =	shalt  }
0x69: {  	_ =	shalt  }
0x6a: {  	_ =	shalt  }
0x6b: {  	_ =	shalt  }
0x6c: {  	_ =	shalt  }
0x6d: {  	_ =	shalt  }
0x6e: {  	_ =	shalt  }
0x6f: {  	_ =	shalt  }
0x70: {  	_ =	shalt  }
0x71: {  	_ =	shalt  }
0x72: {  	_ =	shalt  }
0x73: {  	_ =	shalt  }
0x74: {  	_ =	shalt  }
0x75: {  	_ =	shalt  }
0x76: {  	_ =	shalt  }
0x77: {  	_ =	shalt  }
0x78: {  	_ =	shalt  }
0x79: {  	_ =	shalt  }
0x7a: {  	_ =	shalt  }
0x7b: {  	_ =	shalt  }
0x7c: {  	_ =	shalt  }
0x7d: {  	_ =	shalt  }
0x7e: {  	_ =	shalt  }
0x7f: {  	_ =	shalt  }
0x80: {  	_ =	shalt  }
0x81: {  	_ =	shalt  }
0x82: {  	_ =	shalt  }
0x83: {  	_ =	shalt  }
0x84: {  	_ =	shalt  }
0x85: {  	_ =	shalt  }
0x86: {  	_ =	shalt  }
0x87: {  	_ =	shalt  }
.Lfunc_end0:
.L_simem_size_0:
called_computation.2_lowered:
.L_overlay_start_0:
0x88: {  	s2 =	sld [smem:$0x3FD9]  }
0x89: {  	s3 =	sld [smem:$0x3FFE];
	_ =	sdelay $0x1  }
0x8a: {  	s1 =	srdreg.scid  }
0x8b: {  	s0 =	sand.u32 $0x1, s1  }
0x8c: {  	s17 =	sshll.u32 s0, $0xA;
	s2 =	sadd.s32 s3, s2  }
0x8d: {  	s2 =	sadd.s32 s2, s17  }
0x8e: {  	[smem:$0x3FBE] =	sst s2  }
0x8f: {  	_ = 	snop  }
0x90: {  	s2 =	sld [smem:$0x3FD0];
	(tm) =	ssettm $0x1  }
0x91: {  	s18 =	sld [smem:$0x3FFB];
	_ =	sdelay $0x3  }
0x92: {  	_ =	strace s18  }
0x93: {  	s3 =	sld [smem:$0x3FFC];
	_ =	sdelay $0x3  }
0x94: {  	_ =	strace s3  }
0x95: {  	s3 =	sld [smem:$0x3FFD];
	_ =	sdelay $0x3  }
0x96: {  	_ =	strace s3  }
0x97: {  	_ =	strace $0x8FFFFFFF  }
0x98: {  	s19 =	sld [smem:$0x3FDB];
	_ =	sdelay $0x1  }
0x99: {  	s4 =	simm.s32 $_scs_section_size  }
0x9a: {  	s5 =	simm.s32 $_size__tile_overlayer_lowered;
	s6 =	simm.s32 $_tile_overlayer_lowered  }
0x9b: {  	s22 =	simm.s32 $0x1BFF;
	s21 =	sshll.u32 s6, $0x1;
	s3 =	sadd.s32 s4, s19  }
0x9c: {  	s7 =	simm.s32 $0x0;
	s20 =	sshll.u32 s5, $0x1;
	s5 =	sadd.s32 s21, s3  }
0x9d: {  	[timem:s7], [sflag:s22] =	dma.local [hbm:s5], s20  }
0x9e: {  	_ =	swait.ge [sflag:s22], s20  }
0x9f: {  	s4 =	ssub.s32 $0x0, s20;
	[sflag:s22] =	ssyncset.done $0x0  }
0xa0: {  	[sflag:s22] =	ssyncadd.s32 s4;
	_ =	sdelay $0x1  }
0xa1: {  	s23 =	simm.s32 $0x1B8B  }
0xa2: {  	_ =	swait.ge [sflag:s23], $0x1  }
0xa3: {  	[sflag:s23] =	ssyncset.done $0x0  }
0xa4: {  	s25 =	simm.s32 $0x1B8E;
	s24 =	sld [smem:$0x3FFE];
	[sflag:s23] =	ssyncadd.s32 $0xFFFFFFFF  }
0xa5: {  	s26 =	simm.s32 $execute0_lowered;
	[smem:$0x3FD2] =	sst s25  }
0xa6: {  	s5 =	sshll.u32 s26, $0x1;
	_ =	strace $0x8000004C;
	[dreg:$0x1] =	wrdreg $0xFFFFFFFF  }
0xa7: {  	s28 =	simm.s32 $_size_execute0_lowered;
	s3 =	sadd.s32 s3, s5;
	[dreg:$0x0] =	wrdreg $0x0  }
0xa8: {  	s5 =	sshll.u32 s28, $0x1;
	[dreg:$0x2] =	wrdreg s3  }
0xa9: {  	[dreg:$0x3] =	wrdreg s5  }
0xaa: {  	[dreg:$0x4] =	wrdreg $0xC0  }
0xab: {  	_ =	task [dreg:s7], $0x5FFFF  }
0xac: {  	[dreg:$0x1] =	wrdreg $0xFFFFFFFF  }
0xad: {  	[dreg:$0x0] =	wrdreg $0x60  }
0xae: {  	[dreg:$0x2] =	wrdreg s24  }
0xaf: {  	[dreg:$0x3] =	wrdreg s2  }
0xb0: {  	[dreg:$0x4] =	wrdreg $0x80200  }
0xb1: {  	[dreg:$0x5] =	wrdreg $0x9  }
0xb2: {  	_ =	task.clear_ibuf [dreg:s7], $0x6FFFF;
	_ =	strace $0x9000004C  }
0xb3: {  	s29 =	simm.s32 $0x9;
	_ =	strace $0x8000004E  }
0xb4: {  	_ =	swait.ge [sflag:s29], $0x1  }
0xb5: {  	[sflag:s29] =	ssyncadd.s32 $0xFFFFFFFF  }
0xb6: {  	_ =	strace $0x9000004E  }
0xb7: {  	_ =	sfence  }
0xb8: {  	s30 =	sld [smem:$0x0];
	_ =	sdelay $0x2  }
0xb9: {  	s31 =	sshll.u32 s1, $0xD;
	s1 =	sshrl.u32 s1, $0x2  }
0xba: {  	s3 =	sand.u32 $0x4000, s31;
	s1 =	sadd.s32 s1, s30  }
0xbb: {  	s0 =	sor.u32 s3, s0;
	s1 =	sshll.u32 s1, $0x11  }
0xbc: {  	s0 =	sor.u32 s1, s0  }
0xbd: {  	s0 =	sadd.s32 $0x8F2B, s0  }
0xbe: {  	[sflag:s0] =	ssyncadd.remote.s32 $0x1  }
0xbf: {  	_ =	sfence.sel $0xFFFF  }
0xc0: {  	[dreg:$0x0] =	wrdreg $0xFFFFFFFF;
	(pc) =	sbr.abs _section_cstart, $3  }
0xc1: {  	[dreg:$0x1] =	wrdreg $0xFFFFFFFF  }
0xc2: {  	_ =	task.clear_ibuf [dreg:s7], $0x2FFFF;
	_ =	strace $0x9FFFFFFF  }
0xc3: {  	(tm) =	ssettm $0x7FFFFFFF  }
tec
execute0_lowered:
.L_overlay_start_1:
0x0: {  	(tag) =	ssettag $0x1  }
0x1: {  	s0 =	rddreg [dreg:$0x0];
	s1 =	srdreg.scid  }
0x2: {  	s17 =	stileid.u32;
	s5 =	rddreg [dreg:$0x1]  }
0x3: {  	s2 =	rddreg [dreg:$0x2];
	s18 =	simm.s32 $0x50;
	s19 =	simm.s32 $0x4E20  }
0x4: {  	s20 =	simm.s32 $0x5820;
	s22 =	simm.s32 $0x6220;
	s28 =	simm.s32 $0x1  }
0x5: {  	s29 =	simm.s32 $0x8;
	s30 =	simm.s32 $0x2;
	s31 =	simm.s32 $0x3  }
0x6: {  	s23 =	simm.s32 $0x0;
	s1 =	sand.u32 $0x1, s1;
	s3 =	sshll.u32 s17, $0x1  }
0x7: {  	s8 =	smul.u32 $0x9C00, s17;
	s13 =	sadd.s32 $0x70000, s0;
	s16 =	sadd.s32 $0x4E000, s2  }
0x8: {  	s4 =	sor.u32 s1, s3;
	s10 =	ssub.s32 $0x2, s1;
	s1 =	smul.u32 $0x9C400, s1  }
0x9: {  	p0 =	sne.s32 s17, $0xF;
	s3 =	simm.s32 $0x0;
	s7 =	smul.u32 $0x4E2, s4  }
0xa: {  	[smem:$0x7FF] =	sst s3;
	s4 =	sadd.s32 $0x4200, s0;
	s6 =	sshrl.u32 s8, $0x4  }
0xb: {  	s11 =	sshrl.u32 s10, $0x1;
	s12 =	sshrl.u32 s8, $0x1;
	_ =	strace $0x8000004D  }
0xc: {  	s6 =	sadd.s32 s6, s0;
	s14 =	ssub.s32 s10, s11;
	s15 =	sadd.s32 s12, s2  }
0xd: {  	s26 =	sadd.s32 s8, s1;
	s1 =	sshrl.u32 s1, $0x4;
	s9 =	sadd.s32 s7, s0  }
0xe: {  	s6 =	sadd.s32 $0x17E00, s6;
	s0 =	sadd.s32 $0x21A00, s0;
	s10 =	sadd.s32 s5, s7  }
0xf: {  	s1 =	sadd.s32 s13, s1;
	[dreg:$0x4] =	wrdreg s6;
	s6 =	sshll.u32 s17, $0x6  }
0x10: {  	[dreg:$0x6] =	wrdreg s0;
	s25 =	sadd.s32 $0xE000, s9;
	s0 =	sshrl.u32 s26, $0x4  }
0x11: {  	s12 =	sadd.s32 $0x9C00, s1;
	s17 =	simm.s32 $0x7;
	s26 =	simm.s32 $0x7620  }
0x12: {  	s1 =	simm.s32 $0x4;
	s24 =	sor.u32 $0x1C06, s6;
	[dreg:$0x7] =	wrdreg s25  }
0x13: {  	s11 =	sadd.s32 s13, s0;
	s13 =	smax.u32 s14, $0x1;
	s14 =	sshrl.u32 s15, $0x3  }
0x14: {  	s15 =	sshrl.u32 @!p0 s16, $0x3;
	s25 =	simm.s32 $0x6;
	s0 =	simm.s32 $0x5  }
0x15: {  	s16 =	simm.s32 $0x26C0;
	[dreg:$0x5] =	wrdreg s24;
	s24 =	simm.s32 $0x6C20  }
.LBB2_1:
0x16: {  	s5 =	rddreg [dreg:$0x4]  }
0x17: {  	s7 =	rddreg [dreg:$0x5]  }
0x18: {  	[spmem:s14], [sflag:s7] =	dma.local [hbm:s5], $0x9C0  }
0x19: {  	s5 =	simm.s32 @!p0 $0x1FC8;
	s7 =	rddreg [dreg:$0x6]  }
0x1a: {  	[spmem:s15], [sflag:s5] =	dma.local @!p0 [hbm:s7], $0x40  }
0x1b: {  	s5 =	simm.s32 @!p0 $0x8  }
0x1c: {  	_ =	swait.ge @!p0 [sflag:s5], $0x40  }
0x1d: {  	[sflag:s5] =	ssyncset.done @!p0 $0x0  }
0x1e: {  	s9 =	rddreg [dreg:$0x7];
	[sflag:s5] =	ssyncadd.s32 @!p0 $0xFFFFFFC0  }
0x1f: {  	[tilespmem:s3], [sflag:$0x7] =	stream.linear.gather [hbm4b:s9+s3], $0x2710, $0x38;
	[tilespmem:$0xCE40] =	vst v63  }
0x20: {  	s21 =	simm.s32 $0x2710  }
0x21: {  	[tilespmem:s21], [sflag:$0x7] =	stream.linear.gather [hbm4b:s10+s3], $0x2710, $0x38;
	[tilespmem:$0xCE40] =	vst v63  }
0x22: {  	_ =	swait.ge [sflag:s17], $0x2710  }
0x23: {  	[sflag:s17] =	ssyncset.done $0x0  }
0x24: {  	[sflag:s17] =	ssyncadd.s32 $0xFFFFD8F0  }
0x25: {  	_ =	swait.ge [sflag:s17], $0x2710  }
0x26: {  	[sflag:s17] =	ssyncset.done $0x0  }
0x27: {  	[sflag:s17] =	ssyncadd.s32 $0xFFFFD8F0  }
0x28: {  	[tilespmem:s19], [sflag:$0x1] =	stream.indirect.gather [hbm4b:s4+s18], $0x20, s3, s18, $0xb8;
	[tilespmem:$0xCE40] =	vst v63  }
0x29: {  	_ = 	snop  }
0x2a: {  	[tilespmem:s20], [sflag:$0x2] =	stream.indirect.gather [hbm4b:s4+s18], $0x20, s18, s18, $0xb8;
	[tilespmem:$0xCE40] =	vst v63  }
0x2b: {  	s7 =	simm.s32 $0xA0  }
0x2c: {  	[tilespmem:s22], [sflag:$0x3] =	stream.indirect.gather [hbm4b:s4+s18], $0x20, s7, s18, $0xb8;
	[tilespmem:$0xCE40] =	vst v63  }
0x2d: {  	s8 =	simm.s32 $0xF0  }
0x2e: {  	[tilespmem:s24], [sflag:$0x4] =	stream.indirect.gather [hbm4b:s4+s18], $0x20, s8, s18, $0xb8;
	[tilespmem:$0xCE40] =	vst v63  }
0x2f: {  	_ =	swait.ge [sflag:s25], $0x9C0  }
0x30: {  	[sflag:s25] =	ssyncset.done $0x0  }
0x31: {  	[sflag:s25] =	ssyncadd.s32 $0xFFFFF640  }
0x32: {  	s9 =	simm.s32 $0x140;
	[bflag:$0x0] =	sbarrier.arrive $0xFFFF  }
0x33: {  	[tilespmem:s26], [sflag:$0x5] =	stream.indirect.gather [hbm4b:s4+s18], $0x20, s9, s18, $0xb8;
	[tilespmem:$0xCE40] =	vst v63  }
0x34: {  	_ =	swait.ge [sflag:s28], $0xA00  }
0x35: {  	[sflag:s28] =	ssyncset.done $0x0  }
0x36: {  	s21 =	simm.s32 $0x2710;
	[sflag:s28] =	ssyncadd.s32 $0xFFFFF600  }
0x37: {  	[spmem:s2] =	stream.indirect.scatter.add.bf16 [tilespmem:s19], [sflag:$0x8], $0x20, s21, s18, $0xb8;
	[tilespmem:$0xCE40] =	vst v63  }
0x38: {  	_ =	swait.ge [sflag:s29], $0xA00  }
0x39: {  	[sflag:s29] =	ssyncset.done $0x0  }
0x3a: {  	s7 =	simm.s32 $0x190;
	[sflag:s29] =	ssyncadd.s32 $0xFFFFF600  }
0x3b: {  	[tilespmem:s19], [sflag:$0x1] =	stream.indirect.gather [hbm4b:s4+s18], $0x20, s7, s18, $0xb8;
	[tilespmem:$0xCE40] =	vst v63  }
0x3c: {  	_ =	swait.ge [sflag:s30], $0xA00  }
0x3d: {  	[sflag:s30] =	ssyncset.done $0x0  }
0x3e: {  	s8 =	simm.s32 $0x2760;
	[sflag:s30] =	ssyncadd.s32 $0xFFFFF600  }
0x3f: {  	[spmem:s2] =	stream.indirect.scatter.add.bf16 [tilespmem:s20], [sflag:$0x8], $0x20, s8, s18, $0xb8;
	[tilespmem:$0xCE40] =	vst v63  }
0x40: {  	_ =	swait.ge [sflag:s29], $0xA00  }
0x41: {  	[sflag:s29] =	ssyncset.done $0x0  }
0x42: {  	s9 =	simm.s32 $0x1E0;
	[sflag:s29] =	ssyncadd.s32 $0xFFFFF600  }
0x43: {  	[tilespmem:s20], [sflag:$0x2] =	stream.indirect.gather [hbm4b:s4+s18], $0x20, s9, s18, $0xb8;
	[tilespmem:$0xCE40] =	vst v63  }
0x44: {  	_ =	swait.ge [sflag:s31], $0xA00  }
0x45: {  	[sflag:s31] =	ssyncset.done $0x0  }
0x46: {  	s21 =	simm.s32 $0x27B0;
	[sflag:s31] =	ssyncadd.s32 $0xFFFFF600  }
0x47: {  	[spmem:s2] =	stream.indirect.scatter.add.bf16 [tilespmem:s22], [sflag:$0x8], $0x20, s21, s18, $0xb8;
	[tilespmem:$0xCE40] =	vst v63  }
0x48: {  	_ =	swait.ge [sflag:s29], $0xA00  }
0x49: {  	[sflag:s29] =	ssyncset.done $0x0  }
0x4a: {  	s7 =	simm.s32 $0x230;
	[sflag:s29] =	ssyncadd.s32 $0xFFFFF600  }
0x4b: {  	[tilespmem:s22], [sflag:$0x3] =	stream.indirect.gather [hbm4b:s4+s18], $0x20, s7, s18, $0xb8;
	[tilespmem:$0xCE40] =	vst v63  }
0x4c: {  	_ =	swait.ge [sflag:s1], $0xA00  }
0x4d: {  	[sflag:s1] =	ssyncset.done $0x0  }
0x4e: {  	s8 =	simm.s32 $0x2800;
	[sflag:s1] =	ssyncadd.s32 $0xFFFFF600  }
0x4f: {  	[spmem:s2] =	stream.indirect.scatter.add.bf16 [tilespmem:s24], [sflag:$0x8], $0x20, s8, s18, $0xb8;
	[tilespmem:$0xCE40] =	vst v63  }
0x50: {  	_ =	swait.ge [sflag:s29], $0xA00  }
0x51: {  	[sflag:s29] =	ssyncset.done $0x0  }
0x52: {  	s9 =	simm.s32 $0x280;
	[sflag:s29] =	ssyncadd.s32 $0xFFFFF600  }
0x53: {  	[tilespmem:s24], [sflag:$0x4] =	stream.indirect.gather [hbm4b:s4+s18], $0x20, s9, s18, $0xb8;
	[tilespmem:$0xCE40] =	vst v63  }
0x54: {  	_ =	swait.ge [sflag:s0], $0xA00  }
0x55: {  	[sflag:s0] =	ssyncset.done $0x0  }
0x56: {  	s21 =	simm.s32 $0x2850;
	[sflag:s0] =	ssyncadd.s32 $0xFFFFF600  }
0x57: {  	[spmem:s2] =	stream.indirect.scatter.add.bf16 [tilespmem:s26], [sflag:$0x8], $0x20, s21, s18, $0xb8;
	[tilespmem:$0xCE40] =	vst v63  }
0x58: {  	_ =	swait.ge [sflag:s29], $0xA00  }
0x59: {  	s5 =	simm.s32 $0xC80;
	s21 =	simm.s32 $0x190;
	[sflag:s29] =	ssyncset.done $0x0  }
.LBB2_2:
0x5a: {  	s9 =	sadd.s32 $0x140, s21  }
0x5b: {  	[sflag:s29] =	ssyncadd.s32 $0xFFFFF600;
	s7 =	smov.u32 s5;
	s8 =	sadd.s32 $0x640, s5  }
0x5c: {  	[tilespmem:s26], [sflag:$0x5] =	stream.indirect.gather [hbm4b:s4+s18], $0x20, s9, s18, $0xb8;
	[tilespmem:$0xCE40] =	vst v63  }
0x5d: {  	p1 =	sne.s32 s5, $0x8FC0;
	_ =	swait.ge [sflag:s28], $0xA00  }
0x5e: {  	[sflag:s28] =	ssyncset.done $0x0  }
0x5f: {  	s5 =	sadd.s32 $0x2710, s21;
	[sflag:s28] =	ssyncadd.s32 $0xFFFFF600  }
0x60: {  	[spmem:s2] =	stream.indirect.scatter.add.bf16 [tilespmem:s19], [sflag:$0x8], $0x20, s5, s18, $0xb8;
	[tilespmem:$0xCE40] =	vst v63  }
0x61: {  	_ =	swait.ge [sflag:s29], $0xA00  }
0x62: {  	[sflag:s29] =	ssyncset.done $0x0  }
0x63: {  	s5 =	sadd.s32 $0x190, s21;
	[sflag:s29] =	ssyncadd.s32 $0xFFFFF600  }
0x64: {  	[tilespmem:s19], [sflag:$0x1] =	stream.indirect.gather [hbm4b:s4+s18], $0x20, s5, s18, $0xb8;
	[tilespmem:$0xCE40] =	vst v63  }
0x65: {  	_ =	swait.ge [sflag:s30], $0xA00  }
0x66: {  	[sflag:s30] =	ssyncset.done $0x0  }
0x67: {  	s5 =	sadd.s32 $0x2760, s21;
	[sflag:s30] =	ssyncadd.s32 $0xFFFFF600  }
0x68: {  	[spmem:s2] =	stream.indirect.scatter.add.bf16 [tilespmem:s20], [sflag:$0x8], $0x20, s5, s18, $0xb8;
	[tilespmem:$0xCE40] =	vst v63  }
0x69: {  	_ =	swait.ge [sflag:s29], $0xA00  }
0x6a: {  	[sflag:s29] =	ssyncset.done $0x0  }
0x6b: {  	s5 =	sadd.s32 $0x1E0, s21;
	[sflag:s29] =	ssyncadd.s32 $0xFFFFF600  }
0x6c: {  	[tilespmem:s20], [sflag:$0x2] =	stream.indirect.gather [hbm4b:s4+s18], $0x20, s5, s18, $0xb8;
	[tilespmem:$0xCE40] =	vst v63  }
0x6d: {  	_ =	swait.ge [sflag:s31], $0xA00  }
0x6e: {  	[sflag:s31] =	ssyncset.done $0x0  }
0x6f: {  	s5 =	sadd.s32 $0x27B0, s21;
	[sflag:s31] =	ssyncadd.s32 $0xFFFFF600  }
0x70: {  	[spmem:s2] =	stream.indirect.scatter.add.bf16 [tilespmem:s22], [sflag:$0x8], $0x20, s5, s18, $0xb8;
	[tilespmem:$0xCE40] =	vst v63  }
0x71: {  	_ =	swait.ge [sflag:s29], $0xA00  }
0x72: {  	[sflag:s29] =	ssyncset.done $0x0  }
0x73: {  	s5 =	sadd.s32 $0x230, s21;
	[sflag:s29] =	ssyncadd.s32 $0xFFFFF600  }
0x74: {  	[tilespmem:s22], [sflag:$0x3] =	stream.indirect.gather [hbm4b:s4+s18], $0x20, s5, s18, $0xb8;
	[tilespmem:$0xCE40] =	vst v63  }
0x75: {  	_ =	swait.ge [sflag:s1], $0xA00  }
0x76: {  	[sflag:s1] =	ssyncset.done $0x0  }
0x77: {  	s5 =	sadd.s32 $0x2800, s21;
	[sflag:s1] =	ssyncadd.s32 $0xFFFFF600  }
0x78: {  	[spmem:s2] =	stream.indirect.scatter.add.bf16 [tilespmem:s24], [sflag:$0x8], $0x20, s5, s18, $0xb8;
	[tilespmem:$0xCE40] =	vst v63  }
0x79: {  	_ =	swait.ge [sflag:s29], $0xA00  }
0x7a: {  	[sflag:s29] =	ssyncset.done $0x0  }
0x7b: {  	s5 =	sadd.s32 $0x280, s21;
	[sflag:s29] =	ssyncadd.s32 $0xFFFFF600  }
0x7c: {  	[tilespmem:s24], [sflag:$0x4] =	stream.indirect.gather [hbm4b:s4+s18], $0x20, s5, s18, $0xb8;
	[tilespmem:$0xCE40] =	vst v63  }
0x7d: {  	_ =	swait.ge [sflag:s0], $0xA00  }
.Ltmp0:
0x7e: {  	[sflag:s0] =	ssyncset.done $0x0;
	(pc) =	sbr.rel @p1 .LBB2_2-.Ltmp0, $4  }
0x7f: {  	s5 =	sadd.s32 $0x2850, s21;
	[sflag:s0] =	ssyncadd.s32 $0xFFFFF600  }
0x80: {  	[spmem:s2] =	stream.indirect.scatter.add.bf16 [tilespmem:s26], [sflag:$0x8], $0x20, s5, s18, $0xb8;
	[tilespmem:$0xCE40] =	vst v63  }
0x81: {  	_ =	swait.ge [sflag:s29], $0xA00  }
0x82: {  	s21 =	sshra.s32 s7, $0x2;
	s5 =	smov.u32 s8;
	[sflag:s29] =	ssyncset.done $0x0  }
0x83: {  	s5 =	sadd.s32 $0x140, s21;
	[sflag:s29] =	ssyncadd.s32 $0xFFFFF600  }
0x84: {  	[tilespmem:s26], [sflag:$0x5] =	stream.indirect.gather [hbm4b:s4+s18], $0x20, s5, s18, $0xb8;
	[tilespmem:$0xCE40] =	vst v63  }
0x85: {  	_ =	swait.ge [sflag:s28], $0xA00  }
0x86: {  	[sflag:s28] =	ssyncset.done $0x0  }
0x87: {  	s7 =	sadd.s32 $0x2710, s21;
	[sflag:s28] =	ssyncadd.s32 $0xFFFFF600  }
0x88: {  	[spmem:s2] =	stream.indirect.scatter.add.bf16 [tilespmem:s19], [sflag:$0x8], $0x20, s7, s18, $0xb8;
	[tilespmem:$0xCE40] =	vst v63  }
0x89: {  	_ =	swait.ge [sflag:s29], $0xA00  }
0x8a: {  	[sflag:s29] =	ssyncset.done $0x0  }
0x8b: {  	s8 =	sadd.s32 $0x190, s21;
	[sflag:s29] =	ssyncadd.s32 $0xFFFFF600  }
0x8c: {  	[tilespmem:s19], [sflag:$0x1] =	stream.indirect.gather [hbm4b:s4+s18], $0x20, s8, s18, $0xb8;
	[tilespmem:$0xCE40] =	vst v63  }
0x8d: {  	_ =	swait.ge [sflag:s30], $0xA00  }
0x8e: {  	[sflag:s30] =	ssyncset.done $0x0  }
0x8f: {  	s9 =	sadd.s32 $0x2760, s21;
	[sflag:s30] =	ssyncadd.s32 $0xFFFFF600  }
0x90: {  	[spmem:s2] =	stream.indirect.scatter.add.bf16 [tilespmem:s20], [sflag:$0x8], $0x20, s9, s18, $0xb8;
	[tilespmem:$0xCE40] =	vst v63  }
0x91: {  	_ =	swait.ge [sflag:s29], $0xA00  }
0x92: {  	[sflag:s29] =	ssyncset.done $0x0  }
0x93: {  	s7 =	sadd.s32 $0x1E0, s21;
	[sflag:s29] =	ssyncadd.s32 $0xFFFFF600  }
0x94: {  	[tilespmem:s20], [sflag:$0x2] =	stream.indirect.gather [hbm4b:s4+s18], $0x20, s7, s18, $0xb8;
	[tilespmem:$0xCE40] =	vst v63  }
0x95: {  	_ =	swait.ge [sflag:s31], $0xA00  }
0x96: {  	[sflag:s31] =	ssyncset.done $0x0  }
0x97: {  	s8 =	sadd.s32 $0x27B0, s21;
	[sflag:s31] =	ssyncadd.s32 $0xFFFFF600  }
0x98: {  	[spmem:s2] =	stream.indirect.scatter.add.bf16 [tilespmem:s22], [sflag:$0x8], $0x20, s8, s18, $0xb8;
	[tilespmem:$0xCE40] =	vst v63  }
0x99: {  	_ =	swait.ge [sflag:s29], $0xA00  }
0x9a: {  	[sflag:s29] =	ssyncset.done $0x0  }
0x9b: {  	s9 =	sadd.s32 $0x230, s21;
	[sflag:s29] =	ssyncadd.s32 $0xFFFFF600  }
0x9c: {  	[tilespmem:s22], [sflag:$0x3] =	stream.indirect.gather [hbm4b:s4+s18], $0x20, s9, s18, $0xb8;
	[tilespmem:$0xCE40] =	vst v63  }
0x9d: {  	_ =	swait.ge [sflag:s1], $0xA00  }
0x9e: {  	[sflag:s1] =	ssyncset.done $0x0  }
0x9f: {  	s7 =	sadd.s32 $0x2800, s21;
	[sflag:s1] =	ssyncadd.s32 $0xFFFFF600  }
0xa0: {  	[spmem:s2] =	stream.indirect.scatter.add.bf16 [tilespmem:s24], [sflag:$0x8], $0x20, s7, s18, $0xb8;
	[tilespmem:$0xCE40] =	vst v63  }
0xa1: {  	_ =	swait.ge [sflag:s29], $0xA00  }
0xa2: {  	[sflag:s29] =	ssyncset.done $0x0  }
0xa3: {  	s8 =	sadd.s32 $0x280, s21;
	[sflag:s29] =	ssyncadd.s32 $0xFFFFF600  }
0xa4: {  	[tilespmem:s24], [sflag:$0x4] =	stream.indirect.gather [hbm4b:s4+s18], $0x20, s8, s18, $0xb8;
	[tilespmem:$0xCE40] =	vst v63  }
0xa5: {  	_ =	swait.ge [sflag:s0], $0xA00  }
0xa6: {  	[sflag:s0] =	ssyncset.done $0x0  }
0xa7: {  	s9 =	sadd.s32 $0x2850, s21;
	[sflag:s0] =	ssyncadd.s32 $0xFFFFF600  }
0xa8: {  	[spmem:s2] =	stream.indirect.scatter.add.bf16 [tilespmem:s26], [sflag:$0x8], $0x20, s9, s18, $0xb8;
	[tilespmem:$0xCE40] =	vst v63  }
0xa9: {  	_ =	swait.ge [sflag:s29], $0xA00  }
0xaa: {  	[sflag:s29] =	ssyncset.done $0x0  }
0xab: {  	[sflag:s29] =	ssyncadd.s32 $0xFFFFF600  }
0xac: {  	[tilespmem:s26], [sflag:$0x5] =	stream.indirect.gather [hbm4b:s4+s18], $0x20, s16, s18, $0xb8;
	[tilespmem:$0xCE40] =	vst v63  }
0xad: {  	_ =	swait.ge [sflag:s28], $0xA00  }
0xae: {  	[sflag:s28] =	ssyncset.done $0x0  }
0xaf: {  	s21 =	simm.s32 $0x4C90;
	[sflag:s28] =	ssyncadd.s32 $0xFFFFF600  }
0xb0: {  	[spmem:s2] =	stream.indirect.scatter.add.bf16 [tilespmem:s19], [sflag:$0x8], $0x20, s21, s18, $0xb8;
	[tilespmem:$0xCE40] =	vst v63  }
0xb1: {  	_ =	swait.ge [sflag:s29], $0xA00  }
0xb2: {  	[sflag:s29] =	ssyncset.done $0x0  }
0xb3: {  	[sflag:s29] =	ssyncadd.s32 $0xFFFFF600  }
0xb4: {  	[tilespmem:s19], [sflag:$0x1] =	stream.indirect.gather [hbm4b:s4+s18], $0x20, s16, s18, $0xb8;
	[tilespmem:$0xCE40] =	vst v63  }
0xb5: {  	_ =	swait.ge [sflag:s30], $0xA00  }
0xb6: {  	[sflag:s30] =	ssyncset.done $0x0  }
0xb7: {  	s7 =	simm.s32 $0x4CE0;
	[sflag:s30] =	ssyncadd.s32 $0xFFFFF600  }
0xb8: {  	[spmem:s2] =	stream.indirect.scatter.add.bf16 [tilespmem:s20], [sflag:$0x8], $0x20, s7, s18, $0xb8;
	[tilespmem:$0xCE40] =	vst v63  }
0xb9: {  	_ =	swait.ge [sflag:s29], $0xA00  }
0xba: {  	[sflag:s29] =	ssyncset.done $0x0  }
0xbb: {  	[sflag:s29] =	ssyncadd.s32 $0xFFFFF600  }
0xbc: {  	[tilespmem:s20], [sflag:$0x2] =	stream.indirect.gather [hbm4b:s4+s18], $0x20, s16, s18, $0xb8;
	[tilespmem:$0xCE40] =	vst v63  }
0xbd: {  	_ =	swait.ge [sflag:s31], $0xA00  }
0xbe: {  	[sflag:s31] =	ssyncset.done $0x0  }
0xbf: {  	s8 =	simm.s32 $0x4D30;
	[sflag:s31] =	ssyncadd.s32 $0xFFFFF600  }
0xc0: {  	[spmem:s2] =	stream.indirect.scatter.add.bf16 [tilespmem:s22], [sflag:$0x8], $0x20, s8, s18, $0xb8;
	[tilespmem:$0xCE40] =	vst v63  }
0xc1: {  	_ =	swait.ge [sflag:s29], $0xA00  }
0xc2: {  	[sflag:s29] =	ssyncset.done $0x0  }
0xc3: {  	[sflag:s29] =	ssyncadd.s32 $0xFFFFF600  }
0xc4: {  	[tilespmem:s22], [sflag:$0x3] =	stream.indirect.gather [hbm4b:s4+s18], $0x20, s16, s18, $0xb8;
	[tilespmem:$0xCE40] =	vst v63  }
0xc5: {  	_ =	swait.ge [sflag:s1], $0xA00  }
0xc6: {  	[sflag:s1] =	ssyncset.done $0x0  }
0xc7: {  	s9 =	simm.s32 $0x4D80;
	[sflag:s1] =	ssyncadd.s32 $0xFFFFF600  }
0xc8: {  	[spmem:s2] =	stream.indirect.scatter.add.bf16 [tilespmem:s24], [sflag:$0x8], $0x20, s9, s18, $0xb8;
	[tilespmem:$0xCE40] =	vst v63  }
0xc9: {  	_ =	swait.ge [sflag:s29], $0xA00  }
0xca: {  	[sflag:s29] =	ssyncset.done $0x0  }
0xcb: {  	[sflag:s29] =	ssyncadd.s32 $0xFFFFF600  }
0xcc: {  	[tilespmem:s24], [sflag:$0x4] =	stream.indirect.gather [hbm4b:s4+s18], $0x20, s16, s18, $0xb8;
	[tilespmem:$0xCE40] =	vst v63  }
0xcd: {  	_ =	swait.ge [sflag:s0], $0xA00  }
0xce: {  	[sflag:s0] =	ssyncset.done $0x0  }
0xcf: {  	s21 =	simm.s32 $0x4DD0;
	[sflag:s0] =	ssyncadd.s32 $0xFFFFF600  }
0xd0: {  	[spmem:s2] =	stream.indirect.scatter.add.bf16 [tilespmem:s26], [sflag:$0x8], $0x20, s21, s18, $0xb8;
	[tilespmem:$0xCE40] =	vst v63  }
0xd1: {  	_ =	swait.ge [sflag:s29], $0xA00  }
0xd2: {  	[sflag:s29] =	ssyncset.done $0x0  }
0xd3: {  	[sflag:s29] =	ssyncadd.s32 $0xFFFFF600  }
0xd4: {  	_ =	swait.ge [sflag:s28], $0xA00  }
0xd5: {  	[sflag:s28] =	ssyncset.done $0x0  }
0xd6: {  	[sflag:s28] =	ssyncadd.s32 $0xFFFFF600  }
0xd7: {  	_ =	swait.ge [sflag:s30], $0xA00  }
0xd8: {  	[sflag:s30] =	ssyncset.done $0x0  }
0xd9: {  	[sflag:s30] =	ssyncadd.s32 $0xFFFFF600  }
0xda: {  	_ =	swait.ge [sflag:s31], $0xA00  }
0xdb: {  	[sflag:s31] =	ssyncset.done $0x0  }
0xdc: {  	[sflag:s31] =	ssyncadd.s32 $0xFFFFF600  }
0xdd: {  	_ =	swait.ge [sflag:s1], $0xA00  }
0xde: {  	[sflag:s1] =	ssyncset.done $0x0  }
0xdf: {  	[sflag:s1] =	ssyncadd.s32 $0xFFFFF600  }
0xe0: {  	s5 =	sor.u32 $0x1C08, s6;
	[bflag:$0x0] =	sbarrier.arrive $0xFFFF  }
0xe1: {  	[hbm:s11], [sflag:s5] =	dma.local [spmem:s14], $0x9C0  }
0xe2: {  	_ =	swait.ge [sflag:s29], $0x9C0  }
0xe3: {  	s23 =	sadd.s32 $0x1, s23;
	[sflag:s29] =	ssyncset.done $0x0  }
0xe4: {  	p1 =	sne.s32 s23, s13;
	[sflag:s29] =	ssyncadd.s32 $0xFFFFF640  }
0xe5: {  	[hbm:s12], [sflag:s5] =	dma.local @!p0 [spmem:s15], $0x40  }
.Ltmp1:
0xe6: {  	_ = 	snop;
	(pc) =	sbr.rel @p1 .LBB2_1-.Ltmp1, $4  }
0xe7: {  	s5 =	simm.s32 @!p0 $0x8  }
0xe8: {  	_ =	swait.ge @!p0 [sflag:s5], $0x40  }
0xe9: {  	[sflag:s5] =	ssyncset.done @!p0 $0x0  }
0xea: {  	[sflag:s5] =	ssyncadd.s32 @!p0 $0xFFFFFFC0  }
0xeb: {  	_ =	sfence.sel $0x180000  }
0xec: {  	[bflag:$0x0] =	sbarrier.arrive $0xFFFF  }
0xed: {  	_ =	strace $0x9000004D  }
0xee: {  	s0 =	stileid.u32;
	[bflag:$0x2] =	sbarrier.arrive $0xFFFF  }
0xef: {  	p0 =	sne.s32 s0, $0x0;
	s0 =	rddreg [dreg:$0x3]  }
0xf0: {  	s0 =	sadd.s32 @!p0 $0x100000, s0  }
0xf1: {  	[sflag:s0] =	ssyncadd.tile.s32 @!p0 $0x1;
	_ =	shalt  }
.Lfunc_end2:
_tile_overlayer_lowered:
.L_overlay_start_2:
0xf2: {  	(tag) =	ssettag $0x2  }
0xf3: {  	s0 =	rddreg [dreg:$0x0];
	s2 =	stileid.u32  }
0xf4: {  	s1 =	rddreg [dreg:$0x1];
	p0 =	sne.s32 s2, $0x0  }
0xf5: {  	s3 =	rddreg [dreg:$0x2];
	[bflag:$0x3] =	sbarrier.arrive $0xFFFF;
	s2 =	simm.s32 @!p0 $0x1C08  }
0xf6: {  	[timem:s3], [sflag:s2] =	dma.local @!p0 [hbm:s0], s1  }
0xf7: {  	s0 =	simm.s32 @!p0 $0x8  }
0xf8: {  	_ =	swait.ge @!p0 [sflag:s0], s1  }
0xf9: {  	s1 =	ssub.s32 @!p0 $0x0, s1;
	[sflag:s0] =	ssyncset.done @!p0 $0x0  }
0xfa: {  	[sflag:s0] =	ssyncadd.s32 @!p0 s1  }
0xfb: {  	[bflag:$0x3] =	sbarrier.arrive $0xFFFF  }
0xfc: {  	_ =	shalt  }

// kernel: kernel.21.cloned.1.call-start
scs
__scs_entry_jumppad:
0x0: {  	(pc) =	sbr.rel $0x88, $3  }
0x1: {  	(tag) =	ssettag $0x0;
	lr =	simm.s32 $0x1  }
0x2: {  	[smem:$0x3F97] =	sst lr;
	_ =	strace $0xD0000000  }
0x3: {  	_ = 	snop  }
0x4: {  	_ = 	snop  }
0x5: {  	_ = 	snop  }
0x6: {  	_ = 	snop  }
0x7: {  	_ = 	snop  }
__scs_overlays_trampoline_lowered:
0x8: {  	[smem:$0x3FA6] =	sst s0  }
0x9: {  	[smem:$0x3FA7] =	sst s1  }
0xa: {  	[smem:$0x3FA8] =	sst s2  }
0xb: {  	[smem:$0x3FA9] =	sst s3  }
0xc: {  	[smem:$0x3FAA] =	sst s4  }
0xd: {  	[smem:$0x3FAB] =	sst s5  }
0xe: {  	[smem:$0x3FAC] =	sst s6  }
0xf: {  	[smem:$0x3FAD] =	sst s7  }
0x10: {  	[smem:$0x3FAE] =	sst s8  }
0x11: {  	[smem:$0x3FAF] =	sst s9;
	s0 =	simm.s32 @!p0 $0x0  }
0x12: {  	s1 =	sld [smem:$0x3F95];
	s0 =	simm.s32 @p0 $0x1  }
0x13: {  	[smem:$0x3FB0] =	sst s0;
	s0 =	simm.s32 @!p1 $0x0  }
0x14: {  	s2 =	sld [smem:$0x3F94];
	s0 =	simm.s32 @p1 $0x1  }
0x15: {  	[smem:$0x3FB1] =	sst s0;
	s0 =	simm.s32 @!p2 $0x0  }
0x16: {  	s3 =	sld [smem:$0x3FDB];
	s0 =	simm.s32 @p2 $0x1  }
0x17: {  	s4 =	simm.s32 $0x1BF5;
	[smem:$0x3FB3] =	sst s0  }
0x18: {  	s0 =	sld [smem:$0x3F96];
	_ =	swait.ge [sflag:s4], $0x0  }
0x19: {  	s7 =	sld [smem:$0x3F97]  }
0x1a: {  	s8 =	sadd.s32 $0xFFFFE003, lr  }
0x1b: {  	s9 =	sadd.s32 $0xFFFFFEF7, lr;
	s5 =	simm.s32 $0xFFFFFFFF;
	p2 =	slt.u32 s8, $0xFFFFF086  }
0x1c: {  	p1 =	slt.u32 s9, $0xF7A;
	s5 =	simm.s32 @!p2 $0x0  }
0x1d: {  	s5 =	simm.s32 @p1 $0x1;
	p0 =	seq.s32 s7, s2  }
0x1e: {  	s7 =	smul.u32 @!p0 $0xF7A, s2;
	p2 =	seq.s32 @!p0 s5, $0x0  }
0x1f: {  	s9 =	smul.u32 $0xF7A, s1;
	s8 =	simm.s32 @!p0 $0x1BF5;
	p2 =	por !p2, p0  }
0x20: {  	[sflag:s8] =	ssyncset.s32 @!p0 $0xFFFFF086;
	s6 =	sadd.s32 @!p0 s3, s7;
	s7 =	simm.s32 @!p0 $0x108  }
0x21: {  	s3 =	sadd.s32 s3, s9;
	s6 =	sadd.s32 @!p0 $0x88, s6;
	s7 =	simm.s32 @p2 $0x1082  }
0x22: {  	[simem:s7], [sflag:s8] =	dma.local @!p0 [hbm:s6], $0xF7A  }
0x23: {  	s9 =	sor.u32 $0xD0000000, s2;
	s6 =	simm.s32 $0x108;
	_ =	swait.ge @!p0 [sflag:s8], $0x0  }
0x24: {  	s3 =	sadd.s32 $0x88, s3;
	s6 =	simm.s32 @!p1 $0x1082;
	[sflag:s4] =	ssyncset.s32 $0xFFFFF086  }
0x25: {  	[simem:s6], [sflag:s4] =	dma.local [hbm:s3], $0xF7A  }
0x26: {  	[smem:$0x3F97] =	sst s1;
	(tag) =	ssettag s2;
	_ =	strace s9  }
0x27: {  	s1 =	sld [smem:$0x3FA7]  }
0x28: {  	s2 =	sld [smem:$0x3FA8]  }
0x29: {  	s4 =	sld [smem:$0x3FAA]  }
0x2a: {  	p0 =	seq.s32 s5, $0x0;
	s5 =	sld [smem:$0x3FAB]  }
0x2b: {  	s6 =	sld [smem:$0x3FAC]  }
0x2c: {  	s7 =	sld [smem:$0x3FAD]  }
0x2d: {  	s3 =	simm.s32 $0x108;
	s8 =	sld [smem:$0x3FAE]  }
0x2e: {  	s3 =	simm.s32 @!p0 $0x1082;
	s9 =	sld [smem:$0x3FAF]  }
0x2f: {  	lr =	sadd.s32 s0, s3;
	s0 =	sld [smem:$0x3FA6]  }
0x30: {  	s3 =	sld [smem:$0x3FA9]  }
0x31: {  	[smem:$0x3FB2] =	sst s10  }
0x32: {  	s10 =	sld [smem:$0x3FB0];
	_ =	sdelay $0x3  }
0x33: {  	p0 =	seq.s32 s10, $0x1;
	s10 =	sld [smem:$0x3FB2];
	_ =	sdelay $0x3  }
0x34: {  	[smem:$0x3FB2] =	sst s10  }
0x35: {  	s10 =	sld [smem:$0x3FB1];
	_ =	sdelay $0x3  }
0x36: {  	p1 =	seq.s32 s10, $0x1;
	s10 =	sld [smem:$0x3FB2];
	_ =	sdelay $0x3  }
0x37: {  	[smem:$0x3FB2] =	sst s10  }
0x38: {  	s10 =	sld [smem:$0x3FB3]  }
0x39: {  	_ = 	snop;
	(pc) =	sbr.ind lr, $3  }
0x3a: {  	_ = 	snop  }
0x3b: {  	_ = 	snop  }
0x3c: {  	p2 =	seq.s32 s10, $0x1;
	s10 =	sld [smem:$0x3FB2]  }
0x3d: {  	_ =	shalt  }
0x3e: {  	_ =	shalt  }
0x3f: {  	_ =	shalt  }
0x40: {  	_ =	shalt  }
0x41: {  	_ =	shalt  }
0x42: {  	_ =	shalt  }
0x43: {  	_ =	shalt  }
0x44: {  	_ =	shalt  }
0x45: {  	_ =	shalt  }
0x46: {  	_ =	shalt  }
0x47: {  	_ =	shalt  }
0x48: {  	_ =	shalt  }
0x49: {  	_ =	shalt  }
0x4a: {  	_ =	shalt  }
0x4b: {  	_ =	shalt  }
0x4c: {  	_ =	shalt  }
0x4d: {  	_ =	shalt  }
0x4e: {  	_ =	shalt  }
0x4f: {  	_ =	shalt  }
0x50: {  	_ =	shalt  }
0x51: {  	_ =	shalt  }
0x52: {  	_ =	shalt  }
0x53: {  	_ =	shalt  }
0x54: {  	_ =	shalt  }
0x55: {  	_ =	shalt  }
0x56: {  	_ =	shalt  }
0x57: {  	_ =	shalt  }
0x58: {  	_ =	shalt  }
0x59: {  	_ =	shalt  }
0x5a: {  	_ =	shalt  }
0x5b: {  	_ =	shalt  }
0x5c: {  	_ =	shalt  }
0x5d: {  	_ =	shalt  }
0x5e: {  	_ =	shalt  }
0x5f: {  	_ =	shalt  }
0x60: {  	_ =	shalt  }
0x61: {  	_ =	shalt  }
0x62: {  	_ =	shalt  }
0x63: {  	_ =	shalt  }
0x64: {  	_ =	shalt  }
0x65: {  	_ =	shalt  }
0x66: {  	_ =	shalt  }
0x67: {  	_ =	shalt  }
0x68: {  	_ =	shalt  }
0x69: {  	_ =	shalt  }
0x6a: {  	_ =	shalt  }
0x6b: {  	_ =	shalt  }
0x6c: {  	_ =	shalt  }
0x6d: {  	_ =	shalt  }
0x6e: {  	_ =	shalt  }
0x6f: {  	_ =	shalt  }
0x70: {  	_ =	shalt  }
0x71: {  	_ =	shalt  }
0x72: {  	_ =	shalt  }
0x73: {  	_ =	shalt  }
0x74: {  	_ =	shalt  }
0x75: {  	_ =	shalt  }
0x76: {  	_ =	shalt  }
0x77: {  	_ =	shalt  }
0x78: {  	_ =	shalt  }
0x79: {  	_ =	shalt  }
0x7a: {  	_ =	shalt  }
0x7b: {  	_ =	shalt  }
0x7c: {  	_ =	shalt  }
0x7d: {  	_ =	shalt  }
0x7e: {  	_ =	shalt  }
0x7f: {  	_ =	shalt  }
0x80: {  	_ =	shalt  }
0x81: {  	_ =	shalt  }
0x82: {  	_ =	shalt  }
0x83: {  	_ =	shalt  }
0x84: {  	_ =	shalt  }
0x85: {  	_ =	shalt  }
0x86: {  	_ =	shalt  }
0x87: {  	_ =	shalt  }
.Lfunc_end0:
.L_simem_size_0:
called_computation.3_lowered:
.L_overlay_start_0:
0x88: {  	s2 =	sld [smem:$0x3FD9]  }
0x89: {  	s3 =	sld [smem:$0x3FFE];
	_ =	sdelay $0x1  }
0x8a: {  	s1 =	srdreg.scid  }
0x8b: {  	s0 =	sand.u32 $0x1, s1  }
0x8c: {  	s17 =	sshll.u32 s0, $0xA;
	s2 =	sadd.s32 s3, s2  }
0x8d: {  	s2 =	sadd.s32 s2, s17  }
0x8e: {  	[smem:$0x3FBE] =	sst s2  }
0x8f: {  	_ = 	snop  }
0x90: {  	s2 =	sld [smem:$0x3FD0];
	(tm) =	ssettm $0x1  }
0x91: {  	s18 =	sld [smem:$0x3FFB];
	_ =	sdelay $0x3  }
0x92: {  	_ =	strace s18  }
0x93: {  	s3 =	sld [smem:$0x3FFC];
	_ =	sdelay $0x3  }
0x94: {  	_ =	strace s3  }
0x95: {  	s3 =	sld [smem:$0x3FFD];
	_ =	sdelay $0x3  }
0x96: {  	_ =	strace s3  }
0x97: {  	_ =	strace $0x8FFFFFFF  }
0x98: {  	s19 =	sld [smem:$0x3FDB];
	_ =	sdelay $0x1  }
0x99: {  	s4 =	simm.s32 $_scs_section_size  }
0x9a: {  	s5 =	simm.s32 $_size__tile_overlayer_lowered;
	s6 =	simm.s32 $_tile_overlayer_lowered  }
0x9b: {  	s22 =	simm.s32 $0x1BFF;
	s21 =	sshll.u32 s6, $0x1;
	s3 =	sadd.s32 s4, s19  }
0x9c: {  	s7 =	simm.s32 $0x0;
	s20 =	sshll.u32 s5, $0x1;
	s5 =	sadd.s32 s21, s3  }
0x9d: {  	[timem:s7], [sflag:s22] =	dma.local [hbm:s5], s20  }
0x9e: {  	_ =	swait.ge [sflag:s22], s20  }
0x9f: {  	s4 =	ssub.s32 $0x0, s20;
	[sflag:s22] =	ssyncset.done $0x0  }
0xa0: {  	[sflag:s22] =	ssyncadd.s32 s4;
	_ =	sdelay $0x1  }
0xa1: {  	s23 =	simm.s32 $0x1B8B  }
0xa2: {  	_ =	swait.ge [sflag:s23], $0x1  }
0xa3: {  	[sflag:s23] =	ssyncset.done $0x0  }
0xa4: {  	s25 =	simm.s32 $0x1B8E;
	s24 =	sld [smem:$0x3FFE];
	[sflag:s23] =	ssyncadd.s32 $0xFFFFFFFF  }
0xa5: {  	s26 =	simm.s32 $execute0_lowered;
	[smem:$0x3FD2] =	sst s25  }
0xa6: {  	s5 =	sshll.u32 s26, $0x1;
	_ =	strace $0x8000004F;
	[dreg:$0x1] =	wrdreg $0xFFFFFFFF  }
0xa7: {  	s28 =	simm.s32 $_size_execute0_lowered;
	s3 =	sadd.s32 s3, s5;
	[dreg:$0x0] =	wrdreg $0x0  }
0xa8: {  	s5 =	sshll.u32 s28, $0x1;
	[dreg:$0x2] =	wrdreg s3  }
0xa9: {  	[dreg:$0x3] =	wrdreg s5  }
0xaa: {  	[dreg:$0x4] =	wrdreg $0xC0  }
0xab: {  	_ =	task [dreg:s7], $0x5FFFF  }
0xac: {  	[dreg:$0x1] =	wrdreg $0xFFFFFFFF  }
0xad: {  	[dreg:$0x0] =	wrdreg $0x60  }
0xae: {  	[dreg:$0x2] =	wrdreg s24  }
0xaf: {  	[dreg:$0x3] =	wrdreg s2  }
0xb0: {  	[dreg:$0x4] =	wrdreg $0x80200  }
0xb1: {  	[dreg:$0x5] =	wrdreg $0x9  }
0xb2: {  	_ =	task.clear_ibuf [dreg:s7], $0x6FFFF;
	_ =	strace $0x9000004F  }
0xb3: {  	s29 =	simm.s32 $0x9;
	_ =	strace $0x80000051  }
0xb4: {  	_ =	swait.ge [sflag:s29], $0x1  }
0xb5: {  	[sflag:s29] =	ssyncadd.s32 $0xFFFFFFFF  }
0xb6: {  	_ =	strace $0x90000051  }
0xb7: {  	_ =	sfence  }
0xb8: {  	s30 =	sld [smem:$0x0];
	_ =	sdelay $0x2  }
0xb9: {  	s31 =	sshll.u32 s1, $0xD;
	s1 =	sshrl.u32 s1, $0x2  }
0xba: {  	s3 =	sand.u32 $0x4000, s31;
	s1 =	sadd.s32 s1, s30  }
0xbb: {  	s0 =	sor.u32 s3, s0;
	s1 =	sshll.u32 s1, $0x11  }
0xbc: {  	s0 =	sor.u32 s1, s0  }
0xbd: {  	s0 =	sadd.s32 $0x8F2B, s0  }
0xbe: {  	[sflag:s0] =	ssyncadd.remote.s32 $0x1  }
0xbf: {  	_ =	sfence.sel $0xFFFF  }
0xc0: {  	[dreg:$0x0] =	wrdreg $0xFFFFFFFF;
	(pc) =	sbr.abs _section_cstart, $3  }
0xc1: {  	[dreg:$0x1] =	wrdreg $0xFFFFFFFF  }
0xc2: {  	_ =	task.clear_ibuf [dreg:s7], $0x2FFFF;
	_ =	strace $0x9FFFFFFF  }
0xc3: {  	(tm) =	ssettm $0x7FFFFFFF  }
tec
execute0_lowered:
.L_overlay_start_1:
0x0: {  	(tag) =	ssettag $0x1  }
0x1: {  	s0 =	rddreg [dreg:$0x0];
	s1 =	srdreg.scid  }
0x2: {  	s17 =	stileid.u32;
	s5 =	rddreg [dreg:$0x1]  }
0x3: {  	s2 =	rddreg [dreg:$0x2];
	s18 =	simm.s32 $0x50;
	s19 =	simm.s32 $0x4E20  }
0x4: {  	s20 =	simm.s32 $0x5820;
	s22 =	simm.s32 $0x6220;
	s28 =	simm.s32 $0x1  }
0x5: {  	s29 =	simm.s32 $0x8;
	s30 =	simm.s32 $0x2;
	s31 =	simm.s32 $0x3  }
0x6: {  	s23 =	simm.s32 $0x0;
	s1 =	sand.u32 $0x1, s1;
	s3 =	sshll.u32 s17, $0x1  }
0x7: {  	s8 =	smul.u32 $0x9C00, s17;
	s13 =	sadd.s32 $0x97200, s0;
	s16 =	sadd.s32 $0x4E000, s2  }
0x8: {  	s4 =	sor.u32 s1, s3;
	s10 =	ssub.s32 $0x2, s1;
	s1 =	smul.u32 $0x9C400, s1  }
0x9: {  	p0 =	sne.s32 s17, $0xF;
	s3 =	simm.s32 $0x0;
	s7 =	smul.u32 $0x4E2, s4  }
0xa: {  	[smem:$0x7FF] =	sst s3;
	s4 =	sadd.s32 $0x4200, s0;
	s6 =	sshrl.u32 s8, $0x4  }
0xb: {  	s11 =	sshrl.u32 s10, $0x1;
	s12 =	sshrl.u32 s8, $0x1;
	_ =	strace $0x80000050  }
0xc: {  	s6 =	sadd.s32 s6, s0;
	s14 =	ssub.s32 s10, s11;
	s15 =	sadd.s32 s12, s2  }
0xd: {  	s26 =	sadd.s32 s8, s1;
	s1 =	sshrl.u32 s1, $0x4;
	s9 =	sadd.s32 s7, s0  }
0xe: {  	s6 =	sadd.s32 $0x17E00, s6;
	s0 =	sadd.s32 $0x21A00, s0;
	s10 =	sadd.s32 s5, s7  }
0xf: {  	s1 =	sadd.s32 s13, s1;
	[dreg:$0x4] =	wrdreg s6;
	s6 =	sshll.u32 s17, $0x6  }
0x10: {  	[dreg:$0x6] =	wrdreg s0;
	s25 =	sadd.s32 $0xE000, s9;
	s0 =	sshrl.u32 s26, $0x4  }
0x11: {  	s12 =	sadd.s32 $0x9C00, s1;
	s17 =	simm.s32 $0x7;
	s26 =	simm.s32 $0x7620  }
0x12: {  	s1 =	simm.s32 $0x4;
	s24 =	sor.u32 $0x1C06, s6;
	[dreg:$0x7] =	wrdreg s25  }
0x13: {  	s11 =	sadd.s32 s13, s0;
	s13 =	smax.u32 s14, $0x1;
	s14 =	sshrl.u32 s15, $0x3  }
0x14: {  	s15 =	sshrl.u32 @!p0 s16, $0x3;
	s25 =	simm.s32 $0x6;
	s0 =	simm.s32 $0x5  }
0x15: {  	s16 =	simm.s32 $0x26C0;
	[dreg:$0x5] =	wrdreg s24;
	s24 =	simm.s32 $0x6C20  }
.LBB2_1:
0x16: {  	s5 =	rddreg [dreg:$0x4]  }
0x17: {  	s7 =	rddreg [dreg:$0x5]  }
0x18: {  	[spmem:s14], [sflag:s7] =	dma.local [hbm:s5], $0x9C0  }
0x19: {  	s5 =	simm.s32 @!p0 $0x1FC8;
	s7 =	rddreg [dreg:$0x6]  }
0x1a: {  	[spmem:s15], [sflag:s5] =	dma.local @!p0 [hbm:s7], $0x40  }
0x1b: {  	s5 =	simm.s32 @!p0 $0x8  }
0x1c: {  	_ =	swait.ge @!p0 [sflag:s5], $0x40  }
0x1d: {  	[sflag:s5] =	ssyncset.done @!p0 $0x0  }
0x1e: {  	s9 =	rddreg [dreg:$0x7];
	[sflag:s5] =	ssyncadd.s32 @!p0 $0xFFFFFFC0  }
0x1f: {  	[tilespmem:s3], [sflag:$0x7] =	stream.linear.gather [hbm4b:s9+s3], $0x2710, $0x38;
	[tilespmem:$0xCE40] =	vst v63  }
0x20: {  	s21 =	simm.s32 $0x2710  }
0x21: {  	[tilespmem:s21], [sflag:$0x7] =	stream.linear.gather [hbm4b:s10+s3], $0x2710, $0x38;
	[tilespmem:$0xCE40] =	vst v63  }
0x22: {  	_ =	swait.ge [sflag:s17], $0x2710  }
0x23: {  	[sflag:s17] =	ssyncset.done $0x0  }
0x24: {  	[sflag:s17] =	ssyncadd.s32 $0xFFFFD8F0  }
0x25: {  	_ =	swait.ge [sflag:s17], $0x2710  }
0x26: {  	[sflag:s17] =	ssyncset.done $0x0  }
0x27: {  	[sflag:s17] =	ssyncadd.s32 $0xFFFFD8F0  }
0x28: {  	[tilespmem:s19], [sflag:$0x1] =	stream.indirect.gather [hbm4b:s4+s18], $0x20, s3, s18, $0xb8;
	[tilespmem:$0xCE40] =	vst v63  }
0x29: {  	_ = 	snop  }
0x2a: {  	[tilespmem:s20], [sflag:$0x2] =	stream.indirect.gather [hbm4b:s4+s18], $0x20, s18, s18, $0xb8;
	[tilespmem:$0xCE40] =	vst v63  }
0x2b: {  	s7 =	simm.s32 $0xA0  }
0x2c: {  	[tilespmem:s22], [sflag:$0x3] =	stream.indirect.gather [hbm4b:s4+s18], $0x20, s7, s18, $0xb8;
	[tilespmem:$0xCE40] =	vst v63  }
0x2d: {  	s8 =	simm.s32 $0xF0  }
0x2e: {  	[tilespmem:s24], [sflag:$0x4] =	stream.indirect.gather [hbm4b:s4+s18], $0x20, s8, s18, $0xb8;
	[tilespmem:$0xCE40] =	vst v63  }
0x2f: {  	_ =	swait.ge [sflag:s25], $0x9C0  }
0x30: {  	[sflag:s25] =	ssyncset.done $0x0  }
0x31: {  	[sflag:s25] =	ssyncadd.s32 $0xFFFFF640  }
0x32: {  	s9 =	simm.s32 $0x140;
	[bflag:$0x0] =	sbarrier.arrive $0xFFFF  }
0x33: {  	[tilespmem:s26], [sflag:$0x5] =	stream.indirect.gather [hbm4b:s4+s18], $0x20, s9, s18, $0xb8;
	[tilespmem:$0xCE40] =	vst v63  }
0x34: {  	_ =	swait.ge [sflag:s28], $0xA00  }
0x35: {  	[sflag:s28] =	ssyncset.done $0x0  }
0x36: {  	s21 =	simm.s32 $0x2710;
	[sflag:s28] =	ssyncadd.s32 $0xFFFFF600  }
0x37: {  	[spmem:s2] =	stream.indirect.scatter.add.bf16 [tilespmem:s19], [sflag:$0x8], $0x20, s21, s18, $0xb8;
	[tilespmem:$0xCE40] =	vst v63  }
0x38: {  	_ =	swait.ge [sflag:s29], $0xA00  }
0x39: {  	[sflag:s29] =	ssyncset.done $0x0  }
0x3a: {  	s7 =	simm.s32 $0x190;
	[sflag:s29] =	ssyncadd.s32 $0xFFFFF600  }
0x3b: {  	[tilespmem:s19], [sflag:$0x1] =	stream.indirect.gather [hbm4b:s4+s18], $0x20, s7, s18, $0xb8;
	[tilespmem:$0xCE40] =	vst v63  }
0x3c: {  	_ =	swait.ge [sflag:s30], $0xA00  }
0x3d: {  	[sflag:s30] =	ssyncset.done $0x0  }
0x3e: {  	s8 =	simm.s32 $0x2760;
	[sflag:s30] =	ssyncadd.s32 $0xFFFFF600  }
0x3f: {  	[spmem:s2] =	stream.indirect.scatter.add.bf16 [tilespmem:s20], [sflag:$0x8], $0x20, s8, s18, $0xb8;
	[tilespmem:$0xCE40] =	vst v63  }
0x40: {  	_ =	swait.ge [sflag:s29], $0xA00  }
0x41: {  	[sflag:s29] =	ssyncset.done $0x0  }
0x42: {  	s9 =	simm.s32 $0x1E0;
	[sflag:s29] =	ssyncadd.s32 $0xFFFFF600  }
0x43: {  	[tilespmem:s20], [sflag:$0x2] =	stream.indirect.gather [hbm4b:s4+s18], $0x20, s9, s18, $0xb8;
	[tilespmem:$0xCE40] =	vst v63  }
0x44: {  	_ =	swait.ge [sflag:s31], $0xA00  }
0x45: {  	[sflag:s31] =	ssyncset.done $0x0  }
0x46: {  	s21 =	simm.s32 $0x27B0;
	[sflag:s31] =	ssyncadd.s32 $0xFFFFF600  }
0x47: {  	[spmem:s2] =	stream.indirect.scatter.add.bf16 [tilespmem:s22], [sflag:$0x8], $0x20, s21, s18, $0xb8;
	[tilespmem:$0xCE40] =	vst v63  }
0x48: {  	_ =	swait.ge [sflag:s29], $0xA00  }
0x49: {  	[sflag:s29] =	ssyncset.done $0x0  }
0x4a: {  	s7 =	simm.s32 $0x230;
	[sflag:s29] =	ssyncadd.s32 $0xFFFFF600  }
0x4b: {  	[tilespmem:s22], [sflag:$0x3] =	stream.indirect.gather [hbm4b:s4+s18], $0x20, s7, s18, $0xb8;
	[tilespmem:$0xCE40] =	vst v63  }
0x4c: {  	_ =	swait.ge [sflag:s1], $0xA00  }
0x4d: {  	[sflag:s1] =	ssyncset.done $0x0  }
0x4e: {  	s8 =	simm.s32 $0x2800;
	[sflag:s1] =	ssyncadd.s32 $0xFFFFF600  }
0x4f: {  	[spmem:s2] =	stream.indirect.scatter.add.bf16 [tilespmem:s24], [sflag:$0x8], $0x20, s8, s18, $0xb8;
	[tilespmem:$0xCE40] =	vst v63  }
0x50: {  	_ =	swait.ge [sflag:s29], $0xA00  }
0x51: {  	[sflag:s29] =	ssyncset.done $0x0  }
0x52: {  	s9 =	simm.s32 $0x280;
	[sflag:s29] =	ssyncadd.s32 $0xFFFFF600  }
0x53: {  	[tilespmem:s24], [sflag:$0x4] =	stream.indirect.gather [hbm4b:s4+s18], $0x20, s9, s18, $0xb8;
	[tilespmem:$0xCE40] =	vst v63  }
0x54: {  	_ =	swait.ge [sflag:s0], $0xA00  }
0x55: {  	[sflag:s0] =	ssyncset.done $0x0  }
0x56: {  	s21 =	simm.s32 $0x2850;
	[sflag:s0] =	ssyncadd.s32 $0xFFFFF600  }
0x57: {  	[spmem:s2] =	stream.indirect.scatter.add.bf16 [tilespmem:s26], [sflag:$0x8], $0x20, s21, s18, $0xb8;
	[tilespmem:$0xCE40] =	vst v63  }
0x58: {  	_ =	swait.ge [sflag:s29], $0xA00  }
0x59: {  	s5 =	simm.s32 $0xC80;
	s21 =	simm.s32 $0x190;
	[sflag:s29] =	ssyncset.done $0x0  }
.LBB2_2:
0x5a: {  	s9 =	sadd.s32 $0x140, s21  }
0x5b: {  	[sflag:s29] =	ssyncadd.s32 $0xFFFFF600;
	s7 =	smov.u32 s5;
	s8 =	sadd.s32 $0x640, s5  }
0x5c: {  	[tilespmem:s26], [sflag:$0x5] =	stream.indirect.gather [hbm4b:s4+s18], $0x20, s9, s18, $0xb8;
	[tilespmem:$0xCE40] =	vst v63  }
0x5d: {  	p1 =	sne.s32 s5, $0x8FC0;
	_ =	swait.ge [sflag:s28], $0xA00  }
0x5e: {  	[sflag:s28] =	ssyncset.done $0x0  }
0x5f: {  	s5 =	sadd.s32 $0x2710, s21;
	[sflag:s28] =	ssyncadd.s32 $0xFFFFF600  }
0x60: {  	[spmem:s2] =	stream.indirect.scatter.add.bf16 [tilespmem:s19], [sflag:$0x8], $0x20, s5, s18, $0xb8;
	[tilespmem:$0xCE40] =	vst v63  }
0x61: {  	_ =	swait.ge [sflag:s29], $0xA00  }
0x62: {  	[sflag:s29] =	ssyncset.done $0x0  }
0x63: {  	s5 =	sadd.s32 $0x190, s21;
	[sflag:s29] =	ssyncadd.s32 $0xFFFFF600  }
0x64: {  	[tilespmem:s19], [sflag:$0x1] =	stream.indirect.gather [hbm4b:s4+s18], $0x20, s5, s18, $0xb8;
	[tilespmem:$0xCE40] =	vst v63  }
0x65: {  	_ =	swait.ge [sflag:s30], $0xA00  }
0x66: {  	[sflag:s30] =	ssyncset.done $0x0  }
0x67: {  	s5 =	sadd.s32 $0x2760, s21;
	[sflag:s30] =	ssyncadd.s32 $0xFFFFF600  }
0x68: {  	[spmem:s2] =	stream.indirect.scatter.add.bf16 [tilespmem:s20], [sflag:$0x8], $0x20, s5, s18, $0xb8;
	[tilespmem:$0xCE40] =	vst v63  }
0x69: {  	_ =	swait.ge [sflag:s29], $0xA00  }
0x6a: {  	[sflag:s29] =	ssyncset.done $0x0  }
0x6b: {  	s5 =	sadd.s32 $0x1E0, s21;
	[sflag:s29] =	ssyncadd.s32 $0xFFFFF600  }
0x6c: {  	[tilespmem:s20], [sflag:$0x2] =	stream.indirect.gather [hbm4b:s4+s18], $0x20, s5, s18, $0xb8;
	[tilespmem:$0xCE40] =	vst v63  }
0x6d: {  	_ =	swait.ge [sflag:s31], $0xA00  }
0x6e: {  	[sflag:s31] =	ssyncset.done $0x0  }
0x6f: {  	s5 =	sadd.s32 $0x27B0, s21;
	[sflag:s31] =	ssyncadd.s32 $0xFFFFF600  }
0x70: {  	[spmem:s2] =	stream.indirect.scatter.add.bf16 [tilespmem:s22], [sflag:$0x8], $0x20, s5, s18, $0xb8;
	[tilespmem:$0xCE40] =	vst v63  }
0x71: {  	_ =	swait.ge [sflag:s29], $0xA00  }
0x72: {  	[sflag:s29] =	ssyncset.done $0x0  }
0x73: {  	s5 =	sadd.s32 $0x230, s21;
	[sflag:s29] =	ssyncadd.s32 $0xFFFFF600  }
0x74: {  	[tilespmem:s22], [sflag:$0x3] =	stream.indirect.gather [hbm4b:s4+s18], $0x20, s5, s18, $0xb8;
	[tilespmem:$0xCE40] =	vst v63  }
0x75: {  	_ =	swait.ge [sflag:s1], $0xA00  }
0x76: {  	[sflag:s1] =	ssyncset.done $0x0  }
0x77: {  	s5 =	sadd.s32 $0x2800, s21;
	[sflag:s1] =	ssyncadd.s32 $0xFFFFF600  }
0x78: {  	[spmem:s2] =	stream.indirect.scatter.add.bf16 [tilespmem:s24], [sflag:$0x8], $0x20, s5, s18, $0xb8;
	[tilespmem:$0xCE40] =	vst v63  }
0x79: {  	_ =	swait.ge [sflag:s29], $0xA00  }
0x7a: {  	[sflag:s29] =	ssyncset.done $0x0  }
0x7b: {  	s5 =	sadd.s32 $0x280, s21;
	[sflag:s29] =	ssyncadd.s32 $0xFFFFF600  }
0x7c: {  	[tilespmem:s24], [sflag:$0x4] =	stream.indirect.gather [hbm4b:s4+s18], $0x20, s5, s18, $0xb8;
	[tilespmem:$0xCE40] =	vst v63  }
0x7d: {  	_ =	swait.ge [sflag:s0], $0xA00  }
.Ltmp0:
0x7e: {  	[sflag:s0] =	ssyncset.done $0x0;
	(pc) =	sbr.rel @p1 .LBB2_2-.Ltmp0, $4  }
0x7f: {  	s5 =	sadd.s32 $0x2850, s21;
	[sflag:s0] =	ssyncadd.s32 $0xFFFFF600  }
0x80: {  	[spmem:s2] =	stream.indirect.scatter.add.bf16 [tilespmem:s26], [sflag:$0x8], $0x20, s5, s18, $0xb8;
	[tilespmem:$0xCE40] =	vst v63  }
0x81: {  	_ =	swait.ge [sflag:s29], $0xA00  }
0x82: {  	s21 =	sshra.s32 s7, $0x2;
	s5 =	smov.u32 s8;
	[sflag:s29] =	ssyncset.done $0x0  }
0x83: {  	s5 =	sadd.s32 $0x140, s21;
	[sflag:s29] =	ssyncadd.s32 $0xFFFFF600  }
0x84: {  	[tilespmem:s26], [sflag:$0x5] =	stream.indirect.gather [hbm4b:s4+s18], $0x20, s5, s18, $0xb8;
	[tilespmem:$0xCE40] =	vst v63  }
0x85: {  	_ =	swait.ge [sflag:s28], $0xA00  }
0x86: {  	[sflag:s28] =	ssyncset.done $0x0  }
0x87: {  	s7 =	sadd.s32 $0x2710, s21;
	[sflag:s28] =	ssyncadd.s32 $0xFFFFF600  }
0x88: {  	[spmem:s2] =	stream.indirect.scatter.add.bf16 [tilespmem:s19], [sflag:$0x8], $0x20, s7, s18, $0xb8;
	[tilespmem:$0xCE40] =	vst v63  }
0x89: {  	_ =	swait.ge [sflag:s29], $0xA00  }
0x8a: {  	[sflag:s29] =	ssyncset.done $0x0  }
0x8b: {  	s8 =	sadd.s32 $0x190, s21;
	[sflag:s29] =	ssyncadd.s32 $0xFFFFF600  }
0x8c: {  	[tilespmem:s19], [sflag:$0x1] =	stream.indirect.gather [hbm4b:s4+s18], $0x20, s8, s18, $0xb8;
	[tilespmem:$0xCE40] =	vst v63  }
0x8d: {  	_ =	swait.ge [sflag:s30], $0xA00  }
0x8e: {  	[sflag:s30] =	ssyncset.done $0x0  }
0x8f: {  	s9 =	sadd.s32 $0x2760, s21;
	[sflag:s30] =	ssyncadd.s32 $0xFFFFF600  }
0x90: {  	[spmem:s2] =	stream.indirect.scatter.add.bf16 [tilespmem:s20], [sflag:$0x8], $0x20, s9, s18, $0xb8;
	[tilespmem:$0xCE40] =	vst v63  }
0x91: {  	_ =	swait.ge [sflag:s29], $0xA00  }
0x92: {  	[sflag:s29] =	ssyncset.done $0x0  }
0x93: {  	s7 =	sadd.s32 $0x1E0, s21;
	[sflag:s29] =	ssyncadd.s32 $0xFFFFF600  }
0x94: {  	[tilespmem:s20], [sflag:$0x2] =	stream.indirect.gather [hbm4b:s4+s18], $0x20, s7, s18, $0xb8;
	[tilespmem:$0xCE40] =	vst v63  }
0x95: {  	_ =	swait.ge [sflag:s31], $0xA00  }
0x96: {  	[sflag:s31] =	ssyncset.done $0x0  }
0x97: {  	s8 =	sadd.s32 $0x27B0, s21;
	[sflag:s31] =	ssyncadd.s32 $0xFFFFF600  }
0x98: {  	[spmem:s2] =	stream.indirect.scatter.add.bf16 [tilespmem:s22], [sflag:$0x8], $0x20, s8, s18, $0xb8;
	[tilespmem:$0xCE40] =	vst v63  }
0x99: {  	_ =	swait.ge [sflag:s29], $0xA00  }
0x9a: {  	[sflag:s29] =	ssyncset.done $0x0  }
0x9b: {  	s9 =	sadd.s32 $0x230, s21;
	[sflag:s29] =	ssyncadd.s32 $0xFFFFF600  }
0x9c: {  	[tilespmem:s22], [sflag:$0x3] =	stream.indirect.gather [hbm4b:s4+s18], $0x20, s9, s18, $0xb8;
	[tilespmem:$0xCE40] =	vst v63  }
0x9d: {  	_ =	swait.ge [sflag:s1], $0xA00  }
0x9e: {  	[sflag:s1] =	ssyncset.done $0x0  }
0x9f: {  	s7 =	sadd.s32 $0x2800, s21;
	[sflag:s1] =	ssyncadd.s32 $0xFFFFF600  }
0xa0: {  	[spmem:s2] =	stream.indirect.scatter.add.bf16 [tilespmem:s24], [sflag:$0x8], $0x20, s7, s18, $0xb8;
	[tilespmem:$0xCE40] =	vst v63  }
0xa1: {  	_ =	swait.ge [sflag:s29], $0xA00  }
0xa2: {  	[sflag:s29] =	ssyncset.done $0x0  }
0xa3: {  	s8 =	sadd.s32 $0x280, s21;
	[sflag:s29] =	ssyncadd.s32 $0xFFFFF600  }
0xa4: {  	[tilespmem:s24], [sflag:$0x4] =	stream.indirect.gather [hbm4b:s4+s18], $0x20, s8, s18, $0xb8;
	[tilespmem:$0xCE40] =	vst v63  }
0xa5: {  	_ =	swait.ge [sflag:s0], $0xA00  }
0xa6: {  	[sflag:s0] =	ssyncset.done $0x0  }
0xa7: {  	s9 =	sadd.s32 $0x2850, s21;
	[sflag:s0] =	ssyncadd.s32 $0xFFFFF600  }
0xa8: {  	[spmem:s2] =	stream.indirect.scatter.add.bf16 [tilespmem:s26], [sflag:$0x8], $0x20, s9, s18, $0xb8;
	[tilespmem:$0xCE40] =	vst v63  }
0xa9: {  	_ =	swait.ge [sflag:s29], $0xA00  }
0xaa: {  	[sflag:s29] =	ssyncset.done $0x0  }
0xab: {  	[sflag:s29] =	ssyncadd.s32 $0xFFFFF600  }
0xac: {  	[tilespmem:s26], [sflag:$0x5] =	stream.indirect.gather [hbm4b:s4+s18], $0x20, s16, s18, $0xb8;
	[tilespmem:$0xCE40] =	vst v63  }
0xad: {  	_ =	swait.ge [sflag:s28], $0xA00  }
0xae: {  	[sflag:s28] =	ssyncset.done $0x0  }
0xaf: {  	s21 =	simm.s32 $0x4C90;
	[sflag:s28] =	ssyncadd.s32 $0xFFFFF600  }
0xb0: {  	[spmem:s2] =	stream.indirect.scatter.add.bf16 [tilespmem:s19], [sflag:$0x8], $0x20, s21, s18, $0xb8;
	[tilespmem:$0xCE40] =	vst v63  }
0xb1: {  	_ =	swait.ge [sflag:s29], $0xA00  }
0xb2: {  	[sflag:s29] =	ssyncset.done $0x0  }
0xb3: {  	[sflag:s29] =	ssyncadd.s32 $0xFFFFF600  }
0xb4: {  	[tilespmem:s19], [sflag:$0x1] =	stream.indirect.gather [hbm4b:s4+s18], $0x20, s16, s18, $0xb8;
	[tilespmem:$0xCE40] =	vst v63  }
0xb5: {  	_ =	swait.ge [sflag:s30], $0xA00  }
0xb6: {  	[sflag:s30] =	ssyncset.done $0x0  }
0xb7: {  	s7 =	simm.s32 $0x4CE0;
	[sflag:s30] =	ssyncadd.s32 $0xFFFFF600  }
0xb8: {  	[spmem:s2] =	stream.indirect.scatter.add.bf16 [tilespmem:s20], [sflag:$0x8], $0x20, s7, s18, $0xb8;
	[tilespmem:$0xCE40] =	vst v63  }
0xb9: {  	_ =	swait.ge [sflag:s29], $0xA00  }
0xba: {  	[sflag:s29] =	ssyncset.done $0x0  }
0xbb: {  	[sflag:s29] =	ssyncadd.s32 $0xFFFFF600  }
0xbc: {  	[tilespmem:s20], [sflag:$0x2] =	stream.indirect.gather [hbm4b:s4+s18], $0x20, s16, s18, $0xb8;
	[tilespmem:$0xCE40] =	vst v63  }
0xbd: {  	_ =	swait.ge [sflag:s31], $0xA00  }
0xbe: {  	[sflag:s31] =	ssyncset.done $0x0  }
0xbf: {  	s8 =	simm.s32 $0x4D30;
	[sflag:s31] =	ssyncadd.s32 $0xFFFFF600  }
0xc0: {  	[spmem:s2] =	stream.indirect.scatter.add.bf16 [tilespmem:s22], [sflag:$0x8], $0x20, s8, s18, $0xb8;
	[tilespmem:$0xCE40] =	vst v63  }
0xc1: {  	_ =	swait.ge [sflag:s29], $0xA00  }
0xc2: {  	[sflag:s29] =	ssyncset.done $0x0  }
0xc3: {  	[sflag:s29] =	ssyncadd.s32 $0xFFFFF600  }
0xc4: {  	[tilespmem:s22], [sflag:$0x3] =	stream.indirect.gather [hbm4b:s4+s18], $0x20, s16, s18, $0xb8;
	[tilespmem:$0xCE40] =	vst v63  }
0xc5: {  	_ =	swait.ge [sflag:s1], $0xA00  }
0xc6: {  	[sflag:s1] =	ssyncset.done $0x0  }
0xc7: {  	s9 =	simm.s32 $0x4D80;
	[sflag:s1] =	ssyncadd.s32 $0xFFFFF600  }
0xc8: {  	[spmem:s2] =	stream.indirect.scatter.add.bf16 [tilespmem:s24], [sflag:$0x8], $0x20, s9, s18, $0xb8;
	[tilespmem:$0xCE40] =	vst v63  }
0xc9: {  	_ =	swait.ge [sflag:s29], $0xA00  }
0xca: {  	[sflag:s29] =	ssyncset.done $0x0  }
0xcb: {  	[sflag:s29] =	ssyncadd.s32 $0xFFFFF600  }
0xcc: {  	[tilespmem:s24], [sflag:$0x4] =	stream.indirect.gather [hbm4b:s4+s18], $0x20, s16, s18, $0xb8;
	[tilespmem:$0xCE40] =	vst v63  }
0xcd: {  	_ =	swait.ge [sflag:s0], $0xA00  }
0xce: {  	[sflag:s0] =	ssyncset.done $0x0  }
0xcf: {  	s21 =	simm.s32 $0x4DD0;
	[sflag:s0] =	ssyncadd.s32 $0xFFFFF600  }
0xd0: {  	[spmem:s2] =	stream.indirect.scatter.add.bf16 [tilespmem:s26], [sflag:$0x8], $0x20, s21, s18, $0xb8;
	[tilespmem:$0xCE40] =	vst v63  }
0xd1: {  	_ =	swait.ge [sflag:s29], $0xA00  }
0xd2: {  	[sflag:s29] =	ssyncset.done $0x0  }
0xd3: {  	[sflag:s29] =	ssyncadd.s32 $0xFFFFF600  }
0xd4: {  	_ =	swait.ge [sflag:s28], $0xA00  }
0xd5: {  	[sflag:s28] =	ssyncset.done $0x0  }
0xd6: {  	[sflag:s28] =	ssyncadd.s32 $0xFFFFF600  }
0xd7: {  	_ =	swait.ge [sflag:s30], $0xA00  }
0xd8: {  	[sflag:s30] =	ssyncset.done $0x0  }
0xd9: {  	[sflag:s30] =	ssyncadd.s32 $0xFFFFF600  }
0xda: {  	_ =	swait.ge [sflag:s31], $0xA00  }
0xdb: {  	[sflag:s31] =	ssyncset.done $0x0  }
0xdc: {  	[sflag:s31] =	ssyncadd.s32 $0xFFFFF600  }
0xdd: {  	_ =	swait.ge [sflag:s1], $0xA00  }
0xde: {  	[sflag:s1] =	ssyncset.done $0x0  }
0xdf: {  	[sflag:s1] =	ssyncadd.s32 $0xFFFFF600  }
0xe0: {  	s5 =	sor.u32 $0x1C08, s6;
	[bflag:$0x0] =	sbarrier.arrive $0xFFFF  }
0xe1: {  	[hbm:s11], [sflag:s5] =	dma.local [spmem:s14], $0x9C0  }
0xe2: {  	_ =	swait.ge [sflag:s29], $0x9C0  }
0xe3: {  	s23 =	sadd.s32 $0x1, s23;
	[sflag:s29] =	ssyncset.done $0x0  }
0xe4: {  	p1 =	sne.s32 s23, s13;
	[sflag:s29] =	ssyncadd.s32 $0xFFFFF640  }
0xe5: {  	[hbm:s12], [sflag:s5] =	dma.local @!p0 [spmem:s15], $0x40  }
.Ltmp1:
0xe6: {  	_ = 	snop;
	(pc) =	sbr.rel @p1 .LBB2_1-.Ltmp1, $4  }
0xe7: {  	s5 =	simm.s32 @!p0 $0x8  }
0xe8: {  	_ =	swait.ge @!p0 [sflag:s5], $0x40  }
0xe9: {  	[sflag:s5] =	ssyncset.done @!p0 $0x0  }
0xea: {  	[sflag:s5] =	ssyncadd.s32 @!p0 $0xFFFFFFC0  }
0xeb: {  	_ =	sfence.sel $0x180000  }
0xec: {  	[bflag:$0x0] =	sbarrier.arrive $0xFFFF  }
0xed: {  	_ =	strace $0x90000050  }
0xee: {  	s0 =	stileid.u32;
	[bflag:$0x2] =	sbarrier.arrive $0xFFFF  }
0xef: {  	p0 =	sne.s32 s0, $0x0;
	s0 =	rddreg [dreg:$0x3]  }
0xf0: {  	s0 =	sadd.s32 @!p0 $0x100000, s0  }
0xf1: {  	[sflag:s0] =	ssyncadd.tile.s32 @!p0 $0x1;
	_ =	shalt  }
.Lfunc_end2:
_tile_overlayer_lowered:
.L_overlay_start_2:
0xf2: {  	(tag) =	ssettag $0x2  }
0xf3: {  	s0 =	rddreg [dreg:$0x0];
	s2 =	stileid.u32  }
0xf4: {  	s1 =	rddreg [dreg:$0x1];
	p0 =	sne.s32 s2, $0x0  }
0xf5: {  	s3 =	rddreg [dreg:$0x2];
	[bflag:$0x3] =	sbarrier.arrive $0xFFFF;
	s2 =	simm.s32 @!p0 $0x1C08  }
0xf6: {  	[timem:s3], [sflag:s2] =	dma.local @!p0 [hbm:s0], s1  }
0xf7: {  	s0 =	simm.s32 @!p0 $0x8  }
0xf8: {  	_ =	swait.ge @!p0 [sflag:s0], s1  }
0xf9: {  	s1 =	ssub.s32 @!p0 $0x0, s1;
	[sflag:s0] =	ssyncset.done @!p0 $0x0  }
0xfa: {  	[sflag:s0] =	ssyncadd.s32 @!p0 s1  }
0xfb: {  	[bflag:$0x3] =	sbarrier.arrive $0xFFFF  }
0xfc: {  	_ =	shalt  }

// kernel: kernel.24.cloned.1.call-start
scs
__scs_entry_jumppad:
0x0: {  	(pc) =	sbr.rel $0x88, $3  }
0x1: {  	(tag) =	ssettag $0x0;
	lr =	simm.s32 $0x1  }
0x2: {  	[smem:$0x3F97] =	sst lr;
	_ =	strace $0xD0000000  }
0x3: {  	_ = 	snop  }
0x4: {  	_ = 	snop  }
0x5: {  	_ = 	snop  }
0x6: {  	_ = 	snop  }
0x7: {  	_ = 	snop  }
__scs_overlays_trampoline_lowered:
0x8: {  	[smem:$0x3FA6] =	sst s0  }
0x9: {  	[smem:$0x3FA7] =	sst s1  }
0xa: {  	[smem:$0x3FA8] =	sst s2  }
0xb: {  	[smem:$0x3FA9] =	sst s3  }
0xc: {  	[smem:$0x3FAA] =	sst s4  }
0xd: {  	[smem:$0x3FAB] =	sst s5  }
0xe: {  	[smem:$0x3FAC] =	sst s6  }
0xf: {  	[smem:$0x3FAD] =	sst s7  }
0x10: {  	[smem:$0x3FAE] =	sst s8  }
0x11: {  	[smem:$0x3FAF] =	sst s9;
	s0 =	simm.s32 @!p0 $0x0  }
0x12: {  	s1 =	sld [smem:$0x3F95];
	s0 =	simm.s32 @p0 $0x1  }
0x13: {  	[smem:$0x3FB0] =	sst s0;
	s0 =	simm.s32 @!p1 $0x0  }
0x14: {  	s2 =	sld [smem:$0x3F94];
	s0 =	simm.s32 @p1 $0x1  }
0x15: {  	[smem:$0x3FB1] =	sst s0;
	s0 =	simm.s32 @!p2 $0x0  }
0x16: {  	s3 =	sld [smem:$0x3FDB];
	s0 =	simm.s32 @p2 $0x1  }
0x17: {  	s4 =	simm.s32 $0x1BF5;
	[smem:$0x3FB3] =	sst s0  }
0x18: {  	s0 =	sld [smem:$0x3F96];
	_ =	swait.ge [sflag:s4], $0x0  }
0x19: {  	s7 =	sld [smem:$0x3F97]  }
0x1a: {  	s8 =	sadd.s32 $0xFFFFE003, lr  }
0x1b: {  	s9 =	sadd.s32 $0xFFFFFEF7, lr;
	s5 =	simm.s32 $0xFFFFFFFF;
	p2 =	slt.u32 s8, $0xFFFFF086  }
0x1c: {  	p1 =	slt.u32 s9, $0xF7A;
	s5 =	simm.s32 @!p2 $0x0  }
0x1d: {  	s5 =	simm.s32 @p1 $0x1;
	p0 =	seq.s32 s7, s2  }
0x1e: {  	s7 =	smul.u32 @!p0 $0xF7A, s2;
	p2 =	seq.s32 @!p0 s5, $0x0  }
0x1f: {  	s9 =	smul.u32 $0xF7A, s1;
	s8 =	simm.s32 @!p0 $0x1BF5;
	p2 =	por !p2, p0  }
0x20: {  	[sflag:s8] =	ssyncset.s32 @!p0 $0xFFFFF086;
	s6 =	sadd.s32 @!p0 s3, s7;
	s7 =	simm.s32 @!p0 $0x108  }
0x21: {  	s3 =	sadd.s32 s3, s9;
	s6 =	sadd.s32 @!p0 $0x88, s6;
	s7 =	simm.s32 @p2 $0x1082  }
0x22: {  	[simem:s7], [sflag:s8] =	dma.local @!p0 [hbm:s6], $0xF7A  }
0x23: {  	s9 =	sor.u32 $0xD0000000, s2;
	s6 =	simm.s32 $0x108;
	_ =	swait.ge @!p0 [sflag:s8], $0x0  }
0x24: {  	s3 =	sadd.s32 $0x88, s3;
	s6 =	simm.s32 @!p1 $0x1082;
	[sflag:s4] =	ssyncset.s32 $0xFFFFF086  }
0x25: {  	[simem:s6], [sflag:s4] =	dma.local [hbm:s3], $0xF7A  }
0x26: {  	[smem:$0x3F97] =	sst s1;
	(tag) =	ssettag s2;
	_ =	strace s9  }
0x27: {  	s1 =	sld [smem:$0x3FA7]  }
0x28: {  	s2 =	sld [smem:$0x3FA8]  }
0x29: {  	s4 =	sld [smem:$0x3FAA]  }
0x2a: {  	p0 =	seq.s32 s5, $0x0;
	s5 =	sld [smem:$0x3FAB]  }
0x2b: {  	s6 =	sld [smem:$0x3FAC]  }
0x2c: {  	s7 =	sld [smem:$0x3FAD]  }
0x2d: {  	s3 =	simm.s32 $0x108;
	s8 =	sld [smem:$0x3FAE]  }
0x2e: {  	s3 =	simm.s32 @!p0 $0x1082;
	s9 =	sld [smem:$0x3FAF]  }
0x2f: {  	lr =	sadd.s32 s0, s3;
	s0 =	sld [smem:$0x3FA6]  }
0x30: {  	s3 =	sld [smem:$0x3FA9]  }
0x31: {  	[smem:$0x3FB2] =	sst s10  }
0x32: {  	s10 =	sld [smem:$0x3FB0];
	_ =	sdelay $0x3  }
0x33: {  	p0 =	seq.s32 s10, $0x1;
	s10 =	sld [smem:$0x3FB2];
	_ =	sdelay $0x3  }
0x34: {  	[smem:$0x3FB2] =	sst s10  }
0x35: {  	s10 =	sld [smem:$0x3FB1];
	_ =	sdelay $0x3  }
0x36: {  	p1 =	seq.s32 s10, $0x1;
	s10 =	sld [smem:$0x3FB2];
	_ =	sdelay $0x3  }
0x37: {  	[smem:$0x3FB2] =	sst s10  }
0x38: {  	s10 =	sld [smem:$0x3FB3]  }
0x39: {  	_ = 	snop;
	(pc) =	sbr.ind lr, $3  }
0x3a: {  	_ = 	snop  }
0x3b: {  	_ = 	snop  }
0x3c: {  	p2 =	seq.s32 s10, $0x1;
	s10 =	sld [smem:$0x3FB2]  }
0x3d: {  	_ =	shalt  }
0x3e: {  	_ =	shalt  }
0x3f: {  	_ =	shalt  }
0x40: {  	_ =	shalt  }
0x41: {  	_ =	shalt  }
0x42: {  	_ =	shalt  }
0x43: {  	_ =	shalt  }
0x44: {  	_ =	shalt  }
0x45: {  	_ =	shalt  }
0x46: {  	_ =	shalt  }
0x47: {  	_ =	shalt  }
0x48: {  	_ =	shalt  }
0x49: {  	_ =	shalt  }
0x4a: {  	_ =	shalt  }
0x4b: {  	_ =	shalt  }
0x4c: {  	_ =	shalt  }
0x4d: {  	_ =	shalt  }
0x4e: {  	_ =	shalt  }
0x4f: {  	_ =	shalt  }
0x50: {  	_ =	shalt  }
0x51: {  	_ =	shalt  }
0x52: {  	_ =	shalt  }
0x53: {  	_ =	shalt  }
0x54: {  	_ =	shalt  }
0x55: {  	_ =	shalt  }
0x56: {  	_ =	shalt  }
0x57: {  	_ =	shalt  }
0x58: {  	_ =	shalt  }
0x59: {  	_ =	shalt  }
0x5a: {  	_ =	shalt  }
0x5b: {  	_ =	shalt  }
0x5c: {  	_ =	shalt  }
0x5d: {  	_ =	shalt  }
0x5e: {  	_ =	shalt  }
0x5f: {  	_ =	shalt  }
0x60: {  	_ =	shalt  }
0x61: {  	_ =	shalt  }
0x62: {  	_ =	shalt  }
0x63: {  	_ =	shalt  }
0x64: {  	_ =	shalt  }
0x65: {  	_ =	shalt  }
0x66: {  	_ =	shalt  }
0x67: {  	_ =	shalt  }
0x68: {  	_ =	shalt  }
0x69: {  	_ =	shalt  }
0x6a: {  	_ =	shalt  }
0x6b: {  	_ =	shalt  }
0x6c: {  	_ =	shalt  }
0x6d: {  	_ =	shalt  }
0x6e: {  	_ =	shalt  }
0x6f: {  	_ =	shalt  }
0x70: {  	_ =	shalt  }
0x71: {  	_ =	shalt  }
0x72: {  	_ =	shalt  }
0x73: {  	_ =	shalt  }
0x74: {  	_ =	shalt  }
0x75: {  	_ =	shalt  }
0x76: {  	_ =	shalt  }
0x77: {  	_ =	shalt  }
0x78: {  	_ =	shalt  }
0x79: {  	_ =	shalt  }
0x7a: {  	_ =	shalt  }
0x7b: {  	_ =	shalt  }
0x7c: {  	_ =	shalt  }
0x7d: {  	_ =	shalt  }
0x7e: {  	_ =	shalt  }
0x7f: {  	_ =	shalt  }
0x80: {  	_ =	shalt  }
0x81: {  	_ =	shalt  }
0x82: {  	_ =	shalt  }
0x83: {  	_ =	shalt  }
0x84: {  	_ =	shalt  }
0x85: {  	_ =	shalt  }
0x86: {  	_ =	shalt  }
0x87: {  	_ =	shalt  }
.Lfunc_end0:
.L_simem_size_0:
called_computation.4_lowered:
.L_overlay_start_0:
0x88: {  	s2 =	sld [smem:$0x3FD9]  }
0x89: {  	s3 =	sld [smem:$0x3FFE];
	_ =	sdelay $0x1  }
0x8a: {  	s1 =	srdreg.scid  }
0x8b: {  	s0 =	sand.u32 $0x1, s1  }
0x8c: {  	s17 =	sshll.u32 s0, $0xA;
	s2 =	sadd.s32 s3, s2  }
0x8d: {  	s2 =	sadd.s32 s2, s17  }
0x8e: {  	[smem:$0x3FBE] =	sst s2  }
0x8f: {  	_ = 	snop  }
0x90: {  	s18 =	sld [smem:$0x3FD0];
	(tm) =	ssettm $0x1  }
0x91: {  	s19 =	sld [smem:$0x3FFB];
	_ =	sdelay $0x3  }
0x92: {  	_ =	strace s19  }
0x93: {  	s2 =	sld [smem:$0x3FFC];
	_ =	sdelay $0x3  }
0x94: {  	_ =	strace s2  }
0x95: {  	s2 =	sld [smem:$0x3FFD];
	_ =	sdelay $0x3  }
0x96: {  	_ =	strace s2  }
0x97: {  	_ =	strace $0x8FFFFFFF  }
0x98: {  	s20 =	sld [smem:$0x3FDB];
	_ =	sdelay $0x1  }
0x99: {  	s4 =	simm.s32 $_scs_section_size  }
0x9a: {  	s5 =	simm.s32 $_size__tile_overlayer_lowered;
	s6 =	simm.s32 $_tile_overlayer_lowered  }
0x9b: {  	s7 =	simm.s32 $0x1BFF;
	s21 =	sshll.u32 s6, $0x1;
	s4 =	sadd.s32 s4, s20  }
0x9c: {  	s22 =	simm.s32 $0x0;
	s5 =	sshll.u32 s5, $0x1;
	s6 =	sadd.s32 s21, s4  }
0x9d: {  	[timem:s22], [sflag:s7] =	dma.local [hbm:s6], s5  }
0x9e: {  	_ =	swait.ge [sflag:s7], s5  }
0x9f: {  	s5 =	ssub.s32 $0x0, s5;
	[sflag:s7] =	ssyncset.done $0x0  }
0xa0: {  	[sflag:s7] =	ssyncadd.s32 s5;
	_ =	sdelay $0x1  }
0xa1: {  	s23 =	simm.s32 $0x1B8B  }
0xa2: {  	_ =	swait.ge [sflag:s23], $0x1  }
0xa3: {  	[sflag:s23] =	ssyncset.done $0x0  }
0xa4: {  	[sflag:s23] =	ssyncadd.s32 $0xFFFFFFFF  }
0xa5: {  	s5 =	sld [smem:$0x0]  }
0xa6: {  	s6 =	sand.u32 $0xFFFFFFFE, s1  }
0xa7: {  	p0 =	sne.s32 s1, s6  }
0xa8: {  	s6 =	sshll.u32 @p0 s6, $0xE  }
0xa9: {  	s6 =	sadd.s32 @p0 $0x11B8D, s6;
	s7 =	sshll.u32 @p0 s5, $0x11  }
0xaa: {  	s6 =	sor.u32 @p0 s7, s6  }
0xab: {  	[sflag:s6] =	ssyncadd.remote.s32 @p0 $0x1;
	_ =	sdelay $0x1  }
0xac: {  	s6 =	simm.s32 @p0 $0x1B8D  }
0xad: {  	_ =	swait.eq @p0 [sflag:s6], $0x1  }
0xae: {  	[sflag:s6] =	ssyncadd.s32 @p0 $0xFFFFFFFF  }
0xaf: {  	s7 =	sshll.u32 @!p0 s1, $0xE  }
0xb0: {  	s7 =	sor.u32 @!p0 $0x4000, s7;
	s6 =	simm.s32 @!p0 $0x1B8D  }
0xb1: {  	s5 =	sshll.u32 @!p0 s5, $0x11;
	s7 =	sadd.s32 @!p0 $0x11B8D, s7;
	_ =	swait.eq @!p0 [sflag:s6], $0x1  }
0xb2: {  	s5 =	sor.u32 @!p0 s5, s7;
	[sflag:s6] =	ssyncadd.s32 @!p0 $0xFFFFFFFF  }
0xb3: {  	s25 =	simm.s32 $0x1B8E;
	s24 =	sld [smem:$0x3FFE];
	[sflag:s5] =	ssyncadd.remote.s32 @!p0 $0x1  }
0xb4: {  	s26 =	simm.s32 $execute0_lowered;
	[smem:$0x3FD2] =	sst s25  }
0xb5: {  	s6 =	sshll.u32 s26, $0x1;
	_ =	strace $0x80000052;
	[dreg:$0x1] =	wrdreg $0xFFFFFFFF  }
0xb6: {  	s28 =	simm.s32 $_size_execute0_lowered;
	s4 =	sadd.s32 s4, s6;
	[dreg:$0x0] =	wrdreg $0x0  }
0xb7: {  	s6 =	sshll.u32 s28, $0x1;
	[dreg:$0x2] =	wrdreg s4  }
0xb8: {  	[dreg:$0x3] =	wrdreg s6  }
0xb9: {  	[dreg:$0x4] =	wrdreg $0xC0  }
0xba: {  	_ =	task [dreg:s22], $0x5FFFF  }
0xbb: {  	[dreg:$0x1] =	wrdreg $0xFFFFFFFF  }
0xbc: {  	[dreg:$0x0] =	wrdreg $0x60  }
0xbd: {  	[dreg:$0x2] =	wrdreg s24  }
0xbe: {  	[dreg:$0x3] =	wrdreg s18  }
0xbf: {  	[dreg:$0x4] =	wrdreg $0x80200  }
0xc0: {  	[dreg:$0x5] =	wrdreg $0xA  }
0xc1: {  	_ =	task.clear_ibuf [dreg:s22], $0x6FFFF;
	_ =	strace $0x90000052  }
0xc2: {  	s29 =	simm.s32 $0xA;
	_ =	strace $0x80000054  }
0xc3: {  	_ =	swait.ge [sflag:s29], $0x1  }
0xc4: {  	[sflag:s29] =	ssyncadd.s32 $0xFFFFFFFF  }
0xc5: {  	_ =	strace $0x90000054  }
0xc6: {  	_ =	sfence  }
0xc7: {  	s30 =	sld [smem:$0x0];
	_ =	sdelay $0x2  }
0xc8: {  	s31 =	sshll.u32 s1, $0xD;
	s1 =	sshrl.u32 s1, $0x2  }
0xc9: {  	s4 =	sand.u32 $0x4000, s31;
	s1 =	sadd.s32 s1, s30  }
0xca: {  	s0 =	sor.u32 s4, s0;
	s1 =	sshll.u32 s1, $0x11  }
0xcb: {  	s0 =	sor.u32 s1, s0  }
0xcc: {  	s0 =	sadd.s32 $0x8F2B, s0  }
0xcd: {  	[sflag:s0] =	ssyncadd.remote.s32 $0x1  }
0xce: {  	_ =	sfence.sel $0xFFFF  }
0xcf: {  	[dreg:$0x0] =	wrdreg $0xFFFFFFFF;
	(pc) =	sbr.abs _section_cstart, $3  }
0xd0: {  	[dreg:$0x1] =	wrdreg $0xFFFFFFFF  }
0xd1: {  	_ =	task.clear_ibuf [dreg:s22], $0x2FFFF;
	_ =	strace $0x9FFFFFFF  }
0xd2: {  	(tm) =	ssettm $0x7FFFFFFF  }
0xd3: {  	_ =	shalt  }
tec
execute0_lowered:
.L_overlay_start_1:
0x0: {  	(tag) =	ssettag $0x1  }
0x1: {  	s0 =	rddreg [dreg:$0x0];
	s1 =	srdreg.scid  }
0x2: {  	s17 =	stileid.u32;
	s5 =	rddreg [dreg:$0x1]  }
0x3: {  	s2 =	rddreg [dreg:$0x2];
	s18 =	simm.s32 $0x50;
	s19 =	simm.s32 $0x4E20  }
0x4: {  	s20 =	simm.s32 $0x5820;
	s22 =	simm.s32 $0x6220;
	s28 =	simm.s32 $0x1  }
0x5: {  	s29 =	simm.s32 $0x8;
	s30 =	simm.s32 $0x2;
	s31 =	simm.s32 $0x3  }
0x6: {  	s23 =	simm.s32 $0x0;
	s1 =	sand.u32 $0x1, s1;
	s3 =	sshll.u32 s17, $0x1  }
0x7: {  	s8 =	smul.u32 $0x9C00, s17;
	s13 =	sadd.s32 $0xB4A00, s0;
	s16 =	sadd.s32 $0x4E000, s2  }
0x8: {  	s4 =	sor.u32 s1, s3;
	s10 =	ssub.s32 $0x2, s1;
	s1 =	smul.u32 $0x9C400, s1  }
0x9: {  	p0 =	sne.s32 s17, $0xF;
	s3 =	simm.s32 $0x0;
	s7 =	smul.u32 $0x4E2, s4  }
0xa: {  	[smem:$0x7FF] =	sst s3;
	s4 =	sadd.s32 $0xAAC00, s0;
	s6 =	sshrl.u32 s8, $0x4  }
0xb: {  	s11 =	sshrl.u32 s10, $0x1;
	s12 =	sshrl.u32 s8, $0x1;
	_ =	strace $0x80000053  }
0xc: {  	s6 =	sadd.s32 s6, s0;
	s14 =	ssub.s32 s10, s11;
	s15 =	sadd.s32 s12, s2  }
0xd: {  	s26 =	sadd.s32 s8, s1;
	s1 =	sshrl.u32 s1, $0x4;
	s9 =	sadd.s32 s7, s0  }
0xe: {  	s6 =	sadd.s32 $0x17E00, s6;
	s0 =	sadd.s32 $0x21A00, s0;
	s10 =	sadd.s32 s5, s7  }
0xf: {  	s1 =	sadd.s32 s13, s1;
	[dreg:$0x4] =	wrdreg s6;
	s6 =	sshll.u32 s17, $0x6  }
0x10: {  	[dreg:$0x6] =	wrdreg s0;
	s25 =	sadd.s32 $0xE000, s9;
	s0 =	sshrl.u32 s26, $0x4  }
0x11: {  	s12 =	sadd.s32 $0x9C00, s1;
	s17 =	simm.s32 $0x7;
	s26 =	simm.s32 $0x7620  }
0x12: {  	s1 =	simm.s32 $0x4;
	s24 =	sor.u32 $0x1C06, s6;
	[dreg:$0x7] =	wrdreg s25  }
0x13: {  	s11 =	sadd.s32 s13, s0;
	s13 =	smax.u32 s14, $0x1;
	s14 =	sshrl.u32 s15, $0x3  }
0x14: {  	s15 =	sshrl.u32 @!p0 s16, $0x3;
	s25 =	simm.s32 $0x6;
	s0 =	simm.s32 $0x5  }
0x15: {  	s16 =	simm.s32 $0x26C0;
	[dreg:$0x5] =	wrdreg s24;
	s24 =	simm.s32 $0x6C20  }
.LBB2_1:
0x16: {  	s5 =	rddreg [dreg:$0x4]  }
0x17: {  	s7 =	rddreg [dreg:$0x5]  }
0x18: {  	[spmem:s14], [sflag:s7] =	dma.local [hbm:s5], $0x9C0  }
0x19: {  	s5 =	simm.s32 @!p0 $0x1FC8;
	s7 =	rddreg [dreg:$0x6]  }
0x1a: {  	[spmem:s15], [sflag:s5] =	dma.local @!p0 [hbm:s7], $0x40  }
0x1b: {  	s5 =	simm.s32 @!p0 $0x8  }
0x1c: {  	_ =	swait.ge @!p0 [sflag:s5], $0x40  }
0x1d: {  	[sflag:s5] =	ssyncset.done @!p0 $0x0  }
0x1e: {  	s9 =	rddreg [dreg:$0x7];
	[sflag:s5] =	ssyncadd.s32 @!p0 $0xFFFFFFC0  }
0x1f: {  	[tilespmem:s3], [sflag:$0x7] =	stream.linear.gather [hbm4b:s9+s3], $0x2710, $0x38;
	[tilespmem:$0xCE40] =	vst v63  }
0x20: {  	s21 =	simm.s32 $0x2710  }
0x21: {  	[tilespmem:s21], [sflag:$0x7] =	stream.linear.gather [hbm4b:s10+s3], $0x2710, $0x38;
	[tilespmem:$0xCE40] =	vst v63  }
0x22: {  	_ =	swait.ge [sflag:s17], $0x2710  }
0x23: {  	[sflag:s17] =	ssyncset.done $0x0  }
0x24: {  	[sflag:s17] =	ssyncadd.s32 $0xFFFFD8F0  }
0x25: {  	_ =	swait.ge [sflag:s17], $0x2710  }
0x26: {  	[sflag:s17] =	ssyncset.done $0x0  }
0x27: {  	[sflag:s17] =	ssyncadd.s32 $0xFFFFD8F0  }
0x28: {  	[tilespmem:s19], [sflag:$0x1] =	stream.indirect.gather [hbm4b:s4+s18], $0x20, s3, s18, $0xb8;
	[tilespmem:$0xCE40] =	vst v63  }
0x29: {  	_ = 	snop  }
0x2a: {  	[tilespmem:s20], [sflag:$0x2] =	stream.indirect.gather [hbm4b:s4+s18], $0x20, s18, s18, $0xb8;
	[tilespmem:$0xCE40] =	vst v63  }
0x2b: {  	s7 =	simm.s32 $0xA0  }
0x2c: {  	[tilespmem:s22], [sflag:$0x3] =	stream.indirect.gather [hbm4b:s4+s18], $0x20, s7, s18, $0xb8;
	[tilespmem:$0xCE40] =	vst v63  }
0x2d: {  	s8 =	simm.s32 $0xF0  }
0x2e: {  	[tilespmem:s24], [sflag:$0x4] =	stream.indirect.gather [hbm4b:s4+s18], $0x20, s8, s18, $0xb8;
	[tilespmem:$0xCE40] =	vst v63  }
0x2f: {  	_ =	swait.ge [sflag:s25], $0x9C0  }
0x30: {  	[sflag:s25] =	ssyncset.done $0x0  }
0x31: {  	[sflag:s25] =	ssyncadd.s32 $0xFFFFF640  }
0x32: {  	s9 =	simm.s32 $0x140;
	[bflag:$0x0] =	sbarrier.arrive $0xFFFF  }
0x33: {  	[tilespmem:s26], [sflag:$0x5] =	stream.indirect.gather [hbm4b:s4+s18], $0x20, s9, s18, $0xb8;
	[tilespmem:$0xCE40] =	vst v63  }
0x34: {  	_ =	swait.ge [sflag:s28], $0xA00  }
0x35: {  	[sflag:s28] =	ssyncset.done $0x0  }
0x36: {  	s21 =	simm.s32 $0x2710;
	[sflag:s28] =	ssyncadd.s32 $0xFFFFF600  }
0x37: {  	[spmem:s2] =	stream.indirect.scatter.add.bf16 [tilespmem:s19], [sflag:$0x8], $0x20, s21, s18, $0xb8;
	[tilespmem:$0xCE40] =	vst v63  }
0x38: {  	_ =	swait.ge [sflag:s29], $0xA00  }
0x39: {  	[sflag:s29] =	ssyncset.done $0x0  }
0x3a: {  	s7 =	simm.s32 $0x190;
	[sflag:s29] =	ssyncadd.s32 $0xFFFFF600  }
0x3b: {  	[tilespmem:s19], [sflag:$0x1] =	stream.indirect.gather [hbm4b:s4+s18], $0x20, s7, s18, $0xb8;
	[tilespmem:$0xCE40] =	vst v63  }
0x3c: {  	_ =	swait.ge [sflag:s30], $0xA00  }
0x3d: {  	[sflag:s30] =	ssyncset.done $0x0  }
0x3e: {  	s8 =	simm.s32 $0x2760;
	[sflag:s30] =	ssyncadd.s32 $0xFFFFF600  }
0x3f: {  	[spmem:s2] =	stream.indirect.scatter.add.bf16 [tilespmem:s20], [sflag:$0x8], $0x20, s8, s18, $0xb8;
	[tilespmem:$0xCE40] =	vst v63  }
0x40: {  	_ =	swait.ge [sflag:s29], $0xA00  }
0x41: {  	[sflag:s29] =	ssyncset.done $0x0  }
0x42: {  	s9 =	simm.s32 $0x1E0;
	[sflag:s29] =	ssyncadd.s32 $0xFFFFF600  }
0x43: {  	[tilespmem:s20], [sflag:$0x2] =	stream.indirect.gather [hbm4b:s4+s18], $0x20, s9, s18, $0xb8;
	[tilespmem:$0xCE40] =	vst v63  }
0x44: {  	_ =	swait.ge [sflag:s31], $0xA00  }
0x45: {  	[sflag:s31] =	ssyncset.done $0x0  }
0x46: {  	s21 =	simm.s32 $0x27B0;
	[sflag:s31] =	ssyncadd.s32 $0xFFFFF600  }
0x47: {  	[spmem:s2] =	stream.indirect.scatter.add.bf16 [tilespmem:s22], [sflag:$0x8], $0x20, s21, s18, $0xb8;
	[tilespmem:$0xCE40] =	vst v63  }
0x48: {  	_ =	swait.ge [sflag:s29], $0xA00  }
0x49: {  	[sflag:s29] =	ssyncset.done $0x0  }
0x4a: {  	s7 =	simm.s32 $0x230;
	[sflag:s29] =	ssyncadd.s32 $0xFFFFF600  }
0x4b: {  	[tilespmem:s22], [sflag:$0x3] =	stream.indirect.gather [hbm4b:s4+s18], $0x20, s7, s18, $0xb8;
	[tilespmem:$0xCE40] =	vst v63  }
0x4c: {  	_ =	swait.ge [sflag:s1], $0xA00  }
0x4d: {  	[sflag:s1] =	ssyncset.done $0x0  }
0x4e: {  	s8 =	simm.s32 $0x2800;
	[sflag:s1] =	ssyncadd.s32 $0xFFFFF600  }
0x4f: {  	[spmem:s2] =	stream.indirect.scatter.add.bf16 [tilespmem:s24], [sflag:$0x8], $0x20, s8, s18, $0xb8;
	[tilespmem:$0xCE40] =	vst v63  }
0x50: {  	_ =	swait.ge [sflag:s29], $0xA00  }
0x51: {  	[sflag:s29] =	ssyncset.done $0x0  }
0x52: {  	s9 =	simm.s32 $0x280;
	[sflag:s29] =	ssyncadd.s32 $0xFFFFF600  }
0x53: {  	[tilespmem:s24], [sflag:$0x4] =	stream.indirect.gather [hbm4b:s4+s18], $0x20, s9, s18, $0xb8;
	[tilespmem:$0xCE40] =	vst v63  }
0x54: {  	_ =	swait.ge [sflag:s0], $0xA00  }
0x55: {  	[sflag:s0] =	ssyncset.done $0x0  }
0x56: {  	s21 =	simm.s32 $0x2850;
	[sflag:s0] =	ssyncadd.s32 $0xFFFFF600  }
0x57: {  	[spmem:s2] =	stream.indirect.scatter.add.bf16 [tilespmem:s26], [sflag:$0x8], $0x20, s21, s18, $0xb8;
	[tilespmem:$0xCE40] =	vst v63  }
0x58: {  	_ =	swait.ge [sflag:s29], $0xA00  }
0x59: {  	s5 =	simm.s32 $0xC80;
	s21 =	simm.s32 $0x190;
	[sflag:s29] =	ssyncset.done $0x0  }
.LBB2_2:
0x5a: {  	s9 =	sadd.s32 $0x140, s21  }
0x5b: {  	[sflag:s29] =	ssyncadd.s32 $0xFFFFF600;
	s7 =	smov.u32 s5;
	s8 =	sadd.s32 $0x640, s5  }
0x5c: {  	[tilespmem:s26], [sflag:$0x5] =	stream.indirect.gather [hbm4b:s4+s18], $0x20, s9, s18, $0xb8;
	[tilespmem:$0xCE40] =	vst v63  }
0x5d: {  	p1 =	sne.s32 s5, $0x8FC0;
	_ =	swait.ge [sflag:s28], $0xA00  }
0x5e: {  	[sflag:s28] =	ssyncset.done $0x0  }
0x5f: {  	s5 =	sadd.s32 $0x2710, s21;
	[sflag:s28] =	ssyncadd.s32 $0xFFFFF600  }
0x60: {  	[spmem:s2] =	stream.indirect.scatter.add.bf16 [tilespmem:s19], [sflag:$0x8], $0x20, s5, s18, $0xb8;
	[tilespmem:$0xCE40] =	vst v63  }
0x61: {  	_ =	swait.ge [sflag:s29], $0xA00  }
0x62: {  	[sflag:s29] =	ssyncset.done $0x0  }
0x63: {  	s5 =	sadd.s32 $0x190, s21;
	[sflag:s29] =	ssyncadd.s32 $0xFFFFF600  }
0x64: {  	[tilespmem:s19], [sflag:$0x1] =	stream.indirect.gather [hbm4b:s4+s18], $0x20, s5, s18, $0xb8;
	[tilespmem:$0xCE40] =	vst v63  }
0x65: {  	_ =	swait.ge [sflag:s30], $0xA00  }
0x66: {  	[sflag:s30] =	ssyncset.done $0x0  }
0x67: {  	s5 =	sadd.s32 $0x2760, s21;
	[sflag:s30] =	ssyncadd.s32 $0xFFFFF600  }
0x68: {  	[spmem:s2] =	stream.indirect.scatter.add.bf16 [tilespmem:s20], [sflag:$0x8], $0x20, s5, s18, $0xb8;
	[tilespmem:$0xCE40] =	vst v63  }
0x69: {  	_ =	swait.ge [sflag:s29], $0xA00  }
0x6a: {  	[sflag:s29] =	ssyncset.done $0x0  }
0x6b: {  	s5 =	sadd.s32 $0x1E0, s21;
	[sflag:s29] =	ssyncadd.s32 $0xFFFFF600  }
0x6c: {  	[tilespmem:s20], [sflag:$0x2] =	stream.indirect.gather [hbm4b:s4+s18], $0x20, s5, s18, $0xb8;
	[tilespmem:$0xCE40] =	vst v63  }
0x6d: {  	_ =	swait.ge [sflag:s31], $0xA00  }
0x6e: {  	[sflag:s31] =	ssyncset.done $0x0  }
0x6f: {  	s5 =	sadd.s32 $0x27B0, s21;
	[sflag:s31] =	ssyncadd.s32 $0xFFFFF600  }
0x70: {  	[spmem:s2] =	stream.indirect.scatter.add.bf16 [tilespmem:s22], [sflag:$0x8], $0x20, s5, s18, $0xb8;
	[tilespmem:$0xCE40] =	vst v63  }
0x71: {  	_ =	swait.ge [sflag:s29], $0xA00  }
0x72: {  	[sflag:s29] =	ssyncset.done $0x0  }
0x73: {  	s5 =	sadd.s32 $0x230, s21;
	[sflag:s29] =	ssyncadd.s32 $0xFFFFF600  }
0x74: {  	[tilespmem:s22], [sflag:$0x3] =	stream.indirect.gather [hbm4b:s4+s18], $0x20, s5, s18, $0xb8;
	[tilespmem:$0xCE40] =	vst v63  }
0x75: {  	_ =	swait.ge [sflag:s1], $0xA00  }
0x76: {  	[sflag:s1] =	ssyncset.done $0x0  }
0x77: {  	s5 =	sadd.s32 $0x2800, s21;
	[sflag:s1] =	ssyncadd.s32 $0xFFFFF600  }
0x78: {  	[spmem:s2] =	stream.indirect.scatter.add.bf16 [tilespmem:s24], [sflag:$0x8], $0x20, s5, s18, $0xb8;
	[tilespmem:$0xCE40] =	vst v63  }
0x79: {  	_ =	swait.ge [sflag:s29], $0xA00  }
0x7a: {  	[sflag:s29] =	ssyncset.done $0x0  }
0x7b: {  	s5 =	sadd.s32 $0x280, s21;
	[sflag:s29] =	ssyncadd.s32 $0xFFFFF600  }
0x7c: {  	[tilespmem:s24], [sflag:$0x4] =	stream.indirect.gather [hbm4b:s4+s18], $0x20, s5, s18, $0xb8;
	[tilespmem:$0xCE40] =	vst v63  }
0x7d: {  	_ =	swait.ge [sflag:s0], $0xA00  }
.Ltmp0:
0x7e: {  	[sflag:s0] =	ssyncset.done $0x0;
	(pc) =	sbr.rel @p1 .LBB2_2-.Ltmp0, $4  }
0x7f: {  	s5 =	sadd.s32 $0x2850, s21;
	[sflag:s0] =	ssyncadd.s32 $0xFFFFF600  }
0x80: {  	[spmem:s2] =	stream.indirect.scatter.add.bf16 [tilespmem:s26], [sflag:$0x8], $0x20, s5, s18, $0xb8;
	[tilespmem:$0xCE40] =	vst v63  }
0x81: {  	_ =	swait.ge [sflag:s29], $0xA00  }
0x82: {  	s21 =	sshra.s32 s7, $0x2;
	s5 =	smov.u32 s8;
	[sflag:s29] =	ssyncset.done $0x0  }
0x83: {  	s5 =	sadd.s32 $0x140, s21;
	[sflag:s29] =	ssyncadd.s32 $0xFFFFF600  }
0x84: {  	[tilespmem:s26], [sflag:$0x5] =	stream.indirect.gather [hbm4b:s4+s18], $0x20, s5, s18, $0xb8;
	[tilespmem:$0xCE40] =	vst v63  }
0x85: {  	_ =	swait.ge [sflag:s28], $0xA00  }
0x86: {  	[sflag:s28] =	ssyncset.done $0x0  }
0x87: {  	s7 =	sadd.s32 $0x2710, s21;
	[sflag:s28] =	ssyncadd.s32 $0xFFFFF600  }
0x88: {  	[spmem:s2] =	stream.indirect.scatter.add.bf16 [tilespmem:s19], [sflag:$0x8], $0x20, s7, s18, $0xb8;
	[tilespmem:$0xCE40] =	vst v63  }
0x89: {  	_ =	swait.ge [sflag:s29], $0xA00  }
0x8a: {  	[sflag:s29] =	ssyncset.done $0x0  }
0x8b: {  	s8 =	sadd.s32 $0x190, s21;
	[sflag:s29] =	ssyncadd.s32 $0xFFFFF600  }
0x8c: {  	[tilespmem:s19], [sflag:$0x1] =	stream.indirect.gather [hbm4b:s4+s18], $0x20, s8, s18, $0xb8;
	[tilespmem:$0xCE40] =	vst v63  }
0x8d: {  	_ =	swait.ge [sflag:s30], $0xA00  }
0x8e: {  	[sflag:s30] =	ssyncset.done $0x0  }
0x8f: {  	s9 =	sadd.s32 $0x2760, s21;
	[sflag:s30] =	ssyncadd.s32 $0xFFFFF600  }
0x90: {  	[spmem:s2] =	stream.indirect.scatter.add.bf16 [tilespmem:s20], [sflag:$0x8], $0x20, s9, s18, $0xb8;
	[tilespmem:$0xCE40] =	vst v63  }
0x91: {  	_ =	swait.ge [sflag:s29], $0xA00  }
0x92: {  	[sflag:s29] =	ssyncset.done $0x0  }
0x93: {  	s7 =	sadd.s32 $0x1E0, s21;
	[sflag:s29] =	ssyncadd.s32 $0xFFFFF600  }
0x94: {  	[tilespmem:s20], [sflag:$0x2] =	stream.indirect.gather [hbm4b:s4+s18], $0x20, s7, s18, $0xb8;
	[tilespmem:$0xCE40] =	vst v63  }
0x95: {  	_ =	swait.ge [sflag:s31], $0xA00  }
0x96: {  	[sflag:s31] =	ssyncset.done $0x0  }
0x97: {  	s8 =	sadd.s32 $0x27B0, s21;
	[sflag:s31] =	ssyncadd.s32 $0xFFFFF600  }
0x98: {  	[spmem:s2] =	stream.indirect.scatter.add.bf16 [tilespmem:s22], [sflag:$0x8], $0x20, s8, s18, $0xb8;
	[tilespmem:$0xCE40] =	vst v63  }
0x99: {  	_ =	swait.ge [sflag:s29], $0xA00  }
0x9a: {  	[sflag:s29] =	ssyncset.done $0x0  }
0x9b: {  	s9 =	sadd.s32 $0x230, s21;
	[sflag:s29] =	ssyncadd.s32 $0xFFFFF600  }
0x9c: {  	[tilespmem:s22], [sflag:$0x3] =	stream.indirect.gather [hbm4b:s4+s18], $0x20, s9, s18, $0xb8;
	[tilespmem:$0xCE40] =	vst v63  }
0x9d: {  	_ =	swait.ge [sflag:s1], $0xA00  }
0x9e: {  	[sflag:s1] =	ssyncset.done $0x0  }
0x9f: {  	s7 =	sadd.s32 $0x2800, s21;
	[sflag:s1] =	ssyncadd.s32 $0xFFFFF600  }
0xa0: {  	[spmem:s2] =	stream.indirect.scatter.add.bf16 [tilespmem:s24], [sflag:$0x8], $0x20, s7, s18, $0xb8;
	[tilespmem:$0xCE40] =	vst v63  }
0xa1: {  	_ =	swait.ge [sflag:s29], $0xA00  }
0xa2: {  	[sflag:s29] =	ssyncset.done $0x0  }
0xa3: {  	s8 =	sadd.s32 $0x280, s21;
	[sflag:s29] =	ssyncadd.s32 $0xFFFFF600  }
0xa4: {  	[tilespmem:s24], [sflag:$0x4] =	stream.indirect.gather [hbm4b:s4+s18], $0x20, s8, s18, $0xb8;
	[tilespmem:$0xCE40] =	vst v63  }
0xa5: {  	_ =	swait.ge [sflag:s0], $0xA00  }
0xa6: {  	[sflag:s0] =	ssyncset.done $0x0  }
0xa7: {  	s9 =	sadd.s32 $0x2850, s21;
	[sflag:s0] =	ssyncadd.s32 $0xFFFFF600  }
0xa8: {  	[spmem:s2] =	stream.indirect.scatter.add.bf16 [tilespmem:s26], [sflag:$0x8], $0x20, s9, s18, $0xb8;
	[tilespmem:$0xCE40] =	vst v63  }
0xa9: {  	_ =	swait.ge [sflag:s29], $0xA00  }
0xaa: {  	[sflag:s29] =	ssyncset.done $0x0  }
0xab: {  	[sflag:s29] =	ssyncadd.s32 $0xFFFFF600  }
0xac: {  	[tilespmem:s26], [sflag:$0x5] =	stream.indirect.gather [hbm4b:s4+s18], $0x20, s16, s18, $0xb8;
	[tilespmem:$0xCE40] =	vst v63  }
0xad: {  	_ =	swait.ge [sflag:s28], $0xA00  }
0xae: {  	[sflag:s28] =	ssyncset.done $0x0  }
0xaf: {  	s21 =	simm.s32 $0x4C90;
	[sflag:s28] =	ssyncadd.s32 $0xFFFFF600  }
0xb0: {  	[spmem:s2] =	stream.indirect.scatter.add.bf16 [tilespmem:s19], [sflag:$0x8], $0x20, s21, s18, $0xb8;
	[tilespmem:$0xCE40] =	vst v63  }
0xb1: {  	_ =	swait.ge [sflag:s29], $0xA00  }
0xb2: {  	[sflag:s29] =	ssyncset.done $0x0  }
0xb3: {  	[sflag:s29] =	ssyncadd.s32 $0xFFFFF600  }
0xb4: {  	[tilespmem:s19], [sflag:$0x1] =	stream.indirect.gather [hbm4b:s4+s18], $0x20, s16, s18, $0xb8;
	[tilespmem:$0xCE40] =	vst v63  }
0xb5: {  	_ =	swait.ge [sflag:s30], $0xA00  }
0xb6: {  	[sflag:s30] =	ssyncset.done $0x0  }
0xb7: {  	s7 =	simm.s32 $0x4CE0;
	[sflag:s30] =	ssyncadd.s32 $0xFFFFF600  }
0xb8: {  	[spmem:s2] =	stream.indirect.scatter.add.bf16 [tilespmem:s20], [sflag:$0x8], $0x20, s7, s18, $0xb8;
	[tilespmem:$0xCE40] =	vst v63  }
0xb9: {  	_ =	swait.ge [sflag:s29], $0xA00  }
0xba: {  	[sflag:s29] =	ssyncset.done $0x0  }
0xbb: {  	[sflag:s29] =	ssyncadd.s32 $0xFFFFF600  }
0xbc: {  	[tilespmem:s20], [sflag:$0x2] =	stream.indirect.gather [hbm4b:s4+s18], $0x20, s16, s18, $0xb8;
	[tilespmem:$0xCE40] =	vst v63  }
0xbd: {  	_ =	swait.ge [sflag:s31], $0xA00  }
0xbe: {  	[sflag:s31] =	ssyncset.done $0x0  }
0xbf: {  	s8 =	simm.s32 $0x4D30;
	[sflag:s31] =	ssyncadd.s32 $0xFFFFF600  }
0xc0: {  	[spmem:s2] =	stream.indirect.scatter.add.bf16 [tilespmem:s22], [sflag:$0x8], $0x20, s8, s18, $0xb8;
	[tilespmem:$0xCE40] =	vst v63  }
0xc1: {  	_ =	swait.ge [sflag:s29], $0xA00  }
0xc2: {  	[sflag:s29] =	ssyncset.done $0x0  }
0xc3: {  	[sflag:s29] =	ssyncadd.s32 $0xFFFFF600  }
0xc4: {  	[tilespmem:s22], [sflag:$0x3] =	stream.indirect.gather [hbm4b:s4+s18], $0x20, s16, s18, $0xb8;
	[tilespmem:$0xCE40] =	vst v63  }
0xc5: {  	_ =	swait.ge [sflag:s1], $0xA00  }
0xc6: {  	[sflag:s1] =	ssyncset.done $0x0  }
0xc7: {  	s9 =	simm.s32 $0x4D80;
	[sflag:s1] =	ssyncadd.s32 $0xFFFFF600  }
0xc8: {  	[spmem:s2] =	stream.indirect.scatter.add.bf16 [tilespmem:s24], [sflag:$0x8], $0x20, s9, s18, $0xb8;
	[tilespmem:$0xCE40] =	vst v63  }
0xc9: {  	_ =	swait.ge [sflag:s29], $0xA00  }
0xca: {  	[sflag:s29] =	ssyncset.done $0x0  }
0xcb: {  	[sflag:s29] =	ssyncadd.s32 $0xFFFFF600  }
0xcc: {  	[tilespmem:s24], [sflag:$0x4] =	stream.indirect.gather [hbm4b:s4+s18], $0x20, s16, s18, $0xb8;
	[tilespmem:$0xCE40] =	vst v63  }
0xcd: {  	_ =	swait.ge [sflag:s0], $0xA00  }
0xce: {  	[sflag:s0] =	ssyncset.done $0x0  }
0xcf: {  	s21 =	simm.s32 $0x4DD0;
	[sflag:s0] =	ssyncadd.s32 $0xFFFFF600  }
0xd0: {  	[spmem:s2] =	stream.indirect.scatter.add.bf16 [tilespmem:s26], [sflag:$0x8], $0x20, s21, s18, $0xb8;
	[tilespmem:$0xCE40] =	vst v63  }
0xd1: {  	_ =	swait.ge [sflag:s29], $0xA00  }
0xd2: {  	[sflag:s29] =	ssyncset.done $0x0  }
0xd3: {  	[sflag:s29] =	ssyncadd.s32 $0xFFFFF600  }
0xd4: {  	_ =	swait.ge [sflag:s28], $0xA00  }
0xd5: {  	[sflag:s28] =	ssyncset.done $0x0  }
0xd6: {  	[sflag:s28] =	ssyncadd.s32 $0xFFFFF600  }
0xd7: {  	_ =	swait.ge [sflag:s30], $0xA00  }
0xd8: {  	[sflag:s30] =	ssyncset.done $0x0  }
0xd9: {  	[sflag:s30] =	ssyncadd.s32 $0xFFFFF600  }
0xda: {  	_ =	swait.ge [sflag:s31], $0xA00  }
0xdb: {  	[sflag:s31] =	ssyncset.done $0x0  }
0xdc: {  	[sflag:s31] =	ssyncadd.s32 $0xFFFFF600  }
0xdd: {  	_ =	swait.ge [sflag:s1], $0xA00  }
0xde: {  	[sflag:s1] =	ssyncset.done $0x0  }
0xdf: {  	[sflag:s1] =	ssyncadd.s32 $0xFFFFF600  }
0xe0: {  	s5 =	sor.u32 $0x1C08, s6;
	[bflag:$0x0] =	sbarrier.arrive $0xFFFF  }
0xe1: {  	[hbm:s11], [sflag:s5] =	dma.local [spmem:s14], $0x9C0  }
0xe2: {  	_ =	swait.ge [sflag:s29], $0x9C0  }
0xe3: {  	s23 =	sadd.s32 $0x1, s23;
	[sflag:s29] =	ssyncset.done $0x0  }
0xe4: {  	p1 =	sne.s32 s23, s13;
	[sflag:s29] =	ssyncadd.s32 $0xFFFFF640  }
0xe5: {  	[hbm:s12], [sflag:s5] =	dma.local @!p0 [spmem:s15], $0x40  }
.Ltmp1:
0xe6: {  	_ = 	snop;
	(pc) =	sbr.rel @p1 .LBB2_1-.Ltmp1, $4  }
0xe7: {  	s5 =	simm.s32 @!p0 $0x8  }
0xe8: {  	_ =	swait.ge @!p0 [sflag:s5], $0x40  }
0xe9: {  	[sflag:s5] =	ssyncset.done @!p0 $0x0  }
0xea: {  	[sflag:s5] =	ssyncadd.s32 @!p0 $0xFFFFFFC0  }
0xeb: {  	_ =	sfence.sel $0x180000  }
0xec: {  	[bflag:$0x0] =	sbarrier.arrive $0xFFFF  }
0xed: {  	_ =	strace $0x90000053  }
0xee: {  	s0 =	stileid.u32;
	[bflag:$0x2] =	sbarrier.arrive $0xFFFF  }
0xef: {  	p0 =	sne.s32 s0, $0x0;
	s0 =	rddreg [dreg:$0x3]  }
0xf0: {  	s0 =	sadd.s32 @!p0 $0x100000, s0  }
0xf1: {  	[sflag:s0] =	ssyncadd.tile.s32 @!p0 $0x1;
	_ =	shalt  }
.Lfunc_end2:
_tile_overlayer_lowered:
.L_overlay_start_2:
0xf2: {  	(tag) =	ssettag $0x2  }
0xf3: {  	s0 =	rddreg [dreg:$0x0];
	s2 =	stileid.u32  }
0xf4: {  	s1 =	rddreg [dreg:$0x1];
	p0 =	sne.s32 s2, $0x0  }
0xf5: {  	s3 =	rddreg [dreg:$0x2];
	[bflag:$0x3] =	sbarrier.arrive $0xFFFF;
	s2 =	simm.s32 @!p0 $0x1C08  }
0xf6: {  	[timem:s3], [sflag:s2] =	dma.local @!p0 [hbm:s0], s1  }
0xf7: {  	s0 =	simm.s32 @!p0 $0x8  }
0xf8: {  	_ =	swait.ge @!p0 [sflag:s0], s1  }
0xf9: {  	s1 =	ssub.s32 @!p0 $0x0, s1;
	[sflag:s0] =	ssyncset.done @!p0 $0x0  }
0xfa: {  	[sflag:s0] =	ssyncadd.s32 @!p0 s1  }
0xfb: {  	[bflag:$0x3] =	sbarrier.arrive $0xFFFF  }
0xfc: {  	_ =	shalt  }

</sc_bundles>
